<compile_context>
chip_gen: v7x
topology: tpu7x:2x2x1
jax: 0.10.2.dev20260603
libtpu: 0.0.44.dev20260713+nightly
codegen_flags: <defaults>
</compile_context>

<pallas_src>
import functools

import jax
import jax.numpy as jnp
from jax import lax
from jax.experimental import pallas as pl
from jax.experimental.pallas import tpu as pltpu
from jax.experimental.pallas import tpu_sc as plsc

N_NODES = 10000
N_EDGES = 320000
D = 128
HID = 64

NC = 2
NS = 16
NW = NC * NS
NSLICE = 5
ESL = N_EDGES // NSLICE
EPW = ESL // NW
CHUNK = 40
NCHUNKS = EPW // CHUNK
NPAIR = NCHUNKS // 2

_mesh = plsc.VectorSubcoreMesh(core_axis_name="c", subcore_axis_name="s")


@functools.partial(
    pl.kernel,
    mesh=_mesh,
    out_type=jax.ShapeDtypeStruct((ESL, D), jnp.float32),
    scratch_types=[
        pltpu.VMEM((EPW,), jnp.int32),
        pltpu.VMEM((EPW,), jnp.int32),
        pltpu.VMEM((CHUNK, D), jnp.float32),
        pltpu.VMEM((CHUNK, D), jnp.float32),
        pltpu.VMEM((CHUNK, D), jnp.float32),
        pltpu.VMEM((CHUNK, D), jnp.float32),
        pltpu.VMEM((CHUNK, D), jnp.float32),
        pltpu.VMEM((CHUNK, D), jnp.float32),
        pltpu.VMEM_SHARED((N_NODES, D), jnp.float32),
        pltpu.SemaphoreType.DMA,
        pltpu.SemaphoreType.DMA,
        pltpu.SemaphoreType.DMA,
        pltpu.SemaphoreType.DMA,
        pltpu.SemaphoreType.DMA,
        pltpu.SemaphoreType.DMA,
    ],
)
def _gather_absdiff(x_hbm, src_hbm, dst_hbm, out_hbm,
                    idx_s, idx_d, a0, a1, b0, b1, o0, o1, x_sh,
                    sga0, sga1, sgb0, sgb1, sst0, sst1):
    bufs_a = (a0, a1)
    bufs_b = (b0, b1)
    bufs_o = (o0, o1)
    sems_a = (sga0, sga1)
    sems_b = (sgb0, sgb1)
    sems_o = (sst0, sst1)

    sid = lax.axis_index("s")
    wid = sid * NC + lax.axis_index("c")
    base0 = wid * EPW

    @pl.when(sid == 0)
    def _():
        pltpu.sync_copy(x_hbm, x_sh)

    plsc.subcore_barrier()

    pltpu.sync_copy(src_hbm.at[pl.ds(base0, EPW)], idx_s)
    pltpu.sync_copy(dst_hbm.at[pl.ds(base0, EPW)], idx_d)

    def issue_gathers(chunk, s):
        off = chunk * CHUNK
        pltpu.async_copy(x_sh.at[idx_s.at[pl.ds(off, CHUNK)]], bufs_a[s],
                         sems_a[s])
        pltpu.async_copy(x_sh.at[idx_d.at[pl.ds(off, CHUNK)]], bufs_b[s],
                         sems_b[s])

    def wait_gathers(s):
        pltpu.make_async_copy(out_hbm.at[pl.ds(0, CHUNK)], bufs_a[s],
                              sems_a[s]).wait()
        pltpu.make_async_copy(out_hbm.at[pl.ds(0, CHUNK)], bufs_b[s],
                              sems_b[s]).wait()

    def wait_store(s):
        pltpu.make_async_copy(bufs_o[s], out_hbm.at[pl.ds(0, CHUNK)],
                              sems_o[s]).wait()

    issue_gathers(0, 0)
    issue_gathers(1, 1)

    def pair_body(i, carry):
        for s in (0, 1):
            chunk = i * 2 + s
            wait_gathers(s)

            @pl.when(i > 0)
            def _():
                wait_store(s)

            buf_a, buf_b, buf_o = bufs_a[s], bufs_b[s], bufs_o[s]

            def row_body(r, c2):
                for c in range(D // 16):
                    sl = pl.ds(c * 16, 16)
                    buf_o[r, sl] = jnp.abs(buf_a[r, sl] - buf_b[r, sl])
                return c2

            lax.fori_loop(0, CHUNK, row_body, 0)

            pltpu.async_copy(buf_o, out_hbm.at[pl.ds(base0 + chunk * CHUNK,
                                                     CHUNK)], sems_o[s])

            @pl.when(chunk + 2 < NCHUNKS)
            def _():
                issue_gathers(chunk + 2, s)

        return carry

    lax.fori_loop(0, NPAIR, pair_body, 0)
    wait_store(0)
    wait_store(1)


BLK = 6400
NB = ESL // BLK
OROWS = BLK // 128


def _mlp_body(d_ref, w1_ref, b1_ref, w2_ref, b2_ref, o_ref):
    h = jnp.dot(d_ref[...], w1_ref[...], preferred_element_type=jnp.float32)
    h = jnp.maximum(h + b1_ref[...], 0.0)
    logits = jnp.dot(h, w2_ref[...], preferred_element_type=jnp.float32)
    tile = logits.reshape(1, OROWS, 128)
    o_ref[...] = jax.nn.sigmoid(tile + b2_ref[...])


def _mlp(diff, w1, b1r, w2, b2r):
    return pl.pallas_call(
        _mlp_body,
        grid=(NB,),
        in_specs=[
            pl.BlockSpec((BLK, D), lambda g: (g, 0)),
            pl.BlockSpec((D, HID), lambda g: (0, 0)),
            pl.BlockSpec((1, HID), lambda g: (0, 0)),
            pl.BlockSpec((HID, 1), lambda g: (0, 0)),
            pl.BlockSpec((1, 1), lambda g: (0, 0)),
        ],
        out_specs=pl.BlockSpec((1, OROWS, 128), lambda g: (g, 0, 0)),
        out_shape=jax.ShapeDtypeStruct((NB, OROWS, 128), jnp.float32),
    )(diff, w1, b1r, w2, b2r)


def kernel(x, edge_index, W1, b1, W2, b2):
    ei = edge_index
    src = ei[0]
    dst = ei[1]
    b1r = b1.reshape(1, HID)
    b2r = b2.reshape(1, 1)
    parts = []
    for sl in range(NSLICE):
        lo = sl * ESL
        diff = _gather_absdiff(x, src[lo:lo + ESL], dst[lo:lo + ESL])
        parts.append(_mlp(diff, W1, b1r, W2, b2r).reshape(-1))
    values = jnp.concatenate(parts)
    return (ei, values)

# --- scband reference (transcript-rebuilt; emitter-appended) ---
"""Pipeline reference for scband-edge-compute-60172491817536 (READ-ONLY COPY).

The authoritative reference and input builder live on the scoring server;
editing this copy changes nothing except your own understanding.
"""

import jax, jax.numpy as jnp
import numpy as np

N_NODES = 10000
N_EDGES = 320000
D_FEAT = 128
HID = 64
J_OUT = 1  # J=2 -> self.J = J-1 = 1

def setup_inputs(seed: int = 0) -> dict:
    key = jax.random.key(seed)
    k1, k2, k3, k4, k5, k6 = jax.random.split(key, 6)
    x = jax.random.normal(k1, (N_NODES, D_FEAT), dtype=jnp.float32)
    edge_index = jax.random.randint(k2, (2, N_EDGES), 0, N_NODES, dtype=jnp.int64)
    # MLP params: Linear(in_features, hid) -> ReLU -> Linear(hid, J) -> Sigmoid
    lim1 = 1.0 / np.sqrt(D_FEAT)
    W1 = jax.random.uniform(k3, (D_FEAT, HID), minval=-lim1, maxval=lim1, dtype=jnp.float32)
    b1 = jax.random.uniform(k4, (HID,), minval=-lim1, maxval=lim1, dtype=jnp.float32)
    lim2 = 1.0 / np.sqrt(HID)
    W2 = jax.random.uniform(k5, (HID, J_OUT), minval=-lim2, maxval=lim2, dtype=jnp.float32)
    b2 = jax.random.uniform(k6, (J_OUT,), minval=-lim2, maxval=lim2, dtype=jnp.float32)
    return {"x": x, "edge_index": edge_index, "W1": W1, "b1": b1, "W2": W2, "b2": b2}

def reference(x, edge_index, W1, b1, W2, b2):
    # x_diff = x[indices[0]] - x[indices[1]]
    x_diff = jnp.take(x, edge_index[0], axis=0) - jnp.take(x, edge_index[1], axis=0)
    # data = mlp(x_diff.abs())  -> Linear, ReLU, Linear, Sigmoid
    h = jax.nn.relu(jnp.abs(x_diff) @ W1 + b1)
    data = jax.nn.sigmoid(h @ W2 + b2)  # [E, J_OUT]
    # indices expansion: J_range = [0] (J=1) so indices_aux = 0*N + indices[0] = indices[0]
    idx = edge_index[:, :, None]  # [2, E, 1]
    idx = jnp.broadcast_to(idx, (2, N_EDGES, J_OUT))
    J_range = jnp.arange(0, J_OUT, dtype=edge_index.dtype)[None, :]  # [1, J]
    indices_aux = N_NODES * J_range[:, None, :] + idx[0][None]  # broadcast: [1, E, J]
    indices_aux = indices_aux[0]  # [E, J]
    new_indices = jnp.stack((indices_aux, idx[1]))  # [2, E, J]
    new_indices = new_indices.reshape(new_indices.shape[0], -1)  # [2, E*J]
    values = data.reshape(-1)  # [E*J]
    # Sparse tensor of shape (J*N, N) represented by (indices, values)
    return (new_indices, values)

if __name__ == "__main__":
    import jax
    _d = setup_inputs()
    print(jax.jit(kernel)(*tuple(_d.values())))

</pallas_src>

<mosaic_0001>
#map = affine_map<(d0, d1) -> (0, 0)>
#map1 = affine_map<(d0, d1) -> (0)>
module attributes {stable_mosaic.version = 14 : i64} {
  func.func @_gather_absdiff(%arg0: i32, %arg1: i32, %arg2: memref<10000x128xf32, #tpu.memory_space<hbm>>, %arg3: memref<64000xi32, #tpu.memory_space<hbm>>, %arg4: memref<64000xi32, #tpu.memory_space<hbm>>, %arg5: memref<64000x128xf32, #tpu.memory_space<hbm>>, %arg6: memref<2000xi32, #tpu.memory_space<vmem>>, %arg7: memref<2000xi32, #tpu.memory_space<vmem>>, %arg8: memref<40x128xf32, #tpu.memory_space<vmem>>, %arg9: memref<40x128xf32, #tpu.memory_space<vmem>>, %arg10: memref<40x128xf32, #tpu.memory_space<vmem>>, %arg11: memref<40x128xf32, #tpu.memory_space<vmem>>, %arg12: memref<40x128xf32, #tpu.memory_space<vmem>>, %arg13: memref<40x128xf32, #tpu.memory_space<vmem>>, %arg14: memref<10000x128xf32, #tpu.memory_space<vmem_shared>>, %arg15: memref<!tpu.dma_semaphore, #tpu.memory_space<semaphore_mem>>, %arg16: memref<!tpu.dma_semaphore, #tpu.memory_space<semaphore_mem>>, %arg17: memref<!tpu.dma_semaphore, #tpu.memory_space<semaphore_mem>>, %arg18: memref<!tpu.dma_semaphore, #tpu.memory_space<semaphore_mem>>, %arg19: memref<!tpu.dma_semaphore, #tpu.memory_space<semaphore_mem>>, %arg20: memref<!tpu.dma_semaphore, #tpu.memory_space<semaphore_mem>>) attributes {dimension_semantics = [#tpu.dimension_semantics<core_parallel>, #tpu.dimension_semantics<subcore_parallel>], iteration_bounds = array<i64: 2, 16>, scalar_prefetch = 0 : i64, scratch_operands = 15 : i64, tpu.core_type = #tpu.core_type<sc_vector_subcore>, window_params = [{transform_indices = #map}, {transform_indices = #map1}, {transform_indices = #map1}, {transform_indices = #map}]} {
    %mul3A = arith.constant 2 : i32
    %mul3A_0 = arith.muli %arg1, %mul3A : i32
    %add3A = arith.addi %mul3A_0, %arg0 : i32
    %mul3A_1 = arith.constant 2000 : i32
    %mul3A_2 = arith.muli %add3A, %mul3A_1 : i32
    %eq3A = arith.constant 0 : i32
    %eq3A_3 = arith.cmpi eq, %arg1, %eq3A : i32
    %convert_element_type3A = arith.extui %eq3A_3 : i1 to i32
    %cond3A = arith.constant 0 : i32
    %cond3A_4 = arith.cmpi ne, %convert_element_type3A, %cond3A : i32
    scf.if %cond3A_4 {
      "tpu.region"() ({
        %run_scoped3A = tpu.sem_alloc : memref<!tpu.dma_semaphore, #tpu.memory_space<semaphore_mem>>
        tpu.enqueue_dma source(%arg2 : memref<10000x128xf32, #tpu.memory_space<hbm>>) target(%arg14 : memref<10000x128xf32, #tpu.memory_space<vmem_shared>>) target_semaphore(%run_scoped3A : memref<!tpu.dma_semaphore, #tpu.memory_space<semaphore_mem>>)
        tpu.wait_dma2 semaphore(%run_scoped3A : memref<!tpu.dma_semaphore, #tpu.memory_space<semaphore_mem>>) src(%arg2 : memref<10000x128xf32, #tpu.memory_space<hbm>>) dst(%arg14 : memref<10000x128xf32, #tpu.memory_space<vmem_shared>>)
        tpu.yield
      }) : () -> ()
    } else {
    }
    %barrier3A = arith.constant 0 : index
    tpu.barrier barrier_id(%barrier3A)
    "tpu.region"() ({
      %run_scoped3A = tpu.sem_alloc : memref<!tpu.dma_semaphore, #tpu.memory_space<semaphore_mem>>
      %dma_start3A_40 = tpu.memref_slice %arg3[%mul3A_2] : memref<64000xi32, #tpu.memory_space<hbm>> -> memref<2000xi32, #tpu.memory_space<hbm>>
      %dma_start3A_41 = tpu.memref_slice %arg3[%mul3A_2] : memref<64000xi32, #tpu.memory_space<hbm>> -> memref<2000xi32, #tpu.memory_space<hbm>>
      tpu.enqueue_dma source(%dma_start3A_41 : memref<2000xi32, #tpu.memory_space<hbm>>) target(%arg6 : memref<2000xi32, #tpu.memory_space<vmem>>) target_semaphore(%run_scoped3A : memref<!tpu.dma_semaphore, #tpu.memory_space<semaphore_mem>>)
      %dma_wait3A_42 = tpu.memref_slice %arg3[%mul3A_2] : memref<64000xi32, #tpu.memory_space<hbm>> -> memref<2000xi32, #tpu.memory_space<hbm>>
      %dma_wait3A_43 = tpu.memref_slice %arg3[%mul3A_2] : memref<64000xi32, #tpu.memory_space<hbm>> -> memref<2000xi32, #tpu.memory_space<hbm>>
      tpu.wait_dma2 semaphore(%run_scoped3A : memref<!tpu.dma_semaphore, #tpu.memory_space<semaphore_mem>>) src(%dma_wait3A_43 : memref<2000xi32, #tpu.memory_space<hbm>>) dst(%arg6 : memref<2000xi32, #tpu.memory_space<vmem>>)
      tpu.yield
    }) : () -> ()
    "tpu.region"() ({
      %run_scoped3A = tpu.sem_alloc : memref<!tpu.dma_semaphore, #tpu.memory_space<semaphore_mem>>
      %dma_start3A_40 = tpu.memref_slice %arg4[%mul3A_2] : memref<64000xi32, #tpu.memory_space<hbm>> -> memref<2000xi32, #tpu.memory_space<hbm>>
      %dma_start3A_41 = tpu.memref_slice %arg4[%mul3A_2] : memref<64000xi32, #tpu.memory_space<hbm>> -> memref<2000xi32, #tpu.memory_space<hbm>>
      tpu.enqueue_dma source(%dma_start3A_41 : memref<2000xi32, #tpu.memory_space<hbm>>) target(%arg7 : memref<2000xi32, #tpu.memory_space<vmem>>) target_semaphore(%run_scoped3A : memref<!tpu.dma_semaphore, #tpu.memory_space<semaphore_mem>>)
      %dma_wait3A_42 = tpu.memref_slice %arg4[%mul3A_2] : memref<64000xi32, #tpu.memory_space<hbm>> -> memref<2000xi32, #tpu.memory_space<hbm>>
      %dma_wait3A_43 = tpu.memref_slice %arg4[%mul3A_2] : memref<64000xi32, #tpu.memory_space<hbm>> -> memref<2000xi32, #tpu.memory_space<hbm>>
      tpu.wait_dma2 semaphore(%run_scoped3A : memref<!tpu.dma_semaphore, #tpu.memory_space<semaphore_mem>>) src(%dma_wait3A_43 : memref<2000xi32, #tpu.memory_space<hbm>>) dst(%arg7 : memref<2000xi32, #tpu.memory_space<vmem>>)
      tpu.yield
    }) : () -> ()
    %dma_start3A = arith.constant 0 : i32
    %dma_start3A_5 = tpu.memref_slice %arg6[%dma_start3A] : memref<2000xi32, #tpu.memory_space<vmem>> -> memref<40xi32, #tpu.memory_space<vmem>>
    %dma_start3A_6 = arith.constant 0 : i32
    %dma_start3A_7 = arith.constant 0 : i32
    %dma_start3A_8 = tpu.memref_slice %arg14[%dma_start3A_6, %dma_start3A_7] : memref<10000x128xf32, #tpu.memory_space<vmem_shared>> -> memref<10000x128xf32, #tpu.memory_space<vmem_shared>>
    tpu.enqueue_indirect_dma source(%dma_start3A_8 : memref<10000x128xf32, #tpu.memory_space<vmem_shared>>) target(%arg8 : memref<40x128xf32, #tpu.memory_space<vmem>>) offsets(%dma_start3A_5 : memref<40xi32, #tpu.memory_space<vmem>>) semaphore(%arg15 : memref<!tpu.dma_semaphore, #tpu.memory_space<semaphore_mem>>)
    %dma_start3A_9 = arith.constant 0 : i32
    %dma_start3A_10 = tpu.memref_slice %arg7[%dma_start3A_9] : memref<2000xi32, #tpu.memory_space<vmem>> -> memref<40xi32, #tpu.memory_space<vmem>>
    %dma_start3A_11 = arith.constant 0 : i32
    %dma_start3A_12 = arith.constant 0 : i32
    %dma_start3A_13 = tpu.memref_slice %arg14[%dma_start3A_11, %dma_start3A_12] : memref<10000x128xf32, #tpu.memory_space<vmem_shared>> -> memref<10000x128xf32, #tpu.memory_space<vmem_shared>>
    tpu.enqueue_indirect_dma source(%dma_start3A_13 : memref<10000x128xf32, #tpu.memory_space<vmem_shared>>) target(%arg10 : memref<40x128xf32, #tpu.memory_space<vmem>>) offsets(%dma_start3A_10 : memref<40xi32, #tpu.memory_space<vmem>>) semaphore(%arg17 : memref<!tpu.dma_semaphore, #tpu.memory_space<semaphore_mem>>)
    %dma_start3A_14 = arith.constant 40 : i32
    %dma_start3A_15 = tpu.memref_slice %arg6[%dma_start3A_14] : memref<2000xi32, #tpu.memory_space<vmem>> -> memref<40xi32, #tpu.memory_space<vmem>>
    %dma_start3A_16 = arith.constant 0 : i32
    %dma_start3A_17 = arith.constant 0 : i32
    %dma_start3A_18 = tpu.memref_slice %arg14[%dma_start3A_16, %dma_start3A_17] : memref<10000x128xf32, #tpu.memory_space<vmem_shared>> -> memref<10000x128xf32, #tpu.memory_space<vmem_shared>>
    tpu.enqueue_indirect_dma source(%dma_start3A_18 : memref<10000x128xf32, #tpu.memory_space<vmem_shared>>) target(%arg9 : memref<40x128xf32, #tpu.memory_space<vmem>>) offsets(%dma_start3A_15 : memref<40xi32, #tpu.memory_space<vmem>>) semaphore(%arg16 : memref<!tpu.dma_semaphore, #tpu.memory_space<semaphore_mem>>)
    %dma_start3A_19 = arith.constant 40 : i32
    %dma_start3A_20 = tpu.memref_slice %arg7[%dma_start3A_19] : memref<2000xi32, #tpu.memory_space<vmem>> -> memref<40xi32, #tpu.memory_space<vmem>>
    %dma_start3A_21 = arith.constant 0 : i32
    %dma_start3A_22 = arith.constant 0 : i32
    %dma_start3A_23 = tpu.memref_slice %arg14[%dma_start3A_21, %dma_start3A_22] : memref<10000x128xf32, #tpu.memory_space<vmem_shared>> -> memref<10000x128xf32, #tpu.memory_space<vmem_shared>>
    tpu.enqueue_indirect_dma source(%dma_start3A_23 : memref<10000x128xf32, #tpu.memory_space<vmem_shared>>) target(%arg11 : memref<40x128xf32, #tpu.memory_space<vmem>>) offsets(%dma_start3A_20 : memref<40xi32, #tpu.memory_space<vmem>>) semaphore(%arg18 : memref<!tpu.dma_semaphore, #tpu.memory_space<semaphore_mem>>)
    %scan3A = arith.constant 0 : i32
    %scan3A_24 = arith.constant 0 : i32
    %scan3A_25 = arith.constant 25 : i32
    %scan3A_26 = arith.addi %scan3A_24, %scan3A_25 : i32
    %scan3A_27 = arith.constant 1 : i32
    scf.for %scan3A_40 = %scan3A_24 to %scan3A_26 step %scan3A_27  : i32 {
      %mul3A_41 = arith.constant 2 : i32
      %mul3A_42 = arith.muli %scan3A_40, %mul3A_41 : i32
      %add3A_43 = arith.constant 0 : i32
      %add3A_44 = arith.addi %mul3A_42, %add3A_43 : i32
      %dma_wait3A_45 = arith.constant 0 : i32
      %dma_wait3A_46 = arith.constant 0 : i32
      %dma_wait3A_47 = tpu.memref_slice %arg5[%dma_wait3A_45, %dma_wait3A_46] : memref<64000x128xf32, #tpu.memory_space<hbm>> -> memref<40x128xf32, #tpu.memory_space<hbm>>
      %dma_wait3A_48 = arith.constant 0 : i32
      %dma_wait3A_49 = arith.constant 0 : i32
      %dma_wait3A_50 = tpu.memref_slice %arg5[%dma_wait3A_48, %dma_wait3A_49] : memref<64000x128xf32, #tpu.memory_space<hbm>> -> memref<40x128xf32, #tpu.memory_space<hbm>>
      tpu.wait_dma2 semaphore(%arg15 : memref<!tpu.dma_semaphore, #tpu.memory_space<semaphore_mem>>) src(%dma_wait3A_50 : memref<40x128xf32, #tpu.memory_space<hbm>>) dst(%arg8 : memref<40x128xf32, #tpu.memory_space<vmem>>)
      %dma_wait3A_51 = arith.constant 0 : i32
      %dma_wait3A_52 = arith.constant 0 : i32
      %dma_wait3A_53 = tpu.memref_slice %arg5[%dma_wait3A_51, %dma_wait3A_52] : memref<64000x128xf32, #tpu.memory_space<hbm>> -> memref<40x128xf32, #tpu.memory_space<hbm>>
      %dma_wait3A_54 = arith.constant 0 : i32
      %dma_wait3A_55 = arith.constant 0 : i32
      %dma_wait3A_56 = tpu.memref_slice %arg5[%dma_wait3A_54, %dma_wait3A_55] : memref<64000x128xf32, #tpu.memory_space<hbm>> -> memref<40x128xf32, #tpu.memory_space<hbm>>
      tpu.wait_dma2 semaphore(%arg17 : memref<!tpu.dma_semaphore, #tpu.memory_space<semaphore_mem>>) src(%dma_wait3A_56 : memref<40x128xf32, #tpu.memory_space<hbm>>) dst(%arg10 : memref<40x128xf32, #tpu.memory_space<vmem>>)
      %gt3A = arith.constant 0 : i32
      %gt3A_57 = arith.cmpi sgt, %scan3A_40, %gt3A : i32
      %convert_element_type3A_58 = arith.extui %gt3A_57 : i1 to i32
      %cond3A_59 = arith.constant 0 : i32
      %cond3A_60 = arith.cmpi ne, %convert_element_type3A_58, %cond3A_59 : i32
      scf.if %cond3A_60 {
        %dma_wait3A_121 = arith.constant 0 : i32
        %dma_wait3A_122 = arith.constant 0 : i32
        %dma_wait3A_123 = tpu.memref_slice %arg5[%dma_wait3A_121, %dma_wait3A_122] : memref<64000x128xf32, #tpu.memory_space<hbm>> -> memref<40x128xf32, #tpu.memory_space<hbm>>
        %dma_wait3A_124 = arith.constant 0 : i32
        %dma_wait3A_125 = arith.constant 0 : i32
        %dma_wait3A_126 = tpu.memref_slice %arg5[%dma_wait3A_124, %dma_wait3A_125] : memref<64000x128xf32, #tpu.memory_space<hbm>> -> memref<40x128xf32, #tpu.memory_space<hbm>>
        tpu.wait_dma2 semaphore(%arg19 : memref<!tpu.dma_semaphore, #tpu.memory_space<semaphore_mem>>) src(%arg12 : memref<40x128xf32, #tpu.memory_space<vmem>>) dst(%dma_wait3A_126 : memref<40x128xf32, #tpu.memory_space<hbm>>)
      } else {
      }
      %scan3A_61 = arith.constant 0 : i32
      %scan3A_62 = arith.constant 0 : i32
      %scan3A_63 = arith.constant 40 : i32
      %scan3A_64 = arith.addi %scan3A_62, %scan3A_63 : i32
      %scan3A_65 = arith.constant 1 : i32
      scf.for %scan3A_121 = %scan3A_62 to %scan3A_64 step %scan3A_65  : i32 {
        %get3A = arith.index_cast %scan3A_121 : i32 to index
        %get3A_122 = arith.constant 0 : index
        %get3A_123 = tpu.vector_load %arg8[%get3A, %get3A_122] {strides = array<i32>} : memref<40x128xf32, #tpu.memory_space<vmem>>, vector<1x16xf32>,
        %get3A_124 = vector.shape_cast %get3A_123 : vector<1x16xf32> to vector<16xf32>
        %get3A_125 = arith.index_cast %scan3A_121 : i32 to index
        %get3A_126 = arith.constant 0 : index
        %get3A_127 = tpu.vector_load %arg10[%get3A_125, %get3A_126] {strides = array<i32>} : memref<40x128xf32, #tpu.memory_space<vmem>>, vector<1x16xf32>,
        %get3A_128 = vector.shape_cast %get3A_127 : vector<1x16xf32> to vector<16xf32>
        %sub3A = arith.subf %get3A_124, %get3A_128 : vector<16xf32>
        %abs3A = math.absf %sub3A : vector<16xf32>
        %swap3A = arith.index_cast %scan3A_121 : i32 to index
        %swap3A_129 = arith.constant 0 : index
        %swap3A_130 = tpu.vector_load %arg12[%swap3A, %swap3A_129] {strides = array<i32>} : memref<40x128xf32, #tpu.memory_space<vmem>>, vector<1x16xf32>,
        %swap3A_131 = vector.shape_cast %swap3A_130 : vector<1x16xf32> to vector<16xf32>
        %swap3A_132 = vector.shape_cast %abs3A : vector<16xf32> to vector<1x16xf32>
        tpu.vector_store %arg12[%swap3A, %swap3A_129], %swap3A_132 {strides = array<i32>} : memref<40x128xf32, #tpu.memory_space<vmem>>, vector<1x16xf32>,
        %get3A_133 = arith.index_cast %scan3A_121 : i32 to index
        %get3A_134 = arith.constant 16 : index
        %get3A_135 = tpu.vector_load %arg8[%get3A_133, %get3A_134] {strides = array<i32>} : memref<40x128xf32, #tpu.memory_space<vmem>>, vector<1x16xf32>,
        %get3A_136 = vector.shape_cast %get3A_135 : vector<1x16xf32> to vector<16xf32>
        %get3A_137 = arith.index_cast %scan3A_121 : i32 to index
        %get3A_138 = arith.constant 16 : index
        %get3A_139 = tpu.vector_load %arg10[%get3A_137, %get3A_138] {strides = array<i32>} : memref<40x128xf32, #tpu.memory_space<vmem>>, vector<1x16xf32>,
        %get3A_140 = vector.shape_cast %get3A_139 : vector<1x16xf32> to vector<16xf32>
        %sub3A_141 = arith.subf %get3A_136, %get3A_140 : vector<16xf32>
        %abs3A_142 = math.absf %sub3A_141 : vector<16xf32>
        %swap3A_143 = arith.index_cast %scan3A_121 : i32 to index
        %swap3A_144 = arith.constant 16 : index
        %swap3A_145 = tpu.vector_load %arg12[%swap3A_143, %swap3A_144] {strides = array<i32>} : memref<40x128xf32, #tpu.memory_space<vmem>>, vector<1x16xf32>,
        %swap3A_146 = vector.shape_cast %swap3A_145 : vector<1x16xf32> to vector<16xf32>
        %swap3A_147 = vector.shape_cast %abs3A_142 : vector<16xf32> to vector<1x16xf32>
        tpu.vector_store %arg12[%swap3A_143, %swap3A_144], %swap3A_147 {strides = array<i32>} : memref<40x128xf32, #tpu.memory_space<vmem>>, vector<1x16xf32>,
        %get3A_148 = arith.index_cast %scan3A_121 : i32 to index
        %get3A_149 = arith.constant 32 : index
        %get3A_150 = tpu.vector_load %arg8[%get3A_148, %get3A_149] {strides = array<i32>} : memref<40x128xf32, #tpu.memory_space<vmem>>, vector<1x16xf32>,
        %get3A_151 = vector.shape_cast %get3A_150 : vector<1x16xf32> to vector<16xf32>
        %get3A_152 = arith.index_cast %scan3A_121 : i32 to index
        %get3A_153 = arith.constant 32 : index
        %get3A_154 = tpu.vector_load %arg10[%get3A_152, %get3A_153] {strides = array<i32>} : memref<40x128xf32, #tpu.memory_space<vmem>>, vector<1x16xf32>,
        %get3A_155 = vector.shape_cast %get3A_154 : vector<1x16xf32> to vector<16xf32>
        %sub3A_156 = arith.subf %get3A_151, %get3A_155 : vector<16xf32>
        %abs3A_157 = math.absf %sub3A_156 : vector<16xf32>
        %swap3A_158 = arith.index_cast %scan3A_121 : i32 to index
        %swap3A_159 = arith.constant 32 : index
        %swap3A_160 = tpu.vector_load %arg12[%swap3A_158, %swap3A_159] {strides = array<i32>} : memref<40x128xf32, #tpu.memory_space<vmem>>, vector<1x16xf32>,
        %swap3A_161 = vector.shape_cast %swap3A_160 : vector<1x16xf32> to vector<16xf32>
        %swap3A_162 = vector.shape_cast %abs3A_157 : vector<16xf32> to vector<1x16xf32>
        tpu.vector_store %arg12[%swap3A_158, %swap3A_159], %swap3A_162 {strides = array<i32>} : memref<40x128xf32, #tpu.memory_space<vmem>>, vector<1x16xf32>,
        %get3A_163 = arith.index_cast %scan3A_121 : i32 to index
        %get3A_164 = arith.constant 48 : index
        %get3A_165 = tpu.vector_load %arg8[%get3A_163, %get3A_164] {strides = array<i32>} : memref<40x128xf32, #tpu.memory_space<vmem>>, vector<1x16xf32>,
        %get3A_166 = vector.shape_cast %get3A_165 : vector<1x16xf32> to vector<16xf32>
        %get3A_167 = arith.index_cast %scan3A_121 : i32 to index
        %get3A_168 = arith.constant 48 : index
        %get3A_169 = tpu.vector_load %arg10[%get3A_167, %get3A_168] {strides = array<i32>} : memref<40x128xf32, #tpu.memory_space<vmem>>, vector<1x16xf32>,
        %get3A_170 = vector.shape_cast %get3A_169 : vector<1x16xf32> to vector<16xf32>
        %sub3A_171 = arith.subf %get3A_166, %get3A_170 : vector<16xf32>
        %abs3A_172 = math.absf %sub3A_171 : vector<16xf32>
        %swap3A_173 = arith.index_cast %scan3A_121 : i32 to index
        %swap3A_174 = arith.constant 48 : index
        %swap3A_175 = tpu.vector_load %arg12[%swap3A_173, %swap3A_174] {strides = array<i32>} : memref<40x128xf32, #tpu.memory_space<vmem>>, vector<1x16xf32>,
        %swap3A_176 = vector.shape_cast %swap3A_175 : vector<1x16xf32> to vector<16xf32>
        %swap3A_177 = vector.shape_cast %abs3A_172 : vector<16xf32> to vector<1x16xf32>
        tpu.vector_store %arg12[%swap3A_173, %swap3A_174], %swap3A_177 {strides = array<i32>} : memref<40x128xf32, #tpu.memory_space<vmem>>, vector<1x16xf32>,
        %get3A_178 = arith.index_cast %scan3A_121 : i32 to index
        %get3A_179 = arith.constant 64 : index
        %get3A_180 = tpu.vector_load %arg8[%get3A_178, %get3A_179] {strides = array<i32>} : memref<40x128xf32, #tpu.memory_space<vmem>>, vector<1x16xf32>,
        %get3A_181 = vector.shape_cast %get3A_180 : vector<1x16xf32> to vector<16xf32>
        %get3A_182 = arith.index_cast %scan3A_121 : i32 to index
        %get3A_183 = arith.constant 64 : index
        %get3A_184 = tpu.vector_load %arg10[%get3A_182, %get3A_183] {strides = array<i32>} : memref<40x128xf32, #tpu.memory_space<vmem>>, vector<1x16xf32>,
        %get3A_185 = vector.shape_cast %get3A_184 : vector<1x16xf32> to vector<16xf32>
        %sub3A_186 = arith.subf %get3A_181, %get3A_185 : vector<16xf32>
        %abs3A_187 = math.absf %sub3A_186 : vector<16xf32>
        %swap3A_188 = arith.index_cast %scan3A_121 : i32 to index
        %swap3A_189 = arith.constant 64 : index
        %swap3A_190 = tpu.vector_load %arg12[%swap3A_188, %swap3A_189] {strides = array<i32>} : memref<40x128xf32, #tpu.memory_space<vmem>>, vector<1x16xf32>,
        %swap3A_191 = vector.shape_cast %swap3A_190 : vector<1x16xf32> to vector<16xf32>
        %swap3A_192 = vector.shape_cast %abs3A_187 : vector<16xf32> to vector<1x16xf32>
        tpu.vector_store %arg12[%swap3A_188, %swap3A_189], %swap3A_192 {strides = array<i32>} : memref<40x128xf32, #tpu.memory_space<vmem>>, vector<1x16xf32>,
        %get3A_193 = arith.index_cast %scan3A_121 : i32 to index
        %get3A_194 = arith.constant 80 : index
        %get3A_195 = tpu.vector_load %arg8[%get3A_193, %get3A_194] {strides = array<i32>} : memref<40x128xf32, #tpu.memory_space<vmem>>, vector<1x16xf32>,
        %get3A_196 = vector.shape_cast %get3A_195 : vector<1x16xf32> to vector<16xf32>
        %get3A_197 = arith.index_cast %scan3A_121 : i32 to index
        %get3A_198 = arith.constant 80 : index
        %get3A_199 = tpu.vector_load %arg10[%get3A_197, %get3A_198] {strides = array<i32>} : memref<40x128xf32, #tpu.memory_space<vmem>>, vector<1x16xf32>,
        %get3A_200 = vector.shape_cast %get3A_199 : vector<1x16xf32> to vector<16xf32>
        %sub3A_201 = arith.subf %get3A_196, %get3A_200 : vector<16xf32>
        %abs3A_202 = math.absf %sub3A_201 : vector<16xf32>
        %swap3A_203 = arith.index_cast %scan3A_121 : i32 to index
        %swap3A_204 = arith.constant 80 : index
        %swap3A_205 = tpu.vector_load %arg12[%swap3A_203, %swap3A_204] {strides = array<i32>} : memref<40x128xf32, #tpu.memory_space<vmem>>, vector<1x16xf32>,
        %swap3A_206 = vector.shape_cast %swap3A_205 : vector<1x16xf32> to vector<16xf32>
        %swap3A_207 = vector.shape_cast %abs3A_202 : vector<16xf32> to vector<1x16xf32>
        tpu.vector_store %arg12[%swap3A_203, %swap3A_204], %swap3A_207 {strides = array<i32>} : memref<40x128xf32, #tpu.memory_space<vmem>>, vector<1x16xf32>,
        %get3A_208 = arith.index_cast %scan3A_121 : i32 to index
        %get3A_209 = arith.constant 96 : index
        %get3A_210 = tpu.vector_load %arg8[%get3A_208, %get3A_209] {strides = array<i32>} : memref<40x128xf32, #tpu.memory_space<vmem>>, vector<1x16xf32>,
        %get3A_211 = vector.shape_cast %get3A_210 : vector<1x16xf32> to vector<16xf32>
        %get3A_212 = arith.index_cast %scan3A_121 : i32 to index
        %get3A_213 = arith.constant 96 : index
        %get3A_214 = tpu.vector_load %arg10[%get3A_212, %get3A_213] {strides = array<i32>} : memref<40x128xf32, #tpu.memory_space<vmem>>, vector<1x16xf32>,
        %get3A_215 = vector.shape_cast %get3A_214 : vector<1x16xf32> to vector<16xf32>
        %sub3A_216 = arith.subf %get3A_211, %get3A_215 : vector<16xf32>
        %abs3A_217 = math.absf %sub3A_216 : vector<16xf32>
        %swap3A_218 = arith.index_cast %scan3A_121 : i32 to index
        %swap3A_219 = arith.constant 96 : index
        %swap3A_220 = tpu.vector_load %arg12[%swap3A_218, %swap3A_219] {strides = array<i32>} : memref<40x128xf32, #tpu.memory_space<vmem>>, vector<1x16xf32>,
        %swap3A_221 = vector.shape_cast %swap3A_220 : vector<1x16xf32> to vector<16xf32>
        %swap3A_222 = vector.shape_cast %abs3A_217 : vector<16xf32> to vector<1x16xf32>
        tpu.vector_store %arg12[%swap3A_218, %swap3A_219], %swap3A_222 {strides = array<i32>} : memref<40x128xf32, #tpu.memory_space<vmem>>, vector<1x16xf32>,
        %get3A_223 = arith.index_cast %scan3A_121 : i32 to index
        %get3A_224 = arith.constant 112 : index
        %get3A_225 = tpu.vector_load %arg8[%get3A_223, %get3A_224] {strides = array<i32>} : memref<40x128xf32, #tpu.memory_space<vmem>>, vector<1x16xf32>,
        %get3A_226 = vector.shape_cast %get3A_225 : vector<1x16xf32> to vector<16xf32>
        %get3A_227 = arith.index_cast %scan3A_121 : i32 to index
        %get3A_228 = arith.constant 112 : index
        %get3A_229 = tpu.vector_load %arg10[%get3A_227, %get3A_228] {strides = array<i32>} : memref<40x128xf32, #tpu.memory_space<vmem>>, vector<1x16xf32>,
        %get3A_230 = vector.shape_cast %get3A_229 : vector<1x16xf32> to vector<16xf32>
        %sub3A_231 = arith.subf %get3A_226, %get3A_230 : vector<16xf32>
        %abs3A_232 = math.absf %sub3A_231 : vector<16xf32>
        %swap3A_233 = arith.index_cast %scan3A_121 : i32 to index
        %swap3A_234 = arith.constant 112 : index
        %swap3A_235 = tpu.vector_load %arg12[%swap3A_233, %swap3A_234] {strides = array<i32>} : memref<40x128xf32, #tpu.memory_space<vmem>>, vector<1x16xf32>,
        %swap3A_236 = vector.shape_cast %swap3A_235 : vector<1x16xf32> to vector<16xf32>
        %swap3A_237 = vector.shape_cast %abs3A_232 : vector<16xf32> to vector<1x16xf32>
        tpu.vector_store %arg12[%swap3A_233, %swap3A_234], %swap3A_237 {strides = array<i32>} : memref<40x128xf32, #tpu.memory_space<vmem>>, vector<1x16xf32>,
      }
      %scan3A_66 = arith.constant 40 : i32
      %mul3A_67 = arith.constant 40 : i32
      %mul3A_68 = arith.muli %add3A_44, %mul3A_67 : i32
      %add3A_69 = arith.addi %mul3A_2, %mul3A_68 : i32
      %dma_start3A_70 = arith.constant 0 : i32
      %dma_start3A_71 = tpu.memref_slice %arg5[%add3A_69, %dma_start3A_70] : memref<64000x128xf32, #tpu.memory_space<hbm>> -> memref<40x128xf32, #tpu.memory_space<hbm>>
      %dma_start3A_72 = arith.constant 0 : i32
      %dma_start3A_73 = tpu.memref_slice %arg5[%add3A_69, %dma_start3A_72] : memref<64000x128xf32, #tpu.memory_space<hbm>> -> memref<40x128xf32, #tpu.memory_space<hbm>>
      tpu.enqueue_dma source(%arg12 : memref<40x128xf32, #tpu.memory_space<vmem>>) target(%dma_start3A_73 : memref<40x128xf32, #tpu.memory_space<hbm>>) target_semaphore(%arg19 : memref<!tpu.dma_semaphore, #tpu.memory_space<semaphore_mem>>)
      %add3A_74 = arith.constant 2 : i32
      %add3A_75 = arith.addi %add3A_44, %add3A_74 : i32
      %lt3A = arith.constant 50 : i32
      %lt3A_76 = arith.cmpi slt, %add3A_75, %lt3A : i32
      %convert_element_type3A_77 = arith.extui %lt3A_76 : i1 to i32
      %cond3A_78 = arith.constant 0 : i32
      %cond3A_79 = arith.cmpi ne, %convert_element_type3A_77, %cond3A_78 : i32
      scf.if %cond3A_79 {
        %add3A_121 = arith.constant 2 : i32
        %add3A_122 = arith.addi %add3A_44, %add3A_121 : i32
        %mul3A_123 = arith.constant 40 : i32
        %mul3A_124 = arith.muli %add3A_122, %mul3A_123 : i32
        %dma_start3A_125 = tpu.memref_slice %arg6[%mul3A_124] : memref<2000xi32, #tpu.memory_space<vmem>> -> memref<40xi32, #tpu.memory_space<vmem>>
        %dma_start3A_126 = arith.constant 0 : i32
        %dma_start3A_127 = arith.constant 0 : i32
        %dma_start3A_128 = tpu.memref_slice %arg14[%dma_start3A_126, %dma_start3A_127] : memref<10000x128xf32, #tpu.memory_space<vmem_shared>> -> memref<10000x128xf32, #tpu.memory_space<vmem_shared>>
        tpu.enqueue_indirect_dma source(%dma_start3A_128 : memref<10000x128xf32, #tpu.memory_space<vmem_shared>>) target(%arg8 : memref<40x128xf32, #tpu.memory_space<vmem>>) offsets(%dma_start3A_125 : memref<40xi32, #tpu.memory_space<vmem>>) semaphore(%arg15 : memref<!tpu.dma_semaphore, #tpu.memory_space<semaphore_mem>>)
        %dma_start3A_129 = tpu.memref_slice %arg7[%mul3A_124] : memref<2000xi32, #tpu.memory_space<vmem>> -> memref<40xi32, #tpu.memory_space<vmem>>
        %dma_start3A_130 = arith.constant 0 : i32
        %dma_start3A_131 = arith.constant 0 : i32
        %dma_start3A_132 = tpu.memref_slice %arg14[%dma_start3A_130, %dma_start3A_131] : memref<10000x128xf32, #tpu.memory_space<vmem_shared>> -> memref<10000x128xf32, #tpu.memory_space<vmem_shared>>
        tpu.enqueue_indirect_dma source(%dma_start3A_132 : memref<10000x128xf32, #tpu.memory_space<vmem_shared>>) target(%arg10 : memref<40x128xf32, #tpu.memory_space<vmem>>) offsets(%dma_start3A_129 : memref<40xi32, #tpu.memory_space<vmem>>) semaphore(%arg17 : memref<!tpu.dma_semaphore, #tpu.memory_space<semaphore_mem>>)
      } else {
      }
      %mul3A_80 = arith.constant 2 : i32
      %mul3A_81 = arith.muli %scan3A_40, %mul3A_80 : i32
      %add3A_82 = arith.constant 1 : i32
      %add3A_83 = arith.addi %mul3A_81, %add3A_82 : i32
      %dma_wait3A_84 = arith.constant 0 : i32
      %dma_wait3A_85 = arith.constant 0 : i32
      %dma_wait3A_86 = tpu.memref_slice %arg5[%dma_wait3A_84, %dma_wait3A_85] : memref<64000x128xf32, #tpu.memory_space<hbm>> -> memref<40x128xf32, #tpu.memory_space<hbm>>
      %dma_wait3A_87 = arith.constant 0 : i32
      %dma_wait3A_88 = arith.constant 0 : i32
      %dma_wait3A_89 = tpu.memref_slice %arg5[%dma_wait3A_87, %dma_wait3A_88] : memref<64000x128xf32, #tpu.memory_space<hbm>> -> memref<40x128xf32, #tpu.memory_space<hbm>>
      tpu.wait_dma2 semaphore(%arg16 : memref<!tpu.dma_semaphore, #tpu.memory_space<semaphore_mem>>) src(%dma_wait3A_89 : memref<40x128xf32, #tpu.memory_space<hbm>>) dst(%arg9 : memref<40x128xf32, #tpu.memory_space<vmem>>)
      %dma_wait3A_90 = arith.constant 0 : i32
      %dma_wait3A_91 = arith.constant 0 : i32
      %dma_wait3A_92 = tpu.memref_slice %arg5[%dma_wait3A_90, %dma_wait3A_91] : memref<64000x128xf32, #tpu.memory_space<hbm>> -> memref<40x128xf32, #tpu.memory_space<hbm>>
      %dma_wait3A_93 = arith.constant 0 : i32
      %dma_wait3A_94 = arith.constant 0 : i32
      %dma_wait3A_95 = tpu.memref_slice %arg5[%dma_wait3A_93, %dma_wait3A_94] : memref<64000x128xf32, #tpu.memory_space<hbm>> -> memref<40x128xf32, #tpu.memory_space<hbm>>
      tpu.wait_dma2 semaphore(%arg18 : memref<!tpu.dma_semaphore, #tpu.memory_space<semaphore_mem>>) src(%dma_wait3A_95 : memref<40x128xf32, #tpu.memory_space<hbm>>) dst(%arg11 : memref<40x128xf32, #tpu.memory_space<vmem>>)
      %gt3A_96 = arith.constant 0 : i32
      %gt3A_97 = arith.cmpi sgt, %scan3A_40, %gt3A_96 : i32
      %convert_element_type3A_98 = arith.extui %gt3A_97 : i1 to i32
      %cond3A_99 = arith.constant 0 : i32
      %cond3A_100 = arith.cmpi ne, %convert_element_type3A_98, %cond3A_99 : i32
      scf.if %cond3A_100 {
        %dma_wait3A_121 = arith.constant 0 : i32
        %dma_wait3A_122 = arith.constant 0 : i32
        %dma_wait3A_123 = tpu.memref_slice %arg5[%dma_wait3A_121, %dma_wait3A_122] : memref<64000x128xf32, #tpu.memory_space<hbm>> -> memref<40x128xf32, #tpu.memory_space<hbm>>
        %dma_wait3A_124 = arith.constant 0 : i32
        %dma_wait3A_125 = arith.constant 0 : i32
        %dma_wait3A_126 = tpu.memref_slice %arg5[%dma_wait3A_124, %dma_wait3A_125] : memref<64000x128xf32, #tpu.memory_space<hbm>> -> memref<40x128xf32, #tpu.memory_space<hbm>>
        tpu.wait_dma2 semaphore(%arg20 : memref<!tpu.dma_semaphore, #tpu.memory_space<semaphore_mem>>) src(%arg13 : memref<40x128xf32, #tpu.memory_space<vmem>>) dst(%dma_wait3A_126 : memref<40x128xf32, #tpu.memory_space<hbm>>)
      } else {
      }
      %scan3A_101 = arith.constant 0 : i32
      %scan3A_102 = arith.constant 0 : i32
      %scan3A_103 = arith.constant 40 : i32
      %scan3A_104 = arith.addi %scan3A_102, %scan3A_103 : i32
      %scan3A_105 = arith.constant 1 : i32
      scf.for %scan3A_121 = %scan3A_102 to %scan3A_104 step %scan3A_105  : i32 {
        %get3A = arith.index_cast %scan3A_121 : i32 to index
        %get3A_122 = arith.constant 0 : index
        %get3A_123 = tpu.vector_load %arg9[%get3A, %get3A_122] {strides = array<i32>} : memref<40x128xf32, #tpu.memory_space<vmem>>, vector<1x16xf32>,
        %get3A_124 = vector.shape_cast %get3A_123 : vector<1x16xf32> to vector<16xf32>
        %get3A_125 = arith.index_cast %scan3A_121 : i32 to index
        %get3A_126 = arith.constant 0 : index
        %get3A_127 = tpu.vector_load %arg11[%get3A_125, %get3A_126] {strides = array<i32>} : memref<40x128xf32, #tpu.memory_space<vmem>>, vector<1x16xf32>,
        %get3A_128 = vector.shape_cast %get3A_127 : vector<1x16xf32> to vector<16xf32>
        %sub3A = arith.subf %get3A_124, %get3A_128 : vector<16xf32>
        %abs3A = math.absf %sub3A : vector<16xf32>
        %swap3A = arith.index_cast %scan3A_121 : i32 to index
        %swap3A_129 = arith.constant 0 : index
        %swap3A_130 = tpu.vector_load %arg13[%swap3A, %swap3A_129] {strides = array<i32>} : memref<40x128xf32, #tpu.memory_space<vmem>>, vector<1x16xf32>,
        %swap3A_131 = vector.shape_cast %swap3A_130 : vector<1x16xf32> to vector<16xf32>
        %swap3A_132 = vector.shape_cast %abs3A : vector<16xf32> to vector<1x16xf32>
        tpu.vector_store %arg13[%swap3A, %swap3A_129], %swap3A_132 {strides = array<i32>} : memref<40x128xf32, #tpu.memory_space<vmem>>, vector<1x16xf32>,
        %get3A_133 = arith.index_cast %scan3A_121 : i32 to index
        %get3A_134 = arith.constant 16 : index
        %get3A_135 = tpu.vector_load %arg9[%get3A_133, %get3A_134] {strides = array<i32>} : memref<40x128xf32, #tpu.memory_space<vmem>>, vector<1x16xf32>,
        %get3A_136 = vector.shape_cast %get3A_135 : vector<1x16xf32> to vector<16xf32>
        %get3A_137 = arith.index_cast %scan3A_121 : i32 to index
        %get3A_138 = arith.constant 16 : index
        %get3A_139 = tpu.vector_load %arg11[%get3A_137, %get3A_138] {strides = array<i32>} : memref<40x128xf32, #tpu.memory_space<vmem>>, vector<1x16xf32>,
        %get3A_140 = vector.shape_cast %get3A_139 : vector<1x16xf32> to vector<16xf32>
        %sub3A_141 = arith.subf %get3A_136, %get3A_140 : vector<16xf32>
        %abs3A_142 = math.absf %sub3A_141 : vector<16xf32>
        %swap3A_143 = arith.index_cast %scan3A_121 : i32 to index
        %swap3A_144 = arith.constant 16 : index
        %swap3A_145 = tpu.vector_load %arg13[%swap3A_143, %swap3A_144] {strides = array<i32>} : memref<40x128xf32, #tpu.memory_space<vmem>>, vector<1x16xf32>,
        %swap3A_146 = vector.shape_cast %swap3A_145 : vector<1x16xf32> to vector<16xf32>
        %swap3A_147 = vector.shape_cast %abs3A_142 : vector<16xf32> to vector<1x16xf32>
        tpu.vector_store %arg13[%swap3A_143, %swap3A_144], %swap3A_147 {strides = array<i32>} : memref<40x128xf32, #tpu.memory_space<vmem>>, vector<1x16xf32>,
        %get3A_148 = arith.index_cast %scan3A_121 : i32 to index
        %get3A_149 = arith.constant 32 : index
        %get3A_150 = tpu.vector_load %arg9[%get3A_148, %get3A_149] {strides = array<i32>} : memref<40x128xf32, #tpu.memory_space<vmem>>, vector<1x16xf32>,
        %get3A_151 = vector.shape_cast %get3A_150 : vector<1x16xf32> to vector<16xf32>
        %get3A_152 = arith.index_cast %scan3A_121 : i32 to index
        %get3A_153 = arith.constant 32 : index
        %get3A_154 = tpu.vector_load %arg11[%get3A_152, %get3A_153] {strides = array<i32>} : memref<40x128xf32, #tpu.memory_space<vmem>>, vector<1x16xf32>,
        %get3A_155 = vector.shape_cast %get3A_154 : vector<1x16xf32> to vector<16xf32>
        %sub3A_156 = arith.subf %get3A_151, %get3A_155 : vector<16xf32>
        %abs3A_157 = math.absf %sub3A_156 : vector<16xf32>
        %swap3A_158 = arith.index_cast %scan3A_121 : i32 to index
        %swap3A_159 = arith.constant 32 : index
        %swap3A_160 = tpu.vector_load %arg13[%swap3A_158, %swap3A_159] {strides = array<i32>} : memref<40x128xf32, #tpu.memory_space<vmem>>, vector<1x16xf32>,
        %swap3A_161 = vector.shape_cast %swap3A_160 : vector<1x16xf32> to vector<16xf32>
        %swap3A_162 = vector.shape_cast %abs3A_157 : vector<16xf32> to vector<1x16xf32>
        tpu.vector_store %arg13[%swap3A_158, %swap3A_159], %swap3A_162 {strides = array<i32>} : memref<40x128xf32, #tpu.memory_space<vmem>>, vector<1x16xf32>,
        %get3A_163 = arith.index_cast %scan3A_121 : i32 to index
        %get3A_164 = arith.constant 48 : index
        %get3A_165 = tpu.vector_load %arg9[%get3A_163, %get3A_164] {strides = array<i32>} : memref<40x128xf32, #tpu.memory_space<vmem>>, vector<1x16xf32>,
        %get3A_166 = vector.shape_cast %get3A_165 : vector<1x16xf32> to vector<16xf32>
        %get3A_167 = arith.index_cast %scan3A_121 : i32 to index
        %get3A_168 = arith.constant 48 : index
        %get3A_169 = tpu.vector_load %arg11[%get3A_167, %get3A_168] {strides = array<i32>} : memref<40x128xf32, #tpu.memory_space<vmem>>, vector<1x16xf32>,
        %get3A_170 = vector.shape_cast %get3A_169 : vector<1x16xf32> to vector<16xf32>
        %sub3A_171 = arith.subf %get3A_166, %get3A_170 : vector<16xf32>
        %abs3A_172 = math.absf %sub3A_171 : vector<16xf32>
        %swap3A_173 = arith.index_cast %scan3A_121 : i32 to index
        %swap3A_174 = arith.constant 48 : index
        %swap3A_175 = tpu.vector_load %arg13[%swap3A_173, %swap3A_174] {strides = array<i32>} : memref<40x128xf32, #tpu.memory_space<vmem>>, vector<1x16xf32>,
        %swap3A_176 = vector.shape_cast %swap3A_175 : vector<1x16xf32> to vector<16xf32>
        %swap3A_177 = vector.shape_cast %abs3A_172 : vector<16xf32> to vector<1x16xf32>
        tpu.vector_store %arg13[%swap3A_173, %swap3A_174], %swap3A_177 {strides = array<i32>} : memref<40x128xf32, #tpu.memory_space<vmem>>, vector<1x16xf32>,
        %get3A_178 = arith.index_cast %scan3A_121 : i32 to index
        %get3A_179 = arith.constant 64 : index
        %get3A_180 = tpu.vector_load %arg9[%get3A_178, %get3A_179] {strides = array<i32>} : memref<40x128xf32, #tpu.memory_space<vmem>>, vector<1x16xf32>,
        %get3A_181 = vector.shape_cast %get3A_180 : vector<1x16xf32> to vector<16xf32>
        %get3A_182 = arith.index_cast %scan3A_121 : i32 to index
        %get3A_183 = arith.constant 64 : index
        %get3A_184 = tpu.vector_load %arg11[%get3A_182, %get3A_183] {strides = array<i32>} : memref<40x128xf32, #tpu.memory_space<vmem>>, vector<1x16xf32>,
        %get3A_185 = vector.shape_cast %get3A_184 : vector<1x16xf32> to vector<16xf32>
        %sub3A_186 = arith.subf %get3A_181, %get3A_185 : vector<16xf32>
        %abs3A_187 = math.absf %sub3A_186 : vector<16xf32>
        %swap3A_188 = arith.index_cast %scan3A_121 : i32 to index
        %swap3A_189 = arith.constant 64 : index
        %swap3A_190 = tpu.vector_load %arg13[%swap3A_188, %swap3A_189] {strides = array<i32>} : memref<40x128xf32, #tpu.memory_space<vmem>>, vector<1x16xf32>,
        %swap3A_191 = vector.shape_cast %swap3A_190 : vector<1x16xf32> to vector<16xf32>
        %swap3A_192 = vector.shape_cast %abs3A_187 : vector<16xf32> to vector<1x16xf32>
        tpu.vector_store %arg13[%swap3A_188, %swap3A_189], %swap3A_192 {strides = array<i32>} : memref<40x128xf32, #tpu.memory_space<vmem>>, vector<1x16xf32>,
        %get3A_193 = arith.index_cast %scan3A_121 : i32 to index
        %get3A_194 = arith.constant 80 : index
        %get3A_195 = tpu.vector_load %arg9[%get3A_193, %get3A_194] {strides = array<i32>} : memref<40x128xf32, #tpu.memory_space<vmem>>, vector<1x16xf32>,
        %get3A_196 = vector.shape_cast %get3A_195 : vector<1x16xf32> to vector<16xf32>
        %get3A_197 = arith.index_cast %scan3A_121 : i32 to index
        %get3A_198 = arith.constant 80 : index
        %get3A_199 = tpu.vector_load %arg11[%get3A_197, %get3A_198] {strides = array<i32>} : memref<40x128xf32, #tpu.memory_space<vmem>>, vector<1x16xf32>,
        %get3A_200 = vector.shape_cast %get3A_199 : vector<1x16xf32> to vector<16xf32>
        %sub3A_201 = arith.subf %get3A_196, %get3A_200 : vector<16xf32>
        %abs3A_202 = math.absf %sub3A_201 : vector<16xf32>
        %swap3A_203 = arith.index_cast %scan3A_121 : i32 to index
        %swap3A_204 = arith.constant 80 : index
        %swap3A_205 = tpu.vector_load %arg13[%swap3A_203, %swap3A_204] {strides = array<i32>} : memref<40x128xf32, #tpu.memory_space<vmem>>, vector<1x16xf32>,
        %swap3A_206 = vector.shape_cast %swap3A_205 : vector<1x16xf32> to vector<16xf32>
        %swap3A_207 = vector.shape_cast %abs3A_202 : vector<16xf32> to vector<1x16xf32>
        tpu.vector_store %arg13[%swap3A_203, %swap3A_204], %swap3A_207 {strides = array<i32>} : memref<40x128xf32, #tpu.memory_space<vmem>>, vector<1x16xf32>,
        %get3A_208 = arith.index_cast %scan3A_121 : i32 to index
        %get3A_209 = arith.constant 96 : index
        %get3A_210 = tpu.vector_load %arg9[%get3A_208, %get3A_209] {strides = array<i32>} : memref<40x128xf32, #tpu.memory_space<vmem>>, vector<1x16xf32>,
        %get3A_211 = vector.shape_cast %get3A_210 : vector<1x16xf32> to vector<16xf32>
        %get3A_212 = arith.index_cast %scan3A_121 : i32 to index
        %get3A_213 = arith.constant 96 : index
        %get3A_214 = tpu.vector_load %arg11[%get3A_212, %get3A_213] {strides = array<i32>} : memref<40x128xf32, #tpu.memory_space<vmem>>, vector<1x16xf32>,
        %get3A_215 = vector.shape_cast %get3A_214 : vector<1x16xf32> to vector<16xf32>
        %sub3A_216 = arith.subf %get3A_211, %get3A_215 : vector<16xf32>
        %abs3A_217 = math.absf %sub3A_216 : vector<16xf32>
        %swap3A_218 = arith.index_cast %scan3A_121 : i32 to index
        %swap3A_219 = arith.constant 96 : index
        %swap3A_220 = tpu.vector_load %arg13[%swap3A_218, %swap3A_219] {strides = array<i32>} : memref<40x128xf32, #tpu.memory_space<vmem>>, vector<1x16xf32>,
        %swap3A_221 = vector.shape_cast %swap3A_220 : vector<1x16xf32> to vector<16xf32>
        %swap3A_222 = vector.shape_cast %abs3A_217 : vector<16xf32> to vector<1x16xf32>
        tpu.vector_store %arg13[%swap3A_218, %swap3A_219], %swap3A_222 {strides = array<i32>} : memref<40x128xf32, #tpu.memory_space<vmem>>, vector<1x16xf32>,
        %get3A_223 = arith.index_cast %scan3A_121 : i32 to index
        %get3A_224 = arith.constant 112 : index
        %get3A_225 = tpu.vector_load %arg9[%get3A_223, %get3A_224] {strides = array<i32>} : memref<40x128xf32, #tpu.memory_space<vmem>>, vector<1x16xf32>,
        %get3A_226 = vector.shape_cast %get3A_225 : vector<1x16xf32> to vector<16xf32>
        %get3A_227 = arith.index_cast %scan3A_121 : i32 to index
        %get3A_228 = arith.constant 112 : index
        %get3A_229 = tpu.vector_load %arg11[%get3A_227, %get3A_228] {strides = array<i32>} : memref<40x128xf32, #tpu.memory_space<vmem>>, vector<1x16xf32>,
        %get3A_230 = vector.shape_cast %get3A_229 : vector<1x16xf32> to vector<16xf32>
        %sub3A_231 = arith.subf %get3A_226, %get3A_230 : vector<16xf32>
        %abs3A_232 = math.absf %sub3A_231 : vector<16xf32>
        %swap3A_233 = arith.index_cast %scan3A_121 : i32 to index
        %swap3A_234 = arith.constant 112 : index
        %swap3A_235 = tpu.vector_load %arg13[%swap3A_233, %swap3A_234] {strides = array<i32>} : memref<40x128xf32, #tpu.memory_space<vmem>>, vector<1x16xf32>,
        %swap3A_236 = vector.shape_cast %swap3A_235 : vector<1x16xf32> to vector<16xf32>
        %swap3A_237 = vector.shape_cast %abs3A_232 : vector<16xf32> to vector<1x16xf32>
        tpu.vector_store %arg13[%swap3A_233, %swap3A_234], %swap3A_237 {strides = array<i32>} : memref<40x128xf32, #tpu.memory_space<vmem>>, vector<1x16xf32>,
      }
      %scan3A_106 = arith.constant 40 : i32
      %mul3A_107 = arith.constant 40 : i32
      %mul3A_108 = arith.muli %add3A_83, %mul3A_107 : i32
      %add3A_109 = arith.addi %mul3A_2, %mul3A_108 : i32
      %dma_start3A_110 = arith.constant 0 : i32
      %dma_start3A_111 = tpu.memref_slice %arg5[%add3A_109, %dma_start3A_110] : memref<64000x128xf32, #tpu.memory_space<hbm>> -> memref<40x128xf32, #tpu.memory_space<hbm>>
      %dma_start3A_112 = arith.constant 0 : i32
      %dma_start3A_113 = tpu.memref_slice %arg5[%add3A_109, %dma_start3A_112] : memref<64000x128xf32, #tpu.memory_space<hbm>> -> memref<40x128xf32, #tpu.memory_space<hbm>>
      tpu.enqueue_dma source(%arg13 : memref<40x128xf32, #tpu.memory_space<vmem>>) target(%dma_start3A_113 : memref<40x128xf32, #tpu.memory_space<hbm>>) target_semaphore(%arg20 : memref<!tpu.dma_semaphore, #tpu.memory_space<semaphore_mem>>)
      %add3A_114 = arith.constant 2 : i32
      %add3A_115 = arith.addi %add3A_83, %add3A_114 : i32
      %lt3A_116 = arith.constant 50 : i32
      %lt3A_117 = arith.cmpi slt, %add3A_115, %lt3A_116 : i32
      %convert_element_type3A_118 = arith.extui %lt3A_117 : i1 to i32
      %cond3A_119 = arith.constant 0 : i32
      %cond3A_120 = arith.cmpi ne, %convert_element_type3A_118, %cond3A_119 : i32
      scf.if %cond3A_120 {
        %add3A_121 = arith.constant 2 : i32
        %add3A_122 = arith.addi %add3A_83, %add3A_121 : i32
        %mul3A_123 = arith.constant 40 : i32
        %mul3A_124 = arith.muli %add3A_122, %mul3A_123 : i32
        %dma_start3A_125 = tpu.memref_slice %arg6[%mul3A_124] : memref<2000xi32, #tpu.memory_space<vmem>> -> memref<40xi32, #tpu.memory_space<vmem>>
        %dma_start3A_126 = arith.constant 0 : i32
        %dma_start3A_127 = arith.constant 0 : i32
        %dma_start3A_128 = tpu.memref_slice %arg14[%dma_start3A_126, %dma_start3A_127] : memref<10000x128xf32, #tpu.memory_space<vmem_shared>> -> memref<10000x128xf32, #tpu.memory_space<vmem_shared>>
        tpu.enqueue_indirect_dma source(%dma_start3A_128 : memref<10000x128xf32, #tpu.memory_space<vmem_shared>>) target(%arg9 : memref<40x128xf32, #tpu.memory_space<vmem>>) offsets(%dma_start3A_125 : memref<40xi32, #tpu.memory_space<vmem>>) semaphore(%arg16 : memref<!tpu.dma_semaphore, #tpu.memory_space<semaphore_mem>>)
        %dma_start3A_129 = tpu.memref_slice %arg7[%mul3A_124] : memref<2000xi32, #tpu.memory_space<vmem>> -> memref<40xi32, #tpu.memory_space<vmem>>
        %dma_start3A_130 = arith.constant 0 : i32
        %dma_start3A_131 = arith.constant 0 : i32
        %dma_start3A_132 = tpu.memref_slice %arg14[%dma_start3A_130, %dma_start3A_131] : memref<10000x128xf32, #tpu.memory_space<vmem_shared>> -> memref<10000x128xf32, #tpu.memory_space<vmem_shared>>
        tpu.enqueue_indirect_dma source(%dma_start3A_132 : memref<10000x128xf32, #tpu.memory_space<vmem_shared>>) target(%arg11 : memref<40x128xf32, #tpu.memory_space<vmem>>) offsets(%dma_start3A_129 : memref<40xi32, #tpu.memory_space<vmem>>) semaphore(%arg18 : memref<!tpu.dma_semaphore, #tpu.memory_space<semaphore_mem>>)
      } else {
      }
    }
    %scan3A_28 = arith.constant 25 : i32
    %dma_wait3A = arith.constant 0 : i32
    %dma_wait3A_29 = arith.constant 0 : i32
    %dma_wait3A_30 = tpu.memref_slice %arg5[%dma_wait3A, %dma_wait3A_29] : memref<64000x128xf32, #tpu.memory_space<hbm>> -> memref<40x128xf32, #tpu.memory_space<hbm>>
    %dma_wait3A_31 = arith.constant 0 : i32
    %dma_wait3A_32 = arith.constant 0 : i32
    %dma_wait3A_33 = tpu.memref_slice %arg5[%dma_wait3A_31, %dma_wait3A_32] : memref<64000x128xf32, #tpu.memory_space<hbm>> -> memref<40x128xf32, #tpu.memory_space<hbm>>
    tpu.wait_dma2 semaphore(%arg19 : memref<!tpu.dma_semaphore, #tpu.memory_space<semaphore_mem>>) src(%arg12 : memref<40x128xf32, #tpu.memory_space<vmem>>) dst(%dma_wait3A_33 : memref<40x128xf32, #tpu.memory_space<hbm>>)
    %dma_wait3A_34 = arith.constant 0 : i32
    %dma_wait3A_35 = arith.constant 0 : i32
    %dma_wait3A_36 = tpu.memref_slice %arg5[%dma_wait3A_34, %dma_wait3A_35] : memref<64000x128xf32, #tpu.memory_space<hbm>> -> memref<40x128xf32, #tpu.memory_space<hbm>>
    %dma_wait3A_37 = arith.constant 0 : i32
    %dma_wait3A_38 = arith.constant 0 : i32
    %dma_wait3A_39 = tpu.memref_slice %arg5[%dma_wait3A_37, %dma_wait3A_38] : memref<64000x128xf32, #tpu.memory_space<hbm>> -> memref<40x128xf32, #tpu.memory_space<hbm>>
    tpu.wait_dma2 semaphore(%arg20 : memref<!tpu.dma_semaphore, #tpu.memory_space<semaphore_mem>>) src(%arg13 : memref<40x128xf32, #tpu.memory_space<vmem>>) dst(%dma_wait3A_39 : memref<40x128xf32, #tpu.memory_space<hbm>>)
    return
  }
}

#map = affine_map<(d0, d1) -> (0, 0)>
#map1 = affine_map<(d0, d1) -> (0)>
module attributes {stable_mosaic.version = 14 : i64} {
  func.func @_gather_absdiff(%arg0: i32, %arg1: i32, %arg2: memref<10000x128xf32, #tpu.memory_space<hbm>>, %arg3: memref<64000xi32, #tpu.memory_space<hbm>>, %arg4: memref<64000xi32, #tpu.memory_space<hbm>>, %arg5: memref<64000x128xf32, #tpu.memory_space<hbm>>, %arg6: memref<2000xi32, #tpu.memory_space<vmem>>, %arg7: memref<2000xi32, #tpu.memory_space<vmem>>, %arg8: memref<40x128xf32, #tpu.memory_space<vmem>>, %arg9: memref<40x128xf32, #tpu.memory_space<vmem>>, %arg10: memref<40x128xf32, #tpu.memory_space<vmem>>, %arg11: memref<40x128xf32, #tpu.memory_space<vmem>>, %arg12: memref<40x128xf32, #tpu.memory_space<vmem>>, %arg13: memref<40x128xf32, #tpu.memory_space<vmem>>, %arg14: memref<10000x128xf32, #tpu.memory_space<vmem_shared>>, %arg15: memref<!tpu.dma_semaphore, #tpu.memory_space<semaphore_mem>>, %arg16: memref<!tpu.dma_semaphore, #tpu.memory_space<semaphore_mem>>, %arg17: memref<!tpu.dma_semaphore, #tpu.memory_space<semaphore_mem>>, %arg18: memref<!tpu.dma_semaphore, #tpu.memory_space<semaphore_mem>>, %arg19: memref<!tpu.dma_semaphore, #tpu.memory_space<semaphore_mem>>, %arg20: memref<!tpu.dma_semaphore, #tpu.memory_space<semaphore_mem>>) attributes {dimension_semantics = [#tpu.dimension_semantics<core_parallel>, #tpu.dimension_semantics<subcore_parallel>], iteration_bounds = array<i64: 2, 16>, scalar_prefetch = 0 : i64, scratch_operands = 15 : i64, tpu.core_type = #tpu.core_type<sc_vector_subcore>, window_params = [{transform_indices = #map}, {transform_indices = #map1}, {transform_indices = #map1}, {transform_indices = #map}]} {
    %mul3A = arith.constant 2 : i32
    %mul3A_0 = arith.muli %arg1, %mul3A : i32
    %add3A = arith.addi %mul3A_0, %arg0 : i32
    %mul3A_1 = arith.constant 2000 : i32
    %mul3A_2 = arith.muli %add3A, %mul3A_1 : i32
    %eq3A = arith.constant 0 : i32
    %eq3A_3 = arith.cmpi eq, %arg1, %eq3A : i32
    %convert_element_type3A = arith.extui %eq3A_3 : i1 to i32
    %cond3A = arith.constant 0 : i32
    %cond3A_4 = arith.cmpi ne, %convert_element_type3A, %cond3A : i32
    scf.if %cond3A_4 {
      "tpu.region"() ({
        %run_scoped3A = tpu.sem_alloc : memref<!tpu.dma_semaphore, #tpu.memory_space<semaphore_mem>>
        tpu.enqueue_dma source(%arg2 : memref<10000x128xf32, #tpu.memory_space<hbm>>) target(%arg14 : memref<10000x128xf32, #tpu.memory_space<vmem_shared>>) target_semaphore(%run_scoped3A : memref<!tpu.dma_semaphore, #tpu.memory_space<semaphore_mem>>)
        tpu.wait_dma2 semaphore(%run_scoped3A : memref<!tpu.dma_semaphore, #tpu.memory_space<semaphore_mem>>) src(%arg2 : memref<10000x128xf32, #tpu.memory_space<hbm>>) dst(%arg14 : memref<10000x128xf32, #tpu.memory_space<vmem_shared>>)
        tpu.yield
      }) : () -> ()
    } else {
    }
    %barrier3A = arith.constant 0 : index
    tpu.barrier barrier_id(%barrier3A)
    "tpu.region"() ({
      %run_scoped3A = tpu.sem_alloc : memref<!tpu.dma_semaphore, #tpu.memory_space<semaphore_mem>>
      %dma_start3A_40 = tpu.memref_slice %arg3[%mul3A_2] : memref<64000xi32, #tpu.memory_space<hbm>> -> memref<2000xi32, #tpu.memory_space<hbm>>
      %dma_start3A_41 = tpu.memref_slice %arg3[%mul3A_2] : memref<64000xi32, #tpu.memory_space<hbm>> -> memref<2000xi32, #tpu.memory_space<hbm>>
      tpu.enqueue_dma source(%dma_start3A_41 : memref<2000xi32, #tpu.memory_space<hbm>>) target(%arg6 : memref<2000xi32, #tpu.memory_space<vmem>>) target_semaphore(%run_scoped3A : memref<!tpu.dma_semaphore, #tpu.memory_space<semaphore_mem>>)
      %dma_wait3A_42 = tpu.memref_slice %arg3[%mul3A_2] : memref<64000xi32, #tpu.memory_space<hbm>> -> memref<2000xi32, #tpu.memory_space<hbm>>
      %dma_wait3A_43 = tpu.memref_slice %arg3[%mul3A_2] : memref<64000xi32, #tpu.memory_space<hbm>> -> memref<2000xi32, #tpu.memory_space<hbm>>
      tpu.wait_dma2 semaphore(%run_scoped3A : memref<!tpu.dma_semaphore, #tpu.memory_space<semaphore_mem>>) src(%dma_wait3A_43 : memref<2000xi32, #tpu.memory_space<hbm>>) dst(%arg6 : memref<2000xi32, #tpu.memory_space<vmem>>)
      tpu.yield
    }) : () -> ()
    "tpu.region"() ({
      %run_scoped3A = tpu.sem_alloc : memref<!tpu.dma_semaphore, #tpu.memory_space<semaphore_mem>>
      %dma_start3A_40 = tpu.memref_slice %arg4[%mul3A_2] : memref<64000xi32, #tpu.memory_space<hbm>> -> memref<2000xi32, #tpu.memory_space<hbm>>
      %dma_start3A_41 = tpu.memref_slice %arg4[%mul3A_2] : memref<64000xi32, #tpu.memory_space<hbm>> -> memref<2000xi32, #tpu.memory_space<hbm>>
      tpu.enqueue_dma source(%dma_start3A_41 : memref<2000xi32, #tpu.memory_space<hbm>>) target(%arg7 : memref<2000xi32, #tpu.memory_space<vmem>>) target_semaphore(%run_scoped3A : memref<!tpu.dma_semaphore, #tpu.memory_space<semaphore_mem>>)
      %dma_wait3A_42 = tpu.memref_slice %arg4[%mul3A_2] : memref<64000xi32, #tpu.memory_space<hbm>> -> memref<2000xi32, #tpu.memory_space<hbm>>
      %dma_wait3A_43 = tpu.memref_slice %arg4[%mul3A_2] : memref<64000xi32, #tpu.memory_space<hbm>> -> memref<2000xi32, #tpu.memory_space<hbm>>
      tpu.wait_dma2 semaphore(%run_scoped3A : memref<!tpu.dma_semaphore, #tpu.memory_space<semaphore_mem>>) src(%dma_wait3A_43 : memref<2000xi32, #tpu.memory_space<hbm>>) dst(%arg7 : memref<2000xi32, #tpu.memory_space<vmem>>)
      tpu.yield
    }) : () -> ()
    %dma_start3A = arith.constant 0 : i32
    %dma_start3A_5 = tpu.memref_slice %arg6[%dma_start3A] : memref<2000xi32, #tpu.memory_space<vmem>> -> memref<40xi32, #tpu.memory_space<vmem>>
    %dma_start3A_6 = arith.constant 0 : i32
    %dma_start3A_7 = arith.constant 0 : i32
    %dma_start3A_8 = tpu.memref_slice %arg14[%dma_start3A_6, %dma_start3A_7] : memref<10000x128xf32, #tpu.memory_space<vmem_shared>> -> memref<10000x128xf32, #tpu.memory_space<vmem_shared>>
    tpu.enqueue_indirect_dma source(%dma_start3A_8 : memref<10000x128xf32, #tpu.memory_space<vmem_shared>>) target(%arg8 : memref<40x128xf32, #tpu.memory_space<vmem>>) offsets(%dma_start3A_5 : memref<40xi32, #tpu.memory_space<vmem>>) semaphore(%arg15 : memref<!tpu.dma_semaphore, #tpu.memory_space<semaphore_mem>>)
    %dma_start3A_9 = arith.constant 0 : i32
    %dma_start3A_10 = tpu.memref_slice %arg7[%dma_start3A_9] : memref<2000xi32, #tpu.memory_space<vmem>> -> memref<40xi32, #tpu.memory_space<vmem>>
    %dma_start3A_11 = arith.constant 0 : i32
    %dma_start3A_12 = arith.constant 0 : i32
    %dma_start3A_13 = tpu.memref_slice %arg14[%dma_start3A_11, %dma_start3A_12] : memref<10000x128xf32, #tpu.memory_space<vmem_shared>> -> memref<10000x128xf32, #tpu.memory_space<vmem_shared>>
    tpu.enqueue_indirect_dma source(%dma_start3A_13 : memref<10000x128xf32, #tpu.memory_space<vmem_shared>>) target(%arg10 : memref<40x128xf32, #tpu.memory_space<vmem>>) offsets(%dma_start3A_10 : memref<40xi32, #tpu.memory_space<vmem>>) semaphore(%arg17 : memref<!tpu.dma_semaphore, #tpu.memory_space<semaphore_mem>>)
    %dma_start3A_14 = arith.constant 40 : i32
    %dma_start3A_15 = tpu.memref_slice %arg6[%dma_start3A_14] : memref<2000xi32, #tpu.memory_space<vmem>> -> memref<40xi32, #tpu.memory_space<vmem>>
    %dma_start3A_16 = arith.constant 0 : i32
    %dma_start3A_17 = arith.constant 0 : i32
    %dma_start3A_18 = tpu.memref_slice %arg14[%dma_start3A_16, %dma_start3A_17] : memref<10000x128xf32, #tpu.memory_space<vmem_shared>> -> memref<10000x128xf32, #tpu.memory_space<vmem_shared>>
    tpu.enqueue_indirect_dma source(%dma_start3A_18 : memref<10000x128xf32, #tpu.memory_space<vmem_shared>>) target(%arg9 : memref<40x128xf32, #tpu.memory_space<vmem>>) offsets(%dma_start3A_15 : memref<40xi32, #tpu.memory_space<vmem>>) semaphore(%arg16 : memref<!tpu.dma_semaphore, #tpu.memory_space<semaphore_mem>>)
    %dma_start3A_19 = arith.constant 40 : i32
    %dma_start3A_20 = tpu.memref_slice %arg7[%dma_start3A_19] : memref<2000xi32, #tpu.memory_space<vmem>> -> memref<40xi32, #tpu.memory_space<vmem>>
    %dma_start3A_21 = arith.constant 0 : i32
    %dma_start3A_22 = arith.constant 0 : i32
    %dma_start3A_23 = tpu.memref_slice %arg14[%dma_start3A_21, %dma_start3A_22] : memref<10000x128xf32, #tpu.memory_space<vmem_shared>> -> memref<10000x128xf32, #tpu.memory_space<vmem_shared>>
    tpu.enqueue_indirect_dma source(%dma_start3A_23 : memref<10000x128xf32, #tpu.memory_space<vmem_shared>>) target(%arg11 : memref<40x128xf32, #tpu.memory_space<vmem>>) offsets(%dma_start3A_20 : memref<40xi32, #tpu.memory_space<vmem>>) semaphore(%arg18 : memref<!tpu.dma_semaphore, #tpu.memory_space<semaphore_mem>>)
    %scan3A = arith.constant 0 : i32
    %scan3A_24 = arith.constant 0 : i32
    %scan3A_25 = arith.constant 25 : i32
    %scan3A_26 = arith.addi %scan3A_24, %scan3A_25 : i32
    %scan3A_27 = arith.constant 1 : i32
    scf.for %scan3A_40 = %scan3A_24 to %scan3A_26 step %scan3A_27  : i32 {
      %mul3A_41 = arith.constant 2 : i32
      %mul3A_42 = arith.muli %scan3A_40, %mul3A_41 : i32
      %add3A_43 = arith.constant 0 : i32
      %add3A_44 = arith.addi %mul3A_42, %add3A_43 : i32
      %dma_wait3A_45 = arith.constant 0 : i32
      %dma_wait3A_46 = arith.constant 0 : i32
      %dma_wait3A_47 = tpu.memref_slice %arg5[%dma_wait3A_45, %dma_wait3A_46] : memref<64000x128xf32, #tpu.memory_space<hbm>> -> memref<40x128xf32, #tpu.memory_space<hbm>>
      %dma_wait3A_48 = arith.constant 0 : i32
      %dma_wait3A_49 = arith.constant 0 : i32
      %dma_wait3A_50 = tpu.memref_slice %arg5[%dma_wait3A_48, %dma_wait3A_49] : memref<64000x128xf32, #tpu.memory_space<hbm>> -> memref<40x128xf32, #tpu.memory_space<hbm>>
      tpu.wait_dma2 semaphore(%arg15 : memref<!tpu.dma_semaphore, #tpu.memory_space<semaphore_mem>>) src(%dma_wait3A_50 : memref<40x128xf32, #tpu.memory_space<hbm>>) dst(%arg8 : memref<40x128xf32, #tpu.memory_space<vmem>>)
      %dma_wait3A_51 = arith.constant 0 : i32
      %dma_wait3A_52 = arith.constant 0 : i32
      %dma_wait3A_53 = tpu.memref_slice %arg5[%dma_wait3A_51, %dma_wait3A_52] : memref<64000x128xf32, #tpu.memory_space<hbm>> -> memref<40x128xf32, #tpu.memory_space<hbm>>
      %dma_wait3A_54 = arith.constant 0 : i32
      %dma_wait3A_55 = arith.constant 0 : i32
      %dma_wait3A_56 = tpu.memref_slice %arg5[%dma_wait3A_54, %dma_wait3A_55] : memref<64000x128xf32, #tpu.memory_space<hbm>> -> memref<40x128xf32, #tpu.memory_space<hbm>>
      tpu.wait_dma2 semaphore(%arg17 : memref<!tpu.dma_semaphore, #tpu.memory_space<semaphore_mem>>) src(%dma_wait3A_56 : memref<40x128xf32, #tpu.memory_space<hbm>>) dst(%arg10 : memref<40x128xf32, #tpu.memory_space<vmem>>)
      %gt3A = arith.constant 0 : i32
      %gt3A_57 = arith.cmpi sgt, %scan3A_40, %gt3A : i32
      %convert_element_type3A_58 = arith.extui %gt3A_57 : i1 to i32
      %cond3A_59 = arith.constant 0 : i32
      %cond3A_60 = arith.cmpi ne, %convert_element_type3A_58, %cond3A_59 : i32
      scf.if %cond3A_60 {
        %dma_wait3A_121 = arith.constant 0 : i32
        %dma_wait3A_122 = arith.constant 0 : i32
        %dma_wait3A_123 = tpu.memref_slice %arg5[%dma_wait3A_121, %dma_wait3A_122] : memref<64000x128xf32, #tpu.memory_space<hbm>> -> memref<40x128xf32, #tpu.memory_space<hbm>>
        %dma_wait3A_124 = arith.constant 0 : i32
        %dma_wait3A_125 = arith.constant 0 : i32
        %dma_wait3A_126 = tpu.memref_slice %arg5[%dma_wait3A_124, %dma_wait3A_125] : memref<64000x128xf32, #tpu.memory_space<hbm>> -> memref<40x128xf32, #tpu.memory_space<hbm>>
        tpu.wait_dma2 semaphore(%arg19 : memref<!tpu.dma_semaphore, #tpu.memory_space<semaphore_mem>>) src(%arg12 : memref<40x128xf32, #tpu.memory_space<vmem>>) dst(%dma_wait3A_126 : memref<40x128xf32, #tpu.memory_space<hbm>>)
      } else {
      }
      %scan3A_61 = arith.constant 0 : i32
      %scan3A_62 = arith.constant 0 : i32
      %scan3A_63 = arith.constant 40 : i32
      %scan3A_64 = arith.addi %scan3A_62, %scan3A_63 : i32
      %scan3A_65 = arith.constant 1 : i32
      scf.for %scan3A_121 = %scan3A_62 to %scan3A_64 step %scan3A_65  : i32 {
        %get3A = arith.index_cast %scan3A_121 : i32 to index
        %get3A_122 = arith.constant 0 : index
        %get3A_123 = tpu.vector_load %arg8[%get3A, %get3A_122] {strides = array<i32>} : memref<40x128xf32, #tpu.memory_space<vmem>>, vector<1x16xf32>,
        %get3A_124 = vector.shape_cast %get3A_123 : vector<1x16xf32> to vector<16xf32>
        %get3A_125 = arith.index_cast %scan3A_121 : i32 to index
        %get3A_126 = arith.constant 0 : index
        %get3A_127 = tpu.vector_load %arg10[%get3A_125, %get3A_126] {strides = array<i32>} : memref<40x128xf32, #tpu.memory_space<vmem>>, vector<1x16xf32>,
        %get3A_128 = vector.shape_cast %get3A_127 : vector<1x16xf32> to vector<16xf32>
        %sub3A = arith.subf %get3A_124, %get3A_128 : vector<16xf32>
        %abs3A = math.absf %sub3A : vector<16xf32>
        %swap3A = arith.index_cast %scan3A_121 : i32 to index
        %swap3A_129 = arith.constant 0 : index
        %swap3A_130 = tpu.vector_load %arg12[%swap3A, %swap3A_129] {strides = array<i32>} : memref<40x128xf32, #tpu.memory_space<vmem>>, vector<1x16xf32>,
        %swap3A_131 = vector.shape_cast %swap3A_130 : vector<1x16xf32> to vector<16xf32>
        %swap3A_132 = vector.shape_cast %abs3A : vector<16xf32> to vector<1x16xf32>
        tpu.vector_store %arg12[%swap3A, %swap3A_129], %swap3A_132 {strides = array<i32>} : memref<40x128xf32, #tpu.memory_space<vmem>>, vector<1x16xf32>,
        %get3A_133 = arith.index_cast %scan3A_121 : i32 to index
        %get3A_134 = arith.constant 16 : index
        %get3A_135 = tpu.vector_load %arg8[%get3A_133, %get3A_134] {strides = array<i32>} : memref<40x128xf32, #tpu.memory_space<vmem>>, vector<1x16xf32>,
        %get3A_136 = vector.shape_cast %get3A_135 : vector<1x16xf32> to vector<16xf32>
        %get3A_137 = arith.index_cast %scan3A_121 : i32 to index
        %get3A_138 = arith.constant 16 : index
        %get3A_139 = tpu.vector_load %arg10[%get3A_137, %get3A_138] {strides = array<i32>} : memref<40x128xf32, #tpu.memory_space<vmem>>, vector<1x16xf32>,
        %get3A_140 = vector.shape_cast %get3A_139 : vector<1x16xf32> to vector<16xf32>
        %sub3A_141 = arith.subf %get3A_136, %get3A_140 : vector<16xf32>
        %abs3A_142 = math.absf %sub3A_141 : vector<16xf32>
        %swap3A_143 = arith.index_cast %scan3A_121 : i32 to index
        %swap3A_144 = arith.constant 16 : index
        %swap3A_145 = tpu.vector_load %arg12[%swap3A_143, %swap3A_144] {strides = array<i32>} : memref<40x128xf32, #tpu.memory_space<vmem>>, vector<1x16xf32>,
        %swap3A_146 = vector.shape_cast %swap3A_145 : vector<1x16xf32> to vector<16xf32>
        %swap3A_147 = vector.shape_cast %abs3A_142 : vector<16xf32> to vector<1x16xf32>
        tpu.vector_store %arg12[%swap3A_143, %swap3A_144], %swap3A_147 {strides = array<i32>} : memref<40x128xf32, #tpu.memory_space<vmem>>, vector<1x16xf32>,
        %get3A_148 = arith.index_cast %scan3A_121 : i32 to index
        %get3A_149 = arith.constant 32 : index
        %get3A_150 = tpu.vector_load %arg8[%get3A_148, %get3A_149] {strides = array<i32>} : memref<40x128xf32, #tpu.memory_space<vmem>>, vector<1x16xf32>,
        %get3A_151 = vector.shape_cast %get3A_150 : vector<1x16xf32> to vector<16xf32>
        %get3A_152 = arith.index_cast %scan3A_121 : i32 to index
        %get3A_153 = arith.constant 32 : index
        %get3A_154 = tpu.vector_load %arg10[%get3A_152, %get3A_153] {strides = array<i32>} : memref<40x128xf32, #tpu.memory_space<vmem>>, vector<1x16xf32>,
        %get3A_155 = vector.shape_cast %get3A_154 : vector<1x16xf32> to vector<16xf32>
        %sub3A_156 = arith.subf %get3A_151, %get3A_155 : vector<16xf32>
        %abs3A_157 = math.absf %sub3A_156 : vector<16xf32>
        %swap3A_158 = arith.index_cast %scan3A_121 : i32 to index
        %swap3A_159 = arith.constant 32 : index
        %swap3A_160 = tpu.vector_load %arg12[%swap3A_158, %swap3A_159] {strides = array<i32>} : memref<40x128xf32, #tpu.memory_space<vmem>>, vector<1x16xf32>,
        %swap3A_161 = vector.shape_cast %swap3A_160 : vector<1x16xf32> to vector<16xf32>
        %swap3A_162 = vector.shape_cast %abs3A_157 : vector<16xf32> to vector<1x16xf32>
        tpu.vector_store %arg12[%swap3A_158, %swap3A_159], %swap3A_162 {strides = array<i32>} : memref<40x128xf32, #tpu.memory_space<vmem>>, vector<1x16xf32>,
        %get3A_163 = arith.index_cast %scan3A_121 : i32 to index
        %get3A_164 = arith.constant 48 : index
        %get3A_165 = tpu.vector_load %arg8[%get3A_163, %get3A_164] {strides = array<i32>} : memref<40x128xf32, #tpu.memory_space<vmem>>, vector<1x16xf32>,
        %get3A_166 = vector.shape_cast %get3A_165 : vector<1x16xf32> to vector<16xf32>
        %get3A_167 = arith.index_cast %scan3A_121 : i32 to index
        %get3A_168 = arith.constant 48 : index
        %get3A_169 = tpu.vector_load %arg10[%get3A_167, %get3A_168] {strides = array<i32>} : memref<40x128xf32, #tpu.memory_space<vmem>>, vector<1x16xf32>,
        %get3A_170 = vector.shape_cast %get3A_169 : vector<1x16xf32> to vector<16xf32>
        %sub3A_171 = arith.subf %get3A_166, %get3A_170 : vector<16xf32>
        %abs3A_172 = math.absf %sub3A_171 : vector<16xf32>
        %swap3A_173 = arith.index_cast %scan3A_121 : i32 to index
        %swap3A_174 = arith.constant 48 : index
        %swap3A_175 = tpu.vector_load %arg12[%swap3A_173, %swap3A_174] {strides = array<i32>} : memref<40x128xf32, #tpu.memory_space<vmem>>, vector<1x16xf32>,
        %swap3A_176 = vector.shape_cast %swap3A_175 : vector<1x16xf32> to vector<16xf32>
        %swap3A_177 = vector.shape_cast %abs3A_172 : vector<16xf32> to vector<1x16xf32>
        tpu.vector_store %arg12[%swap3A_173, %swap3A_174], %swap3A_177 {strides = array<i32>} : memref<40x128xf32, #tpu.memory_space<vmem>>, vector<1x16xf32>,
        %get3A_178 = arith.index_cast %scan3A_121 : i32 to index
        %get3A_179 = arith.constant 64 : index
        %get3A_180 = tpu.vector_load %arg8[%get3A_178, %get3A_179] {strides = array<i32>} : memref<40x128xf32, #tpu.memory_space<vmem>>, vector<1x16xf32>,
        %get3A_181 = vector.shape_cast %get3A_180 : vector<1x16xf32> to vector<16xf32>
        %get3A_182 = arith.index_cast %scan3A_121 : i32 to index
        %get3A_183 = arith.constant 64 : index
        %get3A_184 = tpu.vector_load %arg10[%get3A_182, %get3A_183] {strides = array<i32>} : memref<40x128xf32, #tpu.memory_space<vmem>>, vector<1x16xf32>,
        %get3A_185 = vector.shape_cast %get3A_184 : vector<1x16xf32> to vector<16xf32>
        %sub3A_186 = arith.subf %get3A_181, %get3A_185 : vector<16xf32>
        %abs3A_187 = math.absf %sub3A_186 : vector<16xf32>
        %swap3A_188 = arith.index_cast %scan3A_121 : i32 to index
        %swap3A_189 = arith.constant 64 : index
        %swap3A_190 = tpu.vector_load %arg12[%swap3A_188, %swap3A_189] {strides = array<i32>} : memref<40x128xf32, #tpu.memory_space<vmem>>, vector<1x16xf32>,
        %swap3A_191 = vector.shape_cast %swap3A_190 : vector<1x16xf32> to vector<16xf32>
        %swap3A_192 = vector.shape_cast %abs3A_187 : vector<16xf32> to vector<1x16xf32>
        tpu.vector_store %arg12[%swap3A_188, %swap3A_189], %swap3A_192 {strides = array<i32>} : memref<40x128xf32, #tpu.memory_space<vmem>>, vector<1x16xf32>,
        %get3A_193 = arith.index_cast %scan3A_121 : i32 to index
        %get3A_194 = arith.constant 80 : index
        %get3A_195 = tpu.vector_load %arg8[%get3A_193, %get3A_194] {strides = array<i32>} : memref<40x128xf32, #tpu.memory_space<vmem>>, vector<1x16xf32>,
        %get3A_196 = vector.shape_cast %get3A_195 : vector<1x16xf32> to vector<16xf32>
        %get3A_197 = arith.index_cast %scan3A_121 : i32 to index
        %get3A_198 = arith.constant 80 : index
        %get3A_199 = tpu.vector_load %arg10[%get3A_197, %get3A_198] {strides = array<i32>} : memref<40x128xf32, #tpu.memory_space<vmem>>, vector<1x16xf32>,
        %get3A_200 = vector.shape_cast %get3A_199 : vector<1x16xf32> to vector<16xf32>
        %sub3A_201 = arith.subf %get3A_196, %get3A_200 : vector<16xf32>
        %abs3A_202 = math.absf %sub3A_201 : vector<16xf32>
        %swap3A_203 = arith.index_cast %scan3A_121 : i32 to index
        %swap3A_204 = arith.constant 80 : index
        %swap3A_205 = tpu.vector_load %arg12[%swap3A_203, %swap3A_204] {strides = array<i32>} : memref<40x128xf32, #tpu.memory_space<vmem>>, vector<1x16xf32>,
        %swap3A_206 = vector.shape_cast %swap3A_205 : vector<1x16xf32> to vector<16xf32>
        %swap3A_207 = vector.shape_cast %abs3A_202 : vector<16xf32> to vector<1x16xf32>
        tpu.vector_store %arg12[%swap3A_203, %swap3A_204], %swap3A_207 {strides = array<i32>} : memref<40x128xf32, #tpu.memory_space<vmem>>, vector<1x16xf32>,
        %get3A_208 = arith.index_cast %scan3A_121 : i32 to index
        %get3A_209 = arith.constant 96 : index
        %get3A_210 = tpu.vector_load %arg8[%get3A_208, %get3A_209] {strides = array<i32>} : memref<40x128xf32, #tpu.memory_space<vmem>>, vector<1x16xf32>,
        %get3A_211 = vector.shape_cast %get3A_210 : vector<1x16xf32> to vector<16xf32>
        %get3A_212 = arith.index_cast %scan3A_121 : i32 to index
        %get3A_213 = arith.constant 96 : index
        %get3A_214 = tpu.vector_load %arg10[%get3A_212, %get3A_213] {strides = array<i32>} : memref<40x128xf32, #tpu.memory_space<vmem>>, vector<1x16xf32>,
        %get3A_215 = vector.shape_cast %get3A_214 : vector<1x16xf32> to vector<16xf32>
        %sub3A_216 = arith.subf %get3A_211, %get3A_215 : vector<16xf32>
        %abs3A_217 = math.absf %sub3A_216 : vector<16xf32>
        %swap3A_218 = arith.index_cast %scan3A_121 : i32 to index
        %swap3A_219 = arith.constant 96 : index
        %swap3A_220 = tpu.vector_load %arg12[%swap3A_218, %swap3A_219] {strides = array<i32>} : memref<40x128xf32, #tpu.memory_space<vmem>>, vector<1x16xf32>,
        %swap3A_221 = vector.shape_cast %swap3A_220 : vector<1x16xf32> to vector<16xf32>
        %swap3A_222 = vector.shape_cast %abs3A_217 : vector<16xf32> to vector<1x16xf32>
        tpu.vector_store %arg12[%swap3A_218, %swap3A_219], %swap3A_222 {strides = array<i32>} : memref<40x128xf32, #tpu.memory_space<vmem>>, vector<1x16xf32>,
        %get3A_223 = arith.index_cast %scan3A_121 : i32 to index
        %get3A_224 = arith.constant 112 : index
        %get3A_225 = tpu.vector_load %arg8[%get3A_223, %get3A_224] {strides = array<i32>} : memref<40x128xf32, #tpu.memory_space<vmem>>, vector<1x16xf32>,
        %get3A_226 = vector.shape_cast %get3A_225 : vector<1x16xf32> to vector<16xf32>
        %get3A_227 = arith.index_cast %scan3A_121 : i32 to index
        %get3A_228 = arith.constant 112 : index
        %get3A_229 = tpu.vector_load %arg10[%get3A_227, %get3A_228] {strides = array<i32>} : memref<40x128xf32, #tpu.memory_space<vmem>>, vector<1x16xf32>,
        %get3A_230 = vector.shape_cast %get3A_229 : vector<1x16xf32> to vector<16xf32>
        %sub3A_231 = arith.subf %get3A_226, %get3A_230 : vector<16xf32>
        %abs3A_232 = math.absf %sub3A_231 : vector<16xf32>
        %swap3A_233 = arith.index_cast %scan3A_121 : i32 to index
        %swap3A_234 = arith.constant 112 : index
        %swap3A_235 = tpu.vector_load %arg12[%swap3A_233, %swap3A_234] {strides = array<i32>} : memref<40x128xf32, #tpu.memory_space<vmem>>, vector<1x16xf32>,
        %swap3A_236 = vector.shape_cast %swap3A_235 : vector<1x16xf32> to vector<16xf32>
        %swap3A_237 = vector.shape_cast %abs3A_232 : vector<16xf32> to vector<1x16xf32>
        tpu.vector_store %arg12[%swap3A_233, %swap3A_234], %swap3A_237 {strides = array<i32>} : memref<40x128xf32, #tpu.memory_space<vmem>>, vector<1x16xf32>,
      }
      %scan3A_66 = arith.constant 40 : i32
      %mul3A_67 = arith.constant 40 : i32
      %mul3A_68 = arith.muli %add3A_44, %mul3A_67 : i32
      %add3A_69 = arith.addi %mul3A_2, %mul3A_68 : i32
      %dma_start3A_70 = arith.constant 0 : i32
      %dma_start3A_71 = tpu.memref_slice %arg5[%add3A_69, %dma_start3A_70] : memref<64000x128xf32, #tpu.memory_space<hbm>> -> memref<40x128xf32, #tpu.memory_space<hbm>>
      %dma_start3A_72 = arith.constant 0 : i32
      %dma_start3A_73 = tpu.memref_slice %arg5[%add3A_69, %dma_start3A_72] : memref<64000x128xf32, #tpu.memory_space<hbm>> -> memref<40x128xf32, #tpu.memory_space<hbm>>
      tpu.enqueue_dma source(%arg12 : memref<40x128xf32, #tpu.memory_space<vmem>>) target(%dma_start3A_73 : memref<40x128xf32, #tpu.memory_space<hbm>>) target_semaphore(%arg19 : memref<!tpu.dma_semaphore, #tpu.memory_space<semaphore_mem>>)
      %add3A_74 = arith.constant 2 : i32
      %add3A_75 = arith.addi %add3A_44, %add3A_74 : i32
      %lt3A = arith.constant 50 : i32
      %lt3A_76 = arith.cmpi slt, %add3A_75, %lt3A : i32
      %convert_element_type3A_77 = arith.extui %lt3A_76 : i1 to i32
      %cond3A_78 = arith.constant 0 : i32
      %cond3A_79 = arith.cmpi ne, %convert_element_type3A_77, %cond3A_78 : i32
      scf.if %cond3A_79 {
        %add3A_121 = arith.constant 2 : i32
        %add3A_122 = arith.addi %add3A_44, %add3A_121 : i32
        %mul3A_123 = arith.constant 40 : i32
        %mul3A_124 = arith.muli %add3A_122, %mul3A_123 : i32
        %dma_start3A_125 = tpu.memref_slice %arg6[%mul3A_124] : memref<2000xi32, #tpu.memory_space<vmem>> -> memref<40xi32, #tpu.memory_space<vmem>>
        %dma_start3A_126 = arith.constant 0 : i32
        %dma_start3A_127 = arith.constant 0 : i32
        %dma_start3A_128 = tpu.memref_slice %arg14[%dma_start3A_126, %dma_start3A_127] : memref<10000x128xf32, #tpu.memory_space<vmem_shared>> -> memref<10000x128xf32, #tpu.memory_space<vmem_shared>>
        tpu.enqueue_indirect_dma source(%dma_start3A_128 : memref<10000x128xf32, #tpu.memory_space<vmem_shared>>) target(%arg8 : memref<40x128xf32, #tpu.memory_space<vmem>>) offsets(%dma_start3A_125 : memref<40xi32, #tpu.memory_space<vmem>>) semaphore(%arg15 : memref<!tpu.dma_semaphore, #tpu.memory_space<semaphore_mem>>)
        %dma_start3A_129 = tpu.memref_slice %arg7[%mul3A_124] : memref<2000xi32, #tpu.memory_space<vmem>> -> memref<40xi32, #tpu.memory_space<vmem>>
        %dma_start3A_130 = arith.constant 0 : i32
        %dma_start3A_131 = arith.constant 0 : i32
        %dma_start3A_132 = tpu.memref_slice %arg14[%dma_start3A_130, %dma_start3A_131] : memref<10000x128xf32, #tpu.memory_space<vmem_shared>> -> memref<10000x128xf32, #tpu.memory_space<vmem_shared>>
        tpu.enqueue_indirect_dma source(%dma_start3A_132 : memref<10000x128xf32, #tpu.memory_space<vmem_shared>>) target(%arg10 : memref<40x128xf32, #tpu.memory_space<vmem>>) offsets(%dma_start3A_129 : memref<40xi32, #tpu.memory_space<vmem>>) semaphore(%arg17 : memref<!tpu.dma_semaphore, #tpu.memory_space<semaphore_mem>>)
      } else {
      }
      %mul3A_80 = arith.constant 2 : i32
      %mul3A_81 = arith.muli %scan3A_40, %mul3A_80 : i32
      %add3A_82 = arith.constant 1 : i32
      %add3A_83 = arith.addi %mul3A_81, %add3A_82 : i32
      %dma_wait3A_84 = arith.constant 0 : i32
      %dma_wait3A_85 = arith.constant 0 : i32
      %dma_wait3A_86 = tpu.memref_slice %arg5[%dma_wait3A_84, %dma_wait3A_85] : memref<64000x128xf32, #tpu.memory_space<hbm>> -> memref<40x128xf32, #tpu.memory_space<hbm>>
      %dma_wait3A_87 = arith.constant 0 : i32
      %dma_wait3A_88 = arith.constant 0 : i32
      %dma_wait3A_89 = tpu.memref_slice %arg5[%dma_wait3A_87, %dma_wait3A_88] : memref<64000x128xf32, #tpu.memory_space<hbm>> -> memref<40x128xf32, #tpu.memory_space<hbm>>
      tpu.wait_dma2 semaphore(%arg16 : memref<!tpu.dma_semaphore, #tpu.memory_space<semaphore_mem>>) src(%dma_wait3A_89 : memref<40x128xf32, #tpu.memory_space<hbm>>) dst(%arg9 : memref<40x128xf32, #tpu.memory_space<vmem>>)
      %dma_wait3A_90 = arith.constant 0 : i32
      %dma_wait3A_91 = arith.constant 0 : i32
      %dma_wait3A_92 = tpu.memref_slice %arg5[%dma_wait3A_90, %dma_wait3A_91] : memref<64000x128xf32, #tpu.memory_space<hbm>> -> memref<40x128xf32, #tpu.memory_space<hbm>>
      %dma_wait3A_93 = arith.constant 0 : i32
      %dma_wait3A_94 = arith.constant 0 : i32
      %dma_wait3A_95 = tpu.memref_slice %arg5[%dma_wait3A_93, %dma_wait3A_94] : memref<64000x128xf32, #tpu.memory_space<hbm>> -> memref<40x128xf32, #tpu.memory_space<hbm>>
      tpu.wait_dma2 semaphore(%arg18 : memref<!tpu.dma_semaphore, #tpu.memory_space<semaphore_mem>>) src(%dma_wait3A_95 : memref<40x128xf32, #tpu.memory_space<hbm>>) dst(%arg11 : memref<40x128xf32, #tpu.memory_space<vmem>>)
      %gt3A_96 = arith.constant 0 : i32
      %gt3A_97 = arith.cmpi sgt, %scan3A_40, %gt3A_96 : i32
      %convert_element_type3A_98 = arith.extui %gt3A_97 : i1 to i32
      %cond3A_99 = arith.constant 0 : i32
      %cond3A_100 = arith.cmpi ne, %convert_element_type3A_98, %cond3A_99 : i32
      scf.if %cond3A_100 {
        %dma_wait3A_121 = arith.constant 0 : i32
        %dma_wait3A_122 = arith.constant 0 : i32
        %dma_wait3A_123 = tpu.memref_slice %arg5[%dma_wait3A_121, %dma_wait3A_122] : memref<64000x128xf32, #tpu.memory_space<hbm>> -> memref<40x128xf32, #tpu.memory_space<hbm>>
        %dma_wait3A_124 = arith.constant 0 : i32
        %dma_wait3A_125 = arith.constant 0 : i32
        %dma_wait3A_126 = tpu.memref_slice %arg5[%dma_wait3A_124, %dma_wait3A_125] : memref<64000x128xf32, #tpu.memory_space<hbm>> -> memref<40x128xf32, #tpu.memory_space<hbm>>
        tpu.wait_dma2 semaphore(%arg20 : memref<!tpu.dma_semaphore, #tpu.memory_space<semaphore_mem>>) src(%arg13 : memref<40x128xf32, #tpu.memory_space<vmem>>) dst(%dma_wait3A_126 : memref<40x128xf32, #tpu.memory_space<hbm>>)
      } else {
      }
      %scan3A_101 = arith.constant 0 : i32
      %scan3A_102 = arith.constant 0 : i32
      %scan3A_103 = arith.constant 40 : i32
      %scan3A_104 = arith.addi %scan3A_102, %scan3A_103 : i32
      %scan3A_105 = arith.constant 1 : i32
      scf.for %scan3A_121 = %scan3A_102 to %scan3A_104 step %scan3A_105  : i32 {
        %get3A = arith.index_cast %scan3A_121 : i32 to index
        %get3A_122 = arith.constant 0 : index
        %get3A_123 = tpu.vector_load %arg9[%get3A, %get3A_122] {strides = array<i32>} : memref<40x128xf32, #tpu.memory_space<vmem>>, vector<1x16xf32>,
        %get3A_124 = vector.shape_cast %get3A_123 : vector<1x16xf32> to vector<16xf32>
        %get3A_125 = arith.index_cast %scan3A_121 : i32 to index
        %get3A_126 = arith.constant 0 : index
        %get3A_127 = tpu.vector_load %arg11[%get3A_125, %get3A_126] {strides = array<i32>} : memref<40x128xf32, #tpu.memory_space<vmem>>, vector<1x16xf32>,
        %get3A_128 = vector.shape_cast %get3A_127 : vector<1x16xf32> to vector<16xf32>
        %sub3A = arith.subf %get3A_124, %get3A_128 : vector<16xf32>
        %abs3A = math.absf %sub3A : vector<16xf32>
        %swap3A = arith.index_cast %scan3A_121 : i32 to index
        %swap3A_129 = arith.constant 0 : index
        %swap3A_130 = tpu.vector_load %arg13[%swap3A, %swap3A_129] {strides = array<i32>} : memref<40x128xf32, #tpu.memory_space<vmem>>, vector<1x16xf32>,
        %swap3A_131 = vector.shape_cast %swap3A_130 : vector<1x16xf32> to vector<16xf32>
        %swap3A_132 = vector.shape_cast %abs3A : vector<16xf32> to vector<1x16xf32>
        tpu.vector_store %arg13[%swap3A, %swap3A_129], %swap3A_132 {strides = array<i32>} : memref<40x128xf32, #tpu.memory_space<vmem>>, vector<1x16xf32>,
        %get3A_133 = arith.index_cast %scan3A_121 : i32 to index
        %get3A_134 = arith.constant 16 : index
        %get3A_135 = tpu.vector_load %arg9[%get3A_133, %get3A_134] {strides = array<i32>} : memref<40x128xf32, #tpu.memory_space<vmem>>, vector<1x16xf32>,
        %get3A_136 = vector.shape_cast %get3A_135 : vector<1x16xf32> to vector<16xf32>
        %get3A_137 = arith.index_cast %scan3A_121 : i32 to index
        %get3A_138 = arith.constant 16 : index
        %get3A_139 = tpu.vector_load %arg11[%get3A_137, %get3A_138] {strides = array<i32>} : memref<40x128xf32, #tpu.memory_space<vmem>>, vector<1x16xf32>,
        %get3A_140 = vector.shape_cast %get3A_139 : vector<1x16xf32> to vector<16xf32>
        %sub3A_141 = arith.subf %get3A_136, %get3A_140 : vector<16xf32>
        %abs3A_142 = math.absf %sub3A_141 : vector<16xf32>
        %swap3A_143 = arith.index_cast %scan3A_121 : i32 to index
        %swap3A_144 = arith.constant 16 : index
        %swap3A_145 = tpu.vector_load %arg13[%swap3A_143, %swap3A_144] {strides = array<i32>} : memref<40x128xf32, #tpu.memory_space<vmem>>, vector<1x16xf32>,
        %swap3A_146 = vector.shape_cast %swap3A_145 : vector<1x16xf32> to vector<16xf32>
        %swap3A_147 = vector.shape_cast %abs3A_142 : vector<16xf32> to vector<1x16xf32>
        tpu.vector_store %arg13[%swap3A_143, %swap3A_144], %swap3A_147 {strides = array<i32>} : memref<40x128xf32, #tpu.memory_space<vmem>>, vector<1x16xf32>,
        %get3A_148 = arith.index_cast %scan3A_121 : i32 to index
        %get3A_149 = arith.constant 32 : index
        %get3A_150 = tpu.vector_load %arg9[%get3A_148, %get3A_149] {strides = array<i32>} : memref<40x128xf32, #tpu.memory_space<vmem>>, vector<1x16xf32>,
        %get3A_151 = vector.shape_cast %get3A_150 : vector<1x16xf32> to vector<16xf32>
        %get3A_152 = arith.index_cast %scan3A_121 : i32 to index
        %get3A_153 = arith.constant 32 : index
        %get3A_154 = tpu.vector_load %arg11[%get3A_152, %get3A_153] {strides = array<i32>} : memref<40x128xf32, #tpu.memory_space<vmem>>, vector<1x16xf32>,
        %get3A_155 = vector.shape_cast %get3A_154 : vector<1x16xf32> to vector<16xf32>
        %sub3A_156 = arith.subf %get3A_151, %get3A_155 : vector<16xf32>
        %abs3A_157 = math.absf %sub3A_156 : vector<16xf32>
        %swap3A_158 = arith.index_cast %scan3A_121 : i32 to index
        %swap3A_159 = arith.constant 32 : index
        %swap3A_160 = tpu.vector_load %arg13[%swap3A_158, %swap3A_159] {strides = array<i32>} : memref<40x128xf32, #tpu.memory_space<vmem>>, vector<1x16xf32>,
        %swap3A_161 = vector.shape_cast %swap3A_160 : vector<1x16xf32> to vector<16xf32>
        %swap3A_162 = vector.shape_cast %abs3A_157 : vector<16xf32> to vector<1x16xf32>
        tpu.vector_store %arg13[%swap3A_158, %swap3A_159], %swap3A_162 {strides = array<i32>} : memref<40x128xf32, #tpu.memory_space<vmem>>, vector<1x16xf32>,
        %get3A_163 = arith.index_cast %scan3A_121 : i32 to index
        %get3A_164 = arith.constant 48 : index
        %get3A_165 = tpu.vector_load %arg9[%get3A_163, %get3A_164] {strides = array<i32>} : memref<40x128xf32, #tpu.memory_space<vmem>>, vector<1x16xf32>,
        %get3A_166 = vector.shape_cast %get3A_165 : vector<1x16xf32> to vector<16xf32>
        %get3A_167 = arith.index_cast %scan3A_121 : i32 to index
        %get3A_168 = arith.constant 48 : index
        %get3A_169 = tpu.vector_load %arg11[%get3A_167, %get3A_168] {strides = array<i32>} : memref<40x128xf32, #tpu.memory_space<vmem>>, vector<1x16xf32>,
        %get3A_170 = vector.shape_cast %get3A_169 : vector<1x16xf32> to vector<16xf32>
        %sub3A_171 = arith.subf %get3A_166, %get3A_170 : vector<16xf32>
        %abs3A_172 = math.absf %sub3A_171 : vector<16xf32>
        %swap3A_173 = arith.index_cast %scan3A_121 : i32 to index
        %swap3A_174 = arith.constant 48 : index
        %swap3A_175 = tpu.vector_load %arg13[%swap3A_173, %swap3A_174] {strides = array<i32>} : memref<40x128xf32, #tpu.memory_space<vmem>>, vector<1x16xf32>,
        %swap3A_176 = vector.shape_cast %swap3A_175 : vector<1x16xf32> to vector<16xf32>
        %swap3A_177 = vector.shape_cast %abs3A_172 : vector<16xf32> to vector<1x16xf32>
        tpu.vector_store %arg13[%swap3A_173, %swap3A_174], %swap3A_177 {strides = array<i32>} : memref<40x128xf32, #tpu.memory_space<vmem>>, vector<1x16xf32>,
        %get3A_178 = arith.index_cast %scan3A_121 : i32 to index
        %get3A_179 = arith.constant 64 : index
        %get3A_180 = tpu.vector_load %arg9[%get3A_178, %get3A_179] {strides = array<i32>} : memref<40x128xf32, #tpu.memory_space<vmem>>, vector<1x16xf32>,
        %get3A_181 = vector.shape_cast %get3A_180 : vector<1x16xf32> to vector<16xf32>
        %get3A_182 = arith.index_cast %scan3A_121 : i32 to index
        %get3A_183 = arith.constant 64 : index
        %get3A_184 = tpu.vector_load %arg11[%get3A_182, %get3A_183] {strides = array<i32>} : memref<40x128xf32, #tpu.memory_space<vmem>>, vector<1x16xf32>,
        %get3A_185 = vector.shape_cast %get3A_184 : vector<1x16xf32> to vector<16xf32>
        %sub3A_186 = arith.subf %get3A_181, %get3A_185 : vector<16xf32>
        %abs3A_187 = math.absf %sub3A_186 : vector<16xf32>
        %swap3A_188 = arith.index_cast %scan3A_121 : i32 to index
        %swap3A_189 = arith.constant 64 : index
        %swap3A_190 = tpu.vector_load %arg13[%swap3A_188, %swap3A_189] {strides = array<i32>} : memref<40x128xf32, #tpu.memory_space<vmem>>, vector<1x16xf32>,
        %swap3A_191 = vector.shape_cast %swap3A_190 : vector<1x16xf32> to vector<16xf32>
        %swap3A_192 = vector.shape_cast %abs3A_187 : vector<16xf32> to vector<1x16xf32>
        tpu.vector_store %arg13[%swap3A_188, %swap3A_189], %swap3A_192 {strides = array<i32>} : memref<40x128xf32, #tpu.memory_space<vmem>>, vector<1x16xf32>,
        %get3A_193 = arith.index_cast %scan3A_121 : i32 to index
        %get3A_194 = arith.constant 80 : index
        %get3A_195 = tpu.vector_load %arg9[%get3A_193, %get3A_194] {strides = array<i32>} : memref<40x128xf32, #tpu.memory_space<vmem>>, vector<1x16xf32>,
        %get3A_196 = vector.shape_cast %get3A_195 : vector<1x16xf32> to vector<16xf32>
        %get3A_197 = arith.index_cast %scan3A_121 : i32 to index
        %get3A_198 = arith.constant 80 : index
        %get3A_199 = tpu.vector_load %arg11[%get3A_197, %get3A_198] {strides = array<i32>} : memref<40x128xf32, #tpu.memory_space<vmem>>, vector<1x16xf32>,
        %get3A_200 = vector.shape_cast %get3A_199 : vector<1x16xf32> to vector<16xf32>
        %sub3A_201 = arith.subf %get3A_196, %get3A_200 : vector<16xf32>
        %abs3A_202 = math.absf %sub3A_201 : vector<16xf32>
        %swap3A_203 = arith.index_cast %scan3A_121 : i32 to index
        %swap3A_204 = arith.constant 80 : index
        %swap3A_205 = tpu.vector_load %arg13[%swap3A_203, %swap3A_204] {strides = array<i32>} : memref<40x128xf32, #tpu.memory_space<vmem>>, vector<1x16xf32>,
        %swap3A_206 = vector.shape_cast %swap3A_205 : vector<1x16xf32> to vector<16xf32>
        %swap3A_207 = vector.shape_cast %abs3A_202 : vector<16xf32> to vector<1x16xf32>
        tpu.vector_store %arg13[%swap3A_203, %swap3A_204], %swap3A_207 {strides = array<i32>} : memref<40x128xf32, #tpu.memory_space<vmem>>, vector<1x16xf32>,
        %get3A_208 = arith.index_cast %scan3A_121 : i32 to index
        %get3A_209 = arith.constant 96 : index
        %get3A_210 = tpu.vector_load %arg9[%get3A_208, %get3A_209] {strides = array<i32>} : memref<40x128xf32, #tpu.memory_space<vmem>>, vector<1x16xf32>,
        %get3A_211 = vector.shape_cast %get3A_210 : vector<1x16xf32> to vector<16xf32>
        %get3A_212 = arith.index_cast %scan3A_121 : i32 to index
        %get3A_213 = arith.constant 96 : index
        %get3A_214 = tpu.vector_load %arg11[%get3A_212, %get3A_213] {strides = array<i32>} : memref<40x128xf32, #tpu.memory_space<vmem>>, vector<1x16xf32>,
        %get3A_215 = vector.shape_cast %get3A_214 : vector<1x16xf32> to vector<16xf32>
        %sub3A_216 = arith.subf %get3A_211, %get3A_215 : vector<16xf32>
        %abs3A_217 = math.absf %sub3A_216 : vector<16xf32>
        %swap3A_218 = arith.index_cast %scan3A_121 : i32 to index
        %swap3A_219 = arith.constant 96 : index
        %swap3A_220 = tpu.vector_load %arg13[%swap3A_218, %swap3A_219] {strides = array<i32>} : memref<40x128xf32, #tpu.memory_space<vmem>>, vector<1x16xf32>,
        %swap3A_221 = vector.shape_cast %swap3A_220 : vector<1x16xf32> to vector<16xf32>
        %swap3A_222 = vector.shape_cast %abs3A_217 : vector<16xf32> to vector<1x16xf32>
        tpu.vector_store %arg13[%swap3A_218, %swap3A_219], %swap3A_222 {strides = array<i32>} : memref<40x128xf32, #tpu.memory_space<vmem>>, vector<1x16xf32>,
        %get3A_223 = arith.index_cast %scan3A_121 : i32 to index
        %get3A_224 = arith.constant 112 : index
        %get3A_225 = tpu.vector_load %arg9[%get3A_223, %get3A_224] {strides = array<i32>} : memref<40x128xf32, #tpu.memory_space<vmem>>, vector<1x16xf32>,
        %get3A_226 = vector.shape_cast %get3A_225 : vector<1x16xf32> to vector<16xf32>
        %get3A_227 = arith.index_cast %scan3A_121 : i32 to index
        %get3A_228 = arith.constant 112 : index
        %get3A_229 = tpu.vector_load %arg11[%get3A_227, %get3A_228] {strides = array<i32>} : memref<40x128xf32, #tpu.memory_space<vmem>>, vector<1x16xf32>,
        %get3A_230 = vector.shape_cast %get3A_229 : vector<1x16xf32> to vector<16xf32>
        %sub3A_231 = arith.subf %get3A_226, %get3A_230 : vector<16xf32>
        %abs3A_232 = math.absf %sub3A_231 : vector<16xf32>
        %swap3A_233 = arith.index_cast %scan3A_121 : i32 to index
        %swap3A_234 = arith.constant 112 : index
        %swap3A_235 = tpu.vector_load %arg13[%swap3A_233, %swap3A_234] {strides = array<i32>} : memref<40x128xf32, #tpu.memory_space<vmem>>, vector<1x16xf32>,
        %swap3A_236 = vector.shape_cast %swap3A_235 : vector<1x16xf32> to vector<16xf32>
        %swap3A_237 = vector.shape_cast %abs3A_232 : vector<16xf32> to vector<1x16xf32>
        tpu.vector_store %arg13[%swap3A_233, %swap3A_234], %swap3A_237 {strides = array<i32>} : memref<40x128xf32, #tpu.memory_space<vmem>>, vector<1x16xf32>,
      }
      %scan3A_106 = arith.constant 40 : i32
      %mul3A_107 = arith.constant 40 : i32
      %mul3A_108 = arith.muli %add3A_83, %mul3A_107 : i32
      %add3A_109 = arith.addi %mul3A_2, %mul3A_108 : i32
      %dma_start3A_110 = arith.constant 0 : i32
      %dma_start3A_111 = tpu.memref_slice %arg5[%add3A_109, %dma_start3A_110] : memref<64000x128xf32, #tpu.memory_space<hbm>> -> memref<40x128xf32, #tpu.memory_space<hbm>>
      %dma_start3A_112 = arith.constant 0 : i32
      %dma_start3A_113 = tpu.memref_slice %arg5[%add3A_109, %dma_start3A_112] : memref<64000x128xf32, #tpu.memory_space<hbm>> -> memref<40x128xf32, #tpu.memory_space<hbm>>
      tpu.enqueue_dma source(%arg13 : memref<40x128xf32, #tpu.memory_space<vmem>>) target(%dma_start3A_113 : memref<40x128xf32, #tpu.memory_space<hbm>>) target_semaphore(%arg20 : memref<!tpu.dma_semaphore, #tpu.memory_space<semaphore_mem>>)
      %add3A_114 = arith.constant 2 : i32
      %add3A_115 = arith.addi %add3A_83, %add3A_114 : i32
      %lt3A_116 = arith.constant 50 : i32
      %lt3A_117 = arith.cmpi slt, %add3A_115, %lt3A_116 : i32
      %convert_element_type3A_118 = arith.extui %lt3A_117 : i1 to i32
      %cond3A_119 = arith.constant 0 : i32
      %cond3A_120 = arith.cmpi ne, %convert_element_type3A_118, %cond3A_119 : i32
      scf.if %cond3A_120 {
        %add3A_121 = arith.constant 2 : i32
        %add3A_122 = arith.addi %add3A_83, %add3A_121 : i32
        %mul3A_123 = arith.constant 40 : i32
        %mul3A_124 = arith.muli %add3A_122, %mul3A_123 : i32
        %dma_start3A_125 = tpu.memref_slice %arg6[%mul3A_124] : memref<2000xi32, #tpu.memory_space<vmem>> -> memref<40xi32, #tpu.memory_space<vmem>>
        %dma_start3A_126 = arith.constant 0 : i32
        %dma_start3A_127 = arith.constant 0 : i32
        %dma_start3A_128 = tpu.memref_slice %arg14[%dma_start3A_126, %dma_start3A_127] : memref<10000x128xf32, #tpu.memory_space<vmem_shared>> -> memref<10000x128xf32, #tpu.memory_space<vmem_shared>>
        tpu.enqueue_indirect_dma source(%dma_start3A_128 : memref<10000x128xf32, #tpu.memory_space<vmem_shared>>) target(%arg9 : memref<40x128xf32, #tpu.memory_space<vmem>>) offsets(%dma_start3A_125 : memref<40xi32, #tpu.memory_space<vmem>>) semaphore(%arg16 : memref<!tpu.dma_semaphore, #tpu.memory_space<semaphore_mem>>)
        %dma_start3A_129 = tpu.memref_slice %arg7[%mul3A_124] : memref<2000xi32, #tpu.memory_space<vmem>> -> memref<40xi32, #tpu.memory_space<vmem>>
        %dma_start3A_130 = arith.constant 0 : i32
        %dma_start3A_131 = arith.constant 0 : i32
        %dma_start3A_132 = tpu.memref_slice %arg14[%dma_start3A_130, %dma_start3A_131] : memref<10000x128xf32, #tpu.memory_space<vmem_shared>> -> memref<10000x128xf32, #tpu.memory_space<vmem_shared>>
        tpu.enqueue_indirect_dma source(%dma_start3A_132 : memref<10000x128xf32, #tpu.memory_space<vmem_shared>>) target(%arg11 : memref<40x128xf32, #tpu.memory_space<vmem>>) offsets(%dma_start3A_129 : memref<40xi32, #tpu.memory_space<vmem>>) semaphore(%arg18 : memref<!tpu.dma_semaphore, #tpu.memory_space<semaphore_mem>>)
      } else {
      }
    }
    %scan3A_28 = arith.constant 25 : i32
    %dma_wait3A = arith.constant 0 : i32
    %dma_wait3A_29 = arith.constant 0 : i32
    %dma_wait3A_30 = tpu.memref_slice %arg5[%dma_wait3A, %dma_wait3A_29] : memref<64000x128xf32, #tpu.memory_space<hbm>> -> memref<40x128xf32, #tpu.memory_space<hbm>>
    %dma_wait3A_31 = arith.constant 0 : i32
    %dma_wait3A_32 = arith.constant 0 : i32
    %dma_wait3A_33 = tpu.memref_slice %arg5[%dma_wait3A_31, %dma_wait3A_32] : memref<64000x128xf32, #tpu.memory_space<hbm>> -> memref<40x128xf32, #tpu.memory_space<hbm>>
    tpu.wait_dma2 semaphore(%arg19 : memref<!tpu.dma_semaphore, #tpu.memory_space<semaphore_mem>>) src(%arg12 : memref<40x128xf32, #tpu.memory_space<vmem>>) dst(%dma_wait3A_33 : memref<40x128xf32, #tpu.memory_space<hbm>>)
    %dma_wait3A_34 = arith.constant 0 : i32
    %dma_wait3A_35 = arith.constant 0 : i32
    %dma_wait3A_36 = tpu.memref_slice %arg5[%dma_wait3A_34, %dma_wait3A_35] : memref<64000x128xf32, #tpu.memory_space<hbm>> -> memref<40x128xf32, #tpu.memory_space<hbm>>
    %dma_wait3A_37 = arith.constant 0 : i32
    %dma_wait3A_38 = arith.constant 0 : i32
    %dma_wait3A_39 = tpu.memref_slice %arg5[%dma_wait3A_37, %dma_wait3A_38] : memref<64000x128xf32, #tpu.memory_space<hbm>> -> memref<40x128xf32, #tpu.memory_space<hbm>>
    tpu.wait_dma2 semaphore(%arg20 : memref<!tpu.dma_semaphore, #tpu.memory_space<semaphore_mem>>) src(%arg13 : memref<40x128xf32, #tpu.memory_space<vmem>>) dst(%dma_wait3A_39 : memref<40x128xf32, #tpu.memory_space<hbm>>)
    return
  }
}

#map = affine_map<(d0, d1) -> (0, 0)>
#map1 = affine_map<(d0, d1) -> (0)>
module attributes {stable_mosaic.version = 14 : i64} {
  func.func @_gather_absdiff(%arg0: i32, %arg1: i32, %arg2: memref<10000x128xf32, #tpu.memory_space<hbm>>, %arg3: memref<64000xi32, #tpu.memory_space<hbm>>, %arg4: memref<64000xi32, #tpu.memory_space<hbm>>, %arg5: memref<64000x128xf32, #tpu.memory_space<hbm>>, %arg6: memref<2000xi32, #tpu.memory_space<vmem>>, %arg7: memref<2000xi32, #tpu.memory_space<vmem>>, %arg8: memref<40x128xf32, #tpu.memory_space<vmem>>, %arg9: memref<40x128xf32, #tpu.memory_space<vmem>>, %arg10: memref<40x128xf32, #tpu.memory_space<vmem>>, %arg11: memref<40x128xf32, #tpu.memory_space<vmem>>, %arg12: memref<40x128xf32, #tpu.memory_space<vmem>>, %arg13: memref<40x128xf32, #tpu.memory_space<vmem>>, %arg14: memref<10000x128xf32, #tpu.memory_space<vmem_shared>>, %arg15: memref<!tpu.dma_semaphore, #tpu.memory_space<semaphore_mem>>, %arg16: memref<!tpu.dma_semaphore, #tpu.memory_space<semaphore_mem>>, %arg17: memref<!tpu.dma_semaphore, #tpu.memory_space<semaphore_mem>>, %arg18: memref<!tpu.dma_semaphore, #tpu.memory_space<semaphore_mem>>, %arg19: memref<!tpu.dma_semaphore, #tpu.memory_space<semaphore_mem>>, %arg20: memref<!tpu.dma_semaphore, #tpu.memory_space<semaphore_mem>>) attributes {dimension_semantics = [#tpu.dimension_semantics<core_parallel>, #tpu.dimension_semantics<subcore_parallel>], iteration_bounds = array<i64: 2, 16>, scalar_prefetch = 0 : i64, scratch_operands = 15 : i64, tpu.core_type = #tpu.core_type<sc_vector_subcore>, window_params = [{transform_indices = #map}, {transform_indices = #map1}, {transform_indices = #map1}, {transform_indices = #map}]} {
    %mul3A = arith.constant 2 : i32
    %mul3A_0 = arith.muli %arg1, %mul3A : i32
    %add3A = arith.addi %mul3A_0, %arg0 : i32
    %mul3A_1 = arith.constant 2000 : i32
    %mul3A_2 = arith.muli %add3A, %mul3A_1 : i32
    %eq3A = arith.constant 0 : i32
    %eq3A_3 = arith.cmpi eq, %arg1, %eq3A : i32
    %convert_element_type3A = arith.extui %eq3A_3 : i1 to i32
    %cond3A = arith.constant 0 : i32
    %cond3A_4 = arith.cmpi ne, %convert_element_type3A, %cond3A : i32
    scf.if %cond3A_4 {
      "tpu.region"() ({
        %run_scoped3A = tpu.sem_alloc : memref<!tpu.dma_semaphore, #tpu.memory_space<semaphore_mem>>
        tpu.enqueue_dma source(%arg2 : memref<10000x128xf32, #tpu.memory_space<hbm>>) target(%arg14 : memref<10000x128xf32, #tpu.memory_space<vmem_shared>>) target_semaphore(%run_scoped3A : memref<!tpu.dma_semaphore, #tpu.memory_space<semaphore_mem>>)
        tpu.wait_dma2 semaphore(%run_scoped3A : memref<!tpu.dma_semaphore, #tpu.memory_space<semaphore_mem>>) src(%arg2 : memref<10000x128xf32, #tpu.memory_space<hbm>>) dst(%arg14 : memref<10000x128xf32, #tpu.memory_space<vmem_shared>>)
        tpu.yield
      }) : () -> ()
    } else {
    }
    %barrier3A = arith.constant 0 : index
    tpu.barrier barrier_id(%barrier3A)
    "tpu.region"() ({
      %run_scoped3A = tpu.sem_alloc : memref<!tpu.dma_semaphore, #tpu.memory_space<semaphore_mem>>
      %dma_start3A_40 = tpu.memref_slice %arg3[%mul3A_2] : memref<64000xi32, #tpu.memory_space<hbm>> -> memref<2000xi32, #tpu.memory_space<hbm>>
      %dma_start3A_41 = tpu.memref_slice %arg3[%mul3A_2] : memref<64000xi32, #tpu.memory_space<hbm>> -> memref<2000xi32, #tpu.memory_space<hbm>>
      tpu.enqueue_dma source(%dma_start3A_41 : memref<2000xi32, #tpu.memory_space<hbm>>) target(%arg6 : memref<2000xi32, #tpu.memory_space<vmem>>) target_semaphore(%run_scoped3A : memref<!tpu.dma_semaphore, #tpu.memory_space<semaphore_mem>>)
      %dma_wait3A_42 = tpu.memref_slice %arg3[%mul3A_2] : memref<64000xi32, #tpu.memory_space<hbm>> -> memref<2000xi32, #tpu.memory_space<hbm>>
      %dma_wait3A_43 = tpu.memref_slice %arg3[%mul3A_2] : memref<64000xi32, #tpu.memory_space<hbm>> -> memref<2000xi32, #tpu.memory_space<hbm>>
      tpu.wait_dma2 semaphore(%run_scoped3A : memref<!tpu.dma_semaphore, #tpu.memory_space<semaphore_mem>>) src(%dma_wait3A_43 : memref<2000xi32, #tpu.memory_space<hbm>>) dst(%arg6 : memref<2000xi32, #tpu.memory_space<vmem>>)
      tpu.yield
    }) : () -> ()
    "tpu.region"() ({
      %run_scoped3A = tpu.sem_alloc : memref<!tpu.dma_semaphore, #tpu.memory_space<semaphore_mem>>
      %dma_start3A_40 = tpu.memref_slice %arg4[%mul3A_2] : memref<64000xi32, #tpu.memory_space<hbm>> -> memref<2000xi32, #tpu.memory_space<hbm>>
      %dma_start3A_41 = tpu.memref_slice %arg4[%mul3A_2] : memref<64000xi32, #tpu.memory_space<hbm>> -> memref<2000xi32, #tpu.memory_space<hbm>>
      tpu.enqueue_dma source(%dma_start3A_41 : memref<2000xi32, #tpu.memory_space<hbm>>) target(%arg7 : memref<2000xi32, #tpu.memory_space<vmem>>) target_semaphore(%run_scoped3A : memref<!tpu.dma_semaphore, #tpu.memory_space<semaphore_mem>>)
      %dma_wait3A_42 = tpu.memref_slice %arg4[%mul3A_2] : memref<64000xi32, #tpu.memory_space<hbm>> -> memref<2000xi32, #tpu.memory_space<hbm>>
      %dma_wait3A_43 = tpu.memref_slice %arg4[%mul3A_2] : memref<64000xi32, #tpu.memory_space<hbm>> -> memref<2000xi32, #tpu.memory_space<hbm>>
      tpu.wait_dma2 semaphore(%run_scoped3A : memref<!tpu.dma_semaphore, #tpu.memory_space<semaphore_mem>>) src(%dma_wait3A_43 : memref<2000xi32, #tpu.memory_space<hbm>>) dst(%arg7 : memref<2000xi32, #tpu.memory_space<vmem>>)
      tpu.yield
    }) : () -> ()
    %dma_start3A = arith.constant 0 : i32
    %dma_start3A_5 = tpu.memref_slice %arg6[%dma_start3A] : memref<2000xi32, #tpu.memory_space<vmem>> -> memref<40xi32, #tpu.memory_space<vmem>>
    %dma_start3A_6 = arith.constant 0 : i32
    %dma_start3A_7 = arith.constant 0 : i32
    %dma_start3A_8 = tpu.memref_slice %arg14[%dma_start3A_6, %dma_start3A_7] : memref<10000x128xf32, #tpu.memory_space<vmem_shared>> -> memref<10000x128xf32, #tpu.memory_space<vmem_shared>>
    tpu.enqueue_indirect_dma source(%dma_start3A_8 : memref<10000x128xf32, #tpu.memory_space<vmem_shared>>) target(%arg8 : memref<40x128xf32, #tpu.memory_space<vmem>>) offsets(%dma_start3A_5 : memref<40xi32, #tpu.memory_space<vmem>>) semaphore(%arg15 : memref<!tpu.dma_semaphore, #tpu.memory_space<semaphore_mem>>)
    %dma_start3A_9 = arith.constant 0 : i32
    %dma_start3A_10 = tpu.memref_slice %arg7[%dma_start3A_9] : memref<2000xi32, #tpu.memory_space<vmem>> -> memref<40xi32, #tpu.memory_space<vmem>>
    %dma_start3A_11 = arith.constant 0 : i32
    %dma_start3A_12 = arith.constant 0 : i32
    %dma_start3A_13 = tpu.memref_slice %arg14[%dma_start3A_11, %dma_start3A_12] : memref<10000x128xf32, #tpu.memory_space<vmem_shared>> -> memref<10000x128xf32, #tpu.memory_space<vmem_shared>>
    tpu.enqueue_indirect_dma source(%dma_start3A_13 : memref<10000x128xf32, #tpu.memory_space<vmem_shared>>) target(%arg10 : memref<40x128xf32, #tpu.memory_space<vmem>>) offsets(%dma_start3A_10 : memref<40xi32, #tpu.memory_space<vmem>>) semaphore(%arg17 : memref<!tpu.dma_semaphore, #tpu.memory_space<semaphore_mem>>)
    %dma_start3A_14 = arith.constant 40 : i32
    %dma_start3A_15 = tpu.memref_slice %arg6[%dma_start3A_14] : memref<2000xi32, #tpu.memory_space<vmem>> -> memref<40xi32, #tpu.memory_space<vmem>>
    %dma_start3A_16 = arith.constant 0 : i32
    %dma_start3A_17 = arith.constant 0 : i32
    %dma_start3A_18 = tpu.memref_slice %arg14[%dma_start3A_16, %dma_start3A_17] : memref<10000x128xf32, #tpu.memory_space<vmem_shared>> -> memref<10000x128xf32, #tpu.memory_space<vmem_shared>>
    tpu.enqueue_indirect_dma source(%dma_start3A_18 : memref<10000x128xf32, #tpu.memory_space<vmem_shared>>) target(%arg9 : memref<40x128xf32, #tpu.memory_space<vmem>>) offsets(%dma_start3A_15 : memref<40xi32, #tpu.memory_space<vmem>>) semaphore(%arg16 : memref<!tpu.dma_semaphore, #tpu.memory_space<semaphore_mem>>)
    %dma_start3A_19 = arith.constant 40 : i32
    %dma_start3A_20 = tpu.memref_slice %arg7[%dma_start3A_19] : memref<2000xi32, #tpu.memory_space<vmem>> -> memref<40xi32, #tpu.memory_space<vmem>>
    %dma_start3A_21 = arith.constant 0 : i32
    %dma_start3A_22 = arith.constant 0 : i32
    %dma_start3A_23 = tpu.memref_slice %arg14[%dma_start3A_21, %dma_start3A_22] : memref<10000x128xf32, #tpu.memory_space<vmem_shared>> -> memref<10000x128xf32, #tpu.memory_space<vmem_shared>>
    tpu.enqueue_indirect_dma source(%dma_start3A_23 : memref<10000x128xf32, #tpu.memory_space<vmem_shared>>) target(%arg11 : memref<40x128xf32, #tpu.memory_space<vmem>>) offsets(%dma_start3A_20 : memref<40xi32, #tpu.memory_space<vmem>>) semaphore(%arg18 : memref<!tpu.dma_semaphore, #tpu.memory_space<semaphore_mem>>)
    %scan3A = arith.constant 0 : i32
    %scan3A_24 = arith.constant 0 : i32
    %scan3A_25 = arith.constant 25 : i32
    %scan3A_26 = arith.addi %scan3A_24, %scan3A_25 : i32
    %scan3A_27 = arith.constant 1 : i32
    scf.for %scan3A_40 = %scan3A_24 to %scan3A_26 step %scan3A_27  : i32 {
      %mul3A_41 = arith.constant 2 : i32
      %mul3A_42 = arith.muli %scan3A_40, %mul3A_41 : i32
      %add3A_43 = arith.constant 0 : i32
      %add3A_44 = arith.addi %mul3A_42, %add3A_43 : i32
      %dma_wait3A_45 = arith.constant 0 : i32
      %dma_wait3A_46 = arith.constant 0 : i32
      %dma_wait3A_47 = tpu.memref_slice %arg5[%dma_wait3A_45, %dma_wait3A_46] : memref<64000x128xf32, #tpu.memory_space<hbm>> -> memref<40x128xf32, #tpu.memory_space<hbm>>
      %dma_wait3A_48 = arith.constant 0 : i32
      %dma_wait3A_49 = arith.constant 0 : i32
      %dma_wait3A_50 = tpu.memref_slice %arg5[%dma_wait3A_48, %dma_wait3A_49] : memref<64000x128xf32, #tpu.memory_space<hbm>> -> memref<40x128xf32, #tpu.memory_space<hbm>>
      tpu.wait_dma2 semaphore(%arg15 : memref<!tpu.dma_semaphore, #tpu.memory_space<semaphore_mem>>) src(%dma_wait3A_50 : memref<40x128xf32, #tpu.memory_space<hbm>>) dst(%arg8 : memref<40x128xf32, #tpu.memory_space<vmem>>)
      %dma_wait3A_51 = arith.constant 0 : i32
      %dma_wait3A_52 = arith.constant 0 : i32
      %dma_wait3A_53 = tpu.memref_slice %arg5[%dma_wait3A_51, %dma_wait3A_52] : memref<64000x128xf32, #tpu.memory_space<hbm>> -> memref<40x128xf32, #tpu.memory_space<hbm>>
      %dma_wait3A_54 = arith.constant 0 : i32
      %dma_wait3A_55 = arith.constant 0 : i32
      %dma_wait3A_56 = tpu.memref_slice %arg5[%dma_wait3A_54, %dma_wait3A_55] : memref<64000x128xf32, #tpu.memory_space<hbm>> -> memref<40x128xf32, #tpu.memory_space<hbm>>
      tpu.wait_dma2 semaphore(%arg17 : memref<!tpu.dma_semaphore, #tpu.memory_space<semaphore_mem>>) src(%dma_wait3A_56 : memref<40x128xf32, #tpu.memory_space<hbm>>) dst(%arg10 : memref<40x128xf32, #tpu.memory_space<vmem>>)
      %gt3A = arith.constant 0 : i32
      %gt3A_57 = arith.cmpi sgt, %scan3A_40, %gt3A : i32
      %convert_element_type3A_58 = arith.extui %gt3A_57 : i1 to i32
      %cond3A_59 = arith.constant 0 : i32
      %cond3A_60 = arith.cmpi ne, %convert_element_type3A_58, %cond3A_59 : i32
      scf.if %cond3A_60 {
        %dma_wait3A_121 = arith.constant 0 : i32
        %dma_wait3A_122 = arith.constant 0 : i32
        %dma_wait3A_123 = tpu.memref_slice %arg5[%dma_wait3A_121, %dma_wait3A_122] : memref<64000x128xf32, #tpu.memory_space<hbm>> -> memref<40x128xf32, #tpu.memory_space<hbm>>
        %dma_wait3A_124 = arith.constant 0 : i32
        %dma_wait3A_125 = arith.constant 0 : i32
        %dma_wait3A_126 = tpu.memref_slice %arg5[%dma_wait3A_124, %dma_wait3A_125] : memref<64000x128xf32, #tpu.memory_space<hbm>> -> memref<40x128xf32, #tpu.memory_space<hbm>>
        tpu.wait_dma2 semaphore(%arg19 : memref<!tpu.dma_semaphore, #tpu.memory_space<semaphore_mem>>) src(%arg12 : memref<40x128xf32, #tpu.memory_space<vmem>>) dst(%dma_wait3A_126 : memref<40x128xf32, #tpu.memory_space<hbm>>)
      } else {
      }
      %scan3A_61 = arith.constant 0 : i32
      %scan3A_62 = arith.constant 0 : i32
      %scan3A_63 = arith.constant 40 : i32
      %scan3A_64 = arith.addi %scan3A_62, %scan3A_63 : i32
      %scan3A_65 = arith.constant 1 : i32
      scf.for %scan3A_121 = %scan3A_62 to %scan3A_64 step %scan3A_65  : i32 {
        %get3A = arith.index_cast %scan3A_121 : i32 to index
        %get3A_122 = arith.constant 0 : index
        %get3A_123 = tpu.vector_load %arg8[%get3A, %get3A_122] {strides = array<i32>} : memref<40x128xf32, #tpu.memory_space<vmem>>, vector<1x16xf32>,
        %get3A_124 = vector.shape_cast %get3A_123 : vector<1x16xf32> to vector<16xf32>
        %get3A_125 = arith.index_cast %scan3A_121 : i32 to index
        %get3A_126 = arith.constant 0 : index
        %get3A_127 = tpu.vector_load %arg10[%get3A_125, %get3A_126] {strides = array<i32>} : memref<40x128xf32, #tpu.memory_space<vmem>>, vector<1x16xf32>,
        %get3A_128 = vector.shape_cast %get3A_127 : vector<1x16xf32> to vector<16xf32>
        %sub3A = arith.subf %get3A_124, %get3A_128 : vector<16xf32>
        %abs3A = math.absf %sub3A : vector<16xf32>
        %swap3A = arith.index_cast %scan3A_121 : i32 to index
        %swap3A_129 = arith.constant 0 : index
        %swap3A_130 = tpu.vector_load %arg12[%swap3A, %swap3A_129] {strides = array<i32>} : memref<40x128xf32, #tpu.memory_space<vmem>>, vector<1x16xf32>,
        %swap3A_131 = vector.shape_cast %swap3A_130 : vector<1x16xf32> to vector<16xf32>
        %swap3A_132 = vector.shape_cast %abs3A : vector<16xf32> to vector<1x16xf32>
        tpu.vector_store %arg12[%swap3A, %swap3A_129], %swap3A_132 {strides = array<i32>} : memref<40x128xf32, #tpu.memory_space<vmem>>, vector<1x16xf32>,
        %get3A_133 = arith.index_cast %scan3A_121 : i32 to index
        %get3A_134 = arith.constant 16 : index
        %get3A_135 = tpu.vector_load %arg8[%get3A_133, %get3A_134] {strides = array<i32>} : memref<40x128xf32, #tpu.memory_space<vmem>>, vector<1x16xf32>,
        %get3A_136 = vector.shape_cast %get3A_135 : vector<1x16xf32> to vector<16xf32>
        %get3A_137 = arith.index_cast %scan3A_121 : i32 to index
        %get3A_138 = arith.constant 16 : index
        %get3A_139 = tpu.vector_load %arg10[%get3A_137, %get3A_138] {strides = array<i32>} : memref<40x128xf32, #tpu.memory_space<vmem>>, vector<1x16xf32>,
        %get3A_140 = vector.shape_cast %get3A_139 : vector<1x16xf32> to vector<16xf32>
        %sub3A_141 = arith.subf %get3A_136, %get3A_140 : vector<16xf32>
        %abs3A_142 = math.absf %sub3A_141 : vector<16xf32>
        %swap3A_143 = arith.index_cast %scan3A_121 : i32 to index
        %swap3A_144 = arith.constant 16 : index
        %swap3A_145 = tpu.vector_load %arg12[%swap3A_143, %swap3A_144] {strides = array<i32>} : memref<40x128xf32, #tpu.memory_space<vmem>>, vector<1x16xf32>,
        %swap3A_146 = vector.shape_cast %swap3A_145 : vector<1x16xf32> to vector<16xf32>
        %swap3A_147 = vector.shape_cast %abs3A_142 : vector<16xf32> to vector<1x16xf32>
        tpu.vector_store %arg12[%swap3A_143, %swap3A_144], %swap3A_147 {strides = array<i32>} : memref<40x128xf32, #tpu.memory_space<vmem>>, vector<1x16xf32>,
        %get3A_148 = arith.index_cast %scan3A_121 : i32 to index
        %get3A_149 = arith.constant 32 : index
        %get3A_150 = tpu.vector_load %arg8[%get3A_148, %get3A_149] {strides = array<i32>} : memref<40x128xf32, #tpu.memory_space<vmem>>, vector<1x16xf32>,
        %get3A_151 = vector.shape_cast %get3A_150 : vector<1x16xf32> to vector<16xf32>
        %get3A_152 = arith.index_cast %scan3A_121 : i32 to index
        %get3A_153 = arith.constant 32 : index
        %get3A_154 = tpu.vector_load %arg10[%get3A_152, %get3A_153] {strides = array<i32>} : memref<40x128xf32, #tpu.memory_space<vmem>>, vector<1x16xf32>,
        %get3A_155 = vector.shape_cast %get3A_154 : vector<1x16xf32> to vector<16xf32>
        %sub3A_156 = arith.subf %get3A_151, %get3A_155 : vector<16xf32>
        %abs3A_157 = math.absf %sub3A_156 : vector<16xf32>
        %swap3A_158 = arith.index_cast %scan3A_121 : i32 to index
        %swap3A_159 = arith.constant 32 : index
        %swap3A_160 = tpu.vector_load %arg12[%swap3A_158, %swap3A_159] {strides = array<i32>} : memref<40x128xf32, #tpu.memory_space<vmem>>, vector<1x16xf32>,
        %swap3A_161 = vector.shape_cast %swap3A_160 : vector<1x16xf32> to vector<16xf32>
        %swap3A_162 = vector.shape_cast %abs3A_157 : vector<16xf32> to vector<1x16xf32>
        tpu.vector_store %arg12[%swap3A_158, %swap3A_159], %swap3A_162 {strides = array<i32>} : memref<40x128xf32, #tpu.memory_space<vmem>>, vector<1x16xf32>,
        %get3A_163 = arith.index_cast %scan3A_121 : i32 to index
        %get3A_164 = arith.constant 48 : index
        %get3A_165 = tpu.vector_load %arg8[%get3A_163, %get3A_164] {strides = array<i32>} : memref<40x128xf32, #tpu.memory_space<vmem>>, vector<1x16xf32>,
        %get3A_166 = vector.shape_cast %get3A_165 : vector<1x16xf32> to vector<16xf32>
        %get3A_167 = arith.index_cast %scan3A_121 : i32 to index
        %get3A_168 = arith.constant 48 : index
        %get3A_169 = tpu.vector_load %arg10[%get3A_167, %get3A_168] {strides = array<i32>} : memref<40x128xf32, #tpu.memory_space<vmem>>, vector<1x16xf32>,
        %get3A_170 = vector.shape_cast %get3A_169 : vector<1x16xf32> to vector<16xf32>
        %sub3A_171 = arith.subf %get3A_166, %get3A_170 : vector<16xf32>
        %abs3A_172 = math.absf %sub3A_171 : vector<16xf32>
        %swap3A_173 = arith.index_cast %scan3A_121 : i32 to index
        %swap3A_174 = arith.constant 48 : index
        %swap3A_175 = tpu.vector_load %arg12[%swap3A_173, %swap3A_174] {strides = array<i32>} : memref<40x128xf32, #tpu.memory_space<vmem>>, vector<1x16xf32>,
        %swap3A_176 = vector.shape_cast %swap3A_175 : vector<1x16xf32> to vector<16xf32>
        %swap3A_177 = vector.shape_cast %abs3A_172 : vector<16xf32> to vector<1x16xf32>
        tpu.vector_store %arg12[%swap3A_173, %swap3A_174], %swap3A_177 {strides = array<i32>} : memref<40x128xf32, #tpu.memory_space<vmem>>, vector<1x16xf32>,
        %get3A_178 = arith.index_cast %scan3A_121 : i32 to index
        %get3A_179 = arith.constant 64 : index
        %get3A_180 = tpu.vector_load %arg8[%get3A_178, %get3A_179] {strides = array<i32>} : memref<40x128xf32, #tpu.memory_space<vmem>>, vector<1x16xf32>,
        %get3A_181 = vector.shape_cast %get3A_180 : vector<1x16xf32> to vector<16xf32>
        %get3A_182 = arith.index_cast %scan3A_121 : i32 to index
        %get3A_183 = arith.constant 64 : index
        %get3A_184 = tpu.vector_load %arg10[%get3A_182, %get3A_183] {strides = array<i32>} : memref<40x128xf32, #tpu.memory_space<vmem>>, vector<1x16xf32>,
        %get3A_185 = vector.shape_cast %get3A_184 : vector<1x16xf32> to vector<16xf32>
        %sub3A_186 = arith.subf %get3A_181, %get3A_185 : vector<16xf32>
        %abs3A_187 = math.absf %sub3A_186 : vector<16xf32>
        %swap3A_188 = arith.index_cast %scan3A_121 : i32 to index
        %swap3A_189 = arith.constant 64 : index
        %swap3A_190 = tpu.vector_load %arg12[%swap3A_188, %swap3A_189] {strides = array<i32>} : memref<40x128xf32, #tpu.memory_space<vmem>>, vector<1x16xf32>,
        %swap3A_191 = vector.shape_cast %swap3A_190 : vector<1x16xf32> to vector<16xf32>
        %swap3A_192 = vector.shape_cast %abs3A_187 : vector<16xf32> to vector<1x16xf32>
        tpu.vector_store %arg12[%swap3A_188, %swap3A_189], %swap3A_192 {strides = array<i32>} : memref<40x128xf32, #tpu.memory_space<vmem>>, vector<1x16xf32>,
        %get3A_193 = arith.index_cast %scan3A_121 : i32 to index
        %get3A_194 = arith.constant 80 : index
        %get3A_195 = tpu.vector_load %arg8[%get3A_193, %get3A_194] {strides = array<i32>} : memref<40x128xf32, #tpu.memory_space<vmem>>, vector<1x16xf32>,
        %get3A_196 = vector.shape_cast %get3A_195 : vector<1x16xf32> to vector<16xf32>
        %get3A_197 = arith.index_cast %scan3A_121 : i32 to index
        %get3A_198 = arith.constant 80 : index
        %get3A_199 = tpu.vector_load %arg10[%get3A_197, %get3A_198] {strides = array<i32>} : memref<40x128xf32, #tpu.memory_space<vmem>>, vector<1x16xf32>,
        %get3A_200 = vector.shape_cast %get3A_199 : vector<1x16xf32> to vector<16xf32>
        %sub3A_201 = arith.subf %get3A_196, %get3A_200 : vector<16xf32>
        %abs3A_202 = math.absf %sub3A_201 : vector<16xf32>
        %swap3A_203 = arith.index_cast %scan3A_121 : i32 to index
        %swap3A_204 = arith.constant 80 : index
        %swap3A_205 = tpu.vector_load %arg12[%swap3A_203, %swap3A_204] {strides = array<i32>} : memref<40x128xf32, #tpu.memory_space<vmem>>, vector<1x16xf32>,
        %swap3A_206 = vector.shape_cast %swap3A_205 : vector<1x16xf32> to vector<16xf32>
        %swap3A_207 = vector.shape_cast %abs3A_202 : vector<16xf32> to vector<1x16xf32>
        tpu.vector_store %arg12[%swap3A_203, %swap3A_204], %swap3A_207 {strides = array<i32>} : memref<40x128xf32, #tpu.memory_space<vmem>>, vector<1x16xf32>,
        %get3A_208 = arith.index_cast %scan3A_121 : i32 to index
        %get3A_209 = arith.constant 96 : index
        %get3A_210 = tpu.vector_load %arg8[%get3A_208, %get3A_209] {strides = array<i32>} : memref<40x128xf32, #tpu.memory_space<vmem>>, vector<1x16xf32>,
        %get3A_211 = vector.shape_cast %get3A_210 : vector<1x16xf32> to vector<16xf32>
        %get3A_212 = arith.index_cast %scan3A_121 : i32 to index
        %get3A_213 = arith.constant 96 : index
        %get3A_214 = tpu.vector_load %arg10[%get3A_212, %get3A_213] {strides = array<i32>} : memref<40x128xf32, #tpu.memory_space<vmem>>, vector<1x16xf32>,
        %get3A_215 = vector.shape_cast %get3A_214 : vector<1x16xf32> to vector<16xf32>
        %sub3A_216 = arith.subf %get3A_211, %get3A_215 : vector<16xf32>
        %abs3A_217 = math.absf %sub3A_216 : vector<16xf32>
        %swap3A_218 = arith.index_cast %scan3A_121 : i32 to index
        %swap3A_219 = arith.constant 96 : index
        %swap3A_220 = tpu.vector_load %arg12[%swap3A_218, %swap3A_219] {strides = array<i32>} : memref<40x128xf32, #tpu.memory_space<vmem>>, vector<1x16xf32>,
        %swap3A_221 = vector.shape_cast %swap3A_220 : vector<1x16xf32> to vector<16xf32>
        %swap3A_222 = vector.shape_cast %abs3A_217 : vector<16xf32> to vector<1x16xf32>
        tpu.vector_store %arg12[%swap3A_218, %swap3A_219], %swap3A_222 {strides = array<i32>} : memref<40x128xf32, #tpu.memory_space<vmem>>, vector<1x16xf32>,
        %get3A_223 = arith.index_cast %scan3A_121 : i32 to index
        %get3A_224 = arith.constant 112 : index
        %get3A_225 = tpu.vector_load %arg8[%get3A_223, %get3A_224] {strides = array<i32>} : memref<40x128xf32, #tpu.memory_space<vmem>>, vector<1x16xf32>,
        %get3A_226 = vector.shape_cast %get3A_225 : vector<1x16xf32> to vector<16xf32>
        %get3A_227 = arith.index_cast %scan3A_121 : i32 to index
        %get3A_228 = arith.constant 112 : index
        %get3A_229 = tpu.vector_load %arg10[%get3A_227, %get3A_228] {strides = array<i32>} : memref<40x128xf32, #tpu.memory_space<vmem>>, vector<1x16xf32>,
        %get3A_230 = vector.shape_cast %get3A_229 : vector<1x16xf32> to vector<16xf32>
        %sub3A_231 = arith.subf %get3A_226, %get3A_230 : vector<16xf32>
        %abs3A_232 = math.absf %sub3A_231 : vector<16xf32>
        %swap3A_233 = arith.index_cast %scan3A_121 : i32 to index
        %swap3A_234 = arith.constant 112 : index
        %swap3A_235 = tpu.vector_load %arg12[%swap3A_233, %swap3A_234] {strides = array<i32>} : memref<40x128xf32, #tpu.memory_space<vmem>>, vector<1x16xf32>,
        %swap3A_236 = vector.shape_cast %swap3A_235 : vector<1x16xf32> to vector<16xf32>
        %swap3A_237 = vector.shape_cast %abs3A_232 : vector<16xf32> to vector<1x16xf32>
        tpu.vector_store %arg12[%swap3A_233, %swap3A_234], %swap3A_237 {strides = array<i32>} : memref<40x128xf32, #tpu.memory_space<vmem>>, vector<1x16xf32>,
      }
      %scan3A_66 = arith.constant 40 : i32
      %mul3A_67 = arith.constant 40 : i32
      %mul3A_68 = arith.muli %add3A_44, %mul3A_67 : i32
      %add3A_69 = arith.addi %mul3A_2, %mul3A_68 : i32
      %dma_start3A_70 = arith.constant 0 : i32
      %dma_start3A_71 = tpu.memref_slice %arg5[%add3A_69, %dma_start3A_70] : memref<64000x128xf32, #tpu.memory_space<hbm>> -> memref<40x128xf32, #tpu.memory_space<hbm>>
      %dma_start3A_72 = arith.constant 0 : i32
      %dma_start3A_73 = tpu.memref_slice %arg5[%add3A_69, %dma_start3A_72] : memref<64000x128xf32, #tpu.memory_space<hbm>> -> memref<40x128xf32, #tpu.memory_space<hbm>>
      tpu.enqueue_dma source(%arg12 : memref<40x128xf32, #tpu.memory_space<vmem>>) target(%dma_start3A_73 : memref<40x128xf32, #tpu.memory_space<hbm>>) target_semaphore(%arg19 : memref<!tpu.dma_semaphore, #tpu.memory_space<semaphore_mem>>)
      %add3A_74 = arith.constant 2 : i32
      %add3A_75 = arith.addi %add3A_44, %add3A_74 : i32
      %lt3A = arith.constant 50 : i32
      %lt3A_76 = arith.cmpi slt, %add3A_75, %lt3A : i32
      %convert_element_type3A_77 = arith.extui %lt3A_76 : i1 to i32
      %cond3A_78 = arith.constant 0 : i32
      %cond3A_79 = arith.cmpi ne, %convert_element_type3A_77, %cond3A_78 : i32
      scf.if %cond3A_79 {
        %add3A_121 = arith.constant 2 : i32
        %add3A_122 = arith.addi %add3A_44, %add3A_121 : i32
        %mul3A_123 = arith.constant 40 : i32
        %mul3A_124 = arith.muli %add3A_122, %mul3A_123 : i32
        %dma_start3A_125 = tpu.memref_slice %arg6[%mul3A_124] : memref<2000xi32, #tpu.memory_space<vmem>> -> memref<40xi32, #tpu.memory_space<vmem>>
        %dma_start3A_126 = arith.constant 0 : i32
        %dma_start3A_127 = arith.constant 0 : i32
        %dma_start3A_128 = tpu.memref_slice %arg14[%dma_start3A_126, %dma_start3A_127] : memref<10000x128xf32, #tpu.memory_space<vmem_shared>> -> memref<10000x128xf32, #tpu.memory_space<vmem_shared>>
        tpu.enqueue_indirect_dma source(%dma_start3A_128 : memref<10000x128xf32, #tpu.memory_space<vmem_shared>>) target(%arg8 : memref<40x128xf32, #tpu.memory_space<vmem>>) offsets(%dma_start3A_125 : memref<40xi32, #tpu.memory_space<vmem>>) semaphore(%arg15 : memref<!tpu.dma_semaphore, #tpu.memory_space<semaphore_mem>>)
        %dma_start3A_129 = tpu.memref_slice %arg7[%mul3A_124] : memref<2000xi32, #tpu.memory_space<vmem>> -> memref<40xi32, #tpu.memory_space<vmem>>
        %dma_start3A_130 = arith.constant 0 : i32
        %dma_start3A_131 = arith.constant 0 : i32
        %dma_start3A_132 = tpu.memref_slice %arg14[%dma_start3A_130, %dma_start3A_131] : memref<10000x128xf32, #tpu.memory_space<vmem_shared>> -> memref<10000x128xf32, #tpu.memory_space<vmem_shared>>
        tpu.enqueue_indirect_dma source(%dma_start3A_132 : memref<10000x128xf32, #tpu.memory_space<vmem_shared>>) target(%arg10 : memref<40x128xf32, #tpu.memory_space<vmem>>) offsets(%dma_start3A_129 : memref<40xi32, #tpu.memory_space<vmem>>) semaphore(%arg17 : memref<!tpu.dma_semaphore, #tpu.memory_space<semaphore_mem>>)
      } else {
      }
      %mul3A_80 = arith.constant 2 : i32
      %mul3A_81 = arith.muli %scan3A_40, %mul3A_80 : i32
      %add3A_82 = arith.constant 1 : i32
      %add3A_83 = arith.addi %mul3A_81, %add3A_82 : i32
      %dma_wait3A_84 = arith.constant 0 : i32
      %dma_wait3A_85 = arith.constant 0 : i32
      %dma_wait3A_86 = tpu.memref_slice %arg5[%dma_wait3A_84, %dma_wait3A_85] : memref<64000x128xf32, #tpu.memory_space<hbm>> -> memref<40x128xf32, #tpu.memory_space<hbm>>
      %dma_wait3A_87 = arith.constant 0 : i32
      %dma_wait3A_88 = arith.constant 0 : i32
      %dma_wait3A_89 = tpu.memref_slice %arg5[%dma_wait3A_87, %dma_wait3A_88] : memref<64000x128xf32, #tpu.memory_space<hbm>> -> memref<40x128xf32, #tpu.memory_space<hbm>>
      tpu.wait_dma2 semaphore(%arg16 : memref<!tpu.dma_semaphore, #tpu.memory_space<semaphore_mem>>) src(%dma_wait3A_89 : memref<40x128xf32, #tpu.memory_space<hbm>>) dst(%arg9 : memref<40x128xf32, #tpu.memory_space<vmem>>)
      %dma_wait3A_90 = arith.constant 0 : i32
      %dma_wait3A_91 = arith.constant 0 : i32
      %dma_wait3A_92 = tpu.memref_slice %arg5[%dma_wait3A_90, %dma_wait3A_91] : memref<64000x128xf32, #tpu.memory_space<hbm>> -> memref<40x128xf32, #tpu.memory_space<hbm>>
      %dma_wait3A_93 = arith.constant 0 : i32
      %dma_wait3A_94 = arith.constant 0 : i32
      %dma_wait3A_95 = tpu.memref_slice %arg5[%dma_wait3A_93, %dma_wait3A_94] : memref<64000x128xf32, #tpu.memory_space<hbm>> -> memref<40x128xf32, #tpu.memory_space<hbm>>
      tpu.wait_dma2 semaphore(%arg18 : memref<!tpu.dma_semaphore, #tpu.memory_space<semaphore_mem>>) src(%dma_wait3A_95 : memref<40x128xf32, #tpu.memory_space<hbm>>) dst(%arg11 : memref<40x128xf32, #tpu.memory_space<vmem>>)
      %gt3A_96 = arith.constant 0 : i32
      %gt3A_97 = arith.cmpi sgt, %scan3A_40, %gt3A_96 : i32
      %convert_element_type3A_98 = arith.extui %gt3A_97 : i1 to i32
      %cond3A_99 = arith.constant 0 : i32
      %cond3A_100 = arith.cmpi ne, %convert_element_type3A_98, %cond3A_99 : i32
      scf.if %cond3A_100 {
        %dma_wait3A_121 = arith.constant 0 : i32
        %dma_wait3A_122 = arith.constant 0 : i32
        %dma_wait3A_123 = tpu.memref_slice %arg5[%dma_wait3A_121, %dma_wait3A_122] : memref<64000x128xf32, #tpu.memory_space<hbm>> -> memref<40x128xf32, #tpu.memory_space<hbm>>
        %dma_wait3A_124 = arith.constant 0 : i32
        %dma_wait3A_125 = arith.constant 0 : i32
        %dma_wait3A_126 = tpu.memref_slice %arg5[%dma_wait3A_124, %dma_wait3A_125] : memref<64000x128xf32, #tpu.memory_space<hbm>> -> memref<40x128xf32, #tpu.memory_space<hbm>>
        tpu.wait_dma2 semaphore(%arg20 : memref<!tpu.dma_semaphore, #tpu.memory_space<semaphore_mem>>) src(%arg13 : memref<40x128xf32, #tpu.memory_space<vmem>>) dst(%dma_wait3A_126 : memref<40x128xf32, #tpu.memory_space<hbm>>)
      } else {
      }
      %scan3A_101 = arith.constant 0 : i32
      %scan3A_102 = arith.constant 0 : i32
      %scan3A_103 = arith.constant 40 : i32
      %scan3A_104 = arith.addi %scan3A_102, %scan3A_103 : i32
      %scan3A_105 = arith.constant 1 : i32
      scf.for %scan3A_121 = %scan3A_102 to %scan3A_104 step %scan3A_105  : i32 {
        %get3A = arith.index_cast %scan3A_121 : i32 to index
        %get3A_122 = arith.constant 0 : index
        %get3A_123 = tpu.vector_load %arg9[%get3A, %get3A_122] {strides = array<i32>} : memref<40x128xf32, #tpu.memory_space<vmem>>, vector<1x16xf32>,
        %get3A_124 = vector.shape_cast %get3A_123 : vector<1x16xf32> to vector<16xf32>
        %get3A_125 = arith.index_cast %scan3A_121 : i32 to index
        %get3A_126 = arith.constant 0 : index
        %get3A_127 = tpu.vector_load %arg11[%get3A_125, %get3A_126] {strides = array<i32>} : memref<40x128xf32, #tpu.memory_space<vmem>>, vector<1x16xf32>,
        %get3A_128 = vector.shape_cast %get3A_127 : vector<1x16xf32> to vector<16xf32>
        %sub3A = arith.subf %get3A_124, %get3A_128 : vector<16xf32>
        %abs3A = math.absf %sub3A : vector<16xf32>
        %swap3A = arith.index_cast %scan3A_121 : i32 to index
        %swap3A_129 = arith.constant 0 : index
        %swap3A_130 = tpu.vector_load %arg13[%swap3A, %swap3A_129] {strides = array<i32>} : memref<40x128xf32, #tpu.memory_space<vmem>>, vector<1x16xf32>,
        %swap3A_131 = vector.shape_cast %swap3A_130 : vector<1x16xf32> to vector<16xf32>
        %swap3A_132 = vector.shape_cast %abs3A : vector<16xf32> to vector<1x16xf32>
        tpu.vector_store %arg13[%swap3A, %swap3A_129], %swap3A_132 {strides = array<i32>} : memref<40x128xf32, #tpu.memory_space<vmem>>, vector<1x16xf32>,
        %get3A_133 = arith.index_cast %scan3A_121 : i32 to index
        %get3A_134 = arith.constant 16 : index
        %get3A_135 = tpu.vector_load %arg9[%get3A_133, %get3A_134] {strides = array<i32>} : memref<40x128xf32, #tpu.memory_space<vmem>>, vector<1x16xf32>,
        %get3A_136 = vector.shape_cast %get3A_135 : vector<1x16xf32> to vector<16xf32>
        %get3A_137 = arith.index_cast %scan3A_121 : i32 to index
        %get3A_138 = arith.constant 16 : index
        %get3A_139 = tpu.vector_load %arg11[%get3A_137, %get3A_138] {strides = array<i32>} : memref<40x128xf32, #tpu.memory_space<vmem>>, vector<1x16xf32>,
        %get3A_140 = vector.shape_cast %get3A_139 : vector<1x16xf32> to vector<16xf32>
        %sub3A_141 = arith.subf %get3A_136, %get3A_140 : vector<16xf32>
        %abs3A_142 = math.absf %sub3A_141 : vector<16xf32>
        %swap3A_143 = arith.index_cast %scan3A_121 : i32 to index
        %swap3A_144 = arith.constant 16 : index
        %swap3A_145 = tpu.vector_load %arg13[%swap3A_143, %swap3A_144] {strides = array<i32>} : memref<40x128xf32, #tpu.memory_space<vmem>>, vector<1x16xf32>,
        %swap3A_146 = vector.shape_cast %swap3A_145 : vector<1x16xf32> to vector<16xf32>
        %swap3A_147 = vector.shape_cast %abs3A_142 : vector<16xf32> to vector<1x16xf32>
        tpu.vector_store %arg13[%swap3A_143, %swap3A_144], %swap3A_147 {strides = array<i32>} : memref<40x128xf32, #tpu.memory_space<vmem>>, vector<1x16xf32>,
        %get3A_148 = arith.index_cast %scan3A_121 : i32 to index
        %get3A_149 = arith.constant 32 : index
        %get3A_150 = tpu.vector_load %arg9[%get3A_148, %get3A_149] {strides = array<i32>} : memref<40x128xf32, #tpu.memory_space<vmem>>, vector<1x16xf32>,
        %get3A_151 = vector.shape_cast %get3A_150 : vector<1x16xf32> to vector<16xf32>
        %get3A_152 = arith.index_cast %scan3A_121 : i32 to index
        %get3A_153 = arith.constant 32 : index
        %get3A_154 = tpu.vector_load %arg11[%get3A_152, %get3A_153] {strides = array<i32>} : memref<40x128xf32, #tpu.memory_space<vmem>>, vector<1x16xf32>,
        %get3A_155 = vector.shape_cast %get3A_154 : vector<1x16xf32> to vector<16xf32>
        %sub3A_156 = arith.subf %get3A_151, %get3A_155 : vector<16xf32>
        %abs3A_157 = math.absf %sub3A_156 : vector<16xf32>
        %swap3A_158 = arith.index_cast %scan3A_121 : i32 to index
        %swap3A_159 = arith.constant 32 : index
        %swap3A_160 = tpu.vector_load %arg13[%swap3A_158, %swap3A_159] {strides = array<i32>} : memref<40x128xf32, #tpu.memory_space<vmem>>, vector<1x16xf32>,
        %swap3A_161 = vector.shape_cast %swap3A_160 : vector<1x16xf32> to vector<16xf32>
        %swap3A_162 = vector.shape_cast %abs3A_157 : vector<16xf32> to vector<1x16xf32>
        tpu.vector_store %arg13[%swap3A_158, %swap3A_159], %swap3A_162 {strides = array<i32>} : memref<40x128xf32, #tpu.memory_space<vmem>>, vector<1x16xf32>,
        %get3A_163 = arith.index_cast %scan3A_121 : i32 to index
        %get3A_164 = arith.constant 48 : index
        %get3A_165 = tpu.vector_load %arg9[%get3A_163, %get3A_164] {strides = array<i32>} : memref<40x128xf32, #tpu.memory_space<vmem>>, vector<1x16xf32>,
        %get3A_166 = vector.shape_cast %get3A_165 : vector<1x16xf32> to vector<16xf32>
        %get3A_167 = arith.index_cast %scan3A_121 : i32 to index
        %get3A_168 = arith.constant 48 : index
        %get3A_169 = tpu.vector_load %arg11[%get3A_167, %get3A_168] {strides = array<i32>} : memref<40x128xf32, #tpu.memory_space<vmem>>, vector<1x16xf32>,
        %get3A_170 = vector.shape_cast %get3A_169 : vector<1x16xf32> to vector<16xf32>
        %sub3A_171 = arith.subf %get3A_166, %get3A_170 : vector<16xf32>
        %abs3A_172 = math.absf %sub3A_171 : vector<16xf32>
        %swap3A_173 = arith.index_cast %scan3A_121 : i32 to index
        %swap3A_174 = arith.constant 48 : index
        %swap3A_175 = tpu.vector_load %arg13[%swap3A_173, %swap3A_174] {strides = array<i32>} : memref<40x128xf32, #tpu.memory_space<vmem>>, vector<1x16xf32>,
        %swap3A_176 = vector.shape_cast %swap3A_175 : vector<1x16xf32> to vector<16xf32>
        %swap3A_177 = vector.shape_cast %abs3A_172 : vector<16xf32> to vector<1x16xf32>
        tpu.vector_store %arg13[%swap3A_173, %swap3A_174], %swap3A_177 {strides = array<i32>} : memref<40x128xf32, #tpu.memory_space<vmem>>, vector<1x16xf32>,
        %get3A_178 = arith.index_cast %scan3A_121 : i32 to index
        %get3A_179 = arith.constant 64 : index
        %get3A_180 = tpu.vector_load %arg9[%get3A_178, %get3A_179] {strides = array<i32>} : memref<40x128xf32, #tpu.memory_space<vmem>>, vector<1x16xf32>,
        %get3A_181 = vector.shape_cast %get3A_180 : vector<1x16xf32> to vector<16xf32>
        %get3A_182 = arith.index_cast %scan3A_121 : i32 to index
        %get3A_183 = arith.constant 64 : index
        %get3A_184 = tpu.vector_load %arg11[%get3A_182, %get3A_183] {strides = array<i32>} : memref<40x128xf32, #tpu.memory_space<vmem>>, vector<1x16xf32>,
        %get3A_185 = vector.shape_cast %get3A_184 : vector<1x16xf32> to vector<16xf32>
        %sub3A_186 = arith.subf %get3A_181, %get3A_185 : vector<16xf32>
        %abs3A_187 = math.absf %sub3A_186 : vector<16xf32>
        %swap3A_188 = arith.index_cast %scan3A_121 : i32 to index
        %swap3A_189 = arith.constant 64 : index
        %swap3A_190 = tpu.vector_load %arg13[%swap3A_188, %swap3A_189] {strides = array<i32>} : memref<40x128xf32, #tpu.memory_space<vmem>>, vector<1x16xf32>,
        %swap3A_191 = vector.shape_cast %swap3A_190 : vector<1x16xf32> to vector<16xf32>
        %swap3A_192 = vector.shape_cast %abs3A_187 : vector<16xf32> to vector<1x16xf32>
        tpu.vector_store %arg13[%swap3A_188, %swap3A_189], %swap3A_192 {strides = array<i32>} : memref<40x128xf32, #tpu.memory_space<vmem>>, vector<1x16xf32>,
        %get3A_193 = arith.index_cast %scan3A_121 : i32 to index
        %get3A_194 = arith.constant 80 : index
        %get3A_195 = tpu.vector_load %arg9[%get3A_193, %get3A_194] {strides = array<i32>} : memref<40x128xf32, #tpu.memory_space<vmem>>, vector<1x16xf32>,
        %get3A_196 = vector.shape_cast %get3A_195 : vector<1x16xf32> to vector<16xf32>
        %get3A_197 = arith.index_cast %scan3A_121 : i32 to index
        %get3A_198 = arith.constant 80 : index
        %get3A_199 = tpu.vector_load %arg11[%get3A_197, %get3A_198] {strides = array<i32>} : memref<40x128xf32, #tpu.memory_space<vmem>>, vector<1x16xf32>,
        %get3A_200 = vector.shape_cast %get3A_199 : vector<1x16xf32> to vector<16xf32>
        %sub3A_201 = arith.subf %get3A_196, %get3A_200 : vector<16xf32>
        %abs3A_202 = math.absf %sub3A_201 : vector<16xf32>
        %swap3A_203 = arith.index_cast %scan3A_121 : i32 to index
        %swap3A_204 = arith.constant 80 : index
        %swap3A_205 = tpu.vector_load %arg13[%swap3A_203, %swap3A_204] {strides = array<i32>} : memref<40x128xf32, #tpu.memory_space<vmem>>, vector<1x16xf32>,
        %swap3A_206 = vector.shape_cast %swap3A_205 : vector<1x16xf32> to vector<16xf32>
        %swap3A_207 = vector.shape_cast %abs3A_202 : vector<16xf32> to vector<1x16xf32>
        tpu.vector_store %arg13[%swap3A_203, %swap3A_204], %swap3A_207 {strides = array<i32>} : memref<40x128xf32, #tpu.memory_space<vmem>>, vector<1x16xf32>,
        %get3A_208 = arith.index_cast %scan3A_121 : i32 to index
        %get3A_209 = arith.constant 96 : index
        %get3A_210 = tpu.vector_load %arg9[%get3A_208, %get3A_209] {strides = array<i32>} : memref<40x128xf32, #tpu.memory_space<vmem>>, vector<1x16xf32>,
        %get3A_211 = vector.shape_cast %get3A_210 : vector<1x16xf32> to vector<16xf32>
        %get3A_212 = arith.index_cast %scan3A_121 : i32 to index
        %get3A_213 = arith.constant 96 : index
        %get3A_214 = tpu.vector_load %arg11[%get3A_212, %get3A_213] {strides = array<i32>} : memref<40x128xf32, #tpu.memory_space<vmem>>, vector<1x16xf32>,
        %get3A_215 = vector.shape_cast %get3A_214 : vector<1x16xf32> to vector<16xf32>
        %sub3A_216 = arith.subf %get3A_211, %get3A_215 : vector<16xf32>
        %abs3A_217 = math.absf %sub3A_216 : vector<16xf32>
        %swap3A_218 = arith.index_cast %scan3A_121 : i32 to index
        %swap3A_219 = arith.constant 96 : index
        %swap3A_220 = tpu.vector_load %arg13[%swap3A_218, %swap3A_219] {strides = array<i32>} : memref<40x128xf32, #tpu.memory_space<vmem>>, vector<1x16xf32>,
        %swap3A_221 = vector.shape_cast %swap3A_220 : vector<1x16xf32> to vector<16xf32>
        %swap3A_222 = vector.shape_cast %abs3A_217 : vector<16xf32> to vector<1x16xf32>
        tpu.vector_store %arg13[%swap3A_218, %swap3A_219], %swap3A_222 {strides = array<i32>} : memref<40x128xf32, #tpu.memory_space<vmem>>, vector<1x16xf32>,
        %get3A_223 = arith.index_cast %scan3A_121 : i32 to index
        %get3A_224 = arith.constant 112 : index
        %get3A_225 = tpu.vector_load %arg9[%get3A_223, %get3A_224] {strides = array<i32>} : memref<40x128xf32, #tpu.memory_space<vmem>>, vector<1x16xf32>,
        %get3A_226 = vector.shape_cast %get3A_225 : vector<1x16xf32> to vector<16xf32>
        %get3A_227 = arith.index_cast %scan3A_121 : i32 to index
        %get3A_228 = arith.constant 112 : index
        %get3A_229 = tpu.vector_load %arg11[%get3A_227, %get3A_228] {strides = array<i32>} : memref<40x128xf32, #tpu.memory_space<vmem>>, vector<1x16xf32>,
        %get3A_230 = vector.shape_cast %get3A_229 : vector<1x16xf32> to vector<16xf32>
        %sub3A_231 = arith.subf %get3A_226, %get3A_230 : vector<16xf32>
        %abs3A_232 = math.absf %sub3A_231 : vector<16xf32>
        %swap3A_233 = arith.index_cast %scan3A_121 : i32 to index
        %swap3A_234 = arith.constant 112 : index
        %swap3A_235 = tpu.vector_load %arg13[%swap3A_233, %swap3A_234] {strides = array<i32>} : memref<40x128xf32, #tpu.memory_space<vmem>>, vector<1x16xf32>,
        %swap3A_236 = vector.shape_cast %swap3A_235 : vector<1x16xf32> to vector<16xf32>
        %swap3A_237 = vector.shape_cast %abs3A_232 : vector<16xf32> to vector<1x16xf32>
        tpu.vector_store %arg13[%swap3A_233, %swap3A_234], %swap3A_237 {strides = array<i32>} : memref<40x128xf32, #tpu.memory_space<vmem>>, vector<1x16xf32>,
      }
      %scan3A_106 = arith.constant 40 : i32
      %mul3A_107 = arith.constant 40 : i32
      %mul3A_108 = arith.muli %add3A_83, %mul3A_107 : i32
      %add3A_109 = arith.addi %mul3A_2, %mul3A_108 : i32
      %dma_start3A_110 = arith.constant 0 : i32
      %dma_start3A_111 = tpu.memref_slice %arg5[%add3A_109, %dma_start3A_110] : memref<64000x128xf32, #tpu.memory_space<hbm>> -> memref<40x128xf32, #tpu.memory_space<hbm>>
      %dma_start3A_112 = arith.constant 0 : i32
      %dma_start3A_113 = tpu.memref_slice %arg5[%add3A_109, %dma_start3A_112] : memref<64000x128xf32, #tpu.memory_space<hbm>> -> memref<40x128xf32, #tpu.memory_space<hbm>>
      tpu.enqueue_dma source(%arg13 : memref<40x128xf32, #tpu.memory_space<vmem>>) target(%dma_start3A_113 : memref<40x128xf32, #tpu.memory_space<hbm>>) target_semaphore(%arg20 : memref<!tpu.dma_semaphore, #tpu.memory_space<semaphore_mem>>)
      %add3A_114 = arith.constant 2 : i32
      %add3A_115 = arith.addi %add3A_83, %add3A_114 : i32
      %lt3A_116 = arith.constant 50 : i32
      %lt3A_117 = arith.cmpi slt, %add3A_115, %lt3A_116 : i32
      %convert_element_type3A_118 = arith.extui %lt3A_117 : i1 to i32
      %cond3A_119 = arith.constant 0 : i32
      %cond3A_120 = arith.cmpi ne, %convert_element_type3A_118, %cond3A_119 : i32
      scf.if %cond3A_120 {
        %add3A_121 = arith.constant 2 : i32
        %add3A_122 = arith.addi %add3A_83, %add3A_121 : i32
        %mul3A_123 = arith.constant 40 : i32
        %mul3A_124 = arith.muli %add3A_122, %mul3A_123 : i32
        %dma_start3A_125 = tpu.memref_slice %arg6[%mul3A_124] : memref<2000xi32, #tpu.memory_space<vmem>> -> memref<40xi32, #tpu.memory_space<vmem>>
        %dma_start3A_126 = arith.constant 0 : i32
        %dma_start3A_127 = arith.constant 0 : i32
        %dma_start3A_128 = tpu.memref_slice %arg14[%dma_start3A_126, %dma_start3A_127] : memref<10000x128xf32, #tpu.memory_space<vmem_shared>> -> memref<10000x128xf32, #tpu.memory_space<vmem_shared>>
        tpu.enqueue_indirect_dma source(%dma_start3A_128 : memref<10000x128xf32, #tpu.memory_space<vmem_shared>>) target(%arg9 : memref<40x128xf32, #tpu.memory_space<vmem>>) offsets(%dma_start3A_125 : memref<40xi32, #tpu.memory_space<vmem>>) semaphore(%arg16 : memref<!tpu.dma_semaphore, #tpu.memory_space<semaphore_mem>>)
        %dma_start3A_129 = tpu.memref_slice %arg7[%mul3A_124] : memref<2000xi32, #tpu.memory_space<vmem>> -> memref<40xi32, #tpu.memory_space<vmem>>
        %dma_start3A_130 = arith.constant 0 : i32
        %dma_start3A_131 = arith.constant 0 : i32
        %dma_start3A_132 = tpu.memref_slice %arg14[%dma_start3A_130, %dma_start3A_131] : memref<10000x128xf32, #tpu.memory_space<vmem_shared>> -> memref<10000x128xf32, #tpu.memory_space<vmem_shared>>
        tpu.enqueue_indirect_dma source(%dma_start3A_132 : memref<10000x128xf32, #tpu.memory_space<vmem_shared>>) target(%arg11 : memref<40x128xf32, #tpu.memory_space<vmem>>) offsets(%dma_start3A_129 : memref<40xi32, #tpu.memory_space<vmem>>) semaphore(%arg18 : memref<!tpu.dma_semaphore, #tpu.memory_space<semaphore_mem>>)
      } else {
      }
    }
    %scan3A_28 = arith.constant 25 : i32
    %dma_wait3A = arith.constant 0 : i32
    %dma_wait3A_29 = arith.constant 0 : i32
    %dma_wait3A_30 = tpu.memref_slice %arg5[%dma_wait3A, %dma_wait3A_29] : memref<64000x128xf32, #tpu.memory_space<hbm>> -> memref<40x128xf32, #tpu.memory_space<hbm>>
    %dma_wait3A_31 = arith.constant 0 : i32
    %dma_wait3A_32 = arith.constant 0 : i32
    %dma_wait3A_33 = tpu.memref_slice %arg5[%dma_wait3A_31, %dma_wait3A_32] : memref<64000x128xf32, #tpu.memory_space<hbm>> -> memref<40x128xf32, #tpu.memory_space<hbm>>
    tpu.wait_dma2 semaphore(%arg19 : memref<!tpu.dma_semaphore, #tpu.memory_space<semaphore_mem>>) src(%arg12 : memref<40x128xf32, #tpu.memory_space<vmem>>) dst(%dma_wait3A_33 : memref<40x128xf32, #tpu.memory_space<hbm>>)
    %dma_wait3A_34 = arith.constant 0 : i32
    %dma_wait3A_35 = arith.constant 0 : i32
    %dma_wait3A_36 = tpu.memref_slice %arg5[%dma_wait3A_34, %dma_wait3A_35] : memref<64000x128xf32, #tpu.memory_space<hbm>> -> memref<40x128xf32, #tpu.memory_space<hbm>>
    %dma_wait3A_37 = arith.constant 0 : i32
    %dma_wait3A_38 = arith.constant 0 : i32
    %dma_wait3A_39 = tpu.memref_slice %arg5[%dma_wait3A_37, %dma_wait3A_38] : memref<64000x128xf32, #tpu.memory_space<hbm>> -> memref<40x128xf32, #tpu.memory_space<hbm>>
    tpu.wait_dma2 semaphore(%arg20 : memref<!tpu.dma_semaphore, #tpu.memory_space<semaphore_mem>>) src(%arg13 : memref<40x128xf32, #tpu.memory_space<vmem>>) dst(%dma_wait3A_39 : memref<40x128xf32, #tpu.memory_space<hbm>>)
    return
  }
}

#map = affine_map<(d0, d1) -> (0, 0)>
#map1 = affine_map<(d0, d1) -> (0)>
module attributes {stable_mosaic.version = 14 : i64} {
  func.func @_gather_absdiff(%arg0: i32, %arg1: i32, %arg2: memref<10000x128xf32, #tpu.memory_space<hbm>>, %arg3: memref<64000xi32, #tpu.memory_space<hbm>>, %arg4: memref<64000xi32, #tpu.memory_space<hbm>>, %arg5: memref<64000x128xf32, #tpu.memory_space<hbm>>, %arg6: memref<2000xi32, #tpu.memory_space<vmem>>, %arg7: memref<2000xi32, #tpu.memory_space<vmem>>, %arg8: memref<40x128xf32, #tpu.memory_space<vmem>>, %arg9: memref<40x128xf32, #tpu.memory_space<vmem>>, %arg10: memref<40x128xf32, #tpu.memory_space<vmem>>, %arg11: memref<40x128xf32, #tpu.memory_space<vmem>>, %arg12: memref<40x128xf32, #tpu.memory_space<vmem>>, %arg13: memref<40x128xf32, #tpu.memory_space<vmem>>, %arg14: memref<10000x128xf32, #tpu.memory_space<vmem_shared>>, %arg15: memref<!tpu.dma_semaphore, #tpu.memory_space<semaphore_mem>>, %arg16: memref<!tpu.dma_semaphore, #tpu.memory_space<semaphore_mem>>, %arg17: memref<!tpu.dma_semaphore, #tpu.memory_space<semaphore_mem>>, %arg18: memref<!tpu.dma_semaphore, #tpu.memory_space<semaphore_mem>>, %arg19: memref<!tpu.dma_semaphore, #tpu.memory_space<semaphore_mem>>, %arg20: memref<!tpu.dma_semaphore, #tpu.memory_space<semaphore_mem>>) attributes {dimension_semantics = [#tpu.dimension_semantics<core_parallel>, #tpu.dimension_semantics<subcore_parallel>], iteration_bounds = array<i64: 2, 16>, scalar_prefetch = 0 : i64, scratch_operands = 15 : i64, tpu.core_type = #tpu.core_type<sc_vector_subcore>, window_params = [{transform_indices = #map}, {transform_indices = #map1}, {transform_indices = #map1}, {transform_indices = #map}]} {
    %mul3A = arith.constant 2 : i32
    %mul3A_0 = arith.muli %arg1, %mul3A : i32
    %add3A = arith.addi %mul3A_0, %arg0 : i32
    %mul3A_1 = arith.constant 2000 : i32
    %mul3A_2 = arith.muli %add3A, %mul3A_1 : i32
    %eq3A = arith.constant 0 : i32
    %eq3A_3 = arith.cmpi eq, %arg1, %eq3A : i32
    %convert_element_type3A = arith.extui %eq3A_3 : i1 to i32
    %cond3A = arith.constant 0 : i32
    %cond3A_4 = arith.cmpi ne, %convert_element_type3A, %cond3A : i32
    scf.if %cond3A_4 {
      "tpu.region"() ({
        %run_scoped3A = tpu.sem_alloc : memref<!tpu.dma_semaphore, #tpu.memory_space<semaphore_mem>>
        tpu.enqueue_dma source(%arg2 : memref<10000x128xf32, #tpu.memory_space<hbm>>) target(%arg14 : memref<10000x128xf32, #tpu.memory_space<vmem_shared>>) target_semaphore(%run_scoped3A : memref<!tpu.dma_semaphore, #tpu.memory_space<semaphore_mem>>)
        tpu.wait_dma2 semaphore(%run_scoped3A : memref<!tpu.dma_semaphore, #tpu.memory_space<semaphore_mem>>) src(%arg2 : memref<10000x128xf32, #tpu.memory_space<hbm>>) dst(%arg14 : memref<10000x128xf32, #tpu.memory_space<vmem_shared>>)
        tpu.yield
      }) : () -> ()
    } else {
    }
    %barrier3A = arith.constant 0 : index
    tpu.barrier barrier_id(%barrier3A)
    "tpu.region"() ({
      %run_scoped3A = tpu.sem_alloc : memref<!tpu.dma_semaphore, #tpu.memory_space<semaphore_mem>>
      %dma_start3A_40 = tpu.memref_slice %arg3[%mul3A_2] : memref<64000xi32, #tpu.memory_space<hbm>> -> memref<2000xi32, #tpu.memory_space<hbm>>
      %dma_start3A_41 = tpu.memref_slice %arg3[%mul3A_2] : memref<64000xi32, #tpu.memory_space<hbm>> -> memref<2000xi32, #tpu.memory_space<hbm>>
      tpu.enqueue_dma source(%dma_start3A_41 : memref<2000xi32, #tpu.memory_space<hbm>>) target(%arg6 : memref<2000xi32, #tpu.memory_space<vmem>>) target_semaphore(%run_scoped3A : memref<!tpu.dma_semaphore, #tpu.memory_space<semaphore_mem>>)
      %dma_wait3A_42 = tpu.memref_slice %arg3[%mul3A_2] : memref<64000xi32, #tpu.memory_space<hbm>> -> memref<2000xi32, #tpu.memory_space<hbm>>
      %dma_wait3A_43 = tpu.memref_slice %arg3[%mul3A_2] : memref<64000xi32, #tpu.memory_space<hbm>> -> memref<2000xi32, #tpu.memory_space<hbm>>
      tpu.wait_dma2 semaphore(%run_scoped3A : memref<!tpu.dma_semaphore, #tpu.memory_space<semaphore_mem>>) src(%dma_wait3A_43 : memref<2000xi32, #tpu.memory_space<hbm>>) dst(%arg6 : memref<2000xi32, #tpu.memory_space<vmem>>)
      tpu.yield
    }) : () -> ()
    "tpu.region"() ({
      %run_scoped3A = tpu.sem_alloc : memref<!tpu.dma_semaphore, #tpu.memory_space<semaphore_mem>>
      %dma_start3A_40 = tpu.memref_slice %arg4[%mul3A_2] : memref<64000xi32, #tpu.memory_space<hbm>> -> memref<2000xi32, #tpu.memory_space<hbm>>
      %dma_start3A_41 = tpu.memref_slice %arg4[%mul3A_2] : memref<64000xi32, #tpu.memory_space<hbm>> -> memref<2000xi32, #tpu.memory_space<hbm>>
      tpu.enqueue_dma source(%dma_start3A_41 : memref<2000xi32, #tpu.memory_space<hbm>>) target(%arg7 : memref<2000xi32, #tpu.memory_space<vmem>>) target_semaphore(%run_scoped3A : memref<!tpu.dma_semaphore, #tpu.memory_space<semaphore_mem>>)
      %dma_wait3A_42 = tpu.memref_slice %arg4[%mul3A_2] : memref<64000xi32, #tpu.memory_space<hbm>> -> memref<2000xi32, #tpu.memory_space<hbm>>
      %dma_wait3A_43 = tpu.memref_slice %arg4[%mul3A_2] : memref<64000xi32, #tpu.memory_space<hbm>> -> memref<2000xi32, #tpu.memory_space<hbm>>
      tpu.wait_dma2 semaphore(%run_scoped3A : memref<!tpu.dma_semaphore, #tpu.memory_space<semaphore_mem>>) src(%dma_wait3A_43 : memref<2000xi32, #tpu.memory_space<hbm>>) dst(%arg7 : memref<2000xi32, #tpu.memory_space<vmem>>)
      tpu.yield
    }) : () -> ()
    %dma_start3A = arith.constant 0 : i32
    %dma_start3A_5 = tpu.memref_slice %arg6[%dma_start3A] : memref<2000xi32, #tpu.memory_space<vmem>> -> memref<40xi32, #tpu.memory_space<vmem>>
    %dma_start3A_6 = arith.constant 0 : i32
    %dma_start3A_7 = arith.constant 0 : i32
    %dma_start3A_8 = tpu.memref_slice %arg14[%dma_start3A_6, %dma_start3A_7] : memref<10000x128xf32, #tpu.memory_space<vmem_shared>> -> memref<10000x128xf32, #tpu.memory_space<vmem_shared>>
    tpu.enqueue_indirect_dma source(%dma_start3A_8 : memref<10000x128xf32, #tpu.memory_space<vmem_shared>>) target(%arg8 : memref<40x128xf32, #tpu.memory_space<vmem>>) offsets(%dma_start3A_5 : memref<40xi32, #tpu.memory_space<vmem>>) semaphore(%arg15 : memref<!tpu.dma_semaphore, #tpu.memory_space<semaphore_mem>>)
    %dma_start3A_9 = arith.constant 0 : i32
    %dma_start3A_10 = tpu.memref_slice %arg7[%dma_start3A_9] : memref<2000xi32, #tpu.memory_space<vmem>> -> memref<40xi32, #tpu.memory_space<vmem>>
    %dma_start3A_11 = arith.constant 0 : i32
    %dma_start3A_12 = arith.constant 0 : i32
    %dma_start3A_13 = tpu.memref_slice %arg14[%dma_start3A_11, %dma_start3A_12] : memref<10000x128xf32, #tpu.memory_space<vmem_shared>> -> memref<10000x128xf32, #tpu.memory_space<vmem_shared>>
    tpu.enqueue_indirect_dma source(%dma_start3A_13 : memref<10000x128xf32, #tpu.memory_space<vmem_shared>>) target(%arg10 : memref<40x128xf32, #tpu.memory_space<vmem>>) offsets(%dma_start3A_10 : memref<40xi32, #tpu.memory_space<vmem>>) semaphore(%arg17 : memref<!tpu.dma_semaphore, #tpu.memory_space<semaphore_mem>>)
    %dma_start3A_14 = arith.constant 40 : i32
    %dma_start3A_15 = tpu.memref_slice %arg6[%dma_start3A_14] : memref<2000xi32, #tpu.memory_space<vmem>> -> memref<40xi32, #tpu.memory_space<vmem>>
    %dma_start3A_16 = arith.constant 0 : i32
    %dma_start3A_17 = arith.constant 0 : i32
    %dma_start3A_18 = tpu.memref_slice %arg14[%dma_start3A_16, %dma_start3A_17] : memref<10000x128xf32, #tpu.memory_space<vmem_shared>> -> memref<10000x128xf32, #tpu.memory_space<vmem_shared>>
    tpu.enqueue_indirect_dma source(%dma_start3A_18 : memref<10000x128xf32, #tpu.memory_space<vmem_shared>>) target(%arg9 : memref<40x128xf32, #tpu.memory_space<vmem>>) offsets(%dma_start3A_15 : memref<40xi32, #tpu.memory_space<vmem>>) semaphore(%arg16 : memref<!tpu.dma_semaphore, #tpu.memory_space<semaphore_mem>>)
    %dma_start3A_19 = arith.constant 40 : i32
    %dma_start3A_20 = tpu.memref_slice %arg7[%dma_start3A_19] : memref<2000xi32, #tpu.memory_space<vmem>> -> memref<40xi32, #tpu.memory_space<vmem>>
    %dma_start3A_21 = arith.constant 0 : i32
    %dma_start3A_22 = arith.constant 0 : i32
    %dma_start3A_23 = tpu.memref_slice %arg14[%dma_start3A_21, %dma_start3A_22] : memref<10000x128xf32, #tpu.memory_space<vmem_shared>> -> memref<10000x128xf32, #tpu.memory_space<vmem_shared>>
    tpu.enqueue_indirect_dma source(%dma_start3A_23 : memref<10000x128xf32, #tpu.memory_space<vmem_shared>>) target(%arg11 : memref<40x128xf32, #tpu.memory_space<vmem>>) offsets(%dma_start3A_20 : memref<40xi32, #tpu.memory_space<vmem>>) semaphore(%arg18 : memref<!tpu.dma_semaphore, #tpu.memory_space<semaphore_mem>>)
    %scan3A = arith.constant 0 : i32
    %scan3A_24 = arith.constant 0 : i32
    %scan3A_25 = arith.constant 25 : i32
    %scan3A_26 = arith.addi %scan3A_24, %scan3A_25 : i32
    %scan3A_27 = arith.constant 1 : i32
    scf.for %scan3A_40 = %scan3A_24 to %scan3A_26 step %scan3A_27  : i32 {
      %mul3A_41 = arith.constant 2 : i32
      %mul3A_42 = arith.muli %scan3A_40, %mul3A_41 : i32
      %add3A_43 = arith.constant 0 : i32
      %add3A_44 = arith.addi %mul3A_42, %add3A_43 : i32
      %dma_wait3A_45 = arith.constant 0 : i32
      %dma_wait3A_46 = arith.constant 0 : i32
      %dma_wait3A_47 = tpu.memref_slice %arg5[%dma_wait3A_45, %dma_wait3A_46] : memref<64000x128xf32, #tpu.memory_space<hbm>> -> memref<40x128xf32, #tpu.memory_space<hbm>>
      %dma_wait3A_48 = arith.constant 0 : i32
      %dma_wait3A_49 = arith.constant 0 : i32
      %dma_wait3A_50 = tpu.memref_slice %arg5[%dma_wait3A_48, %dma_wait3A_49] : memref<64000x128xf32, #tpu.memory_space<hbm>> -> memref<40x128xf32, #tpu.memory_space<hbm>>
      tpu.wait_dma2 semaphore(%arg15 : memref<!tpu.dma_semaphore, #tpu.memory_space<semaphore_mem>>) src(%dma_wait3A_50 : memref<40x128xf32, #tpu.memory_space<hbm>>) dst(%arg8 : memref<40x128xf32, #tpu.memory_space<vmem>>)
      %dma_wait3A_51 = arith.constant 0 : i32
      %dma_wait3A_52 = arith.constant 0 : i32
      %dma_wait3A_53 = tpu.memref_slice %arg5[%dma_wait3A_51, %dma_wait3A_52] : memref<64000x128xf32, #tpu.memory_space<hbm>> -> memref<40x128xf32, #tpu.memory_space<hbm>>
      %dma_wait3A_54 = arith.constant 0 : i32
      %dma_wait3A_55 = arith.constant 0 : i32
      %dma_wait3A_56 = tpu.memref_slice %arg5[%dma_wait3A_54, %dma_wait3A_55] : memref<64000x128xf32, #tpu.memory_space<hbm>> -> memref<40x128xf32, #tpu.memory_space<hbm>>
      tpu.wait_dma2 semaphore(%arg17 : memref<!tpu.dma_semaphore, #tpu.memory_space<semaphore_mem>>) src(%dma_wait3A_56 : memref<40x128xf32, #tpu.memory_space<hbm>>) dst(%arg10 : memref<40x128xf32, #tpu.memory_space<vmem>>)
      %gt3A = arith.constant 0 : i32
      %gt3A_57 = arith.cmpi sgt, %scan3A_40, %gt3A : i32
      %convert_element_type3A_58 = arith.extui %gt3A_57 : i1 to i32
      %cond3A_59 = arith.constant 0 : i32
      %cond3A_60 = arith.cmpi ne, %convert_element_type3A_58, %cond3A_59 : i32
      scf.if %cond3A_60 {
        %dma_wait3A_121 = arith.constant 0 : i32
        %dma_wait3A_122 = arith.constant 0 : i32
        %dma_wait3A_123 = tpu.memref_slice %arg5[%dma_wait3A_121, %dma_wait3A_122] : memref<64000x128xf32, #tpu.memory_space<hbm>> -> memref<40x128xf32, #tpu.memory_space<hbm>>
        %dma_wait3A_124 = arith.constant 0 : i32
        %dma_wait3A_125 = arith.constant 0 : i32
        %dma_wait3A_126 = tpu.memref_slice %arg5[%dma_wait3A_124, %dma_wait3A_125] : memref<64000x128xf32, #tpu.memory_space<hbm>> -> memref<40x128xf32, #tpu.memory_space<hbm>>
        tpu.wait_dma2 semaphore(%arg19 : memref<!tpu.dma_semaphore, #tpu.memory_space<semaphore_mem>>) src(%arg12 : memref<40x128xf32, #tpu.memory_space<vmem>>) dst(%dma_wait3A_126 : memref<40x128xf32, #tpu.memory_space<hbm>>)
      } else {
      }
      %scan3A_61 = arith.constant 0 : i32
      %scan3A_62 = arith.constant 0 : i32
      %scan3A_63 = arith.constant 40 : i32
      %scan3A_64 = arith.addi %scan3A_62, %scan3A_63 : i32
      %scan3A_65 = arith.constant 1 : i32
      scf.for %scan3A_121 = %scan3A_62 to %scan3A_64 step %scan3A_65  : i32 {
        %get3A = arith.index_cast %scan3A_121 : i32 to index
        %get3A_122 = arith.constant 0 : index
        %get3A_123 = tpu.vector_load %arg8[%get3A, %get3A_122] {strides = array<i32>} : memref<40x128xf32, #tpu.memory_space<vmem>>, vector<1x16xf32>,
        %get3A_124 = vector.shape_cast %get3A_123 : vector<1x16xf32> to vector<16xf32>
        %get3A_125 = arith.index_cast %scan3A_121 : i32 to index
        %get3A_126 = arith.constant 0 : index
        %get3A_127 = tpu.vector_load %arg10[%get3A_125, %get3A_126] {strides = array<i32>} : memref<40x128xf32, #tpu.memory_space<vmem>>, vector<1x16xf32>,
        %get3A_128 = vector.shape_cast %get3A_127 : vector<1x16xf32> to vector<16xf32>
        %sub3A = arith.subf %get3A_124, %get3A_128 : vector<16xf32>
        %abs3A = math.absf %sub3A : vector<16xf32>
        %swap3A = arith.index_cast %scan3A_121 : i32 to index
        %swap3A_129 = arith.constant 0 : index
        %swap3A_130 = tpu.vector_load %arg12[%swap3A, %swap3A_129] {strides = array<i32>} : memref<40x128xf32, #tpu.memory_space<vmem>>, vector<1x16xf32>,
        %swap3A_131 = vector.shape_cast %swap3A_130 : vector<1x16xf32> to vector<16xf32>
        %swap3A_132 = vector.shape_cast %abs3A : vector<16xf32> to vector<1x16xf32>
        tpu.vector_store %arg12[%swap3A, %swap3A_129], %swap3A_132 {strides = array<i32>} : memref<40x128xf32, #tpu.memory_space<vmem>>, vector<1x16xf32>,
        %get3A_133 = arith.index_cast %scan3A_121 : i32 to index
        %get3A_134 = arith.constant 16 : index
        %get3A_135 = tpu.vector_load %arg8[%get3A_133, %get3A_134] {strides = array<i32>} : memref<40x128xf32, #tpu.memory_space<vmem>>, vector<1x16xf32>,
        %get3A_136 = vector.shape_cast %get3A_135 : vector<1x16xf32> to vector<16xf32>
        %get3A_137 = arith.index_cast %scan3A_121 : i32 to index
        %get3A_138 = arith.constant 16 : index
        %get3A_139 = tpu.vector_load %arg10[%get3A_137, %get3A_138] {strides = array<i32>} : memref<40x128xf32, #tpu.memory_space<vmem>>, vector<1x16xf32>,
        %get3A_140 = vector.shape_cast %get3A_139 : vector<1x16xf32> to vector<16xf32>
        %sub3A_141 = arith.subf %get3A_136, %get3A_140 : vector<16xf32>
        %abs3A_142 = math.absf %sub3A_141 : vector<16xf32>
        %swap3A_143 = arith.index_cast %scan3A_121 : i32 to index
        %swap3A_144 = arith.constant 16 : index
        %swap3A_145 = tpu.vector_load %arg12[%swap3A_143, %swap3A_144] {strides = array<i32>} : memref<40x128xf32, #tpu.memory_space<vmem>>, vector<1x16xf32>,
        %swap3A_146 = vector.shape_cast %swap3A_145 : vector<1x16xf32> to vector<16xf32>
        %swap3A_147 = vector.shape_cast %abs3A_142 : vector<16xf32> to vector<1x16xf32>
        tpu.vector_store %arg12[%swap3A_143, %swap3A_144], %swap3A_147 {strides = array<i32>} : memref<40x128xf32, #tpu.memory_space<vmem>>, vector<1x16xf32>,
        %get3A_148 = arith.index_cast %scan3A_121 : i32 to index
        %get3A_149 = arith.constant 32 : index
        %get3A_150 = tpu.vector_load %arg8[%get3A_148, %get3A_149] {strides = array<i32>} : memref<40x128xf32, #tpu.memory_space<vmem>>, vector<1x16xf32>,
        %get3A_151 = vector.shape_cast %get3A_150 : vector<1x16xf32> to vector<16xf32>
        %get3A_152 = arith.index_cast %scan3A_121 : i32 to index
        %get3A_153 = arith.constant 32 : index
        %get3A_154 = tpu.vector_load %arg10[%get3A_152, %get3A_153] {strides = array<i32>} : memref<40x128xf32, #tpu.memory_space<vmem>>, vector<1x16xf32>,
        %get3A_155 = vector.shape_cast %get3A_154 : vector<1x16xf32> to vector<16xf32>
        %sub3A_156 = arith.subf %get3A_151, %get3A_155 : vector<16xf32>
        %abs3A_157 = math.absf %sub3A_156 : vector<16xf32>
        %swap3A_158 = arith.index_cast %scan3A_121 : i32 to index
        %swap3A_159 = arith.constant 32 : index
        %swap3A_160 = tpu.vector_load %arg12[%swap3A_158, %swap3A_159] {strides = array<i32>} : memref<40x128xf32, #tpu.memory_space<vmem>>, vector<1x16xf32>,
        %swap3A_161 = vector.shape_cast %swap3A_160 : vector<1x16xf32> to vector<16xf32>
        %swap3A_162 = vector.shape_cast %abs3A_157 : vector<16xf32> to vector<1x16xf32>
        tpu.vector_store %arg12[%swap3A_158, %swap3A_159], %swap3A_162 {strides = array<i32>} : memref<40x128xf32, #tpu.memory_space<vmem>>, vector<1x16xf32>,
        %get3A_163 = arith.index_cast %scan3A_121 : i32 to index
        %get3A_164 = arith.constant 48 : index
        %get3A_165 = tpu.vector_load %arg8[%get3A_163, %get3A_164] {strides = array<i32>} : memref<40x128xf32, #tpu.memory_space<vmem>>, vector<1x16xf32>,
        %get3A_166 = vector.shape_cast %get3A_165 : vector<1x16xf32> to vector<16xf32>
        %get3A_167 = arith.index_cast %scan3A_121 : i32 to index
        %get3A_168 = arith.constant 48 : index
        %get3A_169 = tpu.vector_load %arg10[%get3A_167, %get3A_168] {strides = array<i32>} : memref<40x128xf32, #tpu.memory_space<vmem>>, vector<1x16xf32>,
        %get3A_170 = vector.shape_cast %get3A_169 : vector<1x16xf32> to vector<16xf32>
        %sub3A_171 = arith.subf %get3A_166, %get3A_170 : vector<16xf32>
        %abs3A_172 = math.absf %sub3A_171 : vector<16xf32>
        %swap3A_173 = arith.index_cast %scan3A_121 : i32 to index
        %swap3A_174 = arith.constant 48 : index
        %swap3A_175 = tpu.vector_load %arg12[%swap3A_173, %swap3A_174] {strides = array<i32>} : memref<40x128xf32, #tpu.memory_space<vmem>>, vector<1x16xf32>,
        %swap3A_176 = vector.shape_cast %swap3A_175 : vector<1x16xf32> to vector<16xf32>
        %swap3A_177 = vector.shape_cast %abs3A_172 : vector<16xf32> to vector<1x16xf32>
        tpu.vector_store %arg12[%swap3A_173, %swap3A_174], %swap3A_177 {strides = array<i32>} : memref<40x128xf32, #tpu.memory_space<vmem>>, vector<1x16xf32>,
        %get3A_178 = arith.index_cast %scan3A_121 : i32 to index
        %get3A_179 = arith.constant 64 : index
        %get3A_180 = tpu.vector_load %arg8[%get3A_178, %get3A_179] {strides = array<i32>} : memref<40x128xf32, #tpu.memory_space<vmem>>, vector<1x16xf32>,
        %get3A_181 = vector.shape_cast %get3A_180 : vector<1x16xf32> to vector<16xf32>
        %get3A_182 = arith.index_cast %scan3A_121 : i32 to index
        %get3A_183 = arith.constant 64 : index
        %get3A_184 = tpu.vector_load %arg10[%get3A_182, %get3A_183] {strides = array<i32>} : memref<40x128xf32, #tpu.memory_space<vmem>>, vector<1x16xf32>,
        %get3A_185 = vector.shape_cast %get3A_184 : vector<1x16xf32> to vector<16xf32>
        %sub3A_186 = arith.subf %get3A_181, %get3A_185 : vector<16xf32>
        %abs3A_187 = math.absf %sub3A_186 : vector<16xf32>
        %swap3A_188 = arith.index_cast %scan3A_121 : i32 to index
        %swap3A_189 = arith.constant 64 : index
        %swap3A_190 = tpu.vector_load %arg12[%swap3A_188, %swap3A_189] {strides = array<i32>} : memref<40x128xf32, #tpu.memory_space<vmem>>, vector<1x16xf32>,
        %swap3A_191 = vector.shape_cast %swap3A_190 : vector<1x16xf32> to vector<16xf32>
        %swap3A_192 = vector.shape_cast %abs3A_187 : vector<16xf32> to vector<1x16xf32>
        tpu.vector_store %arg12[%swap3A_188, %swap3A_189], %swap3A_192 {strides = array<i32>} : memref<40x128xf32, #tpu.memory_space<vmem>>, vector<1x16xf32>,
        %get3A_193 = arith.index_cast %scan3A_121 : i32 to index
        %get3A_194 = arith.constant 80 : index
        %get3A_195 = tpu.vector_load %arg8[%get3A_193, %get3A_194] {strides = array<i32>} : memref<40x128xf32, #tpu.memory_space<vmem>>, vector<1x16xf32>,
        %get3A_196 = vector.shape_cast %get3A_195 : vector<1x16xf32> to vector<16xf32>
        %get3A_197 = arith.index_cast %scan3A_121 : i32 to index
        %get3A_198 = arith.constant 80 : index
        %get3A_199 = tpu.vector_load %arg10[%get3A_197, %get3A_198] {strides = array<i32>} : memref<40x128xf32, #tpu.memory_space<vmem>>, vector<1x16xf32>,
        %get3A_200 = vector.shape_cast %get3A_199 : vector<1x16xf32> to vector<16xf32>
        %sub3A_201 = arith.subf %get3A_196, %get3A_200 : vector<16xf32>
        %abs3A_202 = math.absf %sub3A_201 : vector<16xf32>
        %swap3A_203 = arith.index_cast %scan3A_121 : i32 to index
        %swap3A_204 = arith.constant 80 : index
        %swap3A_205 = tpu.vector_load %arg12[%swap3A_203, %swap3A_204] {strides = array<i32>} : memref<40x128xf32, #tpu.memory_space<vmem>>, vector<1x16xf32>,
        %swap3A_206 = vector.shape_cast %swap3A_205 : vector<1x16xf32> to vector<16xf32>
        %swap3A_207 = vector.shape_cast %abs3A_202 : vector<16xf32> to vector<1x16xf32>
        tpu.vector_store %arg12[%swap3A_203, %swap3A_204], %swap3A_207 {strides = array<i32>} : memref<40x128xf32, #tpu.memory_space<vmem>>, vector<1x16xf32>,
        %get3A_208 = arith.index_cast %scan3A_121 : i32 to index
        %get3A_209 = arith.constant 96 : index
        %get3A_210 = tpu.vector_load %arg8[%get3A_208, %get3A_209] {strides = array<i32>} : memref<40x128xf32, #tpu.memory_space<vmem>>, vector<1x16xf32>,
        %get3A_211 = vector.shape_cast %get3A_210 : vector<1x16xf32> to vector<16xf32>
        %get3A_212 = arith.index_cast %scan3A_121 : i32 to index
        %get3A_213 = arith.constant 96 : index
        %get3A_214 = tpu.vector_load %arg10[%get3A_212, %get3A_213] {strides = array<i32>} : memref<40x128xf32, #tpu.memory_space<vmem>>, vector<1x16xf32>,
        %get3A_215 = vector.shape_cast %get3A_214 : vector<1x16xf32> to vector<16xf32>
        %sub3A_216 = arith.subf %get3A_211, %get3A_215 : vector<16xf32>
        %abs3A_217 = math.absf %sub3A_216 : vector<16xf32>
        %swap3A_218 = arith.index_cast %scan3A_121 : i32 to index
        %swap3A_219 = arith.constant 96 : index
        %swap3A_220 = tpu.vector_load %arg12[%swap3A_218, %swap3A_219] {strides = array<i32>} : memref<40x128xf32, #tpu.memory_space<vmem>>, vector<1x16xf32>,
        %swap3A_221 = vector.shape_cast %swap3A_220 : vector<1x16xf32> to vector<16xf32>
        %swap3A_222 = vector.shape_cast %abs3A_217 : vector<16xf32> to vector<1x16xf32>
        tpu.vector_store %arg12[%swap3A_218, %swap3A_219], %swap3A_222 {strides = array<i32>} : memref<40x128xf32, #tpu.memory_space<vmem>>, vector<1x16xf32>,
        %get3A_223 = arith.index_cast %scan3A_121 : i32 to index
        %get3A_224 = arith.constant 112 : index
        %get3A_225 = tpu.vector_load %arg8[%get3A_223, %get3A_224] {strides = array<i32>} : memref<40x128xf32, #tpu.memory_space<vmem>>, vector<1x16xf32>,
        %get3A_226 = vector.shape_cast %get3A_225 : vector<1x16xf32> to vector<16xf32>
        %get3A_227 = arith.index_cast %scan3A_121 : i32 to index
        %get3A_228 = arith.constant 112 : index
        %get3A_229 = tpu.vector_load %arg10[%get3A_227, %get3A_228] {strides = array<i32>} : memref<40x128xf32, #tpu.memory_space<vmem>>, vector<1x16xf32>,
        %get3A_230 = vector.shape_cast %get3A_229 : vector<1x16xf32> to vector<16xf32>
        %sub3A_231 = arith.subf %get3A_226, %get3A_230 : vector<16xf32>
        %abs3A_232 = math.absf %sub3A_231 : vector<16xf32>
        %swap3A_233 = arith.index_cast %scan3A_121 : i32 to index
        %swap3A_234 = arith.constant 112 : index
        %swap3A_235 = tpu.vector_load %arg12[%swap3A_233, %swap3A_234] {strides = array<i32>} : memref<40x128xf32, #tpu.memory_space<vmem>>, vector<1x16xf32>,
        %swap3A_236 = vector.shape_cast %swap3A_235 : vector<1x16xf32> to vector<16xf32>
        %swap3A_237 = vector.shape_cast %abs3A_232 : vector<16xf32> to vector<1x16xf32>
        tpu.vector_store %arg12[%swap3A_233, %swap3A_234], %swap3A_237 {strides = array<i32>} : memref<40x128xf32, #tpu.memory_space<vmem>>, vector<1x16xf32>,
      }
      %scan3A_66 = arith.constant 40 : i32
      %mul3A_67 = arith.constant 40 : i32
      %mul3A_68 = arith.muli %add3A_44, %mul3A_67 : i32
      %add3A_69 = arith.addi %mul3A_2, %mul3A_68 : i32
      %dma_start3A_70 = arith.constant 0 : i32
      %dma_start3A_71 = tpu.memref_slice %arg5[%add3A_69, %dma_start3A_70] : memref<64000x128xf32, #tpu.memory_space<hbm>> -> memref<40x128xf32, #tpu.memory_space<hbm>>
      %dma_start3A_72 = arith.constant 0 : i32
      %dma_start3A_73 = tpu.memref_slice %arg5[%add3A_69, %dma_start3A_72] : memref<64000x128xf32, #tpu.memory_space<hbm>> -> memref<40x128xf32, #tpu.memory_space<hbm>>
      tpu.enqueue_dma source(%arg12 : memref<40x128xf32, #tpu.memory_space<vmem>>) target(%dma_start3A_73 : memref<40x128xf32, #tpu.memory_space<hbm>>) target_semaphore(%arg19 : memref<!tpu.dma_semaphore, #tpu.memory_space<semaphore_mem>>)
      %add3A_74 = arith.constant 2 : i32
      %add3A_75 = arith.addi %add3A_44, %add3A_74 : i32
      %lt3A = arith.constant 50 : i32
      %lt3A_76 = arith.cmpi slt, %add3A_75, %lt3A : i32
      %convert_element_type3A_77 = arith.extui %lt3A_76 : i1 to i32
      %cond3A_78 = arith.constant 0 : i32
      %cond3A_79 = arith.cmpi ne, %convert_element_type3A_77, %cond3A_78 : i32
      scf.if %cond3A_79 {
        %add3A_121 = arith.constant 2 : i32
        %add3A_122 = arith.addi %add3A_44, %add3A_121 : i32
        %mul3A_123 = arith.constant 40 : i32
        %mul3A_124 = arith.muli %add3A_122, %mul3A_123 : i32
        %dma_start3A_125 = tpu.memref_slice %arg6[%mul3A_124] : memref<2000xi32, #tpu.memory_space<vmem>> -> memref<40xi32, #tpu.memory_space<vmem>>
        %dma_start3A_126 = arith.constant 0 : i32
        %dma_start3A_127 = arith.constant 0 : i32
        %dma_start3A_128 = tpu.memref_slice %arg14[%dma_start3A_126, %dma_start3A_127] : memref<10000x128xf32, #tpu.memory_space<vmem_shared>> -> memref<10000x128xf32, #tpu.memory_space<vmem_shared>>
        tpu.enqueue_indirect_dma source(%dma_start3A_128 : memref<10000x128xf32, #tpu.memory_space<vmem_shared>>) target(%arg8 : memref<40x128xf32, #tpu.memory_space<vmem>>) offsets(%dma_start3A_125 : memref<40xi32, #tpu.memory_space<vmem>>) semaphore(%arg15 : memref<!tpu.dma_semaphore, #tpu.memory_space<semaphore_mem>>)
        %dma_start3A_129 = tpu.memref_slice %arg7[%mul3A_124] : memref<2000xi32, #tpu.memory_space<vmem>> -> memref<40xi32, #tpu.memory_space<vmem>>
        %dma_start3A_130 = arith.constant 0 : i32
        %dma_start3A_131 = arith.constant 0 : i32
        %dma_start3A_132 = tpu.memref_slice %arg14[%dma_start3A_130, %dma_start3A_131] : memref<10000x128xf32, #tpu.memory_space<vmem_shared>> -> memref<10000x128xf32, #tpu.memory_space<vmem_shared>>
        tpu.enqueue_indirect_dma source(%dma_start3A_132 : memref<10000x128xf32, #tpu.memory_space<vmem_shared>>) target(%arg10 : memref<40x128xf32, #tpu.memory_space<vmem>>) offsets(%dma_start3A_129 : memref<40xi32, #tpu.memory_space<vmem>>) semaphore(%arg17 : memref<!tpu.dma_semaphore, #tpu.memory_space<semaphore_mem>>)
      } else {
      }
      %mul3A_80 = arith.constant 2 : i32
      %mul3A_81 = arith.muli %scan3A_40, %mul3A_80 : i32
      %add3A_82 = arith.constant 1 : i32
      %add3A_83 = arith.addi %mul3A_81, %add3A_82 : i32
      %dma_wait3A_84 = arith.constant 0 : i32
      %dma_wait3A_85 = arith.constant 0 : i32
      %dma_wait3A_86 = tpu.memref_slice %arg5[%dma_wait3A_84, %dma_wait3A_85] : memref<64000x128xf32, #tpu.memory_space<hbm>> -> memref<40x128xf32, #tpu.memory_space<hbm>>
      %dma_wait3A_87 = arith.constant 0 : i32
      %dma_wait3A_88 = arith.constant 0 : i32
      %dma_wait3A_89 = tpu.memref_slice %arg5[%dma_wait3A_87, %dma_wait3A_88] : memref<64000x128xf32, #tpu.memory_space<hbm>> -> memref<40x128xf32, #tpu.memory_space<hbm>>
      tpu.wait_dma2 semaphore(%arg16 : memref<!tpu.dma_semaphore, #tpu.memory_space<semaphore_mem>>) src(%dma_wait3A_89 : memref<40x128xf32, #tpu.memory_space<hbm>>) dst(%arg9 : memref<40x128xf32, #tpu.memory_space<vmem>>)
      %dma_wait3A_90 = arith.constant 0 : i32
      %dma_wait3A_91 = arith.constant 0 : i32
      %dma_wait3A_92 = tpu.memref_slice %arg5[%dma_wait3A_90, %dma_wait3A_91] : memref<64000x128xf32, #tpu.memory_space<hbm>> -> memref<40x128xf32, #tpu.memory_space<hbm>>
      %dma_wait3A_93 = arith.constant 0 : i32
      %dma_wait3A_94 = arith.constant 0 : i32
      %dma_wait3A_95 = tpu.memref_slice %arg5[%dma_wait3A_93, %dma_wait3A_94] : memref<64000x128xf32, #tpu.memory_space<hbm>> -> memref<40x128xf32, #tpu.memory_space<hbm>>
      tpu.wait_dma2 semaphore(%arg18 : memref<!tpu.dma_semaphore, #tpu.memory_space<semaphore_mem>>) src(%dma_wait3A_95 : memref<40x128xf32, #tpu.memory_space<hbm>>) dst(%arg11 : memref<40x128xf32, #tpu.memory_space<vmem>>)
      %gt3A_96 = arith.constant 0 : i32
      %gt3A_97 = arith.cmpi sgt, %scan3A_40, %gt3A_96 : i32
      %convert_element_type3A_98 = arith.extui %gt3A_97 : i1 to i32
      %cond3A_99 = arith.constant 0 : i32
      %cond3A_100 = arith.cmpi ne, %convert_element_type3A_98, %cond3A_99 : i32
      scf.if %cond3A_100 {
        %dma_wait3A_121 = arith.constant 0 : i32
        %dma_wait3A_122 = arith.constant 0 : i32
        %dma_wait3A_123 = tpu.memref_slice %arg5[%dma_wait3A_121, %dma_wait3A_122] : memref<64000x128xf32, #tpu.memory_space<hbm>> -> memref<40x128xf32, #tpu.memory_space<hbm>>
        %dma_wait3A_124 = arith.constant 0 : i32
        %dma_wait3A_125 = arith.constant 0 : i32
        %dma_wait3A_126 = tpu.memref_slice %arg5[%dma_wait3A_124, %dma_wait3A_125] : memref<64000x128xf32, #tpu.memory_space<hbm>> -> memref<40x128xf32, #tpu.memory_space<hbm>>
        tpu.wait_dma2 semaphore(%arg20 : memref<!tpu.dma_semaphore, #tpu.memory_space<semaphore_mem>>) src(%arg13 : memref<40x128xf32, #tpu.memory_space<vmem>>) dst(%dma_wait3A_126 : memref<40x128xf32, #tpu.memory_space<hbm>>)
      } else {
      }
      %scan3A_101 = arith.constant 0 : i32
      %scan3A_102 = arith.constant 0 : i32
      %scan3A_103 = arith.constant 40 : i32
      %scan3A_104 = arith.addi %scan3A_102, %scan3A_103 : i32
      %scan3A_105 = arith.constant 1 : i32
      scf.for %scan3A_121 = %scan3A_102 to %scan3A_104 step %scan3A_105  : i32 {
        %get3A = arith.index_cast %scan3A_121 : i32 to index
        %get3A_122 = arith.constant 0 : index
        %get3A_123 = tpu.vector_load %arg9[%get3A, %get3A_122] {strides = array<i32>} : memref<40x128xf32, #tpu.memory_space<vmem>>, vector<1x16xf32>,
        %get3A_124 = vector.shape_cast %get3A_123 : vector<1x16xf32> to vector<16xf32>
        %get3A_125 = arith.index_cast %scan3A_121 : i32 to index
        %get3A_126 = arith.constant 0 : index
        %get3A_127 = tpu.vector_load %arg11[%get3A_125, %get3A_126] {strides = array<i32>} : memref<40x128xf32, #tpu.memory_space<vmem>>, vector<1x16xf32>,
        %get3A_128 = vector.shape_cast %get3A_127 : vector<1x16xf32> to vector<16xf32>
        %sub3A = arith.subf %get3A_124, %get3A_128 : vector<16xf32>
        %abs3A = math.absf %sub3A : vector<16xf32>
        %swap3A = arith.index_cast %scan3A_121 : i32 to index
        %swap3A_129 = arith.constant 0 : index
        %swap3A_130 = tpu.vector_load %arg13[%swap3A, %swap3A_129] {strides = array<i32>} : memref<40x128xf32, #tpu.memory_space<vmem>>, vector<1x16xf32>,
        %swap3A_131 = vector.shape_cast %swap3A_130 : vector<1x16xf32> to vector<16xf32>
        %swap3A_132 = vector.shape_cast %abs3A : vector<16xf32> to vector<1x16xf32>
        tpu.vector_store %arg13[%swap3A, %swap3A_129], %swap3A_132 {strides = array<i32>} : memref<40x128xf32, #tpu.memory_space<vmem>>, vector<1x16xf32>,
        %get3A_133 = arith.index_cast %scan3A_121 : i32 to index
        %get3A_134 = arith.constant 16 : index
        %get3A_135 = tpu.vector_load %arg9[%get3A_133, %get3A_134] {strides = array<i32>} : memref<40x128xf32, #tpu.memory_space<vmem>>, vector<1x16xf32>,
        %get3A_136 = vector.shape_cast %get3A_135 : vector<1x16xf32> to vector<16xf32>
        %get3A_137 = arith.index_cast %scan3A_121 : i32 to index
        %get3A_138 = arith.constant 16 : index
        %get3A_139 = tpu.vector_load %arg11[%get3A_137, %get3A_138] {strides = array<i32>} : memref<40x128xf32, #tpu.memory_space<vmem>>, vector<1x16xf32>,
        %get3A_140 = vector.shape_cast %get3A_139 : vector<1x16xf32> to vector<16xf32>
        %sub3A_141 = arith.subf %get3A_136, %get3A_140 : vector<16xf32>
        %abs3A_142 = math.absf %sub3A_141 : vector<16xf32>
        %swap3A_143 = arith.index_cast %scan3A_121 : i32 to index
        %swap3A_144 = arith.constant 16 : index
        %swap3A_145 = tpu.vector_load %arg13[%swap3A_143, %swap3A_144] {strides = array<i32>} : memref<40x128xf32, #tpu.memory_space<vmem>>, vector<1x16xf32>,
        %swap3A_146 = vector.shape_cast %swap3A_145 : vector<1x16xf32> to vector<16xf32>
        %swap3A_147 = vector.shape_cast %abs3A_142 : vector<16xf32> to vector<1x16xf32>
        tpu.vector_store %arg13[%swap3A_143, %swap3A_144], %swap3A_147 {strides = array<i32>} : memref<40x128xf32, #tpu.memory_space<vmem>>, vector<1x16xf32>,
        %get3A_148 = arith.index_cast %scan3A_121 : i32 to index
        %get3A_149 = arith.constant 32 : index
        %get3A_150 = tpu.vector_load %arg9[%get3A_148, %get3A_149] {strides = array<i32>} : memref<40x128xf32, #tpu.memory_space<vmem>>, vector<1x16xf32>,
        %get3A_151 = vector.shape_cast %get3A_150 : vector<1x16xf32> to vector<16xf32>
        %get3A_152 = arith.index_cast %scan3A_121 : i32 to index
        %get3A_153 = arith.constant 32 : index
        %get3A_154 = tpu.vector_load %arg11[%get3A_152, %get3A_153] {strides = array<i32>} : memref<40x128xf32, #tpu.memory_space<vmem>>, vector<1x16xf32>,
        %get3A_155 = vector.shape_cast %get3A_154 : vector<1x16xf32> to vector<16xf32>
        %sub3A_156 = arith.subf %get3A_151, %get3A_155 : vector<16xf32>
        %abs3A_157 = math.absf %sub3A_156 : vector<16xf32>
        %swap3A_158 = arith.index_cast %scan3A_121 : i32 to index
        %swap3A_159 = arith.constant 32 : index
        %swap3A_160 = tpu.vector_load %arg13[%swap3A_158, %swap3A_159] {strides = array<i32>} : memref<40x128xf32, #tpu.memory_space<vmem>>, vector<1x16xf32>,
        %swap3A_161 = vector.shape_cast %swap3A_160 : vector<1x16xf32> to vector<16xf32>
        %swap3A_162 = vector.shape_cast %abs3A_157 : vector<16xf32> to vector<1x16xf32>
        tpu.vector_store %arg13[%swap3A_158, %swap3A_159], %swap3A_162 {strides = array<i32>} : memref<40x128xf32, #tpu.memory_space<vmem>>, vector<1x16xf32>,
        %get3A_163 = arith.index_cast %scan3A_121 : i32 to index
        %get3A_164 = arith.constant 48 : index
        %get3A_165 = tpu.vector_load %arg9[%get3A_163, %get3A_164] {strides = array<i32>} : memref<40x128xf32, #tpu.memory_space<vmem>>, vector<1x16xf32>,
        %get3A_166 = vector.shape_cast %get3A_165 : vector<1x16xf32> to vector<16xf32>
        %get3A_167 = arith.index_cast %scan3A_121 : i32 to index
        %get3A_168 = arith.constant 48 : index
        %get3A_169 = tpu.vector_load %arg11[%get3A_167, %get3A_168] {strides = array<i32>} : memref<40x128xf32, #tpu.memory_space<vmem>>, vector<1x16xf32>,
        %get3A_170 = vector.shape_cast %get3A_169 : vector<1x16xf32> to vector<16xf32>
        %sub3A_171 = arith.subf %get3A_166, %get3A_170 : vector<16xf32>
        %abs3A_172 = math.absf %sub3A_171 : vector<16xf32>
        %swap3A_173 = arith.index_cast %scan3A_121 : i32 to index
        %swap3A_174 = arith.constant 48 : index
        %swap3A_175 = tpu.vector_load %arg13[%swap3A_173, %swap3A_174] {strides = array<i32>} : memref<40x128xf32, #tpu.memory_space<vmem>>, vector<1x16xf32>,
        %swap3A_176 = vector.shape_cast %swap3A_175 : vector<1x16xf32> to vector<16xf32>
        %swap3A_177 = vector.shape_cast %abs3A_172 : vector<16xf32> to vector<1x16xf32>
        tpu.vector_store %arg13[%swap3A_173, %swap3A_174], %swap3A_177 {strides = array<i32>} : memref<40x128xf32, #tpu.memory_space<vmem>>, vector<1x16xf32>,
        %get3A_178 = arith.index_cast %scan3A_121 : i32 to index
        %get3A_179 = arith.constant 64 : index
        %get3A_180 = tpu.vector_load %arg9[%get3A_178, %get3A_179] {strides = array<i32>} : memref<40x128xf32, #tpu.memory_space<vmem>>, vector<1x16xf32>,
        %get3A_181 = vector.shape_cast %get3A_180 : vector<1x16xf32> to vector<16xf32>
        %get3A_182 = arith.index_cast %scan3A_121 : i32 to index
        %get3A_183 = arith.constant 64 : index
        %get3A_184 = tpu.vector_load %arg11[%get3A_182, %get3A_183] {strides = array<i32>} : memref<40x128xf32, #tpu.memory_space<vmem>>, vector<1x16xf32>,
        %get3A_185 = vector.shape_cast %get3A_184 : vector<1x16xf32> to vector<16xf32>
        %sub3A_186 = arith.subf %get3A_181, %get3A_185 : vector<16xf32>
        %abs3A_187 = math.absf %sub3A_186 : vector<16xf32>
        %swap3A_188 = arith.index_cast %scan3A_121 : i32 to index
        %swap3A_189 = arith.constant 64 : index
        %swap3A_190 = tpu.vector_load %arg13[%swap3A_188, %swap3A_189] {strides = array<i32>} : memref<40x128xf32, #tpu.memory_space<vmem>>, vector<1x16xf32>,
        %swap3A_191 = vector.shape_cast %swap3A_190 : vector<1x16xf32> to vector<16xf32>
        %swap3A_192 = vector.shape_cast %abs3A_187 : vector<16xf32> to vector<1x16xf32>
        tpu.vector_store %arg13[%swap3A_188, %swap3A_189], %swap3A_192 {strides = array<i32>} : memref<40x128xf32, #tpu.memory_space<vmem>>, vector<1x16xf32>,
        %get3A_193 = arith.index_cast %scan3A_121 : i32 to index
        %get3A_194 = arith.constant 80 : index
        %get3A_195 = tpu.vector_load %arg9[%get3A_193, %get3A_194] {strides = array<i32>} : memref<40x128xf32, #tpu.memory_space<vmem>>, vector<1x16xf32>,
        %get3A_196 = vector.shape_cast %get3A_195 : vector<1x16xf32> to vector<16xf32>
        %get3A_197 = arith.index_cast %scan3A_121 : i32 to index
        %get3A_198 = arith.constant 80 : index
        %get3A_199 = tpu.vector_load %arg11[%get3A_197, %get3A_198] {strides = array<i32>} : memref<40x128xf32, #tpu.memory_space<vmem>>, vector<1x16xf32>,
        %get3A_200 = vector.shape_cast %get3A_199 : vector<1x16xf32> to vector<16xf32>
        %sub3A_201 = arith.subf %get3A_196, %get3A_200 : vector<16xf32>
        %abs3A_202 = math.absf %sub3A_201 : vector<16xf32>
        %swap3A_203 = arith.index_cast %scan3A_121 : i32 to index
        %swap3A_204 = arith.constant 80 : index
        %swap3A_205 = tpu.vector_load %arg13[%swap3A_203, %swap3A_204] {strides = array<i32>} : memref<40x128xf32, #tpu.memory_space<vmem>>, vector<1x16xf32>,
        %swap3A_206 = vector.shape_cast %swap3A_205 : vector<1x16xf32> to vector<16xf32>
        %swap3A_207 = vector.shape_cast %abs3A_202 : vector<16xf32> to vector<1x16xf32>
        tpu.vector_store %arg13[%swap3A_203, %swap3A_204], %swap3A_207 {strides = array<i32>} : memref<40x128xf32, #tpu.memory_space<vmem>>, vector<1x16xf32>,
        %get3A_208 = arith.index_cast %scan3A_121 : i32 to index
        %get3A_209 = arith.constant 96 : index
        %get3A_210 = tpu.vector_load %arg9[%get3A_208, %get3A_209] {strides = array<i32>} : memref<40x128xf32, #tpu.memory_space<vmem>>, vector<1x16xf32>,
        %get3A_211 = vector.shape_cast %get3A_210 : vector<1x16xf32> to vector<16xf32>
        %get3A_212 = arith.index_cast %scan3A_121 : i32 to index
        %get3A_213 = arith.constant 96 : index
        %get3A_214 = tpu.vector_load %arg11[%get3A_212, %get3A_213] {strides = array<i32>} : memref<40x128xf32, #tpu.memory_space<vmem>>, vector<1x16xf32>,
        %get3A_215 = vector.shape_cast %get3A_214 : vector<1x16xf32> to vector<16xf32>
        %sub3A_216 = arith.subf %get3A_211, %get3A_215 : vector<16xf32>
        %abs3A_217 = math.absf %sub3A_216 : vector<16xf32>
        %swap3A_218 = arith.index_cast %scan3A_121 : i32 to index
        %swap3A_219 = arith.constant 96 : index
        %swap3A_220 = tpu.vector_load %arg13[%swap3A_218, %swap3A_219] {strides = array<i32>} : memref<40x128xf32, #tpu.memory_space<vmem>>, vector<1x16xf32>,
        %swap3A_221 = vector.shape_cast %swap3A_220 : vector<1x16xf32> to vector<16xf32>
        %swap3A_222 = vector.shape_cast %abs3A_217 : vector<16xf32> to vector<1x16xf32>
        tpu.vector_store %arg13[%swap3A_218, %swap3A_219], %swap3A_222 {strides = array<i32>} : memref<40x128xf32, #tpu.memory_space<vmem>>, vector<1x16xf32>,
        %get3A_223 = arith.index_cast %scan3A_121 : i32 to index
        %get3A_224 = arith.constant 112 : index
        %get3A_225 = tpu.vector_load %arg9[%get3A_223, %get3A_224] {strides = array<i32>} : memref<40x128xf32, #tpu.memory_space<vmem>>, vector<1x16xf32>,
        %get3A_226 = vector.shape_cast %get3A_225 : vector<1x16xf32> to vector<16xf32>
        %get3A_227 = arith.index_cast %scan3A_121 : i32 to index
        %get3A_228 = arith.constant 112 : index
        %get3A_229 = tpu.vector_load %arg11[%get3A_227, %get3A_228] {strides = array<i32>} : memref<40x128xf32, #tpu.memory_space<vmem>>, vector<1x16xf32>,
        %get3A_230 = vector.shape_cast %get3A_229 : vector<1x16xf32> to vector<16xf32>
        %sub3A_231 = arith.subf %get3A_226, %get3A_230 : vector<16xf32>
        %abs3A_232 = math.absf %sub3A_231 : vector<16xf32>
        %swap3A_233 = arith.index_cast %scan3A_121 : i32 to index
        %swap3A_234 = arith.constant 112 : index
        %swap3A_235 = tpu.vector_load %arg13[%swap3A_233, %swap3A_234] {strides = array<i32>} : memref<40x128xf32, #tpu.memory_space<vmem>>, vector<1x16xf32>,
        %swap3A_236 = vector.shape_cast %swap3A_235 : vector<1x16xf32> to vector<16xf32>
        %swap3A_237 = vector.shape_cast %abs3A_232 : vector<16xf32> to vector<1x16xf32>
        tpu.vector_store %arg13[%swap3A_233, %swap3A_234], %swap3A_237 {strides = array<i32>} : memref<40x128xf32, #tpu.memory_space<vmem>>, vector<1x16xf32>,
      }
      %scan3A_106 = arith.constant 40 : i32
      %mul3A_107 = arith.constant 40 : i32
      %mul3A_108 = arith.muli %add3A_83, %mul3A_107 : i32
      %add3A_109 = arith.addi %mul3A_2, %mul3A_108 : i32
      %dma_start3A_110 = arith.constant 0 : i32
      %dma_start3A_111 = tpu.memref_slice %arg5[%add3A_109, %dma_start3A_110] : memref<64000x128xf32, #tpu.memory_space<hbm>> -> memref<40x128xf32, #tpu.memory_space<hbm>>
      %dma_start3A_112 = arith.constant 0 : i32
      %dma_start3A_113 = tpu.memref_slice %arg5[%add3A_109, %dma_start3A_112] : memref<64000x128xf32, #tpu.memory_space<hbm>> -> memref<40x128xf32, #tpu.memory_space<hbm>>
      tpu.enqueue_dma source(%arg13 : memref<40x128xf32, #tpu.memory_space<vmem>>) target(%dma_start3A_113 : memref<40x128xf32, #tpu.memory_space<hbm>>) target_semaphore(%arg20 : memref<!tpu.dma_semaphore, #tpu.memory_space<semaphore_mem>>)
      %add3A_114 = arith.constant 2 : i32
      %add3A_115 = arith.addi %add3A_83, %add3A_114 : i32
      %lt3A_116 = arith.constant 50 : i32
      %lt3A_117 = arith.cmpi slt, %add3A_115, %lt3A_116 : i32
      %convert_element_type3A_118 = arith.extui %lt3A_117 : i1 to i32
      %cond3A_119 = arith.constant 0 : i32
      %cond3A_120 = arith.cmpi ne, %convert_element_type3A_118, %cond3A_119 : i32
      scf.if %cond3A_120 {
        %add3A_121 = arith.constant 2 : i32
        %add3A_122 = arith.addi %add3A_83, %add3A_121 : i32
        %mul3A_123 = arith.constant 40 : i32
        %mul3A_124 = arith.muli %add3A_122, %mul3A_123 : i32
        %dma_start3A_125 = tpu.memref_slice %arg6[%mul3A_124] : memref<2000xi32, #tpu.memory_space<vmem>> -> memref<40xi32, #tpu.memory_space<vmem>>
        %dma_start3A_126 = arith.constant 0 : i32
        %dma_start3A_127 = arith.constant 0 : i32
        %dma_start3A_128 = tpu.memref_slice %arg14[%dma_start3A_126, %dma_start3A_127] : memref<10000x128xf32, #tpu.memory_space<vmem_shared>> -> memref<10000x128xf32, #tpu.memory_space<vmem_shared>>
        tpu.enqueue_indirect_dma source(%dma_start3A_128 : memref<10000x128xf32, #tpu.memory_space<vmem_shared>>) target(%arg9 : memref<40x128xf32, #tpu.memory_space<vmem>>) offsets(%dma_start3A_125 : memref<40xi32, #tpu.memory_space<vmem>>) semaphore(%arg16 : memref<!tpu.dma_semaphore, #tpu.memory_space<semaphore_mem>>)
        %dma_start3A_129 = tpu.memref_slice %arg7[%mul3A_124] : memref<2000xi32, #tpu.memory_space<vmem>> -> memref<40xi32, #tpu.memory_space<vmem>>
        %dma_start3A_130 = arith.constant 0 : i32
        %dma_start3A_131 = arith.constant 0 : i32
        %dma_start3A_132 = tpu.memref_slice %arg14[%dma_start3A_130, %dma_start3A_131] : memref<10000x128xf32, #tpu.memory_space<vmem_shared>> -> memref<10000x128xf32, #tpu.memory_space<vmem_shared>>
        tpu.enqueue_indirect_dma source(%dma_start3A_132 : memref<10000x128xf32, #tpu.memory_space<vmem_shared>>) target(%arg11 : memref<40x128xf32, #tpu.memory_space<vmem>>) offsets(%dma_start3A_129 : memref<40xi32, #tpu.memory_space<vmem>>) semaphore(%arg18 : memref<!tpu.dma_semaphore, #tpu.memory_space<semaphore_mem>>)
      } else {
      }
    }
    %scan3A_28 = arith.constant 25 : i32
    %dma_wait3A = arith.constant 0 : i32
    %dma_wait3A_29 = arith.constant 0 : i32
    %dma_wait3A_30 = tpu.memref_slice %arg5[%dma_wait3A, %dma_wait3A_29] : memref<64000x128xf32, #tpu.memory_space<hbm>> -> memref<40x128xf32, #tpu.memory_space<hbm>>
    %dma_wait3A_31 = arith.constant 0 : i32
    %dma_wait3A_32 = arith.constant 0 : i32
    %dma_wait3A_33 = tpu.memref_slice %arg5[%dma_wait3A_31, %dma_wait3A_32] : memref<64000x128xf32, #tpu.memory_space<hbm>> -> memref<40x128xf32, #tpu.memory_space<hbm>>
    tpu.wait_dma2 semaphore(%arg19 : memref<!tpu.dma_semaphore, #tpu.memory_space<semaphore_mem>>) src(%arg12 : memref<40x128xf32, #tpu.memory_space<vmem>>) dst(%dma_wait3A_33 : memref<40x128xf32, #tpu.memory_space<hbm>>)
    %dma_wait3A_34 = arith.constant 0 : i32
    %dma_wait3A_35 = arith.constant 0 : i32
    %dma_wait3A_36 = tpu.memref_slice %arg5[%dma_wait3A_34, %dma_wait3A_35] : memref<64000x128xf32, #tpu.memory_space<hbm>> -> memref<40x128xf32, #tpu.memory_space<hbm>>
    %dma_wait3A_37 = arith.constant 0 : i32
    %dma_wait3A_38 = arith.constant 0 : i32
    %dma_wait3A_39 = tpu.memref_slice %arg5[%dma_wait3A_37, %dma_wait3A_38] : memref<64000x128xf32, #tpu.memory_space<hbm>> -> memref<40x128xf32, #tpu.memory_space<hbm>>
    tpu.wait_dma2 semaphore(%arg20 : memref<!tpu.dma_semaphore, #tpu.memory_space<semaphore_mem>>) src(%arg13 : memref<40x128xf32, #tpu.memory_space<vmem>>) dst(%dma_wait3A_39 : memref<40x128xf32, #tpu.memory_space<hbm>>)
    return
  }
}

#map = affine_map<(d0, d1) -> (0, 0)>
#map1 = affine_map<(d0, d1) -> (0)>
module attributes {stable_mosaic.version = 14 : i64} {
  func.func @_gather_absdiff(%arg0: i32, %arg1: i32, %arg2: memref<10000x128xf32, #tpu.memory_space<hbm>>, %arg3: memref<64000xi32, #tpu.memory_space<hbm>>, %arg4: memref<64000xi32, #tpu.memory_space<hbm>>, %arg5: memref<64000x128xf32, #tpu.memory_space<hbm>>, %arg6: memref<2000xi32, #tpu.memory_space<vmem>>, %arg7: memref<2000xi32, #tpu.memory_space<vmem>>, %arg8: memref<40x128xf32, #tpu.memory_space<vmem>>, %arg9: memref<40x128xf32, #tpu.memory_space<vmem>>, %arg10: memref<40x128xf32, #tpu.memory_space<vmem>>, %arg11: memref<40x128xf32, #tpu.memory_space<vmem>>, %arg12: memref<40x128xf32, #tpu.memory_space<vmem>>, %arg13: memref<40x128xf32, #tpu.memory_space<vmem>>, %arg14: memref<10000x128xf32, #tpu.memory_space<vmem_shared>>, %arg15: memref<!tpu.dma_semaphore, #tpu.memory_space<semaphore_mem>>, %arg16: memref<!tpu.dma_semaphore, #tpu.memory_space<semaphore_mem>>, %arg17: memref<!tpu.dma_semaphore, #tpu.memory_space<semaphore_mem>>, %arg18: memref<!tpu.dma_semaphore, #tpu.memory_space<semaphore_mem>>, %arg19: memref<!tpu.dma_semaphore, #tpu.memory_space<semaphore_mem>>, %arg20: memref<!tpu.dma_semaphore, #tpu.memory_space<semaphore_mem>>) attributes {dimension_semantics = [#tpu.dimension_semantics<core_parallel>, #tpu.dimension_semantics<subcore_parallel>], iteration_bounds = array<i64: 2, 16>, scalar_prefetch = 0 : i64, scratch_operands = 15 : i64, tpu.core_type = #tpu.core_type<sc_vector_subcore>, window_params = [{transform_indices = #map}, {transform_indices = #map1}, {transform_indices = #map1}, {transform_indices = #map}]} {
    %mul3A = arith.constant 2 : i32
    %mul3A_0 = arith.muli %arg1, %mul3A : i32
    %add3A = arith.addi %mul3A_0, %arg0 : i32
    %mul3A_1 = arith.constant 2000 : i32
    %mul3A_2 = arith.muli %add3A, %mul3A_1 : i32
    %eq3A = arith.constant 0 : i32
    %eq3A_3 = arith.cmpi eq, %arg1, %eq3A : i32
    %convert_element_type3A = arith.extui %eq3A_3 : i1 to i32
    %cond3A = arith.constant 0 : i32
    %cond3A_4 = arith.cmpi ne, %convert_element_type3A, %cond3A : i32
    scf.if %cond3A_4 {
      "tpu.region"() ({
        %run_scoped3A = tpu.sem_alloc : memref<!tpu.dma_semaphore, #tpu.memory_space<semaphore_mem>>
        tpu.enqueue_dma source(%arg2 : memref<10000x128xf32, #tpu.memory_space<hbm>>) target(%arg14 : memref<10000x128xf32, #tpu.memory_space<vmem_shared>>) target_semaphore(%run_scoped3A : memref<!tpu.dma_semaphore, #tpu.memory_space<semaphore_mem>>)
        tpu.wait_dma2 semaphore(%run_scoped3A : memref<!tpu.dma_semaphore, #tpu.memory_space<semaphore_mem>>) src(%arg2 : memref<10000x128xf32, #tpu.memory_space<hbm>>) dst(%arg14 : memref<10000x128xf32, #tpu.memory_space<vmem_shared>>)
        tpu.yield
      }) : () -> ()
    } else {
    }
    %barrier3A = arith.constant 0 : index
    tpu.barrier barrier_id(%barrier3A)
    "tpu.region"() ({
      %run_scoped3A = tpu.sem_alloc : memref<!tpu.dma_semaphore, #tpu.memory_space<semaphore_mem>>
      %dma_start3A_40 = tpu.memref_slice %arg3[%mul3A_2] : memref<64000xi32, #tpu.memory_space<hbm>> -> memref<2000xi32, #tpu.memory_space<hbm>>
      %dma_start3A_41 = tpu.memref_slice %arg3[%mul3A_2] : memref<64000xi32, #tpu.memory_space<hbm>> -> memref<2000xi32, #tpu.memory_space<hbm>>
      tpu.enqueue_dma source(%dma_start3A_41 : memref<2000xi32, #tpu.memory_space<hbm>>) target(%arg6 : memref<2000xi32, #tpu.memory_space<vmem>>) target_semaphore(%run_scoped3A : memref<!tpu.dma_semaphore, #tpu.memory_space<semaphore_mem>>)
      %dma_wait3A_42 = tpu.memref_slice %arg3[%mul3A_2] : memref<64000xi32, #tpu.memory_space<hbm>> -> memref<2000xi32, #tpu.memory_space<hbm>>
      %dma_wait3A_43 = tpu.memref_slice %arg3[%mul3A_2] : memref<64000xi32, #tpu.memory_space<hbm>> -> memref<2000xi32, #tpu.memory_space<hbm>>
      tpu.wait_dma2 semaphore(%run_scoped3A : memref<!tpu.dma_semaphore, #tpu.memory_space<semaphore_mem>>) src(%dma_wait3A_43 : memref<2000xi32, #tpu.memory_space<hbm>>) dst(%arg6 : memref<2000xi32, #tpu.memory_space<vmem>>)
      tpu.yield
    }) : () -> ()
    "tpu.region"() ({
      %run_scoped3A = tpu.sem_alloc : memref<!tpu.dma_semaphore, #tpu.memory_space<semaphore_mem>>
      %dma_start3A_40 = tpu.memref_slice %arg4[%mul3A_2] : memref<64000xi32, #tpu.memory_space<hbm>> -> memref<2000xi32, #tpu.memory_space<hbm>>
      %dma_start3A_41 = tpu.memref_slice %arg4[%mul3A_2] : memref<64000xi32, #tpu.memory_space<hbm>> -> memref<2000xi32, #tpu.memory_space<hbm>>
      tpu.enqueue_dma source(%dma_start3A_41 : memref<2000xi32, #tpu.memory_space<hbm>>) target(%arg7 : memref<2000xi32, #tpu.memory_space<vmem>>) target_semaphore(%run_scoped3A : memref<!tpu.dma_semaphore, #tpu.memory_space<semaphore_mem>>)
      %dma_wait3A_42 = tpu.memref_slice %arg4[%mul3A_2] : memref<64000xi32, #tpu.memory_space<hbm>> -> memref<2000xi32, #tpu.memory_space<hbm>>
      %dma_wait3A_43 = tpu.memref_slice %arg4[%mul3A_2] : memref<64000xi32, #tpu.memory_space<hbm>> -> memref<2000xi32, #tpu.memory_space<hbm>>
      tpu.wait_dma2 semaphore(%run_scoped3A : memref<!tpu.dma_semaphore, #tpu.memory_space<semaphore_mem>>) src(%dma_wait3A_43 : memref<2000xi32, #tpu.memory_space<hbm>>) dst(%arg7 : memref<2000xi32, #tpu.memory_space<vmem>>)
      tpu.yield
    }) : () -> ()
    %dma_start3A = arith.constant 0 : i32
    %dma_start3A_5 = tpu.memref_slice %arg6[%dma_start3A] : memref<2000xi32, #tpu.memory_space<vmem>> -> memref<40xi32, #tpu.memory_space<vmem>>
    %dma_start3A_6 = arith.constant 0 : i32
    %dma_start3A_7 = arith.constant 0 : i32
    %dma_start3A_8 = tpu.memref_slice %arg14[%dma_start3A_6, %dma_start3A_7] : memref<10000x128xf32, #tpu.memory_space<vmem_shared>> -> memref<10000x128xf32, #tpu.memory_space<vmem_shared>>
    tpu.enqueue_indirect_dma source(%dma_start3A_8 : memref<10000x128xf32, #tpu.memory_space<vmem_shared>>) target(%arg8 : memref<40x128xf32, #tpu.memory_space<vmem>>) offsets(%dma_start3A_5 : memref<40xi32, #tpu.memory_space<vmem>>) semaphore(%arg15 : memref<!tpu.dma_semaphore, #tpu.memory_space<semaphore_mem>>)
    %dma_start3A_9 = arith.constant 0 : i32
    %dma_start3A_10 = tpu.memref_slice %arg7[%dma_start3A_9] : memref<2000xi32, #tpu.memory_space<vmem>> -> memref<40xi32, #tpu.memory_space<vmem>>
    %dma_start3A_11 = arith.constant 0 : i32
    %dma_start3A_12 = arith.constant 0 : i32
    %dma_start3A_13 = tpu.memref_slice %arg14[%dma_start3A_11, %dma_start3A_12] : memref<10000x128xf32, #tpu.memory_space<vmem_shared>> -> memref<10000x128xf32, #tpu.memory_space<vmem_shared>>
    tpu.enqueue_indirect_dma source(%dma_start3A_13 : memref<10000x128xf32, #tpu.memory_space<vmem_shared>>) target(%arg10 : memref<40x128xf32, #tpu.memory_space<vmem>>) offsets(%dma_start3A_10 : memref<40xi32, #tpu.memory_space<vmem>>) semaphore(%arg17 : memref<!tpu.dma_semaphore, #tpu.memory_space<semaphore_mem>>)
    %dma_start3A_14 = arith.constant 40 : i32
    %dma_start3A_15 = tpu.memref_slice %arg6[%dma_start3A_14] : memref<2000xi32, #tpu.memory_space<vmem>> -> memref<40xi32, #tpu.memory_space<vmem>>
    %dma_start3A_16 = arith.constant 0 : i32
    %dma_start3A_17 = arith.constant 0 : i32
    %dma_start3A_18 = tpu.memref_slice %arg14[%dma_start3A_16, %dma_start3A_17] : memref<10000x128xf32, #tpu.memory_space<vmem_shared>> -> memref<10000x128xf32, #tpu.memory_space<vmem_shared>>
    tpu.enqueue_indirect_dma source(%dma_start3A_18 : memref<10000x128xf32, #tpu.memory_space<vmem_shared>>) target(%arg9 : memref<40x128xf32, #tpu.memory_space<vmem>>) offsets(%dma_start3A_15 : memref<40xi32, #tpu.memory_space<vmem>>) semaphore(%arg16 : memref<!tpu.dma_semaphore, #tpu.memory_space<semaphore_mem>>)
    %dma_start3A_19 = arith.constant 40 : i32
    %dma_start3A_20 = tpu.memref_slice %arg7[%dma_start3A_19] : memref<2000xi32, #tpu.memory_space<vmem>> -> memref<40xi32, #tpu.memory_space<vmem>>
    %dma_start3A_21 = arith.constant 0 : i32
    %dma_start3A_22 = arith.constant 0 : i32
    %dma_start3A_23 = tpu.memref_slice %arg14[%dma_start3A_21, %dma_start3A_22] : memref<10000x128xf32, #tpu.memory_space<vmem_shared>> -> memref<10000x128xf32, #tpu.memory_space<vmem_shared>>
    tpu.enqueue_indirect_dma source(%dma_start3A_23 : memref<10000x128xf32, #tpu.memory_space<vmem_shared>>) target(%arg11 : memref<40x128xf32, #tpu.memory_space<vmem>>) offsets(%dma_start3A_20 : memref<40xi32, #tpu.memory_space<vmem>>) semaphore(%arg18 : memref<!tpu.dma_semaphore, #tpu.memory_space<semaphore_mem>>)
    %scan3A = arith.constant 0 : i32
    %scan3A_24 = arith.constant 0 : i32
    %scan3A_25 = arith.constant 25 : i32
    %scan3A_26 = arith.addi %scan3A_24, %scan3A_25 : i32
    %scan3A_27 = arith.constant 1 : i32
    scf.for %scan3A_40 = %scan3A_24 to %scan3A_26 step %scan3A_27  : i32 {
      %mul3A_41 = arith.constant 2 : i32
      %mul3A_42 = arith.muli %scan3A_40, %mul3A_41 : i32
      %add3A_43 = arith.constant 0 : i32
      %add3A_44 = arith.addi %mul3A_42, %add3A_43 : i32
      %dma_wait3A_45 = arith.constant 0 : i32
      %dma_wait3A_46 = arith.constant 0 : i32
      %dma_wait3A_47 = tpu.memref_slice %arg5[%dma_wait3A_45, %dma_wait3A_46] : memref<64000x128xf32, #tpu.memory_space<hbm>> -> memref<40x128xf32, #tpu.memory_space<hbm>>
      %dma_wait3A_48 = arith.constant 0 : i32
      %dma_wait3A_49 = arith.constant 0 : i32
      %dma_wait3A_50 = tpu.memref_slice %arg5[%dma_wait3A_48, %dma_wait3A_49] : memref<64000x128xf32, #tpu.memory_space<hbm>> -> memref<40x128xf32, #tpu.memory_space<hbm>>
      tpu.wait_dma2 semaphore(%arg15 : memref<!tpu.dma_semaphore, #tpu.memory_space<semaphore_mem>>) src(%dma_wait3A_50 : memref<40x128xf32, #tpu.memory_space<hbm>>) dst(%arg8 : memref<40x128xf32, #tpu.memory_space<vmem>>)
      %dma_wait3A_51 = arith.constant 0 : i32
      %dma_wait3A_52 = arith.constant 0 : i32
      %dma_wait3A_53 = tpu.memref_slice %arg5[%dma_wait3A_51, %dma_wait3A_52] : memref<64000x128xf32, #tpu.memory_space<hbm>> -> memref<40x128xf32, #tpu.memory_space<hbm>>
      %dma_wait3A_54 = arith.constant 0 : i32
      %dma_wait3A_55 = arith.constant 0 : i32
      %dma_wait3A_56 = tpu.memref_slice %arg5[%dma_wait3A_54, %dma_wait3A_55] : memref<64000x128xf32, #tpu.memory_space<hbm>> -> memref<40x128xf32, #tpu.memory_space<hbm>>
      tpu.wait_dma2 semaphore(%arg17 : memref<!tpu.dma_semaphore, #tpu.memory_space<semaphore_mem>>) src(%dma_wait3A_56 : memref<40x128xf32, #tpu.memory_space<hbm>>) dst(%arg10 : memref<40x128xf32, #tpu.memory_space<vmem>>)
      %gt3A = arith.constant 0 : i32
      %gt3A_57 = arith.cmpi sgt, %scan3A_40, %gt3A : i32
      %convert_element_type3A_58 = arith.extui %gt3A_57 : i1 to i32
      %cond3A_59 = arith.constant 0 : i32
      %cond3A_60 = arith.cmpi ne, %convert_element_type3A_58, %cond3A_59 : i32
      scf.if %cond3A_60 {
        %dma_wait3A_121 = arith.constant 0 : i32
        %dma_wait3A_122 = arith.constant 0 : i32
        %dma_wait3A_123 = tpu.memref_slice %arg5[%dma_wait3A_121, %dma_wait3A_122] : memref<64000x128xf32, #tpu.memory_space<hbm>> -> memref<40x128xf32, #tpu.memory_space<hbm>>
        %dma_wait3A_124 = arith.constant 0 : i32
        %dma_wait3A_125 = arith.constant 0 : i32
        %dma_wait3A_126 = tpu.memref_slice %arg5[%dma_wait3A_124, %dma_wait3A_125] : memref<64000x128xf32, #tpu.memory_space<hbm>> -> memref<40x128xf32, #tpu.memory_space<hbm>>
        tpu.wait_dma2 semaphore(%arg19 : memref<!tpu.dma_semaphore, #tpu.memory_space<semaphore_mem>>) src(%arg12 : memref<40x128xf32, #tpu.memory_space<vmem>>) dst(%dma_wait3A_126 : memref<40x128xf32, #tpu.memory_space<hbm>>)
      } else {
      }
      %scan3A_61 = arith.constant 0 : i32
      %scan3A_62 = arith.constant 0 : i32
      %scan3A_63 = arith.constant 40 : i32
      %scan3A_64 = arith.addi %scan3A_62, %scan3A_63 : i32
      %scan3A_65 = arith.constant 1 : i32
      scf.for %scan3A_121 = %scan3A_62 to %scan3A_64 step %scan3A_65  : i32 {
        %get3A = arith.index_cast %scan3A_121 : i32 to index
        %get3A_122 = arith.constant 0 : index
        %get3A_123 = tpu.vector_load %arg8[%get3A, %get3A_122] {strides = array<i32>} : memref<40x128xf32, #tpu.memory_space<vmem>>, vector<1x16xf32>,
        %get3A_124 = vector.shape_cast %get3A_123 : vector<1x16xf32> to vector<16xf32>
        %get3A_125 = arith.index_cast %scan3A_121 : i32 to index
        %get3A_126 = arith.constant 0 : index
        %get3A_127 = tpu.vector_load %arg10[%get3A_125, %get3A_126] {strides = array<i32>} : memref<40x128xf32, #tpu.memory_space<vmem>>, vector<1x16xf32>,
        %get3A_128 = vector.shape_cast %get3A_127 : vector<1x16xf32> to vector<16xf32>
        %sub3A = arith.subf %get3A_124, %get3A_128 : vector<16xf32>
        %abs3A = math.absf %sub3A : vector<16xf32>
        %swap3A = arith.index_cast %scan3A_121 : i32 to index
        %swap3A_129 = arith.constant 0 : index
        %swap3A_130 = tpu.vector_load %arg12[%swap3A, %swap3A_129] {strides = array<i32>} : memref<40x128xf32, #tpu.memory_space<vmem>>, vector<1x16xf32>,
        %swap3A_131 = vector.shape_cast %swap3A_130 : vector<1x16xf32> to vector<16xf32>
        %swap3A_132 = vector.shape_cast %abs3A : vector<16xf32> to vector<1x16xf32>
        tpu.vector_store %arg12[%swap3A, %swap3A_129], %swap3A_132 {strides = array<i32>} : memref<40x128xf32, #tpu.memory_space<vmem>>, vector<1x16xf32>,
        %get3A_133 = arith.index_cast %scan3A_121 : i32 to index
        %get3A_134 = arith.constant 16 : index
        %get3A_135 = tpu.vector_load %arg8[%get3A_133, %get3A_134] {strides = array<i32>} : memref<40x128xf32, #tpu.memory_space<vmem>>, vector<1x16xf32>,
        %get3A_136 = vector.shape_cast %get3A_135 : vector<1x16xf32> to vector<16xf32>
        %get3A_137 = arith.index_cast %scan3A_121 : i32 to index
        %get3A_138 = arith.constant 16 : index
        %get3A_139 = tpu.vector_load %arg10[%get3A_137, %get3A_138] {strides = array<i32>} : memref<40x128xf32, #tpu.memory_space<vmem>>, vector<1x16xf32>,
        %get3A_140 = vector.shape_cast %get3A_139 : vector<1x16xf32> to vector<16xf32>
        %sub3A_141 = arith.subf %get3A_136, %get3A_140 : vector<16xf32>
        %abs3A_142 = math.absf %sub3A_141 : vector<16xf32>
        %swap3A_143 = arith.index_cast %scan3A_121 : i32 to index
        %swap3A_144 = arith.constant 16 : index
        %swap3A_145 = tpu.vector_load %arg12[%swap3A_143, %swap3A_144] {strides = array<i32>} : memref<40x128xf32, #tpu.memory_space<vmem>>, vector<1x16xf32>,
        %swap3A_146 = vector.shape_cast %swap3A_145 : vector<1x16xf32> to vector<16xf32>
        %swap3A_147 = vector.shape_cast %abs3A_142 : vector<16xf32> to vector<1x16xf32>
        tpu.vector_store %arg12[%swap3A_143, %swap3A_144], %swap3A_147 {strides = array<i32>} : memref<40x128xf32, #tpu.memory_space<vmem>>, vector<1x16xf32>,
        %get3A_148 = arith.index_cast %scan3A_121 : i32 to index
        %get3A_149 = arith.constant 32 : index
        %get3A_150 = tpu.vector_load %arg8[%get3A_148, %get3A_149] {strides = array<i32>} : memref<40x128xf32, #tpu.memory_space<vmem>>, vector<1x16xf32>,
        %get3A_151 = vector.shape_cast %get3A_150 : vector<1x16xf32> to vector<16xf32>
        %get3A_152 = arith.index_cast %scan3A_121 : i32 to index
        %get3A_153 = arith.constant 32 : index
        %get3A_154 = tpu.vector_load %arg10[%get3A_152, %get3A_153] {strides = array<i32>} : memref<40x128xf32, #tpu.memory_space<vmem>>, vector<1x16xf32>,
        %get3A_155 = vector.shape_cast %get3A_154 : vector<1x16xf32> to vector<16xf32>
        %sub3A_156 = arith.subf %get3A_151, %get3A_155 : vector<16xf32>
        %abs3A_157 = math.absf %sub3A_156 : vector<16xf32>
        %swap3A_158 = arith.index_cast %scan3A_121 : i32 to index
        %swap3A_159 = arith.constant 32 : index
        %swap3A_160 = tpu.vector_load %arg12[%swap3A_158, %swap3A_159] {strides = array<i32>} : memref<40x128xf32, #tpu.memory_space<vmem>>, vector<1x16xf32>,
        %swap3A_161 = vector.shape_cast %swap3A_160 : vector<1x16xf32> to vector<16xf32>
        %swap3A_162 = vector.shape_cast %abs3A_157 : vector<16xf32> to vector<1x16xf32>
        tpu.vector_store %arg12[%swap3A_158, %swap3A_159], %swap3A_162 {strides = array<i32>} : memref<40x128xf32, #tpu.memory_space<vmem>>, vector<1x16xf32>,
        %get3A_163 = arith.index_cast %scan3A_121 : i32 to index
        %get3A_164 = arith.constant 48 : index
        %get3A_165 = tpu.vector_load %arg8[%get3A_163, %get3A_164] {strides = array<i32>} : memref<40x128xf32, #tpu.memory_space<vmem>>, vector<1x16xf32>,
        %get3A_166 = vector.shape_cast %get3A_165 : vector<1x16xf32> to vector<16xf32>
        %get3A_167 = arith.index_cast %scan3A_121 : i32 to index
        %get3A_168 = arith.constant 48 : index
        %get3A_169 = tpu.vector_load %arg10[%get3A_167, %get3A_168] {strides = array<i32>} : memref<40x128xf32, #tpu.memory_space<vmem>>, vector<1x16xf32>,
        %get3A_170 = vector.shape_cast %get3A_169 : vector<1x16xf32> to vector<16xf32>
        %sub3A_171 = arith.subf %get3A_166, %get3A_170 : vector<16xf32>
        %abs3A_172 = math.absf %sub3A_171 : vector<16xf32>
        %swap3A_173 = arith.index_cast %scan3A_121 : i32 to index
        %swap3A_174 = arith.constant 48 : index
        %swap3A_175 = tpu.vector_load %arg12[%swap3A_173, %swap3A_174] {strides = array<i32>} : memref<40x128xf32, #tpu.memory_space<vmem>>, vector<1x16xf32>,
        %swap3A_176 = vector.shape_cast %swap3A_175 : vector<1x16xf32> to vector<16xf32>
        %swap3A_177 = vector.shape_cast %abs3A_172 : vector<16xf32> to vector<1x16xf32>
        tpu.vector_store %arg12[%swap3A_173, %swap3A_174], %swap3A_177 {strides = array<i32>} : memref<40x128xf32, #tpu.memory_space<vmem>>, vector<1x16xf32>,
        %get3A_178 = arith.index_cast %scan3A_121 : i32 to index
        %get3A_179 = arith.constant 64 : index
        %get3A_180 = tpu.vector_load %arg8[%get3A_178, %get3A_179] {strides = array<i32>} : memref<40x128xf32, #tpu.memory_space<vmem>>, vector<1x16xf32>,
        %get3A_181 = vector.shape_cast %get3A_180 : vector<1x16xf32> to vector<16xf32>
        %get3A_182 = arith.index_cast %scan3A_121 : i32 to index
        %get3A_183 = arith.constant 64 : index
        %get3A_184 = tpu.vector_load %arg10[%get3A_182, %get3A_183] {strides = array<i32>} : memref<40x128xf32, #tpu.memory_space<vmem>>, vector<1x16xf32>,
        %get3A_185 = vector.shape_cast %get3A_184 : vector<1x16xf32> to vector<16xf32>
        %sub3A_186 = arith.subf %get3A_181, %get3A_185 : vector<16xf32>
        %abs3A_187 = math.absf %sub3A_186 : vector<16xf32>
        %swap3A_188 = arith.index_cast %scan3A_121 : i32 to index
        %swap3A_189 = arith.constant 64 : index
        %swap3A_190 = tpu.vector_load %arg12[%swap3A_188, %swap3A_189] {strides = array<i32>} : memref<40x128xf32, #tpu.memory_space<vmem>>, vector<1x16xf32>,
        %swap3A_191 = vector.shape_cast %swap3A_190 : vector<1x16xf32> to vector<16xf32>
        %swap3A_192 = vector.shape_cast %abs3A_187 : vector<16xf32> to vector<1x16xf32>
        tpu.vector_store %arg12[%swap3A_188, %swap3A_189], %swap3A_192 {strides = array<i32>} : memref<40x128xf32, #tpu.memory_space<vmem>>, vector<1x16xf32>,
        %get3A_193 = arith.index_cast %scan3A_121 : i32 to index
        %get3A_194 = arith.constant 80 : index
        %get3A_195 = tpu.vector_load %arg8[%get3A_193, %get3A_194] {strides = array<i32>} : memref<40x128xf32, #tpu.memory_space<vmem>>, vector<1x16xf32>,
        %get3A_196 = vector.shape_cast %get3A_195 : vector<1x16xf32> to vector<16xf32>
        %get3A_197 = arith.index_cast %scan3A_121 : i32 to index
        %get3A_198 = arith.constant 80 : index
        %get3A_199 = tpu.vector_load %arg10[%get3A_197, %get3A_198] {strides = array<i32>} : memref<40x128xf32, #tpu.memory_space<vmem>>, vector<1x16xf32>,
        %get3A_200 = vector.shape_cast %get3A_199 : vector<1x16xf32> to vector<16xf32>
        %sub3A_201 = arith.subf %get3A_196, %get3A_200 : vector<16xf32>
        %abs3A_202 = math.absf %sub3A_201 : vector<16xf32>
        %swap3A_203 = arith.index_cast %scan3A_121 : i32 to index
        %swap3A_204 = arith.constant 80 : index
        %swap3A_205 = tpu.vector_load %arg12[%swap3A_203, %swap3A_204] {strides = array<i32>} : memref<40x128xf32, #tpu.memory_space<vmem>>, vector<1x16xf32>,
        %swap3A_206 = vector.shape_cast %swap3A_205 : vector<1x16xf32> to vector<16xf32>
        %swap3A_207 = vector.shape_cast %abs3A_202 : vector<16xf32> to vector<1x16xf32>
        tpu.vector_store %arg12[%swap3A_203, %swap3A_204], %swap3A_207 {strides = array<i32>} : memref<40x128xf32, #tpu.memory_space<vmem>>, vector<1x16xf32>,
        %get3A_208 = arith.index_cast %scan3A_121 : i32 to index
        %get3A_209 = arith.constant 96 : index
        %get3A_210 = tpu.vector_load %arg8[%get3A_208, %get3A_209] {strides = array<i32>} : memref<40x128xf32, #tpu.memory_space<vmem>>, vector<1x16xf32>,
        %get3A_211 = vector.shape_cast %get3A_210 : vector<1x16xf32> to vector<16xf32>
        %get3A_212 = arith.index_cast %scan3A_121 : i32 to index
        %get3A_213 = arith.constant 96 : index
        %get3A_214 = tpu.vector_load %arg10[%get3A_212, %get3A_213] {strides = array<i32>} : memref<40x128xf32, #tpu.memory_space<vmem>>, vector<1x16xf32>,
        %get3A_215 = vector.shape_cast %get3A_214 : vector<1x16xf32> to vector<16xf32>
        %sub3A_216 = arith.subf %get3A_211, %get3A_215 : vector<16xf32>
        %abs3A_217 = math.absf %sub3A_216 : vector<16xf32>
        %swap3A_218 = arith.index_cast %scan3A_121 : i32 to index
        %swap3A_219 = arith.constant 96 : index
        %swap3A_220 = tpu.vector_load %arg12[%swap3A_218, %swap3A_219] {strides = array<i32>} : memref<40x128xf32, #tpu.memory_space<vmem>>, vector<1x16xf32>,
        %swap3A_221 = vector.shape_cast %swap3A_220 : vector<1x16xf32> to vector<16xf32>
        %swap3A_222 = vector.shape_cast %abs3A_217 : vector<16xf32> to vector<1x16xf32>
        tpu.vector_store %arg12[%swap3A_218, %swap3A_219], %swap3A_222 {strides = array<i32>} : memref<40x128xf32, #tpu.memory_space<vmem>>, vector<1x16xf32>,
        %get3A_223 = arith.index_cast %scan3A_121 : i32 to index
        %get3A_224 = arith.constant 112 : index
        %get3A_225 = tpu.vector_load %arg8[%get3A_223, %get3A_224] {strides = array<i32>} : memref<40x128xf32, #tpu.memory_space<vmem>>, vector<1x16xf32>,
        %get3A_226 = vector.shape_cast %get3A_225 : vector<1x16xf32> to vector<16xf32>
        %get3A_227 = arith.index_cast %scan3A_121 : i32 to index
        %get3A_228 = arith.constant 112 : index
        %get3A_229 = tpu.vector_load %arg10[%get3A_227, %get3A_228] {strides = array<i32>} : memref<40x128xf32, #tpu.memory_space<vmem>>, vector<1x16xf32>,
        %get3A_230 = vector.shape_cast %get3A_229 : vector<1x16xf32> to vector<16xf32>
        %sub3A_231 = arith.subf %get3A_226, %get3A_230 : vector<16xf32>
        %abs3A_232 = math.absf %sub3A_231 : vector<16xf32>
        %swap3A_233 = arith.index_cast %scan3A_121 : i32 to index
        %swap3A_234 = arith.constant 112 : index
        %swap3A_235 = tpu.vector_load %arg12[%swap3A_233, %swap3A_234] {strides = array<i32>} : memref<40x128xf32, #tpu.memory_space<vmem>>, vector<1x16xf32>,
        %swap3A_236 = vector.shape_cast %swap3A_235 : vector<1x16xf32> to vector<16xf32>
        %swap3A_237 = vector.shape_cast %abs3A_232 : vector<16xf32> to vector<1x16xf32>
        tpu.vector_store %arg12[%swap3A_233, %swap3A_234], %swap3A_237 {strides = array<i32>} : memref<40x128xf32, #tpu.memory_space<vmem>>, vector<1x16xf32>,
      }
      %scan3A_66 = arith.constant 40 : i32
      %mul3A_67 = arith.constant 40 : i32
      %mul3A_68 = arith.muli %add3A_44, %mul3A_67 : i32
      %add3A_69 = arith.addi %mul3A_2, %mul3A_68 : i32
      %dma_start3A_70 = arith.constant 0 : i32
      %dma_start3A_71 = tpu.memref_slice %arg5[%add3A_69, %dma_start3A_70] : memref<64000x128xf32, #tpu.memory_space<hbm>> -> memref<40x128xf32, #tpu.memory_space<hbm>>
      %dma_start3A_72 = arith.constant 0 : i32
      %dma_start3A_73 = tpu.memref_slice %arg5[%add3A_69, %dma_start3A_72] : memref<64000x128xf32, #tpu.memory_space<hbm>> -> memref<40x128xf32, #tpu.memory_space<hbm>>
      tpu.enqueue_dma source(%arg12 : memref<40x128xf32, #tpu.memory_space<vmem>>) target(%dma_start3A_73 : memref<40x128xf32, #tpu.memory_space<hbm>>) target_semaphore(%arg19 : memref<!tpu.dma_semaphore, #tpu.memory_space<semaphore_mem>>)
      %add3A_74 = arith.constant 2 : i32
      %add3A_75 = arith.addi %add3A_44, %add3A_74 : i32
      %lt3A = arith.constant 50 : i32
      %lt3A_76 = arith.cmpi slt, %add3A_75, %lt3A : i32
      %convert_element_type3A_77 = arith.extui %lt3A_76 : i1 to i32
      %cond3A_78 = arith.constant 0 : i32
      %cond3A_79 = arith.cmpi ne, %convert_element_type3A_77, %cond3A_78 : i32
      scf.if %cond3A_79 {
        %add3A_121 = arith.constant 2 : i32
        %add3A_122 = arith.addi %add3A_44, %add3A_121 : i32
        %mul3A_123 = arith.constant 40 : i32
        %mul3A_124 = arith.muli %add3A_122, %mul3A_123 : i32
        %dma_start3A_125 = tpu.memref_slice %arg6[%mul3A_124] : memref<2000xi32, #tpu.memory_space<vmem>> -> memref<40xi32, #tpu.memory_space<vmem>>
        %dma_start3A_126 = arith.constant 0 : i32
        %dma_start3A_127 = arith.constant 0 : i32
        %dma_start3A_128 = tpu.memref_slice %arg14[%dma_start3A_126, %dma_start3A_127] : memref<10000x128xf32, #tpu.memory_space<vmem_shared>> -> memref<10000x128xf32, #tpu.memory_space<vmem_shared>>
        tpu.enqueue_indirect_dma source(%dma_start3A_128 : memref<10000x128xf32, #tpu.memory_space<vmem_shared>>) target(%arg8 : memref<40x128xf32, #tpu.memory_space<vmem>>) offsets(%dma_start3A_125 : memref<40xi32, #tpu.memory_space<vmem>>) semaphore(%arg15 : memref<!tpu.dma_semaphore, #tpu.memory_space<semaphore_mem>>)
        %dma_start3A_129 = tpu.memref_slice %arg7[%mul3A_124] : memref<2000xi32, #tpu.memory_space<vmem>> -> memref<40xi32, #tpu.memory_space<vmem>>
        %dma_start3A_130 = arith.constant 0 : i32
        %dma_start3A_131 = arith.constant 0 : i32
        %dma_start3A_132 = tpu.memref_slice %arg14[%dma_start3A_130, %dma_start3A_131] : memref<10000x128xf32, #tpu.memory_space<vmem_shared>> -> memref<10000x128xf32, #tpu.memory_space<vmem_shared>>
        tpu.enqueue_indirect_dma source(%dma_start3A_132 : memref<10000x128xf32, #tpu.memory_space<vmem_shared>>) target(%arg10 : memref<40x128xf32, #tpu.memory_space<vmem>>) offsets(%dma_start3A_129 : memref<40xi32, #tpu.memory_space<vmem>>) semaphore(%arg17 : memref<!tpu.dma_semaphore, #tpu.memory_space<semaphore_mem>>)
      } else {
      }
      %mul3A_80 = arith.constant 2 : i32
      %mul3A_81 = arith.muli %scan3A_40, %mul3A_80 : i32
      %add3A_82 = arith.constant 1 : i32
      %add3A_83 = arith.addi %mul3A_81, %add3A_82 : i32
      %dma_wait3A_84 = arith.constant 0 : i32
      %dma_wait3A_85 = arith.constant 0 : i32
      %dma_wait3A_86 = tpu.memref_slice %arg5[%dma_wait3A_84, %dma_wait3A_85] : memref<64000x128xf32, #tpu.memory_space<hbm>> -> memref<40x128xf32, #tpu.memory_space<hbm>>
      %dma_wait3A_87 = arith.constant 0 : i32
      %dma_wait3A_88 = arith.constant 0 : i32
      %dma_wait3A_89 = tpu.memref_slice %arg5[%dma_wait3A_87, %dma_wait3A_88] : memref<64000x128xf32, #tpu.memory_space<hbm>> -> memref<40x128xf32, #tpu.memory_space<hbm>>
      tpu.wait_dma2 semaphore(%arg16 : memref<!tpu.dma_semaphore, #tpu.memory_space<semaphore_mem>>) src(%dma_wait3A_89 : memref<40x128xf32, #tpu.memory_space<hbm>>) dst(%arg9 : memref<40x128xf32, #tpu.memory_space<vmem>>)
      %dma_wait3A_90 = arith.constant 0 : i32
      %dma_wait3A_91 = arith.constant 0 : i32
      %dma_wait3A_92 = tpu.memref_slice %arg5[%dma_wait3A_90, %dma_wait3A_91] : memref<64000x128xf32, #tpu.memory_space<hbm>> -> memref<40x128xf32, #tpu.memory_space<hbm>>
      %dma_wait3A_93 = arith.constant 0 : i32
      %dma_wait3A_94 = arith.constant 0 : i32
      %dma_wait3A_95 = tpu.memref_slice %arg5[%dma_wait3A_93, %dma_wait3A_94] : memref<64000x128xf32, #tpu.memory_space<hbm>> -> memref<40x128xf32, #tpu.memory_space<hbm>>
      tpu.wait_dma2 semaphore(%arg18 : memref<!tpu.dma_semaphore, #tpu.memory_space<semaphore_mem>>) src(%dma_wait3A_95 : memref<40x128xf32, #tpu.memory_space<hbm>>) dst(%arg11 : memref<40x128xf32, #tpu.memory_space<vmem>>)
      %gt3A_96 = arith.constant 0 : i32
      %gt3A_97 = arith.cmpi sgt, %scan3A_40, %gt3A_96 : i32
      %convert_element_type3A_98 = arith.extui %gt3A_97 : i1 to i32
      %cond3A_99 = arith.constant 0 : i32
      %cond3A_100 = arith.cmpi ne, %convert_element_type3A_98, %cond3A_99 : i32
      scf.if %cond3A_100 {
        %dma_wait3A_121 = arith.constant 0 : i32
        %dma_wait3A_122 = arith.constant 0 : i32
        %dma_wait3A_123 = tpu.memref_slice %arg5[%dma_wait3A_121, %dma_wait3A_122] : memref<64000x128xf32, #tpu.memory_space<hbm>> -> memref<40x128xf32, #tpu.memory_space<hbm>>
        %dma_wait3A_124 = arith.constant 0 : i32
        %dma_wait3A_125 = arith.constant 0 : i32
        %dma_wait3A_126 = tpu.memref_slice %arg5[%dma_wait3A_124, %dma_wait3A_125] : memref<64000x128xf32, #tpu.memory_space<hbm>> -> memref<40x128xf32, #tpu.memory_space<hbm>>
        tpu.wait_dma2 semaphore(%arg20 : memref<!tpu.dma_semaphore, #tpu.memory_space<semaphore_mem>>) src(%arg13 : memref<40x128xf32, #tpu.memory_space<vmem>>) dst(%dma_wait3A_126 : memref<40x128xf32, #tpu.memory_space<hbm>>)
      } else {
      }
      %scan3A_101 = arith.constant 0 : i32
      %scan3A_102 = arith.constant 0 : i32
      %scan3A_103 = arith.constant 40 : i32
      %scan3A_104 = arith.addi %scan3A_102, %scan3A_103 : i32
      %scan3A_105 = arith.constant 1 : i32
      scf.for %scan3A_121 = %scan3A_102 to %scan3A_104 step %scan3A_105  : i32 {
        %get3A = arith.index_cast %scan3A_121 : i32 to index
        %get3A_122 = arith.constant 0 : index
        %get3A_123 = tpu.vector_load %arg9[%get3A, %get3A_122] {strides = array<i32>} : memref<40x128xf32, #tpu.memory_space<vmem>>, vector<1x16xf32>,
        %get3A_124 = vector.shape_cast %get3A_123 : vector<1x16xf32> to vector<16xf32>
        %get3A_125 = arith.index_cast %scan3A_121 : i32 to index
        %get3A_126 = arith.constant 0 : index
        %get3A_127 = tpu.vector_load %arg11[%get3A_125, %get3A_126] {strides = array<i32>} : memref<40x128xf32, #tpu.memory_space<vmem>>, vector<1x16xf32>,
        %get3A_128 = vector.shape_cast %get3A_127 : vector<1x16xf32> to vector<16xf32>
        %sub3A = arith.subf %get3A_124, %get3A_128 : vector<16xf32>
        %abs3A = math.absf %sub3A : vector<16xf32>
        %swap3A = arith.index_cast %scan3A_121 : i32 to index
        %swap3A_129 = arith.constant 0 : index
        %swap3A_130 = tpu.vector_load %arg13[%swap3A, %swap3A_129] {strides = array<i32>} : memref<40x128xf32, #tpu.memory_space<vmem>>, vector<1x16xf32>,
        %swap3A_131 = vector.shape_cast %swap3A_130 : vector<1x16xf32> to vector<16xf32>
        %swap3A_132 = vector.shape_cast %abs3A : vector<16xf32> to vector<1x16xf32>
        tpu.vector_store %arg13[%swap3A, %swap3A_129], %swap3A_132 {strides = array<i32>} : memref<40x128xf32, #tpu.memory_space<vmem>>, vector<1x16xf32>,
        %get3A_133 = arith.index_cast %scan3A_121 : i32 to index
        %get3A_134 = arith.constant 16 : index
        %get3A_135 = tpu.vector_load %arg9[%get3A_133, %get3A_134] {strides = array<i32>} : memref<40x128xf32, #tpu.memory_space<vmem>>, vector<1x16xf32>,
        %get3A_136 = vector.shape_cast %get3A_135 : vector<1x16xf32> to vector<16xf32>
        %get3A_137 = arith.index_cast %scan3A_121 : i32 to index
        %get3A_138 = arith.constant 16 : index
        %get3A_139 = tpu.vector_load %arg11[%get3A_137, %get3A_138] {strides = array<i32>} : memref<40x128xf32, #tpu.memory_space<vmem>>, vector<1x16xf32>,
        %get3A_140 = vector.shape_cast %get3A_139 : vector<1x16xf32> to vector<16xf32>
        %sub3A_141 = arith.subf %get3A_136, %get3A_140 : vector<16xf32>
        %abs3A_142 = math.absf %sub3A_141 : vector<16xf32>
        %swap3A_143 = arith.index_cast %scan3A_121 : i32 to index
        %swap3A_144 = arith.constant 16 : index
        %swap3A_145 = tpu.vector_load %arg13[%swap3A_143, %swap3A_144] {strides = array<i32>} : memref<40x128xf32, #tpu.memory_space<vmem>>, vector<1x16xf32>,
        %swap3A_146 = vector.shape_cast %swap3A_145 : vector<1x16xf32> to vector<16xf32>
        %swap3A_147 = vector.shape_cast %abs3A_142 : vector<16xf32> to vector<1x16xf32>
        tpu.vector_store %arg13[%swap3A_143, %swap3A_144], %swap3A_147 {strides = array<i32>} : memref<40x128xf32, #tpu.memory_space<vmem>>, vector<1x16xf32>,
        %get3A_148 = arith.index_cast %scan3A_121 : i32 to index
        %get3A_149 = arith.constant 32 : index
        %get3A_150 = tpu.vector_load %arg9[%get3A_148, %get3A_149] {strides = array<i32>} : memref<40x128xf32, #tpu.memory_space<vmem>>, vector<1x16xf32>,
        %get3A_151 = vector.shape_cast %get3A_150 : vector<1x16xf32> to vector<16xf32>
        %get3A_152 = arith.index_cast %scan3A_121 : i32 to index
        %get3A_153 = arith.constant 32 : index
        %get3A_154 = tpu.vector_load %arg11[%get3A_152, %get3A_153] {strides = array<i32>} : memref<40x128xf32, #tpu.memory_space<vmem>>, vector<1x16xf32>,
        %get3A_155 = vector.shape_cast %get3A_154 : vector<1x16xf32> to vector<16xf32>
        %sub3A_156 = arith.subf %get3A_151, %get3A_155 : vector<16xf32>
        %abs3A_157 = math.absf %sub3A_156 : vector<16xf32>
        %swap3A_158 = arith.index_cast %scan3A_121 : i32 to index
        %swap3A_159 = arith.constant 32 : index
        %swap3A_160 = tpu.vector_load %arg13[%swap3A_158, %swap3A_159] {strides = array<i32>} : memref<40x128xf32, #tpu.memory_space<vmem>>, vector<1x16xf32>,
        %swap3A_161 = vector.shape_cast %swap3A_160 : vector<1x16xf32> to vector<16xf32>
        %swap3A_162 = vector.shape_cast %abs3A_157 : vector<16xf32> to vector<1x16xf32>
        tpu.vector_store %arg13[%swap3A_158, %swap3A_159], %swap3A_162 {strides = array<i32>} : memref<40x128xf32, #tpu.memory_space<vmem>>, vector<1x16xf32>,
        %get3A_163 = arith.index_cast %scan3A_121 : i32 to index
        %get3A_164 = arith.constant 48 : index
        %get3A_165 = tpu.vector_load %arg9[%get3A_163, %get3A_164] {strides = array<i32>} : memref<40x128xf32, #tpu.memory_space<vmem>>, vector<1x16xf32>,
        %get3A_166 = vector.shape_cast %get3A_165 : vector<1x16xf32> to vector<16xf32>
        %get3A_167 = arith.index_cast %scan3A_121 : i32 to index
        %get3A_168 = arith.constant 48 : index
        %get3A_169 = tpu.vector_load %arg11[%get3A_167, %get3A_168] {strides = array<i32>} : memref<40x128xf32, #tpu.memory_space<vmem>>, vector<1x16xf32>,
        %get3A_170 = vector.shape_cast %get3A_169 : vector<1x16xf32> to vector<16xf32>
        %sub3A_171 = arith.subf %get3A_166, %get3A_170 : vector<16xf32>
        %abs3A_172 = math.absf %sub3A_171 : vector<16xf32>
        %swap3A_173 = arith.index_cast %scan3A_121 : i32 to index
        %swap3A_174 = arith.constant 48 : index
        %swap3A_175 = tpu.vector_load %arg13[%swap3A_173, %swap3A_174] {strides = array<i32>} : memref<40x128xf32, #tpu.memory_space<vmem>>, vector<1x16xf32>,
        %swap3A_176 = vector.shape_cast %swap3A_175 : vector<1x16xf32> to vector<16xf32>
        %swap3A_177 = vector.shape_cast %abs3A_172 : vector<16xf32> to vector<1x16xf32>
        tpu.vector_store %arg13[%swap3A_173, %swap3A_174], %swap3A_177 {strides = array<i32>} : memref<40x128xf32, #tpu.memory_space<vmem>>, vector<1x16xf32>,
        %get3A_178 = arith.index_cast %scan3A_121 : i32 to index
        %get3A_179 = arith.constant 64 : index
        %get3A_180 = tpu.vector_load %arg9[%get3A_178, %get3A_179] {strides = array<i32>} : memref<40x128xf32, #tpu.memory_space<vmem>>, vector<1x16xf32>,
        %get3A_181 = vector.shape_cast %get3A_180 : vector<1x16xf32> to vector<16xf32>
        %get3A_182 = arith.index_cast %scan3A_121 : i32 to index
        %get3A_183 = arith.constant 64 : index
        %get3A_184 = tpu.vector_load %arg11[%get3A_182, %get3A_183] {strides = array<i32>} : memref<40x128xf32, #tpu.memory_space<vmem>>, vector<1x16xf32>,
        %get3A_185 = vector.shape_cast %get3A_184 : vector<1x16xf32> to vector<16xf32>
        %sub3A_186 = arith.subf %get3A_181, %get3A_185 : vector<16xf32>
        %abs3A_187 = math.absf %sub3A_186 : vector<16xf32>
        %swap3A_188 = arith.index_cast %scan3A_121 : i32 to index
        %swap3A_189 = arith.constant 64 : index
        %swap3A_190 = tpu.vector_load %arg13[%swap3A_188, %swap3A_189] {strides = array<i32>} : memref<40x128xf32, #tpu.memory_space<vmem>>, vector<1x16xf32>,
        %swap3A_191 = vector.shape_cast %swap3A_190 : vector<1x16xf32> to vector<16xf32>
        %swap3A_192 = vector.shape_cast %abs3A_187 : vector<16xf32> to vector<1x16xf32>
        tpu.vector_store %arg13[%swap3A_188, %swap3A_189], %swap3A_192 {strides = array<i32>} : memref<40x128xf32, #tpu.memory_space<vmem>>, vector<1x16xf32>,
        %get3A_193 = arith.index_cast %scan3A_121 : i32 to index
        %get3A_194 = arith.constant 80 : index
        %get3A_195 = tpu.vector_load %arg9[%get3A_193, %get3A_194] {strides = array<i32>} : memref<40x128xf32, #tpu.memory_space<vmem>>, vector<1x16xf32>,
        %get3A_196 = vector.shape_cast %get3A_195 : vector<1x16xf32> to vector<16xf32>
        %get3A_197 = arith.index_cast %scan3A_121 : i32 to index
        %get3A_198 = arith.constant 80 : index
        %get3A_199 = tpu.vector_load %arg11[%get3A_197, %get3A_198] {strides = array<i32>} : memref<40x128xf32, #tpu.memory_space<vmem>>, vector<1x16xf32>,
        %get3A_200 = vector.shape_cast %get3A_199 : vector<1x16xf32> to vector<16xf32>
        %sub3A_201 = arith.subf %get3A_196, %get3A_200 : vector<16xf32>
        %abs3A_202 = math.absf %sub3A_201 : vector<16xf32>
        %swap3A_203 = arith.index_cast %scan3A_121 : i32 to index
        %swap3A_204 = arith.constant 80 : index
        %swap3A_205 = tpu.vector_load %arg13[%swap3A_203, %swap3A_204] {strides = array<i32>} : memref<40x128xf32, #tpu.memory_space<vmem>>, vector<1x16xf32>,
        %swap3A_206 = vector.shape_cast %swap3A_205 : vector<1x16xf32> to vector<16xf32>
        %swap3A_207 = vector.shape_cast %abs3A_202 : vector<16xf32> to vector<1x16xf32>
        tpu.vector_store %arg13[%swap3A_203, %swap3A_204], %swap3A_207 {strides = array<i32>} : memref<40x128xf32, #tpu.memory_space<vmem>>, vector<1x16xf32>,
        %get3A_208 = arith.index_cast %scan3A_121 : i32 to index
        %get3A_209 = arith.constant 96 : index
        %get3A_210 = tpu.vector_load %arg9[%get3A_208, %get3A_209] {strides = array<i32>} : memref<40x128xf32, #tpu.memory_space<vmem>>, vector<1x16xf32>,
        %get3A_211 = vector.shape_cast %get3A_210 : vector<1x16xf32> to vector<16xf32>
        %get3A_212 = arith.index_cast %scan3A_121 : i32 to index
        %get3A_213 = arith.constant 96 : index
        %get3A_214 = tpu.vector_load %arg11[%get3A_212, %get3A_213] {strides = array<i32>} : memref<40x128xf32, #tpu.memory_space<vmem>>, vector<1x16xf32>,
        %get3A_215 = vector.shape_cast %get3A_214 : vector<1x16xf32> to vector<16xf32>
        %sub3A_216 = arith.subf %get3A_211, %get3A_215 : vector<16xf32>
        %abs3A_217 = math.absf %sub3A_216 : vector<16xf32>
        %swap3A_218 = arith.index_cast %scan3A_121 : i32 to index
        %swap3A_219 = arith.constant 96 : index
        %swap3A_220 = tpu.vector_load %arg13[%swap3A_218, %swap3A_219] {strides = array<i32>} : memref<40x128xf32, #tpu.memory_space<vmem>>, vector<1x16xf32>,
        %swap3A_221 = vector.shape_cast %swap3A_220 : vector<1x16xf32> to vector<16xf32>
        %swap3A_222 = vector.shape_cast %abs3A_217 : vector<16xf32> to vector<1x16xf32>
        tpu.vector_store %arg13[%swap3A_218, %swap3A_219], %swap3A_222 {strides = array<i32>} : memref<40x128xf32, #tpu.memory_space<vmem>>, vector<1x16xf32>,
        %get3A_223 = arith.index_cast %scan3A_121 : i32 to index
        %get3A_224 = arith.constant 112 : index
        %get3A_225 = tpu.vector_load %arg9[%get3A_223, %get3A_224] {strides = array<i32>} : memref<40x128xf32, #tpu.memory_space<vmem>>, vector<1x16xf32>,
        %get3A_226 = vector.shape_cast %get3A_225 : vector<1x16xf32> to vector<16xf32>
        %get3A_227 = arith.index_cast %scan3A_121 : i32 to index
        %get3A_228 = arith.constant 112 : index
        %get3A_229 = tpu.vector_load %arg11[%get3A_227, %get3A_228] {strides = array<i32>} : memref<40x128xf32, #tpu.memory_space<vmem>>, vector<1x16xf32>,
        %get3A_230 = vector.shape_cast %get3A_229 : vector<1x16xf32> to vector<16xf32>
        %sub3A_231 = arith.subf %get3A_226, %get3A_230 : vector<16xf32>
        %abs3A_232 = math.absf %sub3A_231 : vector<16xf32>
        %swap3A_233 = arith.index_cast %scan3A_121 : i32 to index
        %swap3A_234 = arith.constant 112 : index
        %swap3A_235 = tpu.vector_load %arg13[%swap3A_233, %swap3A_234] {strides = array<i32>} : memref<40x128xf32, #tpu.memory_space<vmem>>, vector<1x16xf32>,
        %swap3A_236 = vector.shape_cast %swap3A_235 : vector<1x16xf32> to vector<16xf32>
        %swap3A_237 = vector.shape_cast %abs3A_232 : vector<16xf32> to vector<1x16xf32>
        tpu.vector_store %arg13[%swap3A_233, %swap3A_234], %swap3A_237 {strides = array<i32>} : memref<40x128xf32, #tpu.memory_space<vmem>>, vector<1x16xf32>,
      }
      %scan3A_106 = arith.constant 40 : i32
      %mul3A_107 = arith.constant 40 : i32
      %mul3A_108 = arith.muli %add3A_83, %mul3A_107 : i32
      %add3A_109 = arith.addi %mul3A_2, %mul3A_108 : i32
      %dma_start3A_110 = arith.constant 0 : i32
      %dma_start3A_111 = tpu.memref_slice %arg5[%add3A_109, %dma_start3A_110] : memref<64000x128xf32, #tpu.memory_space<hbm>> -> memref<40x128xf32, #tpu.memory_space<hbm>>
      %dma_start3A_112 = arith.constant 0 : i32
      %dma_start3A_113 = tpu.memref_slice %arg5[%add3A_109, %dma_start3A_112] : memref<64000x128xf32, #tpu.memory_space<hbm>> -> memref<40x128xf32, #tpu.memory_space<hbm>>
      tpu.enqueue_dma source(%arg13 : memref<40x128xf32, #tpu.memory_space<vmem>>) target(%dma_start3A_113 : memref<40x128xf32, #tpu.memory_space<hbm>>) target_semaphore(%arg20 : memref<!tpu.dma_semaphore, #tpu.memory_space<semaphore_mem>>)
      %add3A_114 = arith.constant 2 : i32
      %add3A_115 = arith.addi %add3A_83, %add3A_114 : i32
      %lt3A_116 = arith.constant 50 : i32
      %lt3A_117 = arith.cmpi slt, %add3A_115, %lt3A_116 : i32
      %convert_element_type3A_118 = arith.extui %lt3A_117 : i1 to i32
      %cond3A_119 = arith.constant 0 : i32
      %cond3A_120 = arith.cmpi ne, %convert_element_type3A_118, %cond3A_119 : i32
      scf.if %cond3A_120 {
        %add3A_121 = arith.constant 2 : i32
        %add3A_122 = arith.addi %add3A_83, %add3A_121 : i32
        %mul3A_123 = arith.constant 40 : i32
        %mul3A_124 = arith.muli %add3A_122, %mul3A_123 : i32
        %dma_start3A_125 = tpu.memref_slice %arg6[%mul3A_124] : memref<2000xi32, #tpu.memory_space<vmem>> -> memref<40xi32, #tpu.memory_space<vmem>>
        %dma_start3A_126 = arith.constant 0 : i32
        %dma_start3A_127 = arith.constant 0 : i32
        %dma_start3A_128 = tpu.memref_slice %arg14[%dma_start3A_126, %dma_start3A_127] : memref<10000x128xf32, #tpu.memory_space<vmem_shared>> -> memref<10000x128xf32, #tpu.memory_space<vmem_shared>>
        tpu.enqueue_indirect_dma source(%dma_start3A_128 : memref<10000x128xf32, #tpu.memory_space<vmem_shared>>) target(%arg9 : memref<40x128xf32, #tpu.memory_space<vmem>>) offsets(%dma_start3A_125 : memref<40xi32, #tpu.memory_space<vmem>>) semaphore(%arg16 : memref<!tpu.dma_semaphore, #tpu.memory_space<semaphore_mem>>)
        %dma_start3A_129 = tpu.memref_slice %arg7[%mul3A_124] : memref<2000xi32, #tpu.memory_space<vmem>> -> memref<40xi32, #tpu.memory_space<vmem>>
        %dma_start3A_130 = arith.constant 0 : i32
        %dma_start3A_131 = arith.constant 0 : i32
        %dma_start3A_132 = tpu.memref_slice %arg14[%dma_start3A_130, %dma_start3A_131] : memref<10000x128xf32, #tpu.memory_space<vmem_shared>> -> memref<10000x128xf32, #tpu.memory_space<vmem_shared>>
        tpu.enqueue_indirect_dma source(%dma_start3A_132 : memref<10000x128xf32, #tpu.memory_space<vmem_shared>>) target(%arg11 : memref<40x128xf32, #tpu.memory_space<vmem>>) offsets(%dma_start3A_129 : memref<40xi32, #tpu.memory_space<vmem>>) semaphore(%arg18 : memref<!tpu.dma_semaphore, #tpu.memory_space<semaphore_mem>>)
      } else {
      }
    }
    %scan3A_28 = arith.constant 25 : i32
    %dma_wait3A = arith.constant 0 : i32
    %dma_wait3A_29 = arith.constant 0 : i32
    %dma_wait3A_30 = tpu.memref_slice %arg5[%dma_wait3A, %dma_wait3A_29] : memref<64000x128xf32, #tpu.memory_space<hbm>> -> memref<40x128xf32, #tpu.memory_space<hbm>>
    %dma_wait3A_31 = arith.constant 0 : i32
    %dma_wait3A_32 = arith.constant 0 : i32
    %dma_wait3A_33 = tpu.memref_slice %arg5[%dma_wait3A_31, %dma_wait3A_32] : memref<64000x128xf32, #tpu.memory_space<hbm>> -> memref<40x128xf32, #tpu.memory_space<hbm>>
    tpu.wait_dma2 semaphore(%arg19 : memref<!tpu.dma_semaphore, #tpu.memory_space<semaphore_mem>>) src(%arg12 : memref<40x128xf32, #tpu.memory_space<vmem>>) dst(%dma_wait3A_33 : memref<40x128xf32, #tpu.memory_space<hbm>>)
    %dma_wait3A_34 = arith.constant 0 : i32
    %dma_wait3A_35 = arith.constant 0 : i32
    %dma_wait3A_36 = tpu.memref_slice %arg5[%dma_wait3A_34, %dma_wait3A_35] : memref<64000x128xf32, #tpu.memory_space<hbm>> -> memref<40x128xf32, #tpu.memory_space<hbm>>
    %dma_wait3A_37 = arith.constant 0 : i32
    %dma_wait3A_38 = arith.constant 0 : i32
    %dma_wait3A_39 = tpu.memref_slice %arg5[%dma_wait3A_37, %dma_wait3A_38] : memref<64000x128xf32, #tpu.memory_space<hbm>> -> memref<40x128xf32, #tpu.memory_space<hbm>>
    tpu.wait_dma2 semaphore(%arg20 : memref<!tpu.dma_semaphore, #tpu.memory_space<semaphore_mem>>) src(%arg13 : memref<40x128xf32, #tpu.memory_space<vmem>>) dst(%dma_wait3A_39 : memref<40x128xf32, #tpu.memory_space<hbm>>)
    return
  }
}

module attributes {stable_mosaic.version = 14 : i64} {
  func.func @_mlp_body(%arg0: i32, %arg1: memref<6400x128xf32, #tpu.memory_space<vmem>>, %arg2: memref<128x64xf32, #tpu.memory_space<vmem>>, %arg3: memref<1x64xf32, #tpu.memory_space<vmem>>, %arg4: memref<64x1xf32, #tpu.memory_space<vmem>>, %arg5: memref<1x1xf32, #tpu.memory_space<vmem>>, %arg6: memref<1x50x128xf32, #tpu.memory_space<vmem>>) attributes {dimension_semantics = [#tpu.dimension_semantics<arbitrary>], iteration_bounds = array<i64: 10>, scalar_prefetch = 0 : i64, scratch_operands = 0 : i64, tpu.core_type = #tpu.core_type<tc>, window_params = [{transform_indices = @transform_0, window_bounds = array<i64: 6400, 128>}, {pipeline_mode = #tpu.pipeline_mode<synchronous>, transform_indices = @transform_1, window_bounds = array<i64: 128, 64>}, {pipeline_mode = #tpu.pipeline_mode<synchronous>, transform_indices = @transform_2, window_bounds = array<i64: 1, 64>}, {pipeline_mode = #tpu.pipeline_mode<synchronous>, transform_indices = @transform_3, window_bounds = array<i64: 64, 1>}, {pipeline_mode = #tpu.pipeline_mode<synchronous>, transform_indices = @transform_4, window_bounds = array<i64: 1, 1>}, {transform_indices = @transform_5, window_bounds = array<i64: 1, 50, 128>}]} {
    %get3A = arith.constant 0 : index
    %get3A_0 = arith.constant 0 : index
    %get3A_1 = vector.load %arg1[%get3A, %get3A_0] : memref<6400x128xf32, #tpu.memory_space<vmem>>, vector<6400x128xf32>
    %get3A_2 = arith.constant 0 : index
    %get3A_3 = arith.constant 0 : index
    %get3A_4 = vector.load %arg2[%get3A_2, %get3A_3] : memref<128x64xf32, #tpu.memory_space<vmem>>, vector<128x64xf32>
    %dot_general3A = arith.constant dense<0.000000e+00> : vector<6400x64xf32>
    %dot_general3A_5 = tpu.matmul %get3A_1, %get3A_4, %dot_general3A {dimension_numbers = #tpu.dot_dimension_numbers<[1], [0], [0], [1], [0, 0, 1, 1], [], []>, transpose_lhs_hint = false} : vector<6400x128xf32>, vector<128x64xf32>, vector<6400x64xf32> -> vector<6400x64xf32>
    %get3A_6 = arith.constant 0 : index
    %get3A_7 = arith.constant 0 : index
    %get3A_8 = vector.load %arg3[%get3A_6, %get3A_7] : memref<1x64xf32, #tpu.memory_space<vmem>>, vector<1x64xf32>
    %add3A = vector.broadcast %get3A_8 : vector<1x64xf32> to vector<6400x64xf32>
    %add3A_9 = arith.addf %dot_general3A_5, %add3A : vector<6400x64xf32>
    %max3A = arith.constant 0.000000e+00 : f32
    %max3A_10 = vector.broadcast %max3A : f32 to vector<6400x64xf32>
    %max3A_11 = arith.maximumf %add3A_9, %max3A_10 : vector<6400x64xf32>
    %get3A_12 = arith.constant 0 : index
    %get3A_13 = arith.constant 0 : index
    %get3A_14 = vector.load %arg4[%get3A_12, %get3A_13] : memref<64x1xf32, #tpu.memory_space<vmem>>, vector<64x1xf32>
    %dot_general3A_15 = arith.constant dense<0.000000e+00> : vector<6400x1xf32>
    %dot_general3A_16 = tpu.matmul %max3A_11, %get3A_14, %dot_general3A_15 {dimension_numbers = #tpu.dot_dimension_numbers<[1], [0], [0], [1], [0, 0, 1, 1], [], []>, transpose_lhs_hint = false} : vector<6400x64xf32>, vector<64x1xf32>, vector<6400x1xf32> -> vector<6400x1xf32>
    %reshape3A = vector.shape_cast %dot_general3A_16 : vector<6400x1xf32> to vector<1x50x128xf32>
    %get3A_17 = arith.constant 0 : index
    %get3A_18 = arith.constant 0 : index
    %get3A_19 = vector.load %arg5[%get3A_17, %get3A_18] : memref<1x1xf32, #tpu.memory_space<vmem>>, vector<1x1xf32>
    %broadcast_in_dim3A = vector.shape_cast %get3A_19 : vector<1x1xf32> to vector<1x1x1xf32>
    %add3A_20 = vector.broadcast %broadcast_in_dim3A : vector<1x1x1xf32> to vector<1x50x128xf32>
    %add3A_21 = arith.addf %reshape3A, %add3A_20 : vector<1x50x128xf32>
    %logistic3A = arith.negf %add3A_21 : vector<1x50x128xf32>
    %logistic3A_22 = math.exp %logistic3A : vector<1x50x128xf32>
    %logistic3A_23 = arith.constant 1.000000e+00 : f32
    %logistic3A_24 = vector.broadcast %logistic3A_23 : f32 to vector<1x50x128xf32>
    %logistic3A_25 = arith.addf %logistic3A_24, %logistic3A_22 : vector<1x50x128xf32>
    %logistic3A_26 = arith.divf %logistic3A_24, %logistic3A_25 : vector<1x50x128xf32>
    %swap3A = arith.constant 0 : index
    %swap3A_27 = arith.constant 0 : index
    %swap3A_28 = arith.constant 0 : index
    %swap3A_29 = vector.load %arg6[%swap3A, %swap3A_27, %swap3A_28] : memref<1x50x128xf32, #tpu.memory_space<vmem>>, vector<1x50x128xf32>
    tpu.vector_store %arg6[%swap3A, %swap3A_27, %swap3A_28], %logistic3A_26 {strides = array<i32>} : memref<1x50x128xf32, #tpu.memory_space<vmem>>, vector<1x50x128xf32>,
    return
  }
  func.func @transform_0(%arg0: i32) -> (i32, i32) {
    %c0_i32 = arith.constant 0 : i32
    %c0_i32_0 = arith.constant 0 : i32
    return %arg0, %c0_i32 : i32, i32
  }
  func.func @transform_1(%arg0: i32) -> (i32, i32) {
    %c0_i32 = arith.constant 0 : i32
    %c0_i32_0 = arith.constant 0 : i32
    %c0_i32_1 = arith.constant 0 : i32
    return %c0_i32, %c0_i32_0 : i32, i32
  }
  func.func @transform_2(%arg0: i32) -> (i32, i32) {
    %c0_i32 = arith.constant 0 : i32
    %c0_i32_0 = arith.constant 0 : i32
    %c0_i32_1 = arith.constant 0 : i32
    return %c0_i32, %c0_i32_0 : i32, i32
  }
  func.func @transform_3(%arg0: i32) -> (i32, i32) {
    %c0_i32 = arith.constant 0 : i32
    %c0_i32_0 = arith.constant 0 : i32
    %c0_i32_1 = arith.constant 0 : i32
    return %c0_i32, %c0_i32_0 : i32, i32
  }
  func.func @transform_4(%arg0: i32) -> (i32, i32) {
    %c0_i32 = arith.constant 0 : i32
    %c0_i32_0 = arith.constant 0 : i32
    %c0_i32_1 = arith.constant 0 : i32
    return %c0_i32, %c0_i32_0 : i32, i32
  }
  func.func @transform_5(%arg0: i32) -> (i32, i32, i32) {
    %c0_i32 = arith.constant 0 : i32
    %c0_i32_0 = arith.constant 0 : i32
    %c0_i32_1 = arith.constant 0 : i32
    return %arg0, %c0_i32, %c0_i32_0 : i32, i32, i32
  }
}

</mosaic_0001>

<sc_bundles>
// kernel: kernel.12.cloned.1.call-start
scs
__scs_entry_jumppad:
0x0: {  	(pc) =	sbr.rel $0x88, $3  }
0x1: {  	(tag) =	ssettag $0x0;
	lr =	simm.s32 $0x1  }
0x2: {  	[smem:$0x3F9B] =	sst lr;
	_ =	strace $0xD0000000  }
0x3: {  	_ = 	snop  }
0x4: {  	_ = 	snop  }
0x5: {  	_ = 	snop  }
0x6: {  	_ = 	snop  }
0x7: {  	_ = 	snop  }
__scs_overlays_trampoline_lowered:
0x8: {  	[smem:$0x3FAA] =	sst s0  }
0x9: {  	[smem:$0x3FAB] =	sst s1  }
0xa: {  	[smem:$0x3FAC] =	sst s2  }
0xb: {  	[smem:$0x3FAD] =	sst s3  }
0xc: {  	[smem:$0x3FAE] =	sst s4  }
0xd: {  	[smem:$0x3FAF] =	sst s5  }
0xe: {  	[smem:$0x3FB0] =	sst s6  }
0xf: {  	[smem:$0x3FB1] =	sst s7  }
0x10: {  	[smem:$0x3FB2] =	sst s8  }
0x11: {  	[smem:$0x3FB3] =	sst s9;
	s0 =	simm.s32 @!p0 $0x0  }
0x12: {  	s1 =	sld [smem:$0x3F99];
	s0 =	simm.s32 @p0 $0x1  }
0x13: {  	[smem:$0x3FB4] =	sst s0;
	s0 =	simm.s32 @!p1 $0x0  }
0x14: {  	s2 =	sld [smem:$0x3F98];
	s0 =	simm.s32 @p1 $0x1  }
0x15: {  	[smem:$0x3FB5] =	sst s0;
	s0 =	simm.s32 @!p2 $0x0  }
0x16: {  	s3 =	sld [smem:$0x3FDB];
	s0 =	simm.s32 @p2 $0x1  }
0x17: {  	s4 =	simm.s32 $0x1BF5;
	[smem:$0x3FB7] =	sst s0  }
0x18: {  	s0 =	sld [smem:$0x3F9A];
	_ =	swait.ge [sflag:s4], $0x0  }
0x19: {  	s7 =	sld [smem:$0x3F9B]  }
0x1a: {  	s8 =	sadd.s32 $0xFFFFE003, lr  }
0x1b: {  	s9 =	sadd.s32 $0xFFFFFEF7, lr;
	s5 =	simm.s32 $0xFFFFFFFF;
	p2 =	slt.u32 s8, $0xFFFFF086  }
0x1c: {  	p1 =	slt.u32 s9, $0xF7A;
	s5 =	simm.s32 @!p2 $0x0  }
0x1d: {  	s5 =	simm.s32 @p1 $0x1;
	p0 =	seq.s32 s7, s2  }
0x1e: {  	s7 =	smul.u32 @!p0 $0xF7A, s2;
	p2 =	seq.s32 @!p0 s5, $0x0  }
0x1f: {  	s9 =	smul.u32 $0xF7A, s1;
	s8 =	simm.s32 @!p0 $0x1BF5;
	p2 =	por !p2, p0  }
0x20: {  	[sflag:s8] =	ssyncset.s32 @!p0 $0xFFFFF086;
	s6 =	sadd.s32 @!p0 s3, s7;
	s7 =	simm.s32 @!p0 $0x108  }
0x21: {  	s3 =	sadd.s32 s3, s9;
	s6 =	sadd.s32 @!p0 $0x88, s6;
	s7 =	simm.s32 @p2 $0x1082  }
0x22: {  	[simem:s7], [sflag:s8] =	dma.local @!p0 [hbm:s6], $0xF7A  }
0x23: {  	s9 =	sor.u32 $0xD0000000, s2;
	s6 =	simm.s32 $0x108;
	_ =	swait.ge @!p0 [sflag:s8], $0x0  }
0x24: {  	s3 =	sadd.s32 $0x88, s3;
	s6 =	simm.s32 @!p1 $0x1082;
	[sflag:s4] =	ssyncset.s32 $0xFFFFF086  }
0x25: {  	[simem:s6], [sflag:s4] =	dma.local [hbm:s3], $0xF7A  }
0x26: {  	[smem:$0x3F9B] =	sst s1;
	(tag) =	ssettag s2;
	_ =	strace s9  }
0x27: {  	s1 =	sld [smem:$0x3FAB]  }
0x28: {  	s2 =	sld [smem:$0x3FAC]  }
0x29: {  	s4 =	sld [smem:$0x3FAE]  }
0x2a: {  	p0 =	seq.s32 s5, $0x0;
	s5 =	sld [smem:$0x3FAF]  }
0x2b: {  	s6 =	sld [smem:$0x3FB0]  }
0x2c: {  	s7 =	sld [smem:$0x3FB1]  }
0x2d: {  	s3 =	simm.s32 $0x108;
	s8 =	sld [smem:$0x3FB2]  }
0x2e: {  	s3 =	simm.s32 @!p0 $0x1082;
	s9 =	sld [smem:$0x3FB3]  }
0x2f: {  	lr =	sadd.s32 s0, s3;
	s0 =	sld [smem:$0x3FAA]  }
0x30: {  	s3 =	sld [smem:$0x3FAD]  }
0x31: {  	[smem:$0x3FB6] =	sst s10  }
0x32: {  	s10 =	sld [smem:$0x3FB4];
	_ =	sdelay $0x3  }
0x33: {  	p0 =	seq.s32 s10, $0x1;
	s10 =	sld [smem:$0x3FB6];
	_ =	sdelay $0x3  }
0x34: {  	[smem:$0x3FB6] =	sst s10  }
0x35: {  	s10 =	sld [smem:$0x3FB5];
	_ =	sdelay $0x3  }
0x36: {  	p1 =	seq.s32 s10, $0x1;
	s10 =	sld [smem:$0x3FB6];
	_ =	sdelay $0x3  }
0x37: {  	[smem:$0x3FB6] =	sst s10  }
0x38: {  	s10 =	sld [smem:$0x3FB7]  }
0x39: {  	_ = 	snop;
	(pc) =	sbr.ind lr, $3  }
0x3a: {  	_ = 	snop  }
0x3b: {  	_ = 	snop  }
0x3c: {  	p2 =	seq.s32 s10, $0x1;
	s10 =	sld [smem:$0x3FB6]  }
0x3d: {  	_ =	shalt  }
0x3e: {  	_ =	shalt  }
0x3f: {  	_ =	shalt  }
0x40: {  	_ =	shalt  }
0x41: {  	_ =	shalt  }
0x42: {  	_ =	shalt  }
0x43: {  	_ =	shalt  }
0x44: {  	_ =	shalt  }
0x45: {  	_ =	shalt  }
0x46: {  	_ =	shalt  }
0x47: {  	_ =	shalt  }
0x48: {  	_ =	shalt  }
0x49: {  	_ =	shalt  }
0x4a: {  	_ =	shalt  }
0x4b: {  	_ =	shalt  }
0x4c: {  	_ =	shalt  }
0x4d: {  	_ =	shalt  }
0x4e: {  	_ =	shalt  }
0x4f: {  	_ =	shalt  }
0x50: {  	_ =	shalt  }
0x51: {  	_ =	shalt  }
0x52: {  	_ =	shalt  }
0x53: {  	_ =	shalt  }
0x54: {  	_ =	shalt  }
0x55: {  	_ =	shalt  }
0x56: {  	_ =	shalt  }
0x57: {  	_ =	shalt  }
0x58: {  	_ =	shalt  }
0x59: {  	_ =	shalt  }
0x5a: {  	_ =	shalt  }
0x5b: {  	_ =	shalt  }
0x5c: {  	_ =	shalt  }
0x5d: {  	_ =	shalt  }
0x5e: {  	_ =	shalt  }
0x5f: {  	_ =	shalt  }
0x60: {  	_ =	shalt  }
0x61: {  	_ =	shalt  }
0x62: {  	_ =	shalt  }
0x63: {  	_ =	shalt  }
0x64: {  	_ =	shalt  }
0x65: {  	_ =	shalt  }
0x66: {  	_ =	shalt  }
0x67: {  	_ =	shalt  }
0x68: {  	_ =	shalt  }
0x69: {  	_ =	shalt  }
0x6a: {  	_ =	shalt  }
0x6b: {  	_ =	shalt  }
0x6c: {  	_ =	shalt  }
0x6d: {  	_ =	shalt  }
0x6e: {  	_ =	shalt  }
0x6f: {  	_ =	shalt  }
0x70: {  	_ =	shalt  }
0x71: {  	_ =	shalt  }
0x72: {  	_ =	shalt  }
0x73: {  	_ =	shalt  }
0x74: {  	_ =	shalt  }
0x75: {  	_ =	shalt  }
0x76: {  	_ =	shalt  }
0x77: {  	_ =	shalt  }
0x78: {  	_ =	shalt  }
0x79: {  	_ =	shalt  }
0x7a: {  	_ =	shalt  }
0x7b: {  	_ =	shalt  }
0x7c: {  	_ =	shalt  }
0x7d: {  	_ =	shalt  }
0x7e: {  	_ =	shalt  }
0x7f: {  	_ =	shalt  }
0x80: {  	_ =	shalt  }
0x81: {  	_ =	shalt  }
0x82: {  	_ =	shalt  }
0x83: {  	_ =	shalt  }
0x84: {  	_ =	shalt  }
0x85: {  	_ =	shalt  }
0x86: {  	_ =	shalt  }
0x87: {  	_ =	shalt  }
.Lfunc_end0:
.L_simem_size_0:
called_computation_lowered:
.L_overlay_start_0:
0x88: {  	s2 =	sld [smem:$0x3FD9]  }
0x89: {  	s3 =	sld [smem:$0x3FFE];
	_ =	sdelay $0x1  }
0x8a: {  	s1 =	srdreg.scid  }
0x8b: {  	s0 =	sand.u32 $0x1, s1  }
0x8c: {  	s15 =	sshll.u32 s0, $0xA;
	s2 =	sadd.s32 s3, s2  }
0x8d: {  	s2 =	sadd.s32 s2, s15  }
0x8e: {  	[smem:$0x3FC2] =	sst s2  }
0x8f: {  	_ = 	snop  }
0x90: {  	s2 =	sld [smem:$0x3FD0];
	_ =	sdelay $0x2  }
0x91: {  	s5 =	simm.s32 $0xE;
	s4 =	simm.s32 $0x10;
	s16 =	sld [smem:$0x3FC9]  }
0x92: {  	[smem:s4], [sflag:s5] =	dma.local [hbm:s2], $0x1  }
0x93: {  	_ =	swait.eq [sflag:s5], $0x1  }
0x94: {  	[sflag:s5] =	ssyncset.done $0x0  }
0x95: {  	s17 =	sld [smem:$0x10];
	[sflag:s5] =	ssyncadd.s32 $0xFFFFFFFF  }
0x96: {  	s18 =	sld [smem:$0x11];
	(tm) =	ssettm $0x1  }
0x97: {  	s19 =	sld [smem:$0x3FFB];
	_ =	sdelay $0x3  }
0x98: {  	_ =	strace s19  }
0x99: {  	s2 =	sld [smem:$0x3FFC];
	_ =	sdelay $0x3  }
0x9a: {  	_ =	strace s2  }
0x9b: {  	s2 =	sld [smem:$0x3FFD];
	_ =	sdelay $0x3  }
0x9c: {  	_ =	strace s2  }
0x9d: {  	_ =	strace $0x8FFFFFFF  }
0x9e: {  	s20 =	sld [smem:$0x3FDB];
	_ =	sdelay $0x1  }
0x9f: {  	s6 =	simm.s32 $_scs_section_size  }
0xa0: {  	s7 =	simm.s32 $_size__tile_overlayer_lowered;
	s8 =	simm.s32 $_tile_overlayer_lowered  }
0xa1: {  	s9 =	simm.s32 $0x1BFF;
	s21 =	sshll.u32 s8, $0x1;
	s6 =	sadd.s32 s6, s20  }
0xa2: {  	s22 =	simm.s32 $0x0;
	s7 =	sshll.u32 s7, $0x1;
	s8 =	sadd.s32 s21, s6  }
0xa3: {  	[timem:s22], [sflag:s9] =	dma.local [hbm:s8], s7  }
0xa4: {  	_ =	swait.ge [sflag:s9], s7  }
0xa5: {  	s7 =	ssub.s32 $0x0, s7;
	[sflag:s9] =	ssyncset.done $0x0  }
0xa6: {  	[sflag:s9] =	ssyncadd.s32 s7;
	_ =	sdelay $0x1  }
0xa7: {  	s23 =	simm.s32 $0x1B8B  }
0xa8: {  	_ =	swait.ge [sflag:s23], $0x1  }
0xa9: {  	[sflag:s23] =	ssyncset.done $0x0  }
0xaa: {  	[sflag:s23] =	ssyncadd.s32 $0xFFFFFFFF  }
0xab: {  	s7 =	sld [smem:$0x0]  }
0xac: {  	s8 =	sand.u32 $0xFFFFFFFE, s1  }
0xad: {  	p0 =	sne.s32 s1, s8  }
0xae: {  	s8 =	sshll.u32 @p0 s8, $0xE  }
0xaf: {  	s8 =	sadd.s32 @p0 $0x11B8D, s8;
	s9 =	sshll.u32 @p0 s7, $0x11  }
0xb0: {  	s8 =	sor.u32 @p0 s9, s8  }
0xb1: {  	[sflag:s8] =	ssyncadd.remote.s32 @p0 $0x1;
	_ =	sdelay $0x1  }
0xb2: {  	s8 =	simm.s32 @p0 $0x1B8D  }
0xb3: {  	_ =	swait.eq @p0 [sflag:s8], $0x1  }
0xb4: {  	[sflag:s8] =	ssyncadd.s32 @p0 $0xFFFFFFFF  }
0xb5: {  	s9 =	sshll.u32 @!p0 s1, $0xE  }
0xb6: {  	s9 =	sor.u32 @!p0 $0x4000, s9;
	s8 =	simm.s32 @!p0 $0x1B8D  }
0xb7: {  	s7 =	sshll.u32 @!p0 s7, $0x11;
	s9 =	sadd.s32 @!p0 $0x11B8D, s9;
	_ =	swait.eq @!p0 [sflag:s8], $0x1  }
0xb8: {  	s7 =	sor.u32 @!p0 s7, s9;
	[sflag:s8] =	ssyncadd.s32 @!p0 $0xFFFFFFFF  }
0xb9: {  	s25 =	simm.s32 $0x1B8E;
	s24 =	sld [smem:$0x3FFE];
	[sflag:s7] =	ssyncadd.remote.s32 @!p0 $0x1  }
0xba: {  	s26 =	simm.s32 $execute0_lowered;
	[smem:$0x3FD2] =	sst s25  }
0xbb: {  	s8 =	sshll.u32 s26, $0x1;
	_ =	strace $0x80000049;
	[dreg:$0x1] =	wrdreg $0xFFFFFFFF  }
0xbc: {  	s28 =	simm.s32 $_size_execute0_lowered;
	s6 =	sadd.s32 s6, s8;
	[dreg:$0x0] =	wrdreg $0x0  }
0xbd: {  	s8 =	sshll.u32 s28, $0x1;
	[dreg:$0x2] =	wrdreg s6  }
0xbe: {  	[dreg:$0x3] =	wrdreg s8  }
0xbf: {  	[dreg:$0x4] =	wrdreg $0xC0  }
0xc0: {  	_ =	task [dreg:s22], $0x5FFFF  }
0xc1: {  	[dreg:$0x1] =	wrdreg $0xFFFFFFFF  }
0xc2: {  	[dreg:$0x0] =	wrdreg $0x60  }
0xc3: {  	[dreg:$0x2] =	wrdreg s16  }
0xc4: {  	[dreg:$0x3] =	wrdreg s17  }
0xc5: {  	[dreg:$0x4] =	wrdreg s18  }
0xc6: {  	[dreg:$0x5] =	wrdreg s24  }
0xc7: {  	[dreg:$0x6] =	wrdreg $0x88000  }
0xc8: {  	[dreg:$0x7] =	wrdreg $0x9  }
0xc9: {  	_ =	task.clear_ibuf [dreg:s22], $0x8FFFF;
	_ =	strace $0x90000049  }
0xca: {  	s29 =	simm.s32 $0x9;
	_ =	strace $0x8000004B  }
0xcb: {  	_ =	swait.ge [sflag:s29], $0x1  }
0xcc: {  	[sflag:s29] =	ssyncadd.s32 $0xFFFFFFFF  }
0xcd: {  	_ =	strace $0x9000004B  }
0xce: {  	_ =	sfence  }
0xcf: {  	s30 =	sld [smem:$0x0];
	_ =	sdelay $0x2  }
0xd0: {  	s31 =	sshll.u32 s1, $0xD;
	s1 =	sshrl.u32 s1, $0x2  }
0xd1: {  	s4 =	sand.u32 $0x4000, s31;
	s1 =	sadd.s32 s1, s30  }
0xd2: {  	s0 =	sor.u32 s4, s0;
	s1 =	sshll.u32 s1, $0x11  }
0xd3: {  	s0 =	sor.u32 s1, s0  }
0xd4: {  	s0 =	sadd.s32 $0x8F2B, s0  }
0xd5: {  	[sflag:s0] =	ssyncadd.remote.s32 $0x1  }
0xd6: {  	_ =	sfence.sel $0xFFFF  }
0xd7: {  	[dreg:$0x0] =	wrdreg $0xFFFFFFFF;
	(pc) =	sbr.abs _section_cstart, $3  }
0xd8: {  	[dreg:$0x1] =	wrdreg $0xFFFFFFFF  }
0xd9: {  	_ =	task.clear_ibuf [dreg:s22], $0x2FFFF;
	_ =	strace $0x9FFFFFFF  }
0xda: {  	(tm) =	ssettm $0x7FFFFFFF  }
0xdb: {  	_ =	shalt  }
tec
execute0_lowered:
.L_overlay_start_1:
0x0: {  	(tag) =	ssettag $0x1  }
0x1: {  	s0 =	rddreg [dreg:$0x1]  }
0x2: {  	s1 =	rddreg [dreg:$0x2]  }
0x3: {  	s5 =	rddreg [dreg:$0x3];
	s3 =	srdreg.scid  }
0x4: {  	s10 =	stileid.u32;
	s2 =	rddreg [dreg:$0x4]  }
0x5: {  	s11 =	simm.s32 $0x7;
	s12 =	simm.s32 $0x800;
	s13 =	simm.s32 $0x28  }
0x6: {  	s14 =	simm.s32 $0x1000;
	s15 =	simm.s32 $0x3800;
	s16 =	simm.s32 $0x2400  }
0x7: {  	s17 =	simm.s32 $0x828;
	s18 =	simm.s32 $0x4C00;
	s19 =	simm.s32 $0x1  }
0x8: {  	s20 =	simm.s32 $0x3;
	s21 =	simm.s32 $0x6000;
	s22 =	simm.s32 $0x2  }
0x9: {  	s23 =	simm.s32 $0x4;
	s24 =	simm.s32 $0x7400;
	s25 =	simm.s32 $0x5  }
0xa: {  	s26 =	simm.s32 $0x6;
	s28 =	simm.s32 $0x0;
	s6 =	sand.u32 $0x1, s3  }
0xb: {  	s4 =	sshll.u32 s10, $0x1;
	s3 =	simm.s32 $0x0;
	s5 =	sadd.s32 $0x10AE00, s5  }
.Ltmp0:
0xc: {  	s4 =	sor.u32 s6, s4;
	s6 =	ssub.s32 $0x2, s6;
	(pc) =	sbr.rel .LBB2_1-.Ltmp0, $4  }
0xd: {  	p0 =	sne.s32 s10, $0x0;
	s4 =	smul.u32 $0x7D0, s4;
	s7 =	sshrl.u32 s6, $0x1  }
0xe: {  	[smem:$0x7FF] =	sst s3;
	s10 =	sshrl.u32 @!p0 s2, $0x3;
	s9 =	ssub.s32 s6, s7  }
0xf: {  	_ =	strace $0x8000004A;
	s8 =	sshrl.u32 s4, $0x3;
	s9 =	smax.u32 s9, $0x1  }
0x10: {  	s6 =	sadd.s32 s0, s8;
	s7 =	sadd.s32 s1, s8;
	s8 =	sadd.s32 $0x28, s4  }
.LBB2_8:
0x11: {  	s28 =	sadd.s32 $0x1, s28  }
0x12: {  	_ =	swait.ge [sflag:s25], $0x1400;
	p1 =	sne.s32 s28, s9  }
.Ltmp1:
0x13: {  	[sflag:s25] =	ssyncset.done $0x0;
	(pc) =	sbr.rel @!p1 .LBB2_9-.Ltmp1, $4  }
0x14: {  	[sflag:s25] =	ssyncadd.s32 $0xFFFFEC00  }
0x15: {  	_ =	swait.ge [sflag:s26], $0x1400  }
0x16: {  	[sflag:s26] =	ssyncset.done $0x0  }
0x17: {  	[sflag:s26] =	ssyncadd.s32 $0xFFFFEC00  }
.LBB2_1:
0x18: {  	s0 =	simm.s32 @!p0 $0x1C07;
	s1 =	rddreg [dreg:$0x0]  }
0x19: {  	[spmem:s10], [sflag:s0] =	dma.local @!p0 [hbm:s1], $0x27100  }
0x1a: {  	s0 =	simm.s32 @!p0 $0x7  }
0x1b: {  	_ =	swait.ge @!p0 [sflag:s0], $0x27100  }
0x1c: {  	[sflag:s0] =	ssyncset.done @!p0 $0x0  }
0x1d: {  	[sflag:s0] =	ssyncadd.s32 @!p0 $0xFFFD8F00  }
0x1e: {  	[bflag:$0x0] =	sbarrier.arrive $0xFFFF  }
0x1f: {  	[tilespmem:s3], [sflag:$0x7] =	stream.linear.gather [hbm4b:s6+s3], $0x7D0, $0x38;
	[tilespmem:$0x1C080] =	vst v63  }
0x20: {  	_ =	swait.ge [sflag:s11], $0x7D0  }
0x21: {  	[sflag:s11] =	ssyncset.done $0x0  }
0x22: {  	[sflag:s11] =	ssyncadd.s32 $0xFFFFF830  }
0x23: {  	[tilespmem:s12], [sflag:$0x7] =	stream.linear.gather [hbm4b:s7+s3], $0x7D0, $0x38;
	[tilespmem:$0x1C080] =	vst v63  }
0x24: {  	_ =	swait.ge [sflag:s11], $0x7D0  }
0x25: {  	[sflag:s11] =	ssyncset.done $0x0  }
0x26: {  	[sflag:s11] =	ssyncadd.s32 $0xFFFFF830  }
0x27: {  	[tilespmem:s14], [sflag:$0x1] =	stream.indirect.gather [spmem:s2], $0x80, s3, s13, $0xb8;
	[tilespmem:$0x1C080] =	vst v63  }
0x28: {  	_ = 	snop  }
0x29: {  	[tilespmem:s15], [sflag:$0x3] =	stream.indirect.gather [spmem:s2], $0x80, s12, s13, $0xb8;
	[tilespmem:$0x1C080] =	vst v63  }
0x2a: {  	_ = 	snop  }
0x2b: {  	[tilespmem:s16], [sflag:$0x2] =	stream.indirect.gather [spmem:s2], $0x80, s13, s13, $0xb8;
	[tilespmem:$0x1C080] =	vst v63  }
0x2c: {  	s29 =	simm.s32 $0x0  }
0x2d: {  	[tilespmem:s18], [sflag:$0x4] =	stream.indirect.gather [spmem:s2], $0x80, s17, s13, $0xb8;
	[tilespmem:$0x1C080] =	vst v63  }
.LBB2_2:
0x2e: {  	_ =	swait.ge [sflag:s19], $0x1400  }
0x2f: {  	[sflag:s19] =	ssyncset.done $0x0  }
0x30: {  	[sflag:s19] =	ssyncadd.s32 $0xFFFFEC00  }
0x31: {  	_ =	swait.ge [sflag:s20], $0x1400  }
0x32: {  	p1 =	seq.s32 s29, $0x0;
	[sflag:s20] =	ssyncset.done $0x0  }
0x33: {  	s0 =	simm.s32 @!p1 $0x5;
	[sflag:s20] =	ssyncadd.s32 $0xFFFFEC00  }
0x34: {  	_ =	swait.ge @!p1 [sflag:s0], $0x1400  }
0x35: {  	[sflag:s0] =	ssyncset.done @!p1 $0x0  }
0x36: {  	s30 =	simm.s32 $0x0;
	[sflag:s0] =	ssyncadd.s32 @!p1 $0xFFFFEC00  }
0x37: {  	v0 =	vld [tilespmem:s30+$0x1070]  }
0x38: {  	v1 =	vld [tilespmem:s30+$0x3870]  }
0x39: {  	v2 =	vld [tilespmem:s30+$0x1000]  }
0x3a: {  	v3 =	vld [tilespmem:s30+$0x3800]  }
0x3b: {  	v4 =	vld [tilespmem:s30+$0x1010]  }
0x3c: {  	v5 =	vld [tilespmem:s30+$0x3810]  }
0x3d: {  	v6 =	vld [tilespmem:s30+$0x1020]  }
0x3e: {  	v0 =	vsub.f32 v0, v1;
	v1 =	vld [tilespmem:s30+$0x3820]  }
0x3f: {  	v7 =	vld [tilespmem:s30+$0x1030]  }
0x40: {  	v8 =	vld [tilespmem:s30+$0x3830];
	v2 =	vsub.f32 v2, v3  }
0x41: {  	v9 =	vld [tilespmem:s30+$0x1040];
	v0 =	vand.u32 $0x7FFFFFFF, v0  }
0x42: {  	[tilespmem:s30+$0x6070] =	vst v0;
	v0 =	vand.u32 $0x7FFFFFFF, v2;
	v2 =	vsub.f32 v4, v5;
	v5 =	vld [tilespmem:s30+$0x3840]  }
0x43: {  	v3 =	vld [tilespmem:s30+$0x3850];
	v1 =	vsub.f32 v6, v1  }
0x44: {  	[tilespmem:s30+$0x6000] =	vst v0;
	v0 =	vld [tilespmem:s30+$0x1050];
	v2 =	vand.u32 $0x7FFFFFFF, v2  }
0x45: {  	v4 =	vld [tilespmem:s30+$0x3860];
	v6 =	vsub.f32 v7, v8;
	[tilespmem:s30+$0x6010] =	vst v2;
	v2 =	vand.u32 $0x7FFFFFFF, v1  }
0x46: {  	s31 =	simm.s32 $0x80;
	v1 =	vld [tilespmem:s30+$0x1060];
	[tilespmem:s30+$0x6020] =	vst v2  }
0x47: {  	s1 =	simm.s32 $0x400;
	v6 =	vand.u32 $0x7FFFFFFF, v6;
	v5 =	vsub.f32 v9, v5;
	v2 =	vld [tilespmem:s31+$0x1070]  }
.LBB2_3:
0x48: {  	p2 =	sne.s32 s1, $0x4E00;
	v7 =	vld [tilespmem:s31+$0x3870];
	[tilespmem:s30+$0x6030] =	vst v6  }
0x49: {  	v6 =	vld [tilespmem:s31+$0x1000];
	v5 =	vand.u32 $0x7FFFFFFF, v5;
	v0 =	vsub.f32 v0, v3  }
0x4a: {  	v3 =	vld [tilespmem:s31+$0x3800];
	[tilespmem:s30+$0x6040] =	vst v5  }
0x4b: {  	v5 =	vld [tilespmem:s31+$0x1010];
	v0 =	vand.u32 $0x7FFFFFFF, v0;
	v1 =	vsub.f32 v1, v4  }
0x4c: {  	v4 =	vld [tilespmem:s31+$0x3810];
	[tilespmem:s30+$0x6050] =	vst v0  }
0x4d: {  	v0 =	vld [tilespmem:s31+$0x1020];
	v2 =	vsub.f32 v2, v7;
	v1 =	vand.u32 $0x7FFFFFFF, v1  }
0x4e: {  	v7 =	vld [tilespmem:s31+$0x3820];
	[tilespmem:s30+$0x6060] =	vst v1;
	s30 =	smov.u32 s31  }
0x4f: {  	v1 =	vsub.f32 v6, v3;
	v6 =	vld [tilespmem:s30+$0x1030];
	v2 =	vand.u32 $0x7FFFFFFF, v2  }
0x50: {  	v8 =	vld [tilespmem:s30+$0x3830];
	[tilespmem:s30+$0x6070] =	vst v2  }
0x51: {  	v1 =	vand.u32 $0x7FFFFFFF, v1;
	v2 =	vsub.f32 v5, v4;
	v5 =	vld [tilespmem:s30+$0x1040]  }
0x52: {  	[tilespmem:s30+$0x6000] =	vst v1;
	v9 =	vld [tilespmem:s30+$0x3840]  }
.Ltmp2:
0x53: {  	v1 =	vand.u32 $0x7FFFFFFF, v2;
	v2 =	vsub.f32 v0, v7;
	v0 =	vld [tilespmem:s30+$0x1050];
	(pc) =	sbr.rel @p2 .LBB2_3-.Ltmp2, $4  }
0x54: {  	[tilespmem:s30+$0x6010] =	vst v1;
	v3 =	vld [tilespmem:s30+$0x3850]  }
0x55: {  	v2 =	vand.u32 $0x7FFFFFFF, v2;
	v6 =	vsub.f32 v6, v8;
	v1 =	vld [tilespmem:s30+$0x1060]  }
0x56: {  	s31 =	sshra.s32 s1, $0x2;
	[tilespmem:s30+$0x6020] =	vst v2;
	v4 =	vld [tilespmem:s30+$0x3860]  }
0x57: {  	s1 =	sadd.s32 $0x200, s1;
	v2 =	vld [tilespmem:s31+$0x1070];
	v6 =	vand.u32 $0x7FFFFFFF, v6;
	v5 =	vsub.f32 v5, v9  }
0x58: {  	v7 =	vld [tilespmem:s31+$0x3870];
	[tilespmem:s30+$0x6030] =	vst v6  }
0x59: {  	v6 =	vld [tilespmem:s31+$0x1000];
	v5 =	vand.u32 $0x7FFFFFFF, v5;
	v0 =	vsub.f32 v0, v3  }
0x5a: {  	v8 =	vld [tilespmem:s31+$0x3800];
	[tilespmem:s30+$0x6040] =	vst v5  }
0x5b: {  	v3 =	vld [tilespmem:s31+$0x1010];
	v0 =	vand.u32 $0x7FFFFFFF, v0;
	v1 =	vsub.f32 v1, v4  }
0x5c: {  	v5 =	vld [tilespmem:s31+$0x3810];
	[tilespmem:s30+$0x6050] =	vst v0  }
0x5d: {  	v0 =	vld [tilespmem:s31+$0x1020];
	v1 =	vand.u32 $0x7FFFFFFF, v1  }
0x5e: {  	v4 =	vld [tilespmem:s31+$0x3820];
	v2 =	vsub.f32 v2, v7;
	[tilespmem:s30+$0x6060] =	vst v1  }
0x5f: {  	v6 =	vsub.f32 v6, v8;
	v1 =	vld [tilespmem:s31+$0x1030]  }
0x60: {  	v2 =	vand.u32 $0x7FFFFFFF, v2;
	v7 =	vld [tilespmem:s31+$0x3830]  }
0x61: {  	[tilespmem:s31+$0x6070] =	vst v2;
	v2 =	vand.u32 $0x7FFFFFFF, v6;
	v6 =	vld [tilespmem:s31+$0x1040]  }
0x62: {  	v3 =	vsub.f32 v3, v5;
	v5 =	vld [tilespmem:s31+$0x1050]  }
0x63: {  	[tilespmem:s31+$0x6000] =	vst v2;
	v2 =	vld [tilespmem:s31+$0x3840];
	v0 =	vsub.f32 v0, v4  }
0x64: {  	v3 =	vand.u32 $0x7FFFFFFF, v3;
	v4 =	vld [tilespmem:s31+$0x1060]  }
0x65: {  	[tilespmem:s31+$0x6010] =	vst v3;
	v3 =	vld [tilespmem:s31+$0x3850];
	v0 =	vand.u32 $0x7FFFFFFF, v0  }
0x66: {  	[tilespmem:s31+$0x6020] =	vst v0;
	v0 =	vld [tilespmem:s31+$0x3860];
	_ =	sdelay $0x1  }
0x67: {  	v1 =	vsub.f32 v1, v7  }
0x68: {  	v2 =	vsub.f32 v6, v2  }
0x69: {  	s30 =	smul.u32 $0x50, s29;
	v1 =	vand.u32 $0x7FFFFFFF, v1;
	v3 =	vsub.f32 v5, v3  }
0x6a: {  	[tilespmem:s31+$0x6030] =	vst v1;
	v1 =	vand.u32 $0x7FFFFFFF, v2;
	v0 =	vsub.f32 v4, v0  }
0x6b: {  	s0 =	sadd.s32 s4, s30;
	[tilespmem:s31+$0x6040] =	vst v1;
	v1 =	vand.u32 $0x7FFFFFFF, v3  }
0x6c: {  	s0 =	sshll.u32 s0, $0x4;
	[tilespmem:s31+$0x6050] =	vst v1;
	v0 =	vand.u32 $0x7FFFFFFF, v0  }
0x6d: {  	p2 =	seq.s32 s29, $0x18;
	s0 =	sadd.s32 s5, s0;
	[tilespmem:s31+$0x6060] =	vst v0  }
0x6e: {  	[hbm4b:s0+s3] =	stream.linear.scatter [tilespmem:s21], [sflag:$0x5], $0x1400, $0x38;
	[tilespmem:$0x1C080] =	vst v63  }
0x6f: {  	s1 =	simm.s32 @!p2 $0x28;
	s31 =	simm.s32 @!p2 $0x1000;
	s0 =	sadd.s32 @!p2 $0x50, s30  }
0x70: {  	[tilespmem:s31], [sflag:$0x1] =	stream.indirect.gather @!p2 [spmem:s2], $0x80, s0, s1, $0xb8;
	[tilespmem:$0x1C080] =	vst v63  }
0x71: {  	s0 =	sadd.s32 @!p2 $0x850, s30;
	s31 =	simm.s32 @!p2 $0x3800  }
0x72: {  	[tilespmem:s31], [sflag:$0x3] =	stream.indirect.gather @!p2 [spmem:s2], $0x80, s0, s1, $0xb8;
	[tilespmem:$0x1C080] =	vst v63  }
0x73: {  	_ =	swait.ge [sflag:s22], $0x1400  }
0x74: {  	[sflag:s22] =	ssyncset.done $0x0  }
0x75: {  	[sflag:s22] =	ssyncadd.s32 $0xFFFFEC00  }
0x76: {  	_ =	swait.ge [sflag:s23], $0x1400  }
0x77: {  	[sflag:s23] =	ssyncset.done $0x0  }
0x78: {  	s0 =	simm.s32 @!p1 $0x6;
	[sflag:s23] =	ssyncadd.s32 $0xFFFFEC00  }
0x79: {  	_ =	swait.ge @!p1 [sflag:s0], $0x1400  }
0x7a: {  	[sflag:s0] =	ssyncset.done @!p1 $0x0  }
0x7b: {  	s31 =	simm.s32 $0x0;
	[sflag:s0] =	ssyncadd.s32 @!p1 $0xFFFFEC00  }
0x7c: {  	v0 =	vld [tilespmem:s31+$0x2470]  }
0x7d: {  	v1 =	vld [tilespmem:s31+$0x4C70]  }
0x7e: {  	v2 =	vld [tilespmem:s31+$0x2400]  }
0x7f: {  	v3 =	vld [tilespmem:s31+$0x4C00]  }
0x80: {  	v4 =	vld [tilespmem:s31+$0x2410]  }
0x81: {  	v5 =	vld [tilespmem:s31+$0x4C10]  }
0x82: {  	v6 =	vld [tilespmem:s31+$0x2420]  }
0x83: {  	v0 =	vsub.f32 v0, v1;
	v1 =	vld [tilespmem:s31+$0x4C20]  }
0x84: {  	v7 =	vld [tilespmem:s31+$0x2430]  }
0x85: {  	v8 =	vld [tilespmem:s31+$0x4C30];
	v2 =	vsub.f32 v2, v3  }
0x86: {  	v9 =	vld [tilespmem:s31+$0x2440];
	v0 =	vand.u32 $0x7FFFFFFF, v0  }
0x87: {  	[tilespmem:s31+$0x7470] =	vst v0;
	v0 =	vand.u32 $0x7FFFFFFF, v2;
	v2 =	vsub.f32 v4, v5;
	v5 =	vld [tilespmem:s31+$0x4C40]  }
0x88: {  	v3 =	vld [tilespmem:s31+$0x4C50];
	v1 =	vsub.f32 v6, v1  }
0x89: {  	[tilespmem:s31+$0x7400] =	vst v0;
	v0 =	vld [tilespmem:s31+$0x2450];
	v2 =	vand.u32 $0x7FFFFFFF, v2  }
0x8a: {  	v4 =	vld [tilespmem:s31+$0x4C60];
	v6 =	vsub.f32 v7, v8;
	[tilespmem:s31+$0x7410] =	vst v2;
	v2 =	vand.u32 $0x7FFFFFFF, v1  }
0x8b: {  	s1 =	simm.s32 $0x80;
	v1 =	vld [tilespmem:s31+$0x2460];
	[tilespmem:s31+$0x7420] =	vst v2  }
0x8c: {  	s0 =	simm.s32 $0x400;
	v6 =	vand.u32 $0x7FFFFFFF, v6;
	v5 =	vsub.f32 v9, v5;
	v2 =	vld [tilespmem:s1+$0x2470]  }
.LBB2_5:
0x8d: {  	p1 =	sne.s32 s0, $0x4E00;
	v7 =	vld [tilespmem:s1+$0x4C70];
	[tilespmem:s31+$0x7430] =	vst v6  }
0x8e: {  	v6 =	vld [tilespmem:s1+$0x2400];
	v5 =	vand.u32 $0x7FFFFFFF, v5;
	v0 =	vsub.f32 v0, v3  }
0x8f: {  	v3 =	vld [tilespmem:s1+$0x4C00];
	[tilespmem:s31+$0x7440] =	vst v5  }
0x90: {  	v5 =	vld [tilespmem:s1+$0x2410];
	v0 =	vand.u32 $0x7FFFFFFF, v0;
	v1 =	vsub.f32 v1, v4  }
0x91: {  	v4 =	vld [tilespmem:s1+$0x4C10];
	[tilespmem:s31+$0x7450] =	vst v0  }
0x92: {  	v0 =	vld [tilespmem:s1+$0x2420];
	v2 =	vsub.f32 v2, v7;
	v1 =	vand.u32 $0x7FFFFFFF, v1  }
0x93: {  	v7 =	vld [tilespmem:s1+$0x4C20];
	[tilespmem:s31+$0x7460] =	vst v1;
	s31 =	smov.u32 s1  }
0x94: {  	v1 =	vsub.f32 v6, v3;
	v6 =	vld [tilespmem:s31+$0x2430];
	v2 =	vand.u32 $0x7FFFFFFF, v2  }
0x95: {  	v8 =	vld [tilespmem:s31+$0x4C30];
	[tilespmem:s31+$0x7470] =	vst v2  }
0x96: {  	v1 =	vand.u32 $0x7FFFFFFF, v1;
	v2 =	vsub.f32 v5, v4;
	v5 =	vld [tilespmem:s31+$0x2440]  }
0x97: {  	[tilespmem:s31+$0x7400] =	vst v1;
	v9 =	vld [tilespmem:s31+$0x4C40]  }
.Ltmp3:
0x98: {  	v1 =	vand.u32 $0x7FFFFFFF, v2;
	v2 =	vsub.f32 v0, v7;
	v0 =	vld [tilespmem:s31+$0x2450];
	(pc) =	sbr.rel @p1 .LBB2_5-.Ltmp3, $4  }
0x99: {  	[tilespmem:s31+$0x7410] =	vst v1;
	v3 =	vld [tilespmem:s31+$0x4C50]  }
0x9a: {  	v2 =	vand.u32 $0x7FFFFFFF, v2;
	v6 =	vsub.f32 v6, v8;
	v1 =	vld [tilespmem:s31+$0x2460]  }
0x9b: {  	s1 =	sshra.s32 s0, $0x2;
	[tilespmem:s31+$0x7420] =	vst v2;
	v4 =	vld [tilespmem:s31+$0x4C60]  }
0x9c: {  	s0 =	sadd.s32 $0x200, s0;
	v2 =	vld [tilespmem:s1+$0x2470];
	v6 =	vand.u32 $0x7FFFFFFF, v6;
	v5 =	vsub.f32 v5, v9  }
0x9d: {  	v7 =	vld [tilespmem:s1+$0x4C70];
	[tilespmem:s31+$0x7430] =	vst v6  }
0x9e: {  	v6 =	vld [tilespmem:s1+$0x2400];
	v5 =	vand.u32 $0x7FFFFFFF, v5;
	v0 =	vsub.f32 v0, v3  }
0x9f: {  	v8 =	vld [tilespmem:s1+$0x4C00];
	[tilespmem:s31+$0x7440] =	vst v5  }
0xa0: {  	v52 =	vld [tilespmem:s1+$0x2410];
	v0 =	vand.u32 $0x7FFFFFFF, v0;
	v1 =	vsub.f32 v1, v4  }
0xa1: {  	v5 =	vld [tilespmem:s1+$0x4C10];
	[tilespmem:s31+$0x7450] =	vst v0  }
0xa2: {  	v0 =	vld [tilespmem:s1+$0x2420];
	v1 =	vand.u32 $0x7FFFFFFF, v1  }
0xa3: {  	v53 =	vld [tilespmem:s1+$0x4C20];
	[tilespmem:s31+$0x7460] =	vst v1  }
0xa4: {  	v1 =	vld [tilespmem:s1+$0x2430]  }
0xa5: {  	v54 =	vld [tilespmem:s1+$0x4C30]  }
0xa6: {  	v56 =	vld [tilespmem:s1+$0x2440]  }
0xa7: {  	v57 =	vld [tilespmem:s1+$0x4C40]  }
0xa8: {  	v58 =	vld [tilespmem:s1+$0x2450]  }
0xa9: {  	v2 =	vsub.f32 v2, v7;
	v59 =	vld [tilespmem:s1+$0x4C50]  }
0xaa: {  	v6 =	vsub.f32 v6, v8;
	v60 =	vld [tilespmem:s1+$0x2460]  }
0xab: {  	v2 =	vand.u32 $0x7FFFFFFF, v2;
	v61 =	vld [tilespmem:s1+$0x4C60];
	v3 =	vsub.f32 v52, v5  }
0xac: {  	[tilespmem:s1+$0x7470] =	vst v2;
	v55 =	vand.u32 $0x7FFFFFFF, v6;
	v0 =	vsub.f32 v0, v53  }
0xad: {  	[tilespmem:s1+$0x7400] =	vst v55;
	v3 =	vand.u32 $0x7FFFFFFF, v3;
	v1 =	vsub.f32 v1, v54  }
0xae: {  	[tilespmem:s1+$0x7410] =	vst v3;
	v0 =	vand.u32 $0x7FFFFFFF, v0;
	v2 =	vsub.f32 v56, v57  }
0xaf: {  	v3 =	vsub.f32 v58, v59;
	[tilespmem:s1+$0x7420] =	vst v0;
	v1 =	vand.u32 $0x7FFFFFFF, v1  }
.Ltmp4:
0xb0: {  	v0 =	vsub.f32 v60, v61;
	v62 =	vand.u32 $0x7FFFFFFF, v2;
	[tilespmem:s1+$0x7430] =	vst v1;
	(pc) =	sbr.rel @p2 .LBB2_8-.Ltmp4, $4  }
0xb1: {  	s0 =	sadd.s32 s30, s8;
	v63 =	vand.u32 $0x7FFFFFFF, v3;
	[tilespmem:s1+$0x7440] =	vst v62  }
0xb2: {  	s0 =	sshll.u32 s0, $0x4;
	[tilespmem:s1+$0x7450] =	vst v63;
	v0 =	vand.u32 $0x7FFFFFFF, v0  }
0xb3: {  	s0 =	sadd.s32 s5, s0;
	[tilespmem:s1+$0x7460] =	vst v0  }
0xb4: {  	[hbm4b:s0+s3] =	stream.linear.scatter [tilespmem:s24], [sflag:$0x6], $0x1400, $0x38;
	[tilespmem:$0x1C080] =	vst v63  }
.Ltmp5:
0xb5: {  	(pc) =	sbr.rel .LBB2_2-.Ltmp5, $4  }
0xb6: {  	s0 =	sadd.s32 $0x78, s30  }
0xb7: {  	[tilespmem:s16], [sflag:$0x2] =	stream.indirect.gather [spmem:s2], $0x80, s0, s13, $0xb8;
	[tilespmem:$0x1C080] =	vst v63  }
0xb8: {  	s31 =	sadd.s32 $0x878, s30;
	s29 =	sadd.s32 $0x1, s29  }
0xb9: {  	[tilespmem:s18], [sflag:$0x4] =	stream.indirect.gather [spmem:s2], $0x80, s31, s13, $0xb8;
	[tilespmem:$0x1C080] =	vst v63  }
.LBB2_9:
0xba: {  	_ =	sfence.sel $0x180000  }
0xbb: {  	[bflag:$0x0] =	sbarrier.arrive $0xFFFF  }
0xbc: {  	_ =	strace $0x9000004A  }
0xbd: {  	[bflag:$0x2] =	sbarrier.arrive $0xFFFF  }
0xbe: {  	s0 =	rddreg [dreg:$0x5]  }
0xbf: {  	s0 =	sadd.s32 @!p0 $0x100000, s0  }
0xc0: {  	[sflag:s0] =	ssyncadd.tile.s32 @!p0 $0x1;
	_ =	shalt  }
.Lfunc_end2:
_tile_overlayer_lowered:
.L_overlay_start_2:
0xc1: {  	(tag) =	ssettag $0x2  }
0xc2: {  	s0 =	rddreg [dreg:$0x0];
	s2 =	stileid.u32  }
0xc3: {  	s1 =	rddreg [dreg:$0x1];
	p0 =	sne.s32 s2, $0x0  }
0xc4: {  	s3 =	rddreg [dreg:$0x2];
	[bflag:$0x3] =	sbarrier.arrive $0xFFFF;
	s2 =	simm.s32 @!p0 $0x1C07  }
0xc5: {  	[timem:s3], [sflag:s2] =	dma.local @!p0 [hbm:s0], s1  }
0xc6: {  	s0 =	simm.s32 @!p0 $0x7  }
0xc7: {  	_ =	swait.ge @!p0 [sflag:s0], s1  }
0xc8: {  	s1 =	ssub.s32 @!p0 $0x0, s1;
	[sflag:s0] =	ssyncset.done @!p0 $0x0  }
0xc9: {  	[sflag:s0] =	ssyncadd.s32 @!p0 s1  }
0xca: {  	[bflag:$0x3] =	sbarrier.arrive $0xFFFF  }
0xcb: {  	_ =	shalt  }

// kernel: kernel.15.cloned.1.call-start
scs
__scs_entry_jumppad:
0x0: {  	(pc) =	sbr.rel $0x88, $3  }
0x1: {  	(tag) =	ssettag $0x0;
	lr =	simm.s32 $0x1  }
0x2: {  	[smem:$0x3F9B] =	sst lr;
	_ =	strace $0xD0000000  }
0x3: {  	_ = 	snop  }
0x4: {  	_ = 	snop  }
0x5: {  	_ = 	snop  }
0x6: {  	_ = 	snop  }
0x7: {  	_ = 	snop  }
__scs_overlays_trampoline_lowered:
0x8: {  	[smem:$0x3FAA] =	sst s0  }
0x9: {  	[smem:$0x3FAB] =	sst s1  }
0xa: {  	[smem:$0x3FAC] =	sst s2  }
0xb: {  	[smem:$0x3FAD] =	sst s3  }
0xc: {  	[smem:$0x3FAE] =	sst s4  }
0xd: {  	[smem:$0x3FAF] =	sst s5  }
0xe: {  	[smem:$0x3FB0] =	sst s6  }
0xf: {  	[smem:$0x3FB1] =	sst s7  }
0x10: {  	[smem:$0x3FB2] =	sst s8  }
0x11: {  	[smem:$0x3FB3] =	sst s9;
	s0 =	simm.s32 @!p0 $0x0  }
0x12: {  	s1 =	sld [smem:$0x3F99];
	s0 =	simm.s32 @p0 $0x1  }
0x13: {  	[smem:$0x3FB4] =	sst s0;
	s0 =	simm.s32 @!p1 $0x0  }
0x14: {  	s2 =	sld [smem:$0x3F98];
	s0 =	simm.s32 @p1 $0x1  }
0x15: {  	[smem:$0x3FB5] =	sst s0;
	s0 =	simm.s32 @!p2 $0x0  }
0x16: {  	s3 =	sld [smem:$0x3FDB];
	s0 =	simm.s32 @p2 $0x1  }
0x17: {  	s4 =	simm.s32 $0x1BF5;
	[smem:$0x3FB7] =	sst s0  }
0x18: {  	s0 =	sld [smem:$0x3F9A];
	_ =	swait.ge [sflag:s4], $0x0  }
0x19: {  	s7 =	sld [smem:$0x3F9B]  }
0x1a: {  	s8 =	sadd.s32 $0xFFFFE003, lr  }
0x1b: {  	s9 =	sadd.s32 $0xFFFFFEF7, lr;
	s5 =	simm.s32 $0xFFFFFFFF;
	p2 =	slt.u32 s8, $0xFFFFF086  }
0x1c: {  	p1 =	slt.u32 s9, $0xF7A;
	s5 =	simm.s32 @!p2 $0x0  }
0x1d: {  	s5 =	simm.s32 @p1 $0x1;
	p0 =	seq.s32 s7, s2  }
0x1e: {  	s7 =	smul.u32 @!p0 $0xF7A, s2;
	p2 =	seq.s32 @!p0 s5, $0x0  }
0x1f: {  	s9 =	smul.u32 $0xF7A, s1;
	s8 =	simm.s32 @!p0 $0x1BF5;
	p2 =	por !p2, p0  }
0x20: {  	[sflag:s8] =	ssyncset.s32 @!p0 $0xFFFFF086;
	s6 =	sadd.s32 @!p0 s3, s7;
	s7 =	simm.s32 @!p0 $0x108  }
0x21: {  	s3 =	sadd.s32 s3, s9;
	s6 =	sadd.s32 @!p0 $0x88, s6;
	s7 =	simm.s32 @p2 $0x1082  }
0x22: {  	[simem:s7], [sflag:s8] =	dma.local @!p0 [hbm:s6], $0xF7A  }
0x23: {  	s9 =	sor.u32 $0xD0000000, s2;
	s6 =	simm.s32 $0x108;
	_ =	swait.ge @!p0 [sflag:s8], $0x0  }
0x24: {  	s3 =	sadd.s32 $0x88, s3;
	s6 =	simm.s32 @!p1 $0x1082;
	[sflag:s4] =	ssyncset.s32 $0xFFFFF086  }
0x25: {  	[simem:s6], [sflag:s4] =	dma.local [hbm:s3], $0xF7A  }
0x26: {  	[smem:$0x3F9B] =	sst s1;
	(tag) =	ssettag s2;
	_ =	strace s9  }
0x27: {  	s1 =	sld [smem:$0x3FAB]  }
0x28: {  	s2 =	sld [smem:$0x3FAC]  }
0x29: {  	s4 =	sld [smem:$0x3FAE]  }
0x2a: {  	p0 =	seq.s32 s5, $0x0;
	s5 =	sld [smem:$0x3FAF]  }
0x2b: {  	s6 =	sld [smem:$0x3FB0]  }
0x2c: {  	s7 =	sld [smem:$0x3FB1]  }
0x2d: {  	s3 =	simm.s32 $0x108;
	s8 =	sld [smem:$0x3FB2]  }
0x2e: {  	s3 =	simm.s32 @!p0 $0x1082;
	s9 =	sld [smem:$0x3FB3]  }
0x2f: {  	lr =	sadd.s32 s0, s3;
	s0 =	sld [smem:$0x3FAA]  }
0x30: {  	s3 =	sld [smem:$0x3FAD]  }
0x31: {  	[smem:$0x3FB6] =	sst s10  }
0x32: {  	s10 =	sld [smem:$0x3FB4];
	_ =	sdelay $0x3  }
0x33: {  	p0 =	seq.s32 s10, $0x1;
	s10 =	sld [smem:$0x3FB6];
	_ =	sdelay $0x3  }
0x34: {  	[smem:$0x3FB6] =	sst s10  }
0x35: {  	s10 =	sld [smem:$0x3FB5];
	_ =	sdelay $0x3  }
0x36: {  	p1 =	seq.s32 s10, $0x1;
	s10 =	sld [smem:$0x3FB6];
	_ =	sdelay $0x3  }
0x37: {  	[smem:$0x3FB6] =	sst s10  }
0x38: {  	s10 =	sld [smem:$0x3FB7]  }
0x39: {  	_ = 	snop;
	(pc) =	sbr.ind lr, $3  }
0x3a: {  	_ = 	snop  }
0x3b: {  	_ = 	snop  }
0x3c: {  	p2 =	seq.s32 s10, $0x1;
	s10 =	sld [smem:$0x3FB6]  }
0x3d: {  	_ =	shalt  }
0x3e: {  	_ =	shalt  }
0x3f: {  	_ =	shalt  }
0x40: {  	_ =	shalt  }
0x41: {  	_ =	shalt  }
0x42: {  	_ =	shalt  }
0x43: {  	_ =	shalt  }
0x44: {  	_ =	shalt  }
0x45: {  	_ =	shalt  }
0x46: {  	_ =	shalt  }
0x47: {  	_ =	shalt  }
0x48: {  	_ =	shalt  }
0x49: {  	_ =	shalt  }
0x4a: {  	_ =	shalt  }
0x4b: {  	_ =	shalt  }
0x4c: {  	_ =	shalt  }
0x4d: {  	_ =	shalt  }
0x4e: {  	_ =	shalt  }
0x4f: {  	_ =	shalt  }
0x50: {  	_ =	shalt  }
0x51: {  	_ =	shalt  }
0x52: {  	_ =	shalt  }
0x53: {  	_ =	shalt  }
0x54: {  	_ =	shalt  }
0x55: {  	_ =	shalt  }
0x56: {  	_ =	shalt  }
0x57: {  	_ =	shalt  }
0x58: {  	_ =	shalt  }
0x59: {  	_ =	shalt  }
0x5a: {  	_ =	shalt  }
0x5b: {  	_ =	shalt  }
0x5c: {  	_ =	shalt  }
0x5d: {  	_ =	shalt  }
0x5e: {  	_ =	shalt  }
0x5f: {  	_ =	shalt  }
0x60: {  	_ =	shalt  }
0x61: {  	_ =	shalt  }
0x62: {  	_ =	shalt  }
0x63: {  	_ =	shalt  }
0x64: {  	_ =	shalt  }
0x65: {  	_ =	shalt  }
0x66: {  	_ =	shalt  }
0x67: {  	_ =	shalt  }
0x68: {  	_ =	shalt  }
0x69: {  	_ =	shalt  }
0x6a: {  	_ =	shalt  }
0x6b: {  	_ =	shalt  }
0x6c: {  	_ =	shalt  }
0x6d: {  	_ =	shalt  }
0x6e: {  	_ =	shalt  }
0x6f: {  	_ =	shalt  }
0x70: {  	_ =	shalt  }
0x71: {  	_ =	shalt  }
0x72: {  	_ =	shalt  }
0x73: {  	_ =	shalt  }
0x74: {  	_ =	shalt  }
0x75: {  	_ =	shalt  }
0x76: {  	_ =	shalt  }
0x77: {  	_ =	shalt  }
0x78: {  	_ =	shalt  }
0x79: {  	_ =	shalt  }
0x7a: {  	_ =	shalt  }
0x7b: {  	_ =	shalt  }
0x7c: {  	_ =	shalt  }
0x7d: {  	_ =	shalt  }
0x7e: {  	_ =	shalt  }
0x7f: {  	_ =	shalt  }
0x80: {  	_ =	shalt  }
0x81: {  	_ =	shalt  }
0x82: {  	_ =	shalt  }
0x83: {  	_ =	shalt  }
0x84: {  	_ =	shalt  }
0x85: {  	_ =	shalt  }
0x86: {  	_ =	shalt  }
0x87: {  	_ =	shalt  }
.Lfunc_end0:
.L_simem_size_0:
called_computation.1_lowered:
.L_overlay_start_0:
0x88: {  	s2 =	sld [smem:$0x3FD9]  }
0x89: {  	s3 =	sld [smem:$0x3FFE];
	_ =	sdelay $0x1  }
0x8a: {  	s1 =	srdreg.scid  }
0x8b: {  	s0 =	sand.u32 $0x1, s1  }
0x8c: {  	s17 =	sshll.u32 s0, $0xA;
	s2 =	sadd.s32 s3, s2  }
0x8d: {  	s2 =	sadd.s32 s2, s17  }
0x8e: {  	[smem:$0x3FC2] =	sst s2  }
0x8f: {  	_ = 	snop  }
0x90: {  	s2 =	sld [smem:$0x3FC9];
	(tm) =	ssettm $0x1  }
0x91: {  	s18 =	sld [smem:$0x3FFB];
	_ =	sdelay $0x3  }
0x92: {  	_ =	strace s18  }
0x93: {  	s3 =	sld [smem:$0x3FFC];
	_ =	sdelay $0x3  }
0x94: {  	_ =	strace s3  }
0x95: {  	s3 =	sld [smem:$0x3FFD];
	_ =	sdelay $0x3  }
0x96: {  	_ =	strace s3  }
0x97: {  	_ =	strace $0x8FFFFFFF  }
0x98: {  	s19 =	sld [smem:$0x3FDB];
	_ =	sdelay $0x1  }
0x99: {  	s4 =	simm.s32 $_scs_section_size  }
0x9a: {  	s5 =	simm.s32 $_size__tile_overlayer_lowered;
	s6 =	simm.s32 $_tile_overlayer_lowered  }
0x9b: {  	s22 =	simm.s32 $0x1BFF;
	s21 =	sshll.u32 s6, $0x1;
	s3 =	sadd.s32 s4, s19  }
0x9c: {  	s7 =	simm.s32 $0x0;
	s20 =	sshll.u32 s5, $0x1;
	s5 =	sadd.s32 s21, s3  }
0x9d: {  	[timem:s7], [sflag:s22] =	dma.local [hbm:s5], s20  }
0x9e: {  	_ =	swait.ge [sflag:s22], s20  }
0x9f: {  	s4 =	ssub.s32 $0x0, s20;
	[sflag:s22] =	ssyncset.done $0x0  }
0xa0: {  	[sflag:s22] =	ssyncadd.s32 s4;
	_ =	sdelay $0x1  }
0xa1: {  	s23 =	simm.s32 $0x1B8B  }
0xa2: {  	_ =	swait.ge [sflag:s23], $0x1  }
0xa3: {  	[sflag:s23] =	ssyncset.done $0x0  }
0xa4: {  	s25 =	simm.s32 $0x1B8E;
	s24 =	sld [smem:$0x3FFE];
	[sflag:s23] =	ssyncadd.s32 $0xFFFFFFFF  }
0xa5: {  	s26 =	simm.s32 $execute0_lowered;
	[smem:$0x3FD2] =	sst s25  }
0xa6: {  	s5 =	sshll.u32 s26, $0x1;
	_ =	strace $0x80000046;
	[dreg:$0x1] =	wrdreg $0xFFFFFFFF  }
0xa7: {  	s28 =	simm.s32 $_size_execute0_lowered;
	s3 =	sadd.s32 s3, s5;
	[dreg:$0x0] =	wrdreg $0x0  }
0xa8: {  	s5 =	sshll.u32 s28, $0x1;
	[dreg:$0x2] =	wrdreg s3  }
0xa9: {  	[dreg:$0x3] =	wrdreg s5  }
0xaa: {  	[dreg:$0x4] =	wrdreg $0xC0  }
0xab: {  	_ =	task [dreg:s7], $0x5FFFF  }
0xac: {  	[dreg:$0x1] =	wrdreg $0xFFFFFFFF  }
0xad: {  	[dreg:$0x0] =	wrdreg $0x60  }
0xae: {  	[dreg:$0x2] =	wrdreg s2  }
0xaf: {  	[dreg:$0x3] =	wrdreg s24  }
0xb0: {  	[dreg:$0x4] =	wrdreg $0x88000  }
0xb1: {  	[dreg:$0x5] =	wrdreg $0xA  }
0xb2: {  	_ =	task.clear_ibuf [dreg:s7], $0x6FFFF;
	_ =	strace $0x90000046  }
0xb3: {  	s29 =	simm.s32 $0xA;
	_ =	strace $0x80000048  }
0xb4: {  	_ =	swait.ge [sflag:s29], $0x1  }
0xb5: {  	[sflag:s29] =	ssyncadd.s32 $0xFFFFFFFF  }
0xb6: {  	_ =	strace $0x90000048  }
0xb7: {  	_ =	sfence  }
0xb8: {  	s30 =	sld [smem:$0x0];
	_ =	sdelay $0x2  }
0xb9: {  	s31 =	sshll.u32 s1, $0xD;
	s1 =	sshrl.u32 s1, $0x2  }
0xba: {  	s3 =	sand.u32 $0x4000, s31;
	s1 =	sadd.s32 s1, s30  }
0xbb: {  	s0 =	sor.u32 s3, s0;
	s1 =	sshll.u32 s1, $0x11  }
0xbc: {  	s0 =	sor.u32 s1, s0  }
0xbd: {  	s0 =	sadd.s32 $0x8F2B, s0  }
0xbe: {  	[sflag:s0] =	ssyncadd.remote.s32 $0x1  }
0xbf: {  	_ =	sfence.sel $0xFFFF  }
0xc0: {  	[dreg:$0x0] =	wrdreg $0xFFFFFFFF;
	(pc) =	sbr.abs _section_cstart, $3  }
0xc1: {  	[dreg:$0x1] =	wrdreg $0xFFFFFFFF  }
0xc2: {  	_ =	task.clear_ibuf [dreg:s7], $0x2FFFF;
	_ =	strace $0x9FFFFFFF  }
0xc3: {  	(tm) =	ssettm $0x7FFFFFFF  }
tec
execute0_lowered:
.L_overlay_start_1:
0x0: {  	(tag) =	ssettag $0x1  }
0x1: {  	s0 =	srdreg.scid;
	s5 =	rddreg [dreg:$0x1]  }
0x2: {  	s1 =	stileid.u32;
	s2 =	rddreg [dreg:$0x2];
	s11 =	simm.s32 $0x7  }
0x3: {  	s12 =	simm.s32 $0x800;
	s13 =	simm.s32 $0x28;
	s14 =	simm.s32 $0x1000  }
0x4: {  	s15 =	simm.s32 $0x3800;
	s16 =	simm.s32 $0x2400;
	s17 =	simm.s32 $0x828  }
0x5: {  	s18 =	simm.s32 $0x4C00;
	s19 =	simm.s32 $0x1;
	s20 =	simm.s32 $0x3  }
0x6: {  	s21 =	simm.s32 $0x6000;
	s22 =	simm.s32 $0x2;
	s23 =	simm.s32 $0x4  }
0x7: {  	s24 =	simm.s32 $0x7400;
	s0 =	sand.u32 $0x1, s0;
	s3 =	sshll.u32 s1, $0x1  }
0x8: {  	s25 =	simm.s32 $0x5;
	s26 =	simm.s32 $0x6;
	s4 =	sor.u32 s0, s3  }
0x9: {  	s28 =	simm.s32 $0x0;
	p0 =	sne.s32 s1, $0x0;
	s4 =	smul.u32 $0x7D0, s4  }
.Ltmp0:
0xa: {  	s3 =	simm.s32 $0x0;
	s0 =	ssub.s32 $0x2, s0;
	(pc) =	sbr.rel .LBB2_1-.Ltmp0, $4  }
0xb: {  	s10 =	sshrl.u32 @!p0 s2, $0x3;
	[smem:$0x7FF] =	sst s3;
	s31 =	sshrl.u32 s0, $0x1  }
0xc: {  	_ =	strace $0x80000047;
	s0 =	ssub.s32 s0, s31;
	s6 =	sshrl.u32 s4, $0x3  }
0xd: {  	s8 =	sadd.s32 $0x28, s4;
	s9 =	smax.u32 s0, $0x1;
	s7 =	sadd.s32 s6, s5  }
0xe: {  	s5 =	sadd.s32 $0x10E00, s5;
	s6 =	sadd.s32 $0x2E00, s7;
	s7 =	sadd.s32 $0xE00, s7  }
.LBB2_8:
0xf: {  	s28 =	sadd.s32 $0x1, s28  }
0x10: {  	_ =	swait.ge [sflag:s25], $0x1400;
	p1 =	sne.s32 s28, s9  }
.Ltmp1:
0x11: {  	[sflag:s25] =	ssyncset.done $0x0;
	(pc) =	sbr.rel @!p1 .LBB2_9-.Ltmp1, $4  }
0x12: {  	[sflag:s25] =	ssyncadd.s32 $0xFFFFEC00  }
0x13: {  	_ =	swait.ge [sflag:s26], $0x1400  }
0x14: {  	[sflag:s26] =	ssyncset.done $0x0  }
0x15: {  	[sflag:s26] =	ssyncadd.s32 $0xFFFFEC00  }
.LBB2_1:
0x16: {  	s0 =	simm.s32 @!p0 $0x1C07;
	s1 =	rddreg [dreg:$0x0]  }
0x17: {  	[spmem:s10], [sflag:s0] =	dma.local @!p0 [hbm:s1], $0x27100  }
0x18: {  	s0 =	simm.s32 @!p0 $0x7  }
0x19: {  	_ =	swait.ge @!p0 [sflag:s0], $0x27100  }
0x1a: {  	[sflag:s0] =	ssyncset.done @!p0 $0x0  }
0x1b: {  	[sflag:s0] =	ssyncadd.s32 @!p0 $0xFFFD8F00  }
0x1c: {  	[bflag:$0x0] =	sbarrier.arrive $0xFFFF  }
0x1d: {  	[tilespmem:s3], [sflag:$0x7] =	stream.linear.gather [hbm4b:s6+s3], $0x7D0, $0x38;
	[tilespmem:$0x1C080] =	vst v63  }
0x1e: {  	_ =	swait.ge [sflag:s11], $0x7D0  }
0x1f: {  	[sflag:s11] =	ssyncset.done $0x0  }
0x20: {  	[sflag:s11] =	ssyncadd.s32 $0xFFFFF830  }
0x21: {  	[tilespmem:s12], [sflag:$0x7] =	stream.linear.gather [hbm4b:s7+s3], $0x7D0, $0x38;
	[tilespmem:$0x1C080] =	vst v63  }
0x22: {  	_ =	swait.ge [sflag:s11], $0x7D0  }
0x23: {  	[sflag:s11] =	ssyncset.done $0x0  }
0x24: {  	[sflag:s11] =	ssyncadd.s32 $0xFFFFF830  }
0x25: {  	[tilespmem:s14], [sflag:$0x1] =	stream.indirect.gather [spmem:s2], $0x80, s3, s13, $0xb8;
	[tilespmem:$0x1C080] =	vst v63  }
0x26: {  	_ = 	snop  }
0x27: {  	[tilespmem:s15], [sflag:$0x3] =	stream.indirect.gather [spmem:s2], $0x80, s12, s13, $0xb8;
	[tilespmem:$0x1C080] =	vst v63  }
0x28: {  	_ = 	snop  }
0x29: {  	[tilespmem:s16], [sflag:$0x2] =	stream.indirect.gather [spmem:s2], $0x80, s13, s13, $0xb8;
	[tilespmem:$0x1C080] =	vst v63  }
0x2a: {  	s29 =	simm.s32 $0x0  }
0x2b: {  	[tilespmem:s18], [sflag:$0x4] =	stream.indirect.gather [spmem:s2], $0x80, s17, s13, $0xb8;
	[tilespmem:$0x1C080] =	vst v63  }
.LBB2_2:
0x2c: {  	_ =	swait.ge [sflag:s19], $0x1400  }
0x2d: {  	[sflag:s19] =	ssyncset.done $0x0  }
0x2e: {  	[sflag:s19] =	ssyncadd.s32 $0xFFFFEC00  }
0x2f: {  	_ =	swait.ge [sflag:s20], $0x1400  }
0x30: {  	p1 =	seq.s32 s29, $0x0;
	[sflag:s20] =	ssyncset.done $0x0  }
0x31: {  	s0 =	simm.s32 @!p1 $0x5;
	[sflag:s20] =	ssyncadd.s32 $0xFFFFEC00  }
0x32: {  	_ =	swait.ge @!p1 [sflag:s0], $0x1400  }
0x33: {  	[sflag:s0] =	ssyncset.done @!p1 $0x0  }
0x34: {  	s30 =	simm.s32 $0x0;
	[sflag:s0] =	ssyncadd.s32 @!p1 $0xFFFFEC00  }
0x35: {  	v0 =	vld [tilespmem:s30+$0x1070]  }
0x36: {  	v1 =	vld [tilespmem:s30+$0x3870]  }
0x37: {  	v2 =	vld [tilespmem:s30+$0x1000]  }
0x38: {  	v3 =	vld [tilespmem:s30+$0x3800]  }
0x39: {  	v4 =	vld [tilespmem:s30+$0x1010]  }
0x3a: {  	v5 =	vld [tilespmem:s30+$0x3810]  }
0x3b: {  	v6 =	vld [tilespmem:s30+$0x1020]  }
0x3c: {  	v0 =	vsub.f32 v0, v1;
	v1 =	vld [tilespmem:s30+$0x3820]  }
0x3d: {  	v7 =	vld [tilespmem:s30+$0x1030]  }
0x3e: {  	v8 =	vld [tilespmem:s30+$0x3830];
	v2 =	vsub.f32 v2, v3  }
0x3f: {  	v9 =	vld [tilespmem:s30+$0x1040];
	v0 =	vand.u32 $0x7FFFFFFF, v0  }
0x40: {  	[tilespmem:s30+$0x6070] =	vst v0;
	v0 =	vand.u32 $0x7FFFFFFF, v2;
	v2 =	vsub.f32 v4, v5;
	v5 =	vld [tilespmem:s30+$0x3840]  }
0x41: {  	v3 =	vld [tilespmem:s30+$0x3850];
	v1 =	vsub.f32 v6, v1  }
0x42: {  	[tilespmem:s30+$0x6000] =	vst v0;
	v0 =	vld [tilespmem:s30+$0x1050];
	v2 =	vand.u32 $0x7FFFFFFF, v2  }
0x43: {  	v4 =	vld [tilespmem:s30+$0x3860];
	v6 =	vsub.f32 v7, v8;
	[tilespmem:s30+$0x6010] =	vst v2;
	v2 =	vand.u32 $0x7FFFFFFF, v1  }
0x44: {  	s31 =	simm.s32 $0x80;
	v1 =	vld [tilespmem:s30+$0x1060];
	[tilespmem:s30+$0x6020] =	vst v2  }
0x45: {  	s1 =	simm.s32 $0x400;
	v6 =	vand.u32 $0x7FFFFFFF, v6;
	v5 =	vsub.f32 v9, v5;
	v2 =	vld [tilespmem:s31+$0x1070]  }
.LBB2_3:
0x46: {  	p2 =	sne.s32 s1, $0x4E00;
	v7 =	vld [tilespmem:s31+$0x3870];
	[tilespmem:s30+$0x6030] =	vst v6  }
0x47: {  	v6 =	vld [tilespmem:s31+$0x1000];
	v5 =	vand.u32 $0x7FFFFFFF, v5;
	v0 =	vsub.f32 v0, v3  }
0x48: {  	v3 =	vld [tilespmem:s31+$0x3800];
	[tilespmem:s30+$0x6040] =	vst v5  }
0x49: {  	v5 =	vld [tilespmem:s31+$0x1010];
	v0 =	vand.u32 $0x7FFFFFFF, v0;
	v1 =	vsub.f32 v1, v4  }
0x4a: {  	v4 =	vld [tilespmem:s31+$0x3810];
	[tilespmem:s30+$0x6050] =	vst v0  }
0x4b: {  	v0 =	vld [tilespmem:s31+$0x1020];
	v2 =	vsub.f32 v2, v7;
	v1 =	vand.u32 $0x7FFFFFFF, v1  }
0x4c: {  	v7 =	vld [tilespmem:s31+$0x3820];
	[tilespmem:s30+$0x6060] =	vst v1;
	s30 =	smov.u32 s31  }
0x4d: {  	v1 =	vsub.f32 v6, v3;
	v6 =	vld [tilespmem:s30+$0x1030];
	v2 =	vand.u32 $0x7FFFFFFF, v2  }
0x4e: {  	v8 =	vld [tilespmem:s30+$0x3830];
	[tilespmem:s30+$0x6070] =	vst v2  }
0x4f: {  	v1 =	vand.u32 $0x7FFFFFFF, v1;
	v2 =	vsub.f32 v5, v4;
	v5 =	vld [tilespmem:s30+$0x1040]  }
0x50: {  	[tilespmem:s30+$0x6000] =	vst v1;
	v9 =	vld [tilespmem:s30+$0x3840]  }
.Ltmp2:
0x51: {  	v1 =	vand.u32 $0x7FFFFFFF, v2;
	v2 =	vsub.f32 v0, v7;
	v0 =	vld [tilespmem:s30+$0x1050];
	(pc) =	sbr.rel @p2 .LBB2_3-.Ltmp2, $4  }
0x52: {  	[tilespmem:s30+$0x6010] =	vst v1;
	v3 =	vld [tilespmem:s30+$0x3850]  }
0x53: {  	v2 =	vand.u32 $0x7FFFFFFF, v2;
	v6 =	vsub.f32 v6, v8;
	v1 =	vld [tilespmem:s30+$0x1060]  }
0x54: {  	s31 =	sshra.s32 s1, $0x2;
	[tilespmem:s30+$0x6020] =	vst v2;
	v4 =	vld [tilespmem:s30+$0x3860]  }
0x55: {  	s1 =	sadd.s32 $0x200, s1;
	v2 =	vld [tilespmem:s31+$0x1070];
	v6 =	vand.u32 $0x7FFFFFFF, v6;
	v5 =	vsub.f32 v5, v9  }
0x56: {  	v7 =	vld [tilespmem:s31+$0x3870];
	[tilespmem:s30+$0x6030] =	vst v6  }
0x57: {  	v6 =	vld [tilespmem:s31+$0x1000];
	v5 =	vand.u32 $0x7FFFFFFF, v5;
	v0 =	vsub.f32 v0, v3  }
0x58: {  	v8 =	vld [tilespmem:s31+$0x3800];
	[tilespmem:s30+$0x6040] =	vst v5  }
0x59: {  	v3 =	vld [tilespmem:s31+$0x1010];
	v0 =	vand.u32 $0x7FFFFFFF, v0;
	v1 =	vsub.f32 v1, v4  }
0x5a: {  	v5 =	vld [tilespmem:s31+$0x3810];
	[tilespmem:s30+$0x6050] =	vst v0  }
0x5b: {  	v0 =	vld [tilespmem:s31+$0x1020];
	v1 =	vand.u32 $0x7FFFFFFF, v1  }
0x5c: {  	v4 =	vld [tilespmem:s31+$0x3820];
	v2 =	vsub.f32 v2, v7;
	[tilespmem:s30+$0x6060] =	vst v1  }
0x5d: {  	v6 =	vsub.f32 v6, v8;
	v1 =	vld [tilespmem:s31+$0x1030]  }
0x5e: {  	v2 =	vand.u32 $0x7FFFFFFF, v2;
	v7 =	vld [tilespmem:s31+$0x3830]  }
0x5f: {  	[tilespmem:s31+$0x6070] =	vst v2;
	v2 =	vand.u32 $0x7FFFFFFF, v6;
	v6 =	vld [tilespmem:s31+$0x1040]  }
0x60: {  	v3 =	vsub.f32 v3, v5;
	v5 =	vld [tilespmem:s31+$0x1050]  }
0x61: {  	[tilespmem:s31+$0x6000] =	vst v2;
	v2 =	vld [tilespmem:s31+$0x3840];
	v0 =	vsub.f32 v0, v4  }
0x62: {  	v3 =	vand.u32 $0x7FFFFFFF, v3;
	v4 =	vld [tilespmem:s31+$0x1060]  }
0x63: {  	[tilespmem:s31+$0x6010] =	vst v3;
	v3 =	vld [tilespmem:s31+$0x3850];
	v0 =	vand.u32 $0x7FFFFFFF, v0  }
0x64: {  	[tilespmem:s31+$0x6020] =	vst v0;
	v0 =	vld [tilespmem:s31+$0x3860];
	_ =	sdelay $0x1  }
0x65: {  	v1 =	vsub.f32 v1, v7  }
0x66: {  	v2 =	vsub.f32 v6, v2  }
0x67: {  	s30 =	smul.u32 $0x50, s29;
	v1 =	vand.u32 $0x7FFFFFFF, v1;
	v3 =	vsub.f32 v5, v3  }
0x68: {  	[tilespmem:s31+$0x6030] =	vst v1;
	v1 =	vand.u32 $0x7FFFFFFF, v2;
	v0 =	vsub.f32 v4, v0  }
0x69: {  	s0 =	sadd.s32 s4, s30;
	[tilespmem:s31+$0x6040] =	vst v1;
	v1 =	vand.u32 $0x7FFFFFFF, v3  }
0x6a: {  	s0 =	sshll.u32 s0, $0x4;
	[tilespmem:s31+$0x6050] =	vst v1;
	v0 =	vand.u32 $0x7FFFFFFF, v0  }
0x6b: {  	p2 =	seq.s32 s29, $0x18;
	s0 =	sadd.s32 s5, s0;
	[tilespmem:s31+$0x6060] =	vst v0  }
0x6c: {  	[hbm4b:s0+s3] =	stream.linear.scatter [tilespmem:s21], [sflag:$0x5], $0x1400, $0x38;
	[tilespmem:$0x1C080] =	vst v63  }
0x6d: {  	s1 =	simm.s32 @!p2 $0x28;
	s31 =	simm.s32 @!p2 $0x1000;
	s0 =	sadd.s32 @!p2 $0x50, s30  }
0x6e: {  	[tilespmem:s31], [sflag:$0x1] =	stream.indirect.gather @!p2 [spmem:s2], $0x80, s0, s1, $0xb8;
	[tilespmem:$0x1C080] =	vst v63  }
0x6f: {  	s0 =	sadd.s32 @!p2 $0x850, s30;
	s31 =	simm.s32 @!p2 $0x3800  }
0x70: {  	[tilespmem:s31], [sflag:$0x3] =	stream.indirect.gather @!p2 [spmem:s2], $0x80, s0, s1, $0xb8;
	[tilespmem:$0x1C080] =	vst v63  }
0x71: {  	_ =	swait.ge [sflag:s22], $0x1400  }
0x72: {  	[sflag:s22] =	ssyncset.done $0x0  }
0x73: {  	[sflag:s22] =	ssyncadd.s32 $0xFFFFEC00  }
0x74: {  	_ =	swait.ge [sflag:s23], $0x1400  }
0x75: {  	[sflag:s23] =	ssyncset.done $0x0  }
0x76: {  	s0 =	simm.s32 @!p1 $0x6;
	[sflag:s23] =	ssyncadd.s32 $0xFFFFEC00  }
0x77: {  	_ =	swait.ge @!p1 [sflag:s0], $0x1400  }
0x78: {  	[sflag:s0] =	ssyncset.done @!p1 $0x0  }
0x79: {  	s31 =	simm.s32 $0x0;
	[sflag:s0] =	ssyncadd.s32 @!p1 $0xFFFFEC00  }
0x7a: {  	v0 =	vld [tilespmem:s31+$0x2470]  }
0x7b: {  	v1 =	vld [tilespmem:s31+$0x4C70]  }
0x7c: {  	v2 =	vld [tilespmem:s31+$0x2400]  }
0x7d: {  	v3 =	vld [tilespmem:s31+$0x4C00]  }
0x7e: {  	v4 =	vld [tilespmem:s31+$0x2410]  }
0x7f: {  	v5 =	vld [tilespmem:s31+$0x4C10]  }
0x80: {  	v6 =	vld [tilespmem:s31+$0x2420]  }
0x81: {  	v0 =	vsub.f32 v0, v1;
	v1 =	vld [tilespmem:s31+$0x4C20]  }
0x82: {  	v7 =	vld [tilespmem:s31+$0x2430]  }
0x83: {  	v8 =	vld [tilespmem:s31+$0x4C30];
	v2 =	vsub.f32 v2, v3  }
0x84: {  	v9 =	vld [tilespmem:s31+$0x2440];
	v0 =	vand.u32 $0x7FFFFFFF, v0  }
0x85: {  	[tilespmem:s31+$0x7470] =	vst v0;
	v0 =	vand.u32 $0x7FFFFFFF, v2;
	v2 =	vsub.f32 v4, v5;
	v5 =	vld [tilespmem:s31+$0x4C40]  }
0x86: {  	v3 =	vld [tilespmem:s31+$0x4C50];
	v1 =	vsub.f32 v6, v1  }
0x87: {  	[tilespmem:s31+$0x7400] =	vst v0;
	v0 =	vld [tilespmem:s31+$0x2450];
	v2 =	vand.u32 $0x7FFFFFFF, v2  }
0x88: {  	v4 =	vld [tilespmem:s31+$0x4C60];
	v6 =	vsub.f32 v7, v8;
	[tilespmem:s31+$0x7410] =	vst v2;
	v2 =	vand.u32 $0x7FFFFFFF, v1  }
0x89: {  	s1 =	simm.s32 $0x80;
	v1 =	vld [tilespmem:s31+$0x2460];
	[tilespmem:s31+$0x7420] =	vst v2  }
0x8a: {  	s0 =	simm.s32 $0x400;
	v6 =	vand.u32 $0x7FFFFFFF, v6;
	v5 =	vsub.f32 v9, v5;
	v2 =	vld [tilespmem:s1+$0x2470]  }
.LBB2_5:
0x8b: {  	p1 =	sne.s32 s0, $0x4E00;
	v7 =	vld [tilespmem:s1+$0x4C70];
	[tilespmem:s31+$0x7430] =	vst v6  }
0x8c: {  	v6 =	vld [tilespmem:s1+$0x2400];
	v5 =	vand.u32 $0x7FFFFFFF, v5;
	v0 =	vsub.f32 v0, v3  }
0x8d: {  	v3 =	vld [tilespmem:s1+$0x4C00];
	[tilespmem:s31+$0x7440] =	vst v5  }
0x8e: {  	v5 =	vld [tilespmem:s1+$0x2410];
	v0 =	vand.u32 $0x7FFFFFFF, v0;
	v1 =	vsub.f32 v1, v4  }
0x8f: {  	v4 =	vld [tilespmem:s1+$0x4C10];
	[tilespmem:s31+$0x7450] =	vst v0  }
0x90: {  	v0 =	vld [tilespmem:s1+$0x2420];
	v2 =	vsub.f32 v2, v7;
	v1 =	vand.u32 $0x7FFFFFFF, v1  }
0x91: {  	v7 =	vld [tilespmem:s1+$0x4C20];
	[tilespmem:s31+$0x7460] =	vst v1;
	s31 =	smov.u32 s1  }
0x92: {  	v1 =	vsub.f32 v6, v3;
	v6 =	vld [tilespmem:s31+$0x2430];
	v2 =	vand.u32 $0x7FFFFFFF, v2  }
0x93: {  	v8 =	vld [tilespmem:s31+$0x4C30];
	[tilespmem:s31+$0x7470] =	vst v2  }
0x94: {  	v1 =	vand.u32 $0x7FFFFFFF, v1;
	v2 =	vsub.f32 v5, v4;
	v5 =	vld [tilespmem:s31+$0x2440]  }
0x95: {  	[tilespmem:s31+$0x7400] =	vst v1;
	v9 =	vld [tilespmem:s31+$0x4C40]  }
.Ltmp3:
0x96: {  	v1 =	vand.u32 $0x7FFFFFFF, v2;
	v2 =	vsub.f32 v0, v7;
	v0 =	vld [tilespmem:s31+$0x2450];
	(pc) =	sbr.rel @p1 .LBB2_5-.Ltmp3, $4  }
0x97: {  	[tilespmem:s31+$0x7410] =	vst v1;
	v3 =	vld [tilespmem:s31+$0x4C50]  }
0x98: {  	v2 =	vand.u32 $0x7FFFFFFF, v2;
	v6 =	vsub.f32 v6, v8;
	v1 =	vld [tilespmem:s31+$0x2460]  }
0x99: {  	s1 =	sshra.s32 s0, $0x2;
	[tilespmem:s31+$0x7420] =	vst v2;
	v4 =	vld [tilespmem:s31+$0x4C60]  }
0x9a: {  	s0 =	sadd.s32 $0x200, s0;
	v2 =	vld [tilespmem:s1+$0x2470];
	v6 =	vand.u32 $0x7FFFFFFF, v6;
	v5 =	vsub.f32 v5, v9  }
0x9b: {  	v7 =	vld [tilespmem:s1+$0x4C70];
	[tilespmem:s31+$0x7430] =	vst v6  }
0x9c: {  	v6 =	vld [tilespmem:s1+$0x2400];
	v5 =	vand.u32 $0x7FFFFFFF, v5;
	v0 =	vsub.f32 v0, v3  }
0x9d: {  	v8 =	vld [tilespmem:s1+$0x4C00];
	[tilespmem:s31+$0x7440] =	vst v5  }
0x9e: {  	v52 =	vld [tilespmem:s1+$0x2410];
	v0 =	vand.u32 $0x7FFFFFFF, v0;
	v1 =	vsub.f32 v1, v4  }
0x9f: {  	v5 =	vld [tilespmem:s1+$0x4C10];
	[tilespmem:s31+$0x7450] =	vst v0  }
0xa0: {  	v0 =	vld [tilespmem:s1+$0x2420];
	v1 =	vand.u32 $0x7FFFFFFF, v1  }
0xa1: {  	v53 =	vld [tilespmem:s1+$0x4C20];
	[tilespmem:s31+$0x7460] =	vst v1  }
0xa2: {  	v1 =	vld [tilespmem:s1+$0x2430]  }
0xa3: {  	v54 =	vld [tilespmem:s1+$0x4C30]  }
0xa4: {  	v56 =	vld [tilespmem:s1+$0x2440]  }
0xa5: {  	v57 =	vld [tilespmem:s1+$0x4C40]  }
0xa6: {  	v58 =	vld [tilespmem:s1+$0x2450]  }
0xa7: {  	v2 =	vsub.f32 v2, v7;
	v59 =	vld [tilespmem:s1+$0x4C50]  }
0xa8: {  	v6 =	vsub.f32 v6, v8;
	v60 =	vld [tilespmem:s1+$0x2460]  }
0xa9: {  	v2 =	vand.u32 $0x7FFFFFFF, v2;
	v61 =	vld [tilespmem:s1+$0x4C60];
	v3 =	vsub.f32 v52, v5  }
0xaa: {  	[tilespmem:s1+$0x7470] =	vst v2;
	v55 =	vand.u32 $0x7FFFFFFF, v6;
	v0 =	vsub.f32 v0, v53  }
0xab: {  	[tilespmem:s1+$0x7400] =	vst v55;
	v3 =	vand.u32 $0x7FFFFFFF, v3;
	v1 =	vsub.f32 v1, v54  }
0xac: {  	[tilespmem:s1+$0x7410] =	vst v3;
	v0 =	vand.u32 $0x7FFFFFFF, v0;
	v2 =	vsub.f32 v56, v57  }
0xad: {  	v3 =	vsub.f32 v58, v59;
	[tilespmem:s1+$0x7420] =	vst v0;
	v1 =	vand.u32 $0x7FFFFFFF, v1  }
.Ltmp4:
0xae: {  	v0 =	vsub.f32 v60, v61;
	v62 =	vand.u32 $0x7FFFFFFF, v2;
	[tilespmem:s1+$0x7430] =	vst v1;
	(pc) =	sbr.rel @p2 .LBB2_8-.Ltmp4, $4  }
0xaf: {  	s0 =	sadd.s32 s30, s8;
	v63 =	vand.u32 $0x7FFFFFFF, v3;
	[tilespmem:s1+$0x7440] =	vst v62  }
0xb0: {  	s0 =	sshll.u32 s0, $0x4;
	[tilespmem:s1+$0x7450] =	vst v63;
	v0 =	vand.u32 $0x7FFFFFFF, v0  }
0xb1: {  	s0 =	sadd.s32 s5, s0;
	[tilespmem:s1+$0x7460] =	vst v0  }
0xb2: {  	[hbm4b:s0+s3] =	stream.linear.scatter [tilespmem:s24], [sflag:$0x6], $0x1400, $0x38;
	[tilespmem:$0x1C080] =	vst v63  }
.Ltmp5:
0xb3: {  	(pc) =	sbr.rel .LBB2_2-.Ltmp5, $4  }
0xb4: {  	s0 =	sadd.s32 $0x78, s30  }
0xb5: {  	[tilespmem:s16], [sflag:$0x2] =	stream.indirect.gather [spmem:s2], $0x80, s0, s13, $0xb8;
	[tilespmem:$0x1C080] =	vst v63  }
0xb6: {  	s31 =	sadd.s32 $0x878, s30;
	s29 =	sadd.s32 $0x1, s29  }
0xb7: {  	[tilespmem:s18], [sflag:$0x4] =	stream.indirect.gather [spmem:s2], $0x80, s31, s13, $0xb8;
	[tilespmem:$0x1C080] =	vst v63  }
.LBB2_9:
0xb8: {  	_ =	sfence.sel $0x180000  }
0xb9: {  	[bflag:$0x0] =	sbarrier.arrive $0xFFFF  }
0xba: {  	_ =	strace $0x90000047  }
0xbb: {  	[bflag:$0x2] =	sbarrier.arrive $0xFFFF  }
0xbc: {  	s0 =	rddreg [dreg:$0x3]  }
0xbd: {  	s0 =	sadd.s32 @!p0 $0x100000, s0  }
0xbe: {  	[sflag:s0] =	ssyncadd.tile.s32 @!p0 $0x1;
	_ =	shalt  }
.Lfunc_end2:
_tile_overlayer_lowered:
.L_overlay_start_2:
0xbf: {  	(tag) =	ssettag $0x2  }
0xc0: {  	s0 =	rddreg [dreg:$0x0];
	s2 =	stileid.u32  }
0xc1: {  	s1 =	rddreg [dreg:$0x1];
	p0 =	sne.s32 s2, $0x0  }
0xc2: {  	s3 =	rddreg [dreg:$0x2];
	[bflag:$0x3] =	sbarrier.arrive $0xFFFF;
	s2 =	simm.s32 @!p0 $0x1C07  }
0xc3: {  	[timem:s3], [sflag:s2] =	dma.local @!p0 [hbm:s0], s1  }
0xc4: {  	s0 =	simm.s32 @!p0 $0x7  }
0xc5: {  	_ =	swait.ge @!p0 [sflag:s0], s1  }
0xc6: {  	s1 =	ssub.s32 @!p0 $0x0, s1;
	[sflag:s0] =	ssyncset.done @!p0 $0x0  }
0xc7: {  	[sflag:s0] =	ssyncadd.s32 @!p0 s1  }
0xc8: {  	[bflag:$0x3] =	sbarrier.arrive $0xFFFF  }
0xc9: {  	_ =	shalt  }

// kernel: kernel.18.cloned.1.call-start
scs
__scs_entry_jumppad:
0x0: {  	(pc) =	sbr.rel $0x88, $3  }
0x1: {  	(tag) =	ssettag $0x0;
	lr =	simm.s32 $0x1  }
0x2: {  	[smem:$0x3F9B] =	sst lr;
	_ =	strace $0xD0000000  }
0x3: {  	_ = 	snop  }
0x4: {  	_ = 	snop  }
0x5: {  	_ = 	snop  }
0x6: {  	_ = 	snop  }
0x7: {  	_ = 	snop  }
__scs_overlays_trampoline_lowered:
0x8: {  	[smem:$0x3FAA] =	sst s0  }
0x9: {  	[smem:$0x3FAB] =	sst s1  }
0xa: {  	[smem:$0x3FAC] =	sst s2  }
0xb: {  	[smem:$0x3FAD] =	sst s3  }
0xc: {  	[smem:$0x3FAE] =	sst s4  }
0xd: {  	[smem:$0x3FAF] =	sst s5  }
0xe: {  	[smem:$0x3FB0] =	sst s6  }
0xf: {  	[smem:$0x3FB1] =	sst s7  }
0x10: {  	[smem:$0x3FB2] =	sst s8  }
0x11: {  	[smem:$0x3FB3] =	sst s9;
	s0 =	simm.s32 @!p0 $0x0  }
0x12: {  	s1 =	sld [smem:$0x3F99];
	s0 =	simm.s32 @p0 $0x1  }
0x13: {  	[smem:$0x3FB4] =	sst s0;
	s0 =	simm.s32 @!p1 $0x0  }
0x14: {  	s2 =	sld [smem:$0x3F98];
	s0 =	simm.s32 @p1 $0x1  }
0x15: {  	[smem:$0x3FB5] =	sst s0;
	s0 =	simm.s32 @!p2 $0x0  }
0x16: {  	s3 =	sld [smem:$0x3FDB];
	s0 =	simm.s32 @p2 $0x1  }
0x17: {  	s4 =	simm.s32 $0x1BF5;
	[smem:$0x3FB7] =	sst s0  }
0x18: {  	s0 =	sld [smem:$0x3F9A];
	_ =	swait.ge [sflag:s4], $0x0  }
0x19: {  	s7 =	sld [smem:$0x3F9B]  }
0x1a: {  	s8 =	sadd.s32 $0xFFFFE003, lr  }
0x1b: {  	s9 =	sadd.s32 $0xFFFFFEF7, lr;
	s5 =	simm.s32 $0xFFFFFFFF;
	p2 =	slt.u32 s8, $0xFFFFF086  }
0x1c: {  	p1 =	slt.u32 s9, $0xF7A;
	s5 =	simm.s32 @!p2 $0x0  }
0x1d: {  	s5 =	simm.s32 @p1 $0x1;
	p0 =	seq.s32 s7, s2  }
0x1e: {  	s7 =	smul.u32 @!p0 $0xF7A, s2;
	p2 =	seq.s32 @!p0 s5, $0x0  }
0x1f: {  	s9 =	smul.u32 $0xF7A, s1;
	s8 =	simm.s32 @!p0 $0x1BF5;
	p2 =	por !p2, p0  }
0x20: {  	[sflag:s8] =	ssyncset.s32 @!p0 $0xFFFFF086;
	s6 =	sadd.s32 @!p0 s3, s7;
	s7 =	simm.s32 @!p0 $0x108  }
0x21: {  	s3 =	sadd.s32 s3, s9;
	s6 =	sadd.s32 @!p0 $0x88, s6;
	s7 =	simm.s32 @p2 $0x1082  }
0x22: {  	[simem:s7], [sflag:s8] =	dma.local @!p0 [hbm:s6], $0xF7A  }
0x23: {  	s9 =	sor.u32 $0xD0000000, s2;
	s6 =	simm.s32 $0x108;
	_ =	swait.ge @!p0 [sflag:s8], $0x0  }
0x24: {  	s3 =	sadd.s32 $0x88, s3;
	s6 =	simm.s32 @!p1 $0x1082;
	[sflag:s4] =	ssyncset.s32 $0xFFFFF086  }
0x25: {  	[simem:s6], [sflag:s4] =	dma.local [hbm:s3], $0xF7A  }
0x26: {  	[smem:$0x3F9B] =	sst s1;
	(tag) =	ssettag s2;
	_ =	strace s9  }
0x27: {  	s1 =	sld [smem:$0x3FAB]  }
0x28: {  	s2 =	sld [smem:$0x3FAC]  }
0x29: {  	s4 =	sld [smem:$0x3FAE]  }
0x2a: {  	p0 =	seq.s32 s5, $0x0;
	s5 =	sld [smem:$0x3FAF]  }
0x2b: {  	s6 =	sld [smem:$0x3FB0]  }
0x2c: {  	s7 =	sld [smem:$0x3FB1]  }
0x2d: {  	s3 =	simm.s32 $0x108;
	s8 =	sld [smem:$0x3FB2]  }
0x2e: {  	s3 =	simm.s32 @!p0 $0x1082;
	s9 =	sld [smem:$0x3FB3]  }
0x2f: {  	lr =	sadd.s32 s0, s3;
	s0 =	sld [smem:$0x3FAA]  }
0x30: {  	s3 =	sld [smem:$0x3FAD]  }
0x31: {  	[smem:$0x3FB6] =	sst s10  }
0x32: {  	s10 =	sld [smem:$0x3FB4];
	_ =	sdelay $0x3  }
0x33: {  	p0 =	seq.s32 s10, $0x1;
	s10 =	sld [smem:$0x3FB6];
	_ =	sdelay $0x3  }
0x34: {  	[smem:$0x3FB6] =	sst s10  }
0x35: {  	s10 =	sld [smem:$0x3FB5];
	_ =	sdelay $0x3  }
0x36: {  	p1 =	seq.s32 s10, $0x1;
	s10 =	sld [smem:$0x3FB6];
	_ =	sdelay $0x3  }
0x37: {  	[smem:$0x3FB6] =	sst s10  }
0x38: {  	s10 =	sld [smem:$0x3FB7]  }
0x39: {  	_ = 	snop;
	(pc) =	sbr.ind lr, $3  }
0x3a: {  	_ = 	snop  }
0x3b: {  	_ = 	snop  }
0x3c: {  	p2 =	seq.s32 s10, $0x1;
	s10 =	sld [smem:$0x3FB6]  }
0x3d: {  	_ =	shalt  }
0x3e: {  	_ =	shalt  }
0x3f: {  	_ =	shalt  }
0x40: {  	_ =	shalt  }
0x41: {  	_ =	shalt  }
0x42: {  	_ =	shalt  }
0x43: {  	_ =	shalt  }
0x44: {  	_ =	shalt  }
0x45: {  	_ =	shalt  }
0x46: {  	_ =	shalt  }
0x47: {  	_ =	shalt  }
0x48: {  	_ =	shalt  }
0x49: {  	_ =	shalt  }
0x4a: {  	_ =	shalt  }
0x4b: {  	_ =	shalt  }
0x4c: {  	_ =	shalt  }
0x4d: {  	_ =	shalt  }
0x4e: {  	_ =	shalt  }
0x4f: {  	_ =	shalt  }
0x50: {  	_ =	shalt  }
0x51: {  	_ =	shalt  }
0x52: {  	_ =	shalt  }
0x53: {  	_ =	shalt  }
0x54: {  	_ =	shalt  }
0x55: {  	_ =	shalt  }
0x56: {  	_ =	shalt  }
0x57: {  	_ =	shalt  }
0x58: {  	_ =	shalt  }
0x59: {  	_ =	shalt  }
0x5a: {  	_ =	shalt  }
0x5b: {  	_ =	shalt  }
0x5c: {  	_ =	shalt  }
0x5d: {  	_ =	shalt  }
0x5e: {  	_ =	shalt  }
0x5f: {  	_ =	shalt  }
0x60: {  	_ =	shalt  }
0x61: {  	_ =	shalt  }
0x62: {  	_ =	shalt  }
0x63: {  	_ =	shalt  }
0x64: {  	_ =	shalt  }
0x65: {  	_ =	shalt  }
0x66: {  	_ =	shalt  }
0x67: {  	_ =	shalt  }
0x68: {  	_ =	shalt  }
0x69: {  	_ =	shalt  }
0x6a: {  	_ =	shalt  }
0x6b: {  	_ =	shalt  }
0x6c: {  	_ =	shalt  }
0x6d: {  	_ =	shalt  }
0x6e: {  	_ =	shalt  }
0x6f: {  	_ =	shalt  }
0x70: {  	_ =	shalt  }
0x71: {  	_ =	shalt  }
0x72: {  	_ =	shalt  }
0x73: {  	_ =	shalt  }
0x74: {  	_ =	shalt  }
0x75: {  	_ =	shalt  }
0x76: {  	_ =	shalt  }
0x77: {  	_ =	shalt  }
0x78: {  	_ =	shalt  }
0x79: {  	_ =	shalt  }
0x7a: {  	_ =	shalt  }
0x7b: {  	_ =	shalt  }
0x7c: {  	_ =	shalt  }
0x7d: {  	_ =	shalt  }
0x7e: {  	_ =	shalt  }
0x7f: {  	_ =	shalt  }
0x80: {  	_ =	shalt  }
0x81: {  	_ =	shalt  }
0x82: {  	_ =	shalt  }
0x83: {  	_ =	shalt  }
0x84: {  	_ =	shalt  }
0x85: {  	_ =	shalt  }
0x86: {  	_ =	shalt  }
0x87: {  	_ =	shalt  }
.Lfunc_end0:
.L_simem_size_0:
called_computation.2_lowered:
.L_overlay_start_0:
0x88: {  	s2 =	sld [smem:$0x3FD9]  }
0x89: {  	s3 =	sld [smem:$0x3FFE];
	_ =	sdelay $0x1  }
0x8a: {  	s1 =	srdreg.scid  }
0x8b: {  	s0 =	sand.u32 $0x1, s1  }
0x8c: {  	s17 =	sshll.u32 s0, $0xA;
	s2 =	sadd.s32 s3, s2  }
0x8d: {  	s2 =	sadd.s32 s2, s17  }
0x8e: {  	[smem:$0x3FC2] =	sst s2  }
0x8f: {  	_ = 	snop  }
0x90: {  	s18 =	sld [smem:$0x3FC9];
	(tm) =	ssettm $0x1  }
0x91: {  	s19 =	sld [smem:$0x3FFB];
	_ =	sdelay $0x3  }
0x92: {  	_ =	strace s19  }
0x93: {  	s2 =	sld [smem:$0x3FFC];
	_ =	sdelay $0x3  }
0x94: {  	_ =	strace s2  }
0x95: {  	s2 =	sld [smem:$0x3FFD];
	_ =	sdelay $0x3  }
0x96: {  	_ =	strace s2  }
0x97: {  	_ =	strace $0x8FFFFFFF  }
0x98: {  	s20 =	sld [smem:$0x3FDB];
	_ =	sdelay $0x1  }
0x99: {  	s4 =	simm.s32 $_scs_section_size  }
0x9a: {  	s5 =	simm.s32 $_size__tile_overlayer_lowered;
	s6 =	simm.s32 $_tile_overlayer_lowered  }
0x9b: {  	s7 =	simm.s32 $0x1BFF;
	s21 =	sshll.u32 s6, $0x1;
	s4 =	sadd.s32 s4, s20  }
0x9c: {  	s22 =	simm.s32 $0x0;
	s5 =	sshll.u32 s5, $0x1;
	s6 =	sadd.s32 s21, s4  }
0x9d: {  	[timem:s22], [sflag:s7] =	dma.local [hbm:s6], s5  }
0x9e: {  	_ =	swait.ge [sflag:s7], s5  }
0x9f: {  	s5 =	ssub.s32 $0x0, s5;
	[sflag:s7] =	ssyncset.done $0x0  }
0xa0: {  	[sflag:s7] =	ssyncadd.s32 s5;
	_ =	sdelay $0x1  }
0xa1: {  	s23 =	simm.s32 $0x1B8B  }
0xa2: {  	_ =	swait.ge [sflag:s23], $0x1  }
0xa3: {  	[sflag:s23] =	ssyncset.done $0x0  }
0xa4: {  	[sflag:s23] =	ssyncadd.s32 $0xFFFFFFFF  }
0xa5: {  	s5 =	sld [smem:$0x0]  }
0xa6: {  	s6 =	sand.u32 $0xFFFFFFFE, s1  }
0xa7: {  	p0 =	sne.s32 s1, s6  }
0xa8: {  	s6 =	sshll.u32 @p0 s6, $0xE  }
0xa9: {  	s6 =	sadd.s32 @p0 $0x11B8D, s6;
	s7 =	sshll.u32 @p0 s5, $0x11  }
0xaa: {  	s6 =	sor.u32 @p0 s7, s6  }
0xab: {  	[sflag:s6] =	ssyncadd.remote.s32 @p0 $0x1;
	_ =	sdelay $0x1  }
0xac: {  	s6 =	simm.s32 @p0 $0x1B8D  }
0xad: {  	_ =	swait.eq @p0 [sflag:s6], $0x1  }
0xae: {  	[sflag:s6] =	ssyncadd.s32 @p0 $0xFFFFFFFF  }
0xaf: {  	s7 =	sshll.u32 @!p0 s1, $0xE  }
0xb0: {  	s7 =	sor.u32 @!p0 $0x4000, s7;
	s6 =	simm.s32 @!p0 $0x1B8D  }
0xb1: {  	s5 =	sshll.u32 @!p0 s5, $0x11;
	s7 =	sadd.s32 @!p0 $0x11B8D, s7;
	_ =	swait.eq @!p0 [sflag:s6], $0x1  }
0xb2: {  	s5 =	sor.u32 @!p0 s5, s7;
	[sflag:s6] =	ssyncadd.s32 @!p0 $0xFFFFFFFF  }
0xb3: {  	s25 =	simm.s32 $0x1B8E;
	s24 =	sld [smem:$0x3FFE];
	[sflag:s5] =	ssyncadd.remote.s32 @!p0 $0x1  }
0xb4: {  	s26 =	simm.s32 $execute0_lowered;
	[smem:$0x3FD2] =	sst s25  }
0xb5: {  	s6 =	sshll.u32 s26, $0x1;
	_ =	strace $0x8000004C;
	[dreg:$0x1] =	wrdreg $0xFFFFFFFF  }
0xb6: {  	s28 =	simm.s32 $_size_execute0_lowered;
	s4 =	sadd.s32 s4, s6;
	[dreg:$0x0] =	wrdreg $0x0  }
0xb7: {  	s6 =	sshll.u32 s28, $0x1;
	[dreg:$0x2] =	wrdreg s4  }
0xb8: {  	[dreg:$0x3] =	wrdreg s6  }
0xb9: {  	[dreg:$0x4] =	wrdreg $0xC0  }
0xba: {  	_ =	task [dreg:s22], $0x5FFFF  }
0xbb: {  	[dreg:$0x1] =	wrdreg $0xFFFFFFFF  }
0xbc: {  	[dreg:$0x0] =	wrdreg $0x60  }
0xbd: {  	[dreg:$0x2] =	wrdreg s18  }
0xbe: {  	[dreg:$0x3] =	wrdreg s24  }
0xbf: {  	[dreg:$0x4] =	wrdreg $0x88000  }
0xc0: {  	[dreg:$0x5] =	wrdreg $0xB  }
0xc1: {  	_ =	task.clear_ibuf [dreg:s22], $0x6FFFF;
	_ =	strace $0x9000004C  }
0xc2: {  	s29 =	simm.s32 $0xB;
	_ =	strace $0x8000004E  }
0xc3: {  	_ =	swait.ge [sflag:s29], $0x1  }
0xc4: {  	[sflag:s29] =	ssyncadd.s32 $0xFFFFFFFF  }
0xc5: {  	_ =	strace $0x9000004E  }
0xc6: {  	_ =	sfence  }
0xc7: {  	s30 =	sld [smem:$0x0];
	_ =	sdelay $0x2  }
0xc8: {  	s31 =	sshll.u32 s1, $0xD;
	s1 =	sshrl.u32 s1, $0x2  }
0xc9: {  	s4 =	sand.u32 $0x4000, s31;
	s1 =	sadd.s32 s1, s30  }
0xca: {  	s0 =	sor.u32 s4, s0;
	s1 =	sshll.u32 s1, $0x11  }
0xcb: {  	s0 =	sor.u32 s1, s0  }
0xcc: {  	s0 =	sadd.s32 $0x8F2B, s0  }
0xcd: {  	[sflag:s0] =	ssyncadd.remote.s32 $0x1  }
0xce: {  	_ =	sfence.sel $0xFFFF  }
0xcf: {  	[dreg:$0x0] =	wrdreg $0xFFFFFFFF;
	(pc) =	sbr.abs _section_cstart, $3  }
0xd0: {  	[dreg:$0x1] =	wrdreg $0xFFFFFFFF  }
0xd1: {  	_ =	task.clear_ibuf [dreg:s22], $0x2FFFF;
	_ =	strace $0x9FFFFFFF  }
0xd2: {  	(tm) =	ssettm $0x7FFFFFFF  }
0xd3: {  	_ =	shalt  }
tec
execute0_lowered:
.L_overlay_start_1:
0x0: {  	(tag) =	ssettag $0x1  }
0x1: {  	s0 =	srdreg.scid;
	s5 =	rddreg [dreg:$0x1]  }
0x2: {  	s1 =	stileid.u32;
	s2 =	rddreg [dreg:$0x2];
	s11 =	simm.s32 $0x7  }
0x3: {  	s12 =	simm.s32 $0x800;
	s13 =	simm.s32 $0x28;
	s14 =	simm.s32 $0x1000  }
0x4: {  	s15 =	simm.s32 $0x3800;
	s16 =	simm.s32 $0x2400;
	s17 =	simm.s32 $0x828  }
0x5: {  	s18 =	simm.s32 $0x4C00;
	s19 =	simm.s32 $0x1;
	s20 =	simm.s32 $0x3  }
0x6: {  	s21 =	simm.s32 $0x6000;
	s22 =	simm.s32 $0x2;
	s23 =	simm.s32 $0x4  }
0x7: {  	s24 =	simm.s32 $0x7400;
	s0 =	sand.u32 $0x1, s0;
	s3 =	sshll.u32 s1, $0x1  }
0x8: {  	s25 =	simm.s32 $0x5;
	s26 =	simm.s32 $0x6;
	s4 =	sor.u32 s0, s3  }
0x9: {  	s28 =	simm.s32 $0x0;
	p0 =	sne.s32 s1, $0x0;
	s4 =	smul.u32 $0x7D0, s4  }
.Ltmp0:
0xa: {  	s3 =	simm.s32 $0x0;
	s0 =	ssub.s32 $0x2, s0;
	(pc) =	sbr.rel .LBB2_1-.Ltmp0, $4  }
0xb: {  	s10 =	sshrl.u32 @!p0 s2, $0x3;
	[smem:$0x7FF] =	sst s3;
	s31 =	sshrl.u32 s0, $0x1  }
0xc: {  	_ =	strace $0x8000004D;
	s0 =	ssub.s32 s0, s31;
	s6 =	sshrl.u32 s4, $0x3  }
0xd: {  	s8 =	sadd.s32 $0x28, s4;
	s9 =	smax.u32 s0, $0x1;
	s7 =	sadd.s32 s6, s5  }
0xe: {  	s5 =	sadd.s32 $0x204E00, s5;
	s6 =	sadd.s32 $0x6E00, s7;
	s7 =	sadd.s32 $0x4E00, s7  }
.LBB2_8:
0xf: {  	s28 =	sadd.s32 $0x1, s28  }
0x10: {  	_ =	swait.ge [sflag:s25], $0x1400;
	p1 =	sne.s32 s28, s9  }
.Ltmp1:
0x11: {  	[sflag:s25] =	ssyncset.done $0x0;
	(pc) =	sbr.rel @!p1 .LBB2_9-.Ltmp1, $4  }
0x12: {  	[sflag:s25] =	ssyncadd.s32 $0xFFFFEC00  }
0x13: {  	_ =	swait.ge [sflag:s26], $0x1400  }
0x14: {  	[sflag:s26] =	ssyncset.done $0x0  }
0x15: {  	[sflag:s26] =	ssyncadd.s32 $0xFFFFEC00  }
.LBB2_1:
0x16: {  	s0 =	simm.s32 @!p0 $0x1C07;
	s1 =	rddreg [dreg:$0x0]  }
0x17: {  	[spmem:s10], [sflag:s0] =	dma.local @!p0 [hbm:s1], $0x27100  }
0x18: {  	s0 =	simm.s32 @!p0 $0x7  }
0x19: {  	_ =	swait.ge @!p0 [sflag:s0], $0x27100  }
0x1a: {  	[sflag:s0] =	ssyncset.done @!p0 $0x0  }
0x1b: {  	[sflag:s0] =	ssyncadd.s32 @!p0 $0xFFFD8F00  }
0x1c: {  	[bflag:$0x0] =	sbarrier.arrive $0xFFFF  }
0x1d: {  	[tilespmem:s3], [sflag:$0x7] =	stream.linear.gather [hbm4b:s6+s3], $0x7D0, $0x38;
	[tilespmem:$0x1C080] =	vst v63  }
0x1e: {  	_ =	swait.ge [sflag:s11], $0x7D0  }
0x1f: {  	[sflag:s11] =	ssyncset.done $0x0  }
0x20: {  	[sflag:s11] =	ssyncadd.s32 $0xFFFFF830  }
0x21: {  	[tilespmem:s12], [sflag:$0x7] =	stream.linear.gather [hbm4b:s7+s3], $0x7D0, $0x38;
	[tilespmem:$0x1C080] =	vst v63  }
0x22: {  	_ =	swait.ge [sflag:s11], $0x7D0  }
0x23: {  	[sflag:s11] =	ssyncset.done $0x0  }
0x24: {  	[sflag:s11] =	ssyncadd.s32 $0xFFFFF830  }
0x25: {  	[tilespmem:s14], [sflag:$0x1] =	stream.indirect.gather [spmem:s2], $0x80, s3, s13, $0xb8;
	[tilespmem:$0x1C080] =	vst v63  }
0x26: {  	_ = 	snop  }
0x27: {  	[tilespmem:s15], [sflag:$0x3] =	stream.indirect.gather [spmem:s2], $0x80, s12, s13, $0xb8;
	[tilespmem:$0x1C080] =	vst v63  }
0x28: {  	_ = 	snop  }
0x29: {  	[tilespmem:s16], [sflag:$0x2] =	stream.indirect.gather [spmem:s2], $0x80, s13, s13, $0xb8;
	[tilespmem:$0x1C080] =	vst v63  }
0x2a: {  	s29 =	simm.s32 $0x0  }
0x2b: {  	[tilespmem:s18], [sflag:$0x4] =	stream.indirect.gather [spmem:s2], $0x80, s17, s13, $0xb8;
	[tilespmem:$0x1C080] =	vst v63  }
.LBB2_2:
0x2c: {  	_ =	swait.ge [sflag:s19], $0x1400  }
0x2d: {  	[sflag:s19] =	ssyncset.done $0x0  }
0x2e: {  	[sflag:s19] =	ssyncadd.s32 $0xFFFFEC00  }
0x2f: {  	_ =	swait.ge [sflag:s20], $0x1400  }
0x30: {  	p1 =	seq.s32 s29, $0x0;
	[sflag:s20] =	ssyncset.done $0x0  }
0x31: {  	s0 =	simm.s32 @!p1 $0x5;
	[sflag:s20] =	ssyncadd.s32 $0xFFFFEC00  }
0x32: {  	_ =	swait.ge @!p1 [sflag:s0], $0x1400  }
0x33: {  	[sflag:s0] =	ssyncset.done @!p1 $0x0  }
0x34: {  	s30 =	simm.s32 $0x0;
	[sflag:s0] =	ssyncadd.s32 @!p1 $0xFFFFEC00  }
0x35: {  	v0 =	vld [tilespmem:s30+$0x1070]  }
0x36: {  	v1 =	vld [tilespmem:s30+$0x3870]  }
0x37: {  	v2 =	vld [tilespmem:s30+$0x1000]  }
0x38: {  	v3 =	vld [tilespmem:s30+$0x3800]  }
0x39: {  	v4 =	vld [tilespmem:s30+$0x1010]  }
0x3a: {  	v5 =	vld [tilespmem:s30+$0x3810]  }
0x3b: {  	v6 =	vld [tilespmem:s30+$0x1020]  }
0x3c: {  	v0 =	vsub.f32 v0, v1;
	v1 =	vld [tilespmem:s30+$0x3820]  }
0x3d: {  	v7 =	vld [tilespmem:s30+$0x1030]  }
0x3e: {  	v8 =	vld [tilespmem:s30+$0x3830];
	v2 =	vsub.f32 v2, v3  }
0x3f: {  	v9 =	vld [tilespmem:s30+$0x1040];
	v0 =	vand.u32 $0x7FFFFFFF, v0  }
0x40: {  	[tilespmem:s30+$0x6070] =	vst v0;
	v0 =	vand.u32 $0x7FFFFFFF, v2;
	v2 =	vsub.f32 v4, v5;
	v5 =	vld [tilespmem:s30+$0x3840]  }
0x41: {  	v3 =	vld [tilespmem:s30+$0x3850];
	v1 =	vsub.f32 v6, v1  }
0x42: {  	[tilespmem:s30+$0x6000] =	vst v0;
	v0 =	vld [tilespmem:s30+$0x1050];
	v2 =	vand.u32 $0x7FFFFFFF, v2  }
0x43: {  	v4 =	vld [tilespmem:s30+$0x3860];
	v6 =	vsub.f32 v7, v8;
	[tilespmem:s30+$0x6010] =	vst v2;
	v2 =	vand.u32 $0x7FFFFFFF, v1  }
0x44: {  	s31 =	simm.s32 $0x80;
	v1 =	vld [tilespmem:s30+$0x1060];
	[tilespmem:s30+$0x6020] =	vst v2  }
0x45: {  	s1 =	simm.s32 $0x400;
	v6 =	vand.u32 $0x7FFFFFFF, v6;
	v5 =	vsub.f32 v9, v5;
	v2 =	vld [tilespmem:s31+$0x1070]  }
.LBB2_3:
0x46: {  	p2 =	sne.s32 s1, $0x4E00;
	v7 =	vld [tilespmem:s31+$0x3870];
	[tilespmem:s30+$0x6030] =	vst v6  }
0x47: {  	v6 =	vld [tilespmem:s31+$0x1000];
	v5 =	vand.u32 $0x7FFFFFFF, v5;
	v0 =	vsub.f32 v0, v3  }
0x48: {  	v3 =	vld [tilespmem:s31+$0x3800];
	[tilespmem:s30+$0x6040] =	vst v5  }
0x49: {  	v5 =	vld [tilespmem:s31+$0x1010];
	v0 =	vand.u32 $0x7FFFFFFF, v0;
	v1 =	vsub.f32 v1, v4  }
0x4a: {  	v4 =	vld [tilespmem:s31+$0x3810];
	[tilespmem:s30+$0x6050] =	vst v0  }
0x4b: {  	v0 =	vld [tilespmem:s31+$0x1020];
	v2 =	vsub.f32 v2, v7;
	v1 =	vand.u32 $0x7FFFFFFF, v1  }
0x4c: {  	v7 =	vld [tilespmem:s31+$0x3820];
	[tilespmem:s30+$0x6060] =	vst v1;
	s30 =	smov.u32 s31  }
0x4d: {  	v1 =	vsub.f32 v6, v3;
	v6 =	vld [tilespmem:s30+$0x1030];
	v2 =	vand.u32 $0x7FFFFFFF, v2  }
0x4e: {  	v8 =	vld [tilespmem:s30+$0x3830];
	[tilespmem:s30+$0x6070] =	vst v2  }
0x4f: {  	v1 =	vand.u32 $0x7FFFFFFF, v1;
	v2 =	vsub.f32 v5, v4;
	v5 =	vld [tilespmem:s30+$0x1040]  }
0x50: {  	[tilespmem:s30+$0x6000] =	vst v1;
	v9 =	vld [tilespmem:s30+$0x3840]  }
.Ltmp2:
0x51: {  	v1 =	vand.u32 $0x7FFFFFFF, v2;
	v2 =	vsub.f32 v0, v7;
	v0 =	vld [tilespmem:s30+$0x1050];
	(pc) =	sbr.rel @p2 .LBB2_3-.Ltmp2, $4  }
0x52: {  	[tilespmem:s30+$0x6010] =	vst v1;
	v3 =	vld [tilespmem:s30+$0x3850]  }
0x53: {  	v2 =	vand.u32 $0x7FFFFFFF, v2;
	v6 =	vsub.f32 v6, v8;
	v1 =	vld [tilespmem:s30+$0x1060]  }
0x54: {  	s31 =	sshra.s32 s1, $0x2;
	[tilespmem:s30+$0x6020] =	vst v2;
	v4 =	vld [tilespmem:s30+$0x3860]  }
0x55: {  	s1 =	sadd.s32 $0x200, s1;
	v2 =	vld [tilespmem:s31+$0x1070];
	v6 =	vand.u32 $0x7FFFFFFF, v6;
	v5 =	vsub.f32 v5, v9  }
0x56: {  	v7 =	vld [tilespmem:s31+$0x3870];
	[tilespmem:s30+$0x6030] =	vst v6  }
0x57: {  	v6 =	vld [tilespmem:s31+$0x1000];
	v5 =	vand.u32 $0x7FFFFFFF, v5;
	v0 =	vsub.f32 v0, v3  }
0x58: {  	v8 =	vld [tilespmem:s31+$0x3800];
	[tilespmem:s30+$0x6040] =	vst v5  }
0x59: {  	v3 =	vld [tilespmem:s31+$0x1010];
	v0 =	vand.u32 $0x7FFFFFFF, v0;
	v1 =	vsub.f32 v1, v4  }
0x5a: {  	v5 =	vld [tilespmem:s31+$0x3810];
	[tilespmem:s30+$0x6050] =	vst v0  }
0x5b: {  	v0 =	vld [tilespmem:s31+$0x1020];
	v1 =	vand.u32 $0x7FFFFFFF, v1  }
0x5c: {  	v4 =	vld [tilespmem:s31+$0x3820];
	v2 =	vsub.f32 v2, v7;
	[tilespmem:s30+$0x6060] =	vst v1  }
0x5d: {  	v6 =	vsub.f32 v6, v8;
	v1 =	vld [tilespmem:s31+$0x1030]  }
0x5e: {  	v2 =	vand.u32 $0x7FFFFFFF, v2;
	v7 =	vld [tilespmem:s31+$0x3830]  }
0x5f: {  	[tilespmem:s31+$0x6070] =	vst v2;
	v2 =	vand.u32 $0x7FFFFFFF, v6;
	v6 =	vld [tilespmem:s31+$0x1040]  }
0x60: {  	v3 =	vsub.f32 v3, v5;
	v5 =	vld [tilespmem:s31+$0x1050]  }
0x61: {  	[tilespmem:s31+$0x6000] =	vst v2;
	v2 =	vld [tilespmem:s31+$0x3840];
	v0 =	vsub.f32 v0, v4  }
0x62: {  	v3 =	vand.u32 $0x7FFFFFFF, v3;
	v4 =	vld [tilespmem:s31+$0x1060]  }
0x63: {  	[tilespmem:s31+$0x6010] =	vst v3;
	v3 =	vld [tilespmem:s31+$0x3850];
	v0 =	vand.u32 $0x7FFFFFFF, v0  }
0x64: {  	[tilespmem:s31+$0x6020] =	vst v0;
	v0 =	vld [tilespmem:s31+$0x3860];
	_ =	sdelay $0x1  }
0x65: {  	v1 =	vsub.f32 v1, v7  }
0x66: {  	v2 =	vsub.f32 v6, v2  }
0x67: {  	s30 =	smul.u32 $0x50, s29;
	v1 =	vand.u32 $0x7FFFFFFF, v1;
	v3 =	vsub.f32 v5, v3  }
0x68: {  	[tilespmem:s31+$0x6030] =	vst v1;
	v1 =	vand.u32 $0x7FFFFFFF, v2;
	v0 =	vsub.f32 v4, v0  }
0x69: {  	s0 =	sadd.s32 s4, s30;
	[tilespmem:s31+$0x6040] =	vst v1;
	v1 =	vand.u32 $0x7FFFFFFF, v3  }
0x6a: {  	s0 =	sshll.u32 s0, $0x4;
	[tilespmem:s31+$0x6050] =	vst v1;
	v0 =	vand.u32 $0x7FFFFFFF, v0  }
0x6b: {  	p2 =	seq.s32 s29, $0x18;
	s0 =	sadd.s32 s5, s0;
	[tilespmem:s31+$0x6060] =	vst v0  }
0x6c: {  	[hbm4b:s0+s3] =	stream.linear.scatter [tilespmem:s21], [sflag:$0x5], $0x1400, $0x38;
	[tilespmem:$0x1C080] =	vst v63  }
0x6d: {  	s1 =	simm.s32 @!p2 $0x28;
	s31 =	simm.s32 @!p2 $0x1000;
	s0 =	sadd.s32 @!p2 $0x50, s30  }
0x6e: {  	[tilespmem:s31], [sflag:$0x1] =	stream.indirect.gather @!p2 [spmem:s2], $0x80, s0, s1, $0xb8;
	[tilespmem:$0x1C080] =	vst v63  }
0x6f: {  	s0 =	sadd.s32 @!p2 $0x850, s30;
	s31 =	simm.s32 @!p2 $0x3800  }
0x70: {  	[tilespmem:s31], [sflag:$0x3] =	stream.indirect.gather @!p2 [spmem:s2], $0x80, s0, s1, $0xb8;
	[tilespmem:$0x1C080] =	vst v63  }
0x71: {  	_ =	swait.ge [sflag:s22], $0x1400  }
0x72: {  	[sflag:s22] =	ssyncset.done $0x0  }
0x73: {  	[sflag:s22] =	ssyncadd.s32 $0xFFFFEC00  }
0x74: {  	_ =	swait.ge [sflag:s23], $0x1400  }
0x75: {  	[sflag:s23] =	ssyncset.done $0x0  }
0x76: {  	s0 =	simm.s32 @!p1 $0x6;
	[sflag:s23] =	ssyncadd.s32 $0xFFFFEC00  }
0x77: {  	_ =	swait.ge @!p1 [sflag:s0], $0x1400  }
0x78: {  	[sflag:s0] =	ssyncset.done @!p1 $0x0  }
0x79: {  	s31 =	simm.s32 $0x0;
	[sflag:s0] =	ssyncadd.s32 @!p1 $0xFFFFEC00  }
0x7a: {  	v0 =	vld [tilespmem:s31+$0x2470]  }
0x7b: {  	v1 =	vld [tilespmem:s31+$0x4C70]  }
0x7c: {  	v2 =	vld [tilespmem:s31+$0x2400]  }
0x7d: {  	v3 =	vld [tilespmem:s31+$0x4C00]  }
0x7e: {  	v4 =	vld [tilespmem:s31+$0x2410]  }
0x7f: {  	v5 =	vld [tilespmem:s31+$0x4C10]  }
0x80: {  	v6 =	vld [tilespmem:s31+$0x2420]  }
0x81: {  	v0 =	vsub.f32 v0, v1;
	v1 =	vld [tilespmem:s31+$0x4C20]  }
0x82: {  	v7 =	vld [tilespmem:s31+$0x2430]  }
0x83: {  	v8 =	vld [tilespmem:s31+$0x4C30];
	v2 =	vsub.f32 v2, v3  }
0x84: {  	v9 =	vld [tilespmem:s31+$0x2440];
	v0 =	vand.u32 $0x7FFFFFFF, v0  }
0x85: {  	[tilespmem:s31+$0x7470] =	vst v0;
	v0 =	vand.u32 $0x7FFFFFFF, v2;
	v2 =	vsub.f32 v4, v5;
	v5 =	vld [tilespmem:s31+$0x4C40]  }
0x86: {  	v3 =	vld [tilespmem:s31+$0x4C50];
	v1 =	vsub.f32 v6, v1  }
0x87: {  	[tilespmem:s31+$0x7400] =	vst v0;
	v0 =	vld [tilespmem:s31+$0x2450];
	v2 =	vand.u32 $0x7FFFFFFF, v2  }
0x88: {  	v4 =	vld [tilespmem:s31+$0x4C60];
	v6 =	vsub.f32 v7, v8;
	[tilespmem:s31+$0x7410] =	vst v2;
	v2 =	vand.u32 $0x7FFFFFFF, v1  }
0x89: {  	s1 =	simm.s32 $0x80;
	v1 =	vld [tilespmem:s31+$0x2460];
	[tilespmem:s31+$0x7420] =	vst v2  }
0x8a: {  	s0 =	simm.s32 $0x400;
	v6 =	vand.u32 $0x7FFFFFFF, v6;
	v5 =	vsub.f32 v9, v5;
	v2 =	vld [tilespmem:s1+$0x2470]  }
.LBB2_5:
0x8b: {  	p1 =	sne.s32 s0, $0x4E00;
	v7 =	vld [tilespmem:s1+$0x4C70];
	[tilespmem:s31+$0x7430] =	vst v6  }
0x8c: {  	v6 =	vld [tilespmem:s1+$0x2400];
	v5 =	vand.u32 $0x7FFFFFFF, v5;
	v0 =	vsub.f32 v0, v3  }
0x8d: {  	v3 =	vld [tilespmem:s1+$0x4C00];
	[tilespmem:s31+$0x7440] =	vst v5  }
0x8e: {  	v5 =	vld [tilespmem:s1+$0x2410];
	v0 =	vand.u32 $0x7FFFFFFF, v0;
	v1 =	vsub.f32 v1, v4  }
0x8f: {  	v4 =	vld [tilespmem:s1+$0x4C10];
	[tilespmem:s31+$0x7450] =	vst v0  }
0x90: {  	v0 =	vld [tilespmem:s1+$0x2420];
	v2 =	vsub.f32 v2, v7;
	v1 =	vand.u32 $0x7FFFFFFF, v1  }
0x91: {  	v7 =	vld [tilespmem:s1+$0x4C20];
	[tilespmem:s31+$0x7460] =	vst v1;
	s31 =	smov.u32 s1  }
0x92: {  	v1 =	vsub.f32 v6, v3;
	v6 =	vld [tilespmem:s31+$0x2430];
	v2 =	vand.u32 $0x7FFFFFFF, v2  }
0x93: {  	v8 =	vld [tilespmem:s31+$0x4C30];
	[tilespmem:s31+$0x7470] =	vst v2  }
0x94: {  	v1 =	vand.u32 $0x7FFFFFFF, v1;
	v2 =	vsub.f32 v5, v4;
	v5 =	vld [tilespmem:s31+$0x2440]  }
0x95: {  	[tilespmem:s31+$0x7400] =	vst v1;
	v9 =	vld [tilespmem:s31+$0x4C40]  }
.Ltmp3:
0x96: {  	v1 =	vand.u32 $0x7FFFFFFF, v2;
	v2 =	vsub.f32 v0, v7;
	v0 =	vld [tilespmem:s31+$0x2450];
	(pc) =	sbr.rel @p1 .LBB2_5-.Ltmp3, $4  }
0x97: {  	[tilespmem:s31+$0x7410] =	vst v1;
	v3 =	vld [tilespmem:s31+$0x4C50]  }
0x98: {  	v2 =	vand.u32 $0x7FFFFFFF, v2;
	v6 =	vsub.f32 v6, v8;
	v1 =	vld [tilespmem:s31+$0x2460]  }
0x99: {  	s1 =	sshra.s32 s0, $0x2;
	[tilespmem:s31+$0x7420] =	vst v2;
	v4 =	vld [tilespmem:s31+$0x4C60]  }
0x9a: {  	s0 =	sadd.s32 $0x200, s0;
	v2 =	vld [tilespmem:s1+$0x2470];
	v6 =	vand.u32 $0x7FFFFFFF, v6;
	v5 =	vsub.f32 v5, v9  }
0x9b: {  	v7 =	vld [tilespmem:s1+$0x4C70];
	[tilespmem:s31+$0x7430] =	vst v6  }
0x9c: {  	v6 =	vld [tilespmem:s1+$0x2400];
	v5 =	vand.u32 $0x7FFFFFFF, v5;
	v0 =	vsub.f32 v0, v3  }
0x9d: {  	v8 =	vld [tilespmem:s1+$0x4C00];
	[tilespmem:s31+$0x7440] =	vst v5  }
0x9e: {  	v52 =	vld [tilespmem:s1+$0x2410];
	v0 =	vand.u32 $0x7FFFFFFF, v0;
	v1 =	vsub.f32 v1, v4  }
0x9f: {  	v5 =	vld [tilespmem:s1+$0x4C10];
	[tilespmem:s31+$0x7450] =	vst v0  }
0xa0: {  	v0 =	vld [tilespmem:s1+$0x2420];
	v1 =	vand.u32 $0x7FFFFFFF, v1  }
0xa1: {  	v53 =	vld [tilespmem:s1+$0x4C20];
	[tilespmem:s31+$0x7460] =	vst v1  }
0xa2: {  	v1 =	vld [tilespmem:s1+$0x2430]  }
0xa3: {  	v54 =	vld [tilespmem:s1+$0x4C30]  }
0xa4: {  	v56 =	vld [tilespmem:s1+$0x2440]  }
0xa5: {  	v57 =	vld [tilespmem:s1+$0x4C40]  }
0xa6: {  	v58 =	vld [tilespmem:s1+$0x2450]  }
0xa7: {  	v2 =	vsub.f32 v2, v7;
	v59 =	vld [tilespmem:s1+$0x4C50]  }
0xa8: {  	v6 =	vsub.f32 v6, v8;
	v60 =	vld [tilespmem:s1+$0x2460]  }
0xa9: {  	v2 =	vand.u32 $0x7FFFFFFF, v2;
	v61 =	vld [tilespmem:s1+$0x4C60];
	v3 =	vsub.f32 v52, v5  }
0xaa: {  	[tilespmem:s1+$0x7470] =	vst v2;
	v55 =	vand.u32 $0x7FFFFFFF, v6;
	v0 =	vsub.f32 v0, v53  }
0xab: {  	[tilespmem:s1+$0x7400] =	vst v55;
	v3 =	vand.u32 $0x7FFFFFFF, v3;
	v1 =	vsub.f32 v1, v54  }
0xac: {  	[tilespmem:s1+$0x7410] =	vst v3;
	v0 =	vand.u32 $0x7FFFFFFF, v0;
	v2 =	vsub.f32 v56, v57  }
0xad: {  	v3 =	vsub.f32 v58, v59;
	[tilespmem:s1+$0x7420] =	vst v0;
	v1 =	vand.u32 $0x7FFFFFFF, v1  }
.Ltmp4:
0xae: {  	v0 =	vsub.f32 v60, v61;
	v62 =	vand.u32 $0x7FFFFFFF, v2;
	[tilespmem:s1+$0x7430] =	vst v1;
	(pc) =	sbr.rel @p2 .LBB2_8-.Ltmp4, $4  }
0xaf: {  	s0 =	sadd.s32 s30, s8;
	v63 =	vand.u32 $0x7FFFFFFF, v3;
	[tilespmem:s1+$0x7440] =	vst v62  }
0xb0: {  	s0 =	sshll.u32 s0, $0x4;
	[tilespmem:s1+$0x7450] =	vst v63;
	v0 =	vand.u32 $0x7FFFFFFF, v0  }
0xb1: {  	s0 =	sadd.s32 s5, s0;
	[tilespmem:s1+$0x7460] =	vst v0  }
0xb2: {  	[hbm4b:s0+s3] =	stream.linear.scatter [tilespmem:s24], [sflag:$0x6], $0x1400, $0x38;
	[tilespmem:$0x1C080] =	vst v63  }
.Ltmp5:
0xb3: {  	(pc) =	sbr.rel .LBB2_2-.Ltmp5, $4  }
0xb4: {  	s0 =	sadd.s32 $0x78, s30  }
0xb5: {  	[tilespmem:s16], [sflag:$0x2] =	stream.indirect.gather [spmem:s2], $0x80, s0, s13, $0xb8;
	[tilespmem:$0x1C080] =	vst v63  }
0xb6: {  	s31 =	sadd.s32 $0x878, s30;
	s29 =	sadd.s32 $0x1, s29  }
0xb7: {  	[tilespmem:s18], [sflag:$0x4] =	stream.indirect.gather [spmem:s2], $0x80, s31, s13, $0xb8;
	[tilespmem:$0x1C080] =	vst v63  }
.LBB2_9:
0xb8: {  	_ =	sfence.sel $0x180000  }
0xb9: {  	[bflag:$0x0] =	sbarrier.arrive $0xFFFF  }
0xba: {  	_ =	strace $0x9000004D  }
0xbb: {  	[bflag:$0x2] =	sbarrier.arrive $0xFFFF  }
0xbc: {  	s0 =	rddreg [dreg:$0x3]  }
0xbd: {  	s0 =	sadd.s32 @!p0 $0x100000, s0  }
0xbe: {  	[sflag:s0] =	ssyncadd.tile.s32 @!p0 $0x1;
	_ =	shalt  }
.Lfunc_end2:
_tile_overlayer_lowered:
.L_overlay_start_2:
0xbf: {  	(tag) =	ssettag $0x2  }
0xc0: {  	s0 =	rddreg [dreg:$0x0];
	s2 =	stileid.u32  }
0xc1: {  	s1 =	rddreg [dreg:$0x1];
	p0 =	sne.s32 s2, $0x0  }
0xc2: {  	s3 =	rddreg [dreg:$0x2];
	[bflag:$0x3] =	sbarrier.arrive $0xFFFF;
	s2 =	simm.s32 @!p0 $0x1C07  }
0xc3: {  	[timem:s3], [sflag:s2] =	dma.local @!p0 [hbm:s0], s1  }
0xc4: {  	s0 =	simm.s32 @!p0 $0x7  }
0xc5: {  	_ =	swait.ge @!p0 [sflag:s0], s1  }
0xc6: {  	s1 =	ssub.s32 @!p0 $0x0, s1;
	[sflag:s0] =	ssyncset.done @!p0 $0x0  }
0xc7: {  	[sflag:s0] =	ssyncadd.s32 @!p0 s1  }
0xc8: {  	[bflag:$0x3] =	sbarrier.arrive $0xFFFF  }
0xc9: {  	_ =	shalt  }

// kernel: kernel.21.cloned.1.call-start
scs
__scs_entry_jumppad:
0x0: {  	(pc) =	sbr.rel $0x88, $3  }
0x1: {  	(tag) =	ssettag $0x0;
	lr =	simm.s32 $0x1  }
0x2: {  	[smem:$0x3F9B] =	sst lr;
	_ =	strace $0xD0000000  }
0x3: {  	_ = 	snop  }
0x4: {  	_ = 	snop  }
0x5: {  	_ = 	snop  }
0x6: {  	_ = 	snop  }
0x7: {  	_ = 	snop  }
__scs_overlays_trampoline_lowered:
0x8: {  	[smem:$0x3FAA] =	sst s0  }
0x9: {  	[smem:$0x3FAB] =	sst s1  }
0xa: {  	[smem:$0x3FAC] =	sst s2  }
0xb: {  	[smem:$0x3FAD] =	sst s3  }
0xc: {  	[smem:$0x3FAE] =	sst s4  }
0xd: {  	[smem:$0x3FAF] =	sst s5  }
0xe: {  	[smem:$0x3FB0] =	sst s6  }
0xf: {  	[smem:$0x3FB1] =	sst s7  }
0x10: {  	[smem:$0x3FB2] =	sst s8  }
0x11: {  	[smem:$0x3FB3] =	sst s9;
	s0 =	simm.s32 @!p0 $0x0  }
0x12: {  	s1 =	sld [smem:$0x3F99];
	s0 =	simm.s32 @p0 $0x1  }
0x13: {  	[smem:$0x3FB4] =	sst s0;
	s0 =	simm.s32 @!p1 $0x0  }
0x14: {  	s2 =	sld [smem:$0x3F98];
	s0 =	simm.s32 @p1 $0x1  }
0x15: {  	[smem:$0x3FB5] =	sst s0;
	s0 =	simm.s32 @!p2 $0x0  }
0x16: {  	s3 =	sld [smem:$0x3FDB];
	s0 =	simm.s32 @p2 $0x1  }
0x17: {  	s4 =	simm.s32 $0x1BF5;
	[smem:$0x3FB7] =	sst s0  }
0x18: {  	s0 =	sld [smem:$0x3F9A];
	_ =	swait.ge [sflag:s4], $0x0  }
0x19: {  	s7 =	sld [smem:$0x3F9B]  }
0x1a: {  	s8 =	sadd.s32 $0xFFFFE003, lr  }
0x1b: {  	s9 =	sadd.s32 $0xFFFFFEF7, lr;
	s5 =	simm.s32 $0xFFFFFFFF;
	p2 =	slt.u32 s8, $0xFFFFF086  }
0x1c: {  	p1 =	slt.u32 s9, $0xF7A;
	s5 =	simm.s32 @!p2 $0x0  }
0x1d: {  	s5 =	simm.s32 @p1 $0x1;
	p0 =	seq.s32 s7, s2  }
0x1e: {  	s7 =	smul.u32 @!p0 $0xF7A, s2;
	p2 =	seq.s32 @!p0 s5, $0x0  }
0x1f: {  	s9 =	smul.u32 $0xF7A, s1;
	s8 =	simm.s32 @!p0 $0x1BF5;
	p2 =	por !p2, p0  }
0x20: {  	[sflag:s8] =	ssyncset.s32 @!p0 $0xFFFFF086;
	s6 =	sadd.s32 @!p0 s3, s7;
	s7 =	simm.s32 @!p0 $0x108  }
0x21: {  	s3 =	sadd.s32 s3, s9;
	s6 =	sadd.s32 @!p0 $0x88, s6;
	s7 =	simm.s32 @p2 $0x1082  }
0x22: {  	[simem:s7], [sflag:s8] =	dma.local @!p0 [hbm:s6], $0xF7A  }
0x23: {  	s9 =	sor.u32 $0xD0000000, s2;
	s6 =	simm.s32 $0x108;
	_ =	swait.ge @!p0 [sflag:s8], $0x0  }
0x24: {  	s3 =	sadd.s32 $0x88, s3;
	s6 =	simm.s32 @!p1 $0x1082;
	[sflag:s4] =	ssyncset.s32 $0xFFFFF086  }
0x25: {  	[simem:s6], [sflag:s4] =	dma.local [hbm:s3], $0xF7A  }
0x26: {  	[smem:$0x3F9B] =	sst s1;
	(tag) =	ssettag s2;
	_ =	strace s9  }
0x27: {  	s1 =	sld [smem:$0x3FAB]  }
0x28: {  	s2 =	sld [smem:$0x3FAC]  }
0x29: {  	s4 =	sld [smem:$0x3FAE]  }
0x2a: {  	p0 =	seq.s32 s5, $0x0;
	s5 =	sld [smem:$0x3FAF]  }
0x2b: {  	s6 =	sld [smem:$0x3FB0]  }
0x2c: {  	s7 =	sld [smem:$0x3FB1]  }
0x2d: {  	s3 =	simm.s32 $0x108;
	s8 =	sld [smem:$0x3FB2]  }
0x2e: {  	s3 =	simm.s32 @!p0 $0x1082;
	s9 =	sld [smem:$0x3FB3]  }
0x2f: {  	lr =	sadd.s32 s0, s3;
	s0 =	sld [smem:$0x3FAA]  }
0x30: {  	s3 =	sld [smem:$0x3FAD]  }
0x31: {  	[smem:$0x3FB6] =	sst s10  }
0x32: {  	s10 =	sld [smem:$0x3FB4];
	_ =	sdelay $0x3  }
0x33: {  	p0 =	seq.s32 s10, $0x1;
	s10 =	sld [smem:$0x3FB6];
	_ =	sdelay $0x3  }
0x34: {  	[smem:$0x3FB6] =	sst s10  }
0x35: {  	s10 =	sld [smem:$0x3FB5];
	_ =	sdelay $0x3  }
0x36: {  	p1 =	seq.s32 s10, $0x1;
	s10 =	sld [smem:$0x3FB6];
	_ =	sdelay $0x3  }
0x37: {  	[smem:$0x3FB6] =	sst s10  }
0x38: {  	s10 =	sld [smem:$0x3FB7]  }
0x39: {  	_ = 	snop;
	(pc) =	sbr.ind lr, $3  }
0x3a: {  	_ = 	snop  }
0x3b: {  	_ = 	snop  }
0x3c: {  	p2 =	seq.s32 s10, $0x1;
	s10 =	sld [smem:$0x3FB6]  }
0x3d: {  	_ =	shalt  }
0x3e: {  	_ =	shalt  }
0x3f: {  	_ =	shalt  }
0x40: {  	_ =	shalt  }
0x41: {  	_ =	shalt  }
0x42: {  	_ =	shalt  }
0x43: {  	_ =	shalt  }
0x44: {  	_ =	shalt  }
0x45: {  	_ =	shalt  }
0x46: {  	_ =	shalt  }
0x47: {  	_ =	shalt  }
0x48: {  	_ =	shalt  }
0x49: {  	_ =	shalt  }
0x4a: {  	_ =	shalt  }
0x4b: {  	_ =	shalt  }
0x4c: {  	_ =	shalt  }
0x4d: {  	_ =	shalt  }
0x4e: {  	_ =	shalt  }
0x4f: {  	_ =	shalt  }
0x50: {  	_ =	shalt  }
0x51: {  	_ =	shalt  }
0x52: {  	_ =	shalt  }
0x53: {  	_ =	shalt  }
0x54: {  	_ =	shalt  }
0x55: {  	_ =	shalt  }
0x56: {  	_ =	shalt  }
0x57: {  	_ =	shalt  }
0x58: {  	_ =	shalt  }
0x59: {  	_ =	shalt  }
0x5a: {  	_ =	shalt  }
0x5b: {  	_ =	shalt  }
0x5c: {  	_ =	shalt  }
0x5d: {  	_ =	shalt  }
0x5e: {  	_ =	shalt  }
0x5f: {  	_ =	shalt  }
0x60: {  	_ =	shalt  }
0x61: {  	_ =	shalt  }
0x62: {  	_ =	shalt  }
0x63: {  	_ =	shalt  }
0x64: {  	_ =	shalt  }
0x65: {  	_ =	shalt  }
0x66: {  	_ =	shalt  }
0x67: {  	_ =	shalt  }
0x68: {  	_ =	shalt  }
0x69: {  	_ =	shalt  }
0x6a: {  	_ =	shalt  }
0x6b: {  	_ =	shalt  }
0x6c: {  	_ =	shalt  }
0x6d: {  	_ =	shalt  }
0x6e: {  	_ =	shalt  }
0x6f: {  	_ =	shalt  }
0x70: {  	_ =	shalt  }
0x71: {  	_ =	shalt  }
0x72: {  	_ =	shalt  }
0x73: {  	_ =	shalt  }
0x74: {  	_ =	shalt  }
0x75: {  	_ =	shalt  }
0x76: {  	_ =	shalt  }
0x77: {  	_ =	shalt  }
0x78: {  	_ =	shalt  }
0x79: {  	_ =	shalt  }
0x7a: {  	_ =	shalt  }
0x7b: {  	_ =	shalt  }
0x7c: {  	_ =	shalt  }
0x7d: {  	_ =	shalt  }
0x7e: {  	_ =	shalt  }
0x7f: {  	_ =	shalt  }
0x80: {  	_ =	shalt  }
0x81: {  	_ =	shalt  }
0x82: {  	_ =	shalt  }
0x83: {  	_ =	shalt  }
0x84: {  	_ =	shalt  }
0x85: {  	_ =	shalt  }
0x86: {  	_ =	shalt  }
0x87: {  	_ =	shalt  }
.Lfunc_end0:
.L_simem_size_0:
called_computation.3_lowered:
.L_overlay_start_0:
0x88: {  	s2 =	sld [smem:$0x3FD9]  }
0x89: {  	s3 =	sld [smem:$0x3FFE];
	_ =	sdelay $0x1  }
0x8a: {  	s1 =	srdreg.scid  }
0x8b: {  	s0 =	sand.u32 $0x1, s1  }
0x8c: {  	s17 =	sshll.u32 s0, $0xA;
	s2 =	sadd.s32 s3, s2  }
0x8d: {  	s2 =	sadd.s32 s2, s17  }
0x8e: {  	[smem:$0x3FC2] =	sst s2  }
0x8f: {  	_ = 	snop  }
0x90: {  	s18 =	sld [smem:$0x3FC9];
	(tm) =	ssettm $0x1  }
0x91: {  	s19 =	sld [smem:$0x3FFB];
	_ =	sdelay $0x3  }
0x92: {  	_ =	strace s19  }
0x93: {  	s2 =	sld [smem:$0x3FFC];
	_ =	sdelay $0x3  }
0x94: {  	_ =	strace s2  }
0x95: {  	s2 =	sld [smem:$0x3FFD];
	_ =	sdelay $0x3  }
0x96: {  	_ =	strace s2  }
0x97: {  	_ =	strace $0x8FFFFFFF  }
0x98: {  	s20 =	sld [smem:$0x3FDB];
	_ =	sdelay $0x1  }
0x99: {  	s4 =	simm.s32 $_scs_section_size  }
0x9a: {  	s5 =	simm.s32 $_size__tile_overlayer_lowered;
	s6 =	simm.s32 $_tile_overlayer_lowered  }
0x9b: {  	s7 =	simm.s32 $0x1BFF;
	s21 =	sshll.u32 s6, $0x1;
	s4 =	sadd.s32 s4, s20  }
0x9c: {  	s22 =	simm.s32 $0x0;
	s5 =	sshll.u32 s5, $0x1;
	s6 =	sadd.s32 s21, s4  }
0x9d: {  	[timem:s22], [sflag:s7] =	dma.local [hbm:s6], s5  }
0x9e: {  	_ =	swait.ge [sflag:s7], s5  }
0x9f: {  	s5 =	ssub.s32 $0x0, s5;
	[sflag:s7] =	ssyncset.done $0x0  }
0xa0: {  	[sflag:s7] =	ssyncadd.s32 s5;
	_ =	sdelay $0x1  }
0xa1: {  	s23 =	simm.s32 $0x1B8B  }
0xa2: {  	_ =	swait.ge [sflag:s23], $0x1  }
0xa3: {  	[sflag:s23] =	ssyncset.done $0x0  }
0xa4: {  	[sflag:s23] =	ssyncadd.s32 $0xFFFFFFFF  }
0xa5: {  	s5 =	sld [smem:$0x0]  }
0xa6: {  	s6 =	sand.u32 $0xFFFFFFFE, s1  }
0xa7: {  	p0 =	sne.s32 s1, s6  }
0xa8: {  	s6 =	sshll.u32 @p0 s6, $0xE  }
0xa9: {  	s6 =	sadd.s32 @p0 $0x11B8D, s6;
	s7 =	sshll.u32 @p0 s5, $0x11  }
0xaa: {  	s6 =	sor.u32 @p0 s7, s6  }
0xab: {  	[sflag:s6] =	ssyncadd.remote.s32 @p0 $0x1;
	_ =	sdelay $0x1  }
0xac: {  	s6 =	simm.s32 @p0 $0x1B8D  }
0xad: {  	_ =	swait.eq @p0 [sflag:s6], $0x1  }
0xae: {  	[sflag:s6] =	ssyncadd.s32 @p0 $0xFFFFFFFF  }
0xaf: {  	s7 =	sshll.u32 @!p0 s1, $0xE  }
0xb0: {  	s7 =	sor.u32 @!p0 $0x4000, s7;
	s6 =	simm.s32 @!p0 $0x1B8D  }
0xb1: {  	s5 =	sshll.u32 @!p0 s5, $0x11;
	s7 =	sadd.s32 @!p0 $0x11B8D, s7;
	_ =	swait.eq @!p0 [sflag:s6], $0x1  }
0xb2: {  	s5 =	sor.u32 @!p0 s5, s7;
	[sflag:s6] =	ssyncadd.s32 @!p0 $0xFFFFFFFF  }
0xb3: {  	s25 =	simm.s32 $0x1B8E;
	s24 =	sld [smem:$0x3FFE];
	[sflag:s5] =	ssyncadd.remote.s32 @!p0 $0x1  }
0xb4: {  	s26 =	simm.s32 $execute0_lowered;
	[smem:$0x3FD2] =	sst s25  }
0xb5: {  	s6 =	sshll.u32 s26, $0x1;
	_ =	strace $0x8000004F;
	[dreg:$0x1] =	wrdreg $0xFFFFFFFF  }
0xb6: {  	s28 =	simm.s32 $_size_execute0_lowered;
	s4 =	sadd.s32 s4, s6;
	[dreg:$0x0] =	wrdreg $0x0  }
0xb7: {  	s6 =	sshll.u32 s28, $0x1;
	[dreg:$0x2] =	wrdreg s4  }
0xb8: {  	[dreg:$0x3] =	wrdreg s6  }
0xb9: {  	[dreg:$0x4] =	wrdreg $0xC0  }
0xba: {  	_ =	task [dreg:s22], $0x5FFFF  }
0xbb: {  	[dreg:$0x1] =	wrdreg $0xFFFFFFFF  }
0xbc: {  	[dreg:$0x0] =	wrdreg $0x60  }
0xbd: {  	[dreg:$0x2] =	wrdreg s18  }
0xbe: {  	[dreg:$0x3] =	wrdreg s24  }
0xbf: {  	[dreg:$0x4] =	wrdreg $0x88000  }
0xc0: {  	[dreg:$0x5] =	wrdreg $0xC  }
0xc1: {  	_ =	task.clear_ibuf [dreg:s22], $0x6FFFF;
	_ =	strace $0x9000004F  }
0xc2: {  	s29 =	simm.s32 $0xC;
	_ =	strace $0x80000051  }
0xc3: {  	_ =	swait.ge [sflag:s29], $0x1  }
0xc4: {  	[sflag:s29] =	ssyncadd.s32 $0xFFFFFFFF  }
0xc5: {  	_ =	strace $0x90000051  }
0xc6: {  	_ =	sfence  }
0xc7: {  	s30 =	sld [smem:$0x0];
	_ =	sdelay $0x2  }
0xc8: {  	s31 =	sshll.u32 s1, $0xD;
	s1 =	sshrl.u32 s1, $0x2  }
0xc9: {  	s4 =	sand.u32 $0x4000, s31;
	s1 =	sadd.s32 s1, s30  }
0xca: {  	s0 =	sor.u32 s4, s0;
	s1 =	sshll.u32 s1, $0x11  }
0xcb: {  	s0 =	sor.u32 s1, s0  }
0xcc: {  	s0 =	sadd.s32 $0x8F2B, s0  }
0xcd: {  	[sflag:s0] =	ssyncadd.remote.s32 $0x1  }
0xce: {  	_ =	sfence.sel $0xFFFF  }
0xcf: {  	[dreg:$0x0] =	wrdreg $0xFFFFFFFF;
	(pc) =	sbr.abs _section_cstart, $3  }
0xd0: {  	[dreg:$0x1] =	wrdreg $0xFFFFFFFF  }
0xd1: {  	_ =	task.clear_ibuf [dreg:s22], $0x2FFFF;
	_ =	strace $0x9FFFFFFF  }
0xd2: {  	(tm) =	ssettm $0x7FFFFFFF  }
0xd3: {  	_ =	shalt  }
tec
execute0_lowered:
.L_overlay_start_1:
0x0: {  	(tag) =	ssettag $0x1  }
0x1: {  	s0 =	srdreg.scid;
	s5 =	rddreg [dreg:$0x1]  }
0x2: {  	s1 =	stileid.u32;
	s2 =	rddreg [dreg:$0x2];
	s11 =	simm.s32 $0x7  }
0x3: {  	s12 =	simm.s32 $0x800;
	s13 =	simm.s32 $0x28;
	s14 =	simm.s32 $0x1000  }
0x4: {  	s15 =	simm.s32 $0x3800;
	s16 =	simm.s32 $0x2400;
	s17 =	simm.s32 $0x828  }
0x5: {  	s18 =	simm.s32 $0x4C00;
	s19 =	simm.s32 $0x1;
	s20 =	simm.s32 $0x3  }
0x6: {  	s21 =	simm.s32 $0x6000;
	s22 =	simm.s32 $0x2;
	s23 =	simm.s32 $0x4  }
0x7: {  	s24 =	simm.s32 $0x7400;
	s0 =	sand.u32 $0x1, s0;
	s3 =	sshll.u32 s1, $0x1  }
0x8: {  	s25 =	simm.s32 $0x5;
	s26 =	simm.s32 $0x6;
	s4 =	sor.u32 s0, s3  }
0x9: {  	s28 =	simm.s32 $0x0;
	p0 =	sne.s32 s1, $0x0;
	s4 =	smul.u32 $0x7D0, s4  }
.Ltmp0:
0xa: {  	s3 =	simm.s32 $0x0;
	s0 =	ssub.s32 $0x2, s0;
	(pc) =	sbr.rel .LBB2_1-.Ltmp0, $4  }
0xb: {  	s10 =	sshrl.u32 @!p0 s2, $0x3;
	[smem:$0x7FF] =	sst s3;
	s31 =	sshrl.u32 s0, $0x1  }
0xc: {  	_ =	strace $0x80000050;
	s0 =	ssub.s32 s0, s31;
	s6 =	sshrl.u32 s4, $0x3  }
0xd: {  	s8 =	sadd.s32 $0x28, s4;
	s9 =	smax.u32 s0, $0x1;
	s7 =	sadd.s32 s6, s5  }
0xe: {  	s5 =	sadd.s32 $0x2FEE00, s5;
	s6 =	sadd.s32 $0xAE00, s7;
	s7 =	sadd.s32 $0x8E00, s7  }
.LBB2_8:
0xf: {  	s28 =	sadd.s32 $0x1, s28  }
0x10: {  	_ =	swait.ge [sflag:s25], $0x1400;
	p1 =	sne.s32 s28, s9  }
.Ltmp1:
0x11: {  	[sflag:s25] =	ssyncset.done $0x0;
	(pc) =	sbr.rel @!p1 .LBB2_9-.Ltmp1, $4  }
0x12: {  	[sflag:s25] =	ssyncadd.s32 $0xFFFFEC00  }
0x13: {  	_ =	swait.ge [sflag:s26], $0x1400  }
0x14: {  	[sflag:s26] =	ssyncset.done $0x0  }
0x15: {  	[sflag:s26] =	ssyncadd.s32 $0xFFFFEC00  }
.LBB2_1:
0x16: {  	s0 =	simm.s32 @!p0 $0x1C07;
	s1 =	rddreg [dreg:$0x0]  }
0x17: {  	[spmem:s10], [sflag:s0] =	dma.local @!p0 [hbm:s1], $0x27100  }
0x18: {  	s0 =	simm.s32 @!p0 $0x7  }
0x19: {  	_ =	swait.ge @!p0 [sflag:s0], $0x27100  }
0x1a: {  	[sflag:s0] =	ssyncset.done @!p0 $0x0  }
0x1b: {  	[sflag:s0] =	ssyncadd.s32 @!p0 $0xFFFD8F00  }
0x1c: {  	[bflag:$0x0] =	sbarrier.arrive $0xFFFF  }
0x1d: {  	[tilespmem:s3], [sflag:$0x7] =	stream.linear.gather [hbm4b:s6+s3], $0x7D0, $0x38;
	[tilespmem:$0x1C080] =	vst v63  }
0x1e: {  	_ =	swait.ge [sflag:s11], $0x7D0  }
0x1f: {  	[sflag:s11] =	ssyncset.done $0x0  }
0x20: {  	[sflag:s11] =	ssyncadd.s32 $0xFFFFF830  }
0x21: {  	[tilespmem:s12], [sflag:$0x7] =	stream.linear.gather [hbm4b:s7+s3], $0x7D0, $0x38;
	[tilespmem:$0x1C080] =	vst v63  }
0x22: {  	_ =	swait.ge [sflag:s11], $0x7D0  }
0x23: {  	[sflag:s11] =	ssyncset.done $0x0  }
0x24: {  	[sflag:s11] =	ssyncadd.s32 $0xFFFFF830  }
0x25: {  	[tilespmem:s14], [sflag:$0x1] =	stream.indirect.gather [spmem:s2], $0x80, s3, s13, $0xb8;
	[tilespmem:$0x1C080] =	vst v63  }
0x26: {  	_ = 	snop  }
0x27: {  	[tilespmem:s15], [sflag:$0x3] =	stream.indirect.gather [spmem:s2], $0x80, s12, s13, $0xb8;
	[tilespmem:$0x1C080] =	vst v63  }
0x28: {  	_ = 	snop  }
0x29: {  	[tilespmem:s16], [sflag:$0x2] =	stream.indirect.gather [spmem:s2], $0x80, s13, s13, $0xb8;
	[tilespmem:$0x1C080] =	vst v63  }
0x2a: {  	s29 =	simm.s32 $0x0  }
0x2b: {  	[tilespmem:s18], [sflag:$0x4] =	stream.indirect.gather [spmem:s2], $0x80, s17, s13, $0xb8;
	[tilespmem:$0x1C080] =	vst v63  }
.LBB2_2:
0x2c: {  	_ =	swait.ge [sflag:s19], $0x1400  }
0x2d: {  	[sflag:s19] =	ssyncset.done $0x0  }
0x2e: {  	[sflag:s19] =	ssyncadd.s32 $0xFFFFEC00  }
0x2f: {  	_ =	swait.ge [sflag:s20], $0x1400  }
0x30: {  	p1 =	seq.s32 s29, $0x0;
	[sflag:s20] =	ssyncset.done $0x0  }
0x31: {  	s0 =	simm.s32 @!p1 $0x5;
	[sflag:s20] =	ssyncadd.s32 $0xFFFFEC00  }
0x32: {  	_ =	swait.ge @!p1 [sflag:s0], $0x1400  }
0x33: {  	[sflag:s0] =	ssyncset.done @!p1 $0x0  }
0x34: {  	s30 =	simm.s32 $0x0;
	[sflag:s0] =	ssyncadd.s32 @!p1 $0xFFFFEC00  }
0x35: {  	v0 =	vld [tilespmem:s30+$0x1070]  }
0x36: {  	v1 =	vld [tilespmem:s30+$0x3870]  }
0x37: {  	v2 =	vld [tilespmem:s30+$0x1000]  }
0x38: {  	v3 =	vld [tilespmem:s30+$0x3800]  }
0x39: {  	v4 =	vld [tilespmem:s30+$0x1010]  }
0x3a: {  	v5 =	vld [tilespmem:s30+$0x3810]  }
0x3b: {  	v6 =	vld [tilespmem:s30+$0x1020]  }
0x3c: {  	v0 =	vsub.f32 v0, v1;
	v1 =	vld [tilespmem:s30+$0x3820]  }
0x3d: {  	v7 =	vld [tilespmem:s30+$0x1030]  }
0x3e: {  	v8 =	vld [tilespmem:s30+$0x3830];
	v2 =	vsub.f32 v2, v3  }
0x3f: {  	v9 =	vld [tilespmem:s30+$0x1040];
	v0 =	vand.u32 $0x7FFFFFFF, v0  }
0x40: {  	[tilespmem:s30+$0x6070] =	vst v0;
	v0 =	vand.u32 $0x7FFFFFFF, v2;
	v2 =	vsub.f32 v4, v5;
	v5 =	vld [tilespmem:s30+$0x3840]  }
0x41: {  	v3 =	vld [tilespmem:s30+$0x3850];
	v1 =	vsub.f32 v6, v1  }
0x42: {  	[tilespmem:s30+$0x6000] =	vst v0;
	v0 =	vld [tilespmem:s30+$0x1050];
	v2 =	vand.u32 $0x7FFFFFFF, v2  }
0x43: {  	v4 =	vld [tilespmem:s30+$0x3860];
	v6 =	vsub.f32 v7, v8;
	[tilespmem:s30+$0x6010] =	vst v2;
	v2 =	vand.u32 $0x7FFFFFFF, v1  }
0x44: {  	s31 =	simm.s32 $0x80;
	v1 =	vld [tilespmem:s30+$0x1060];
	[tilespmem:s30+$0x6020] =	vst v2  }
0x45: {  	s1 =	simm.s32 $0x400;
	v6 =	vand.u32 $0x7FFFFFFF, v6;
	v5 =	vsub.f32 v9, v5;
	v2 =	vld [tilespmem:s31+$0x1070]  }
.LBB2_3:
0x46: {  	p2 =	sne.s32 s1, $0x4E00;
	v7 =	vld [tilespmem:s31+$0x3870];
	[tilespmem:s30+$0x6030] =	vst v6  }
0x47: {  	v6 =	vld [tilespmem:s31+$0x1000];
	v5 =	vand.u32 $0x7FFFFFFF, v5;
	v0 =	vsub.f32 v0, v3  }
0x48: {  	v3 =	vld [tilespmem:s31+$0x3800];
	[tilespmem:s30+$0x6040] =	vst v5  }
0x49: {  	v5 =	vld [tilespmem:s31+$0x1010];
	v0 =	vand.u32 $0x7FFFFFFF, v0;
	v1 =	vsub.f32 v1, v4  }
0x4a: {  	v4 =	vld [tilespmem:s31+$0x3810];
	[tilespmem:s30+$0x6050] =	vst v0  }
0x4b: {  	v0 =	vld [tilespmem:s31+$0x1020];
	v2 =	vsub.f32 v2, v7;
	v1 =	vand.u32 $0x7FFFFFFF, v1  }
0x4c: {  	v7 =	vld [tilespmem:s31+$0x3820];
	[tilespmem:s30+$0x6060] =	vst v1;
	s30 =	smov.u32 s31  }
0x4d: {  	v1 =	vsub.f32 v6, v3;
	v6 =	vld [tilespmem:s30+$0x1030];
	v2 =	vand.u32 $0x7FFFFFFF, v2  }
0x4e: {  	v8 =	vld [tilespmem:s30+$0x3830];
	[tilespmem:s30+$0x6070] =	vst v2  }
0x4f: {  	v1 =	vand.u32 $0x7FFFFFFF, v1;
	v2 =	vsub.f32 v5, v4;
	v5 =	vld [tilespmem:s30+$0x1040]  }
0x50: {  	[tilespmem:s30+$0x6000] =	vst v1;
	v9 =	vld [tilespmem:s30+$0x3840]  }
.Ltmp2:
0x51: {  	v1 =	vand.u32 $0x7FFFFFFF, v2;
	v2 =	vsub.f32 v0, v7;
	v0 =	vld [tilespmem:s30+$0x1050];
	(pc) =	sbr.rel @p2 .LBB2_3-.Ltmp2, $4  }
0x52: {  	[tilespmem:s30+$0x6010] =	vst v1;
	v3 =	vld [tilespmem:s30+$0x3850]  }
0x53: {  	v2 =	vand.u32 $0x7FFFFFFF, v2;
	v6 =	vsub.f32 v6, v8;
	v1 =	vld [tilespmem:s30+$0x1060]  }
0x54: {  	s31 =	sshra.s32 s1, $0x2;
	[tilespmem:s30+$0x6020] =	vst v2;
	v4 =	vld [tilespmem:s30+$0x3860]  }
0x55: {  	s1 =	sadd.s32 $0x200, s1;
	v2 =	vld [tilespmem:s31+$0x1070];
	v6 =	vand.u32 $0x7FFFFFFF, v6;
	v5 =	vsub.f32 v5, v9  }
0x56: {  	v7 =	vld [tilespmem:s31+$0x3870];
	[tilespmem:s30+$0x6030] =	vst v6  }
0x57: {  	v6 =	vld [tilespmem:s31+$0x1000];
	v5 =	vand.u32 $0x7FFFFFFF, v5;
	v0 =	vsub.f32 v0, v3  }
0x58: {  	v8 =	vld [tilespmem:s31+$0x3800];
	[tilespmem:s30+$0x6040] =	vst v5  }
0x59: {  	v3 =	vld [tilespmem:s31+$0x1010];
	v0 =	vand.u32 $0x7FFFFFFF, v0;
	v1 =	vsub.f32 v1, v4  }
0x5a: {  	v5 =	vld [tilespmem:s31+$0x3810];
	[tilespmem:s30+$0x6050] =	vst v0  }
0x5b: {  	v0 =	vld [tilespmem:s31+$0x1020];
	v1 =	vand.u32 $0x7FFFFFFF, v1  }
0x5c: {  	v4 =	vld [tilespmem:s31+$0x3820];
	v2 =	vsub.f32 v2, v7;
	[tilespmem:s30+$0x6060] =	vst v1  }
0x5d: {  	v6 =	vsub.f32 v6, v8;
	v1 =	vld [tilespmem:s31+$0x1030]  }
0x5e: {  	v2 =	vand.u32 $0x7FFFFFFF, v2;
	v7 =	vld [tilespmem:s31+$0x3830]  }
0x5f: {  	[tilespmem:s31+$0x6070] =	vst v2;
	v2 =	vand.u32 $0x7FFFFFFF, v6;
	v6 =	vld [tilespmem:s31+$0x1040]  }
0x60: {  	v3 =	vsub.f32 v3, v5;
	v5 =	vld [tilespmem:s31+$0x1050]  }
0x61: {  	[tilespmem:s31+$0x6000] =	vst v2;
	v2 =	vld [tilespmem:s31+$0x3840];
	v0 =	vsub.f32 v0, v4  }
0x62: {  	v3 =	vand.u32 $0x7FFFFFFF, v3;
	v4 =	vld [tilespmem:s31+$0x1060]  }
0x63: {  	[tilespmem:s31+$0x6010] =	vst v3;
	v3 =	vld [tilespmem:s31+$0x3850];
	v0 =	vand.u32 $0x7FFFFFFF, v0  }
0x64: {  	[tilespmem:s31+$0x6020] =	vst v0;
	v0 =	vld [tilespmem:s31+$0x3860];
	_ =	sdelay $0x1  }
0x65: {  	v1 =	vsub.f32 v1, v7  }
0x66: {  	v2 =	vsub.f32 v6, v2  }
0x67: {  	s30 =	smul.u32 $0x50, s29;
	v1 =	vand.u32 $0x7FFFFFFF, v1;
	v3 =	vsub.f32 v5, v3  }
0x68: {  	[tilespmem:s31+$0x6030] =	vst v1;
	v1 =	vand.u32 $0x7FFFFFFF, v2;
	v0 =	vsub.f32 v4, v0  }
0x69: {  	s0 =	sadd.s32 s4, s30;
	[tilespmem:s31+$0x6040] =	vst v1;
	v1 =	vand.u32 $0x7FFFFFFF, v3  }
0x6a: {  	s0 =	sshll.u32 s0, $0x4;
	[tilespmem:s31+$0x6050] =	vst v1;
	v0 =	vand.u32 $0x7FFFFFFF, v0  }
0x6b: {  	p2 =	seq.s32 s29, $0x18;
	s0 =	sadd.s32 s5, s0;
	[tilespmem:s31+$0x6060] =	vst v0  }
0x6c: {  	[hbm4b:s0+s3] =	stream.linear.scatter [tilespmem:s21], [sflag:$0x5], $0x1400, $0x38;
	[tilespmem:$0x1C080] =	vst v63  }
0x6d: {  	s1 =	simm.s32 @!p2 $0x28;
	s31 =	simm.s32 @!p2 $0x1000;
	s0 =	sadd.s32 @!p2 $0x50, s30  }
0x6e: {  	[tilespmem:s31], [sflag:$0x1] =	stream.indirect.gather @!p2 [spmem:s2], $0x80, s0, s1, $0xb8;
	[tilespmem:$0x1C080] =	vst v63  }
0x6f: {  	s0 =	sadd.s32 @!p2 $0x850, s30;
	s31 =	simm.s32 @!p2 $0x3800  }
0x70: {  	[tilespmem:s31], [sflag:$0x3] =	stream.indirect.gather @!p2 [spmem:s2], $0x80, s0, s1, $0xb8;
	[tilespmem:$0x1C080] =	vst v63  }
0x71: {  	_ =	swait.ge [sflag:s22], $0x1400  }
0x72: {  	[sflag:s22] =	ssyncset.done $0x0  }
0x73: {  	[sflag:s22] =	ssyncadd.s32 $0xFFFFEC00  }
0x74: {  	_ =	swait.ge [sflag:s23], $0x1400  }
0x75: {  	[sflag:s23] =	ssyncset.done $0x0  }
0x76: {  	s0 =	simm.s32 @!p1 $0x6;
	[sflag:s23] =	ssyncadd.s32 $0xFFFFEC00  }
0x77: {  	_ =	swait.ge @!p1 [sflag:s0], $0x1400  }
0x78: {  	[sflag:s0] =	ssyncset.done @!p1 $0x0  }
0x79: {  	s31 =	simm.s32 $0x0;
	[sflag:s0] =	ssyncadd.s32 @!p1 $0xFFFFEC00  }
0x7a: {  	v0 =	vld [tilespmem:s31+$0x2470]  }
0x7b: {  	v1 =	vld [tilespmem:s31+$0x4C70]  }
0x7c: {  	v2 =	vld [tilespmem:s31+$0x2400]  }
0x7d: {  	v3 =	vld [tilespmem:s31+$0x4C00]  }
0x7e: {  	v4 =	vld [tilespmem:s31+$0x2410]  }
0x7f: {  	v5 =	vld [tilespmem:s31+$0x4C10]  }
0x80: {  	v6 =	vld [tilespmem:s31+$0x2420]  }
0x81: {  	v0 =	vsub.f32 v0, v1;
	v1 =	vld [tilespmem:s31+$0x4C20]  }
0x82: {  	v7 =	vld [tilespmem:s31+$0x2430]  }
0x83: {  	v8 =	vld [tilespmem:s31+$0x4C30];
	v2 =	vsub.f32 v2, v3  }
0x84: {  	v9 =	vld [tilespmem:s31+$0x2440];
	v0 =	vand.u32 $0x7FFFFFFF, v0  }
0x85: {  	[tilespmem:s31+$0x7470] =	vst v0;
	v0 =	vand.u32 $0x7FFFFFFF, v2;
	v2 =	vsub.f32 v4, v5;
	v5 =	vld [tilespmem:s31+$0x4C40]  }
0x86: {  	v3 =	vld [tilespmem:s31+$0x4C50];
	v1 =	vsub.f32 v6, v1  }
0x87: {  	[tilespmem:s31+$0x7400] =	vst v0;
	v0 =	vld [tilespmem:s31+$0x2450];
	v2 =	vand.u32 $0x7FFFFFFF, v2  }
0x88: {  	v4 =	vld [tilespmem:s31+$0x4C60];
	v6 =	vsub.f32 v7, v8;
	[tilespmem:s31+$0x7410] =	vst v2;
	v2 =	vand.u32 $0x7FFFFFFF, v1  }
0x89: {  	s1 =	simm.s32 $0x80;
	v1 =	vld [tilespmem:s31+$0x2460];
	[tilespmem:s31+$0x7420] =	vst v2  }
0x8a: {  	s0 =	simm.s32 $0x400;
	v6 =	vand.u32 $0x7FFFFFFF, v6;
	v5 =	vsub.f32 v9, v5;
	v2 =	vld [tilespmem:s1+$0x2470]  }
.LBB2_5:
0x8b: {  	p1 =	sne.s32 s0, $0x4E00;
	v7 =	vld [tilespmem:s1+$0x4C70];
	[tilespmem:s31+$0x7430] =	vst v6  }
0x8c: {  	v6 =	vld [tilespmem:s1+$0x2400];
	v5 =	vand.u32 $0x7FFFFFFF, v5;
	v0 =	vsub.f32 v0, v3  }
0x8d: {  	v3 =	vld [tilespmem:s1+$0x4C00];
	[tilespmem:s31+$0x7440] =	vst v5  }
0x8e: {  	v5 =	vld [tilespmem:s1+$0x2410];
	v0 =	vand.u32 $0x7FFFFFFF, v0;
	v1 =	vsub.f32 v1, v4  }
0x8f: {  	v4 =	vld [tilespmem:s1+$0x4C10];
	[tilespmem:s31+$0x7450] =	vst v0  }
0x90: {  	v0 =	vld [tilespmem:s1+$0x2420];
	v2 =	vsub.f32 v2, v7;
	v1 =	vand.u32 $0x7FFFFFFF, v1  }
0x91: {  	v7 =	vld [tilespmem:s1+$0x4C20];
	[tilespmem:s31+$0x7460] =	vst v1;
	s31 =	smov.u32 s1  }
0x92: {  	v1 =	vsub.f32 v6, v3;
	v6 =	vld [tilespmem:s31+$0x2430];
	v2 =	vand.u32 $0x7FFFFFFF, v2  }
0x93: {  	v8 =	vld [tilespmem:s31+$0x4C30];
	[tilespmem:s31+$0x7470] =	vst v2  }
0x94: {  	v1 =	vand.u32 $0x7FFFFFFF, v1;
	v2 =	vsub.f32 v5, v4;
	v5 =	vld [tilespmem:s31+$0x2440]  }
0x95: {  	[tilespmem:s31+$0x7400] =	vst v1;
	v9 =	vld [tilespmem:s31+$0x4C40]  }
.Ltmp3:
0x96: {  	v1 =	vand.u32 $0x7FFFFFFF, v2;
	v2 =	vsub.f32 v0, v7;
	v0 =	vld [tilespmem:s31+$0x2450];
	(pc) =	sbr.rel @p1 .LBB2_5-.Ltmp3, $4  }
0x97: {  	[tilespmem:s31+$0x7410] =	vst v1;
	v3 =	vld [tilespmem:s31+$0x4C50]  }
0x98: {  	v2 =	vand.u32 $0x7FFFFFFF, v2;
	v6 =	vsub.f32 v6, v8;
	v1 =	vld [tilespmem:s31+$0x2460]  }
0x99: {  	s1 =	sshra.s32 s0, $0x2;
	[tilespmem:s31+$0x7420] =	vst v2;
	v4 =	vld [tilespmem:s31+$0x4C60]  }
0x9a: {  	s0 =	sadd.s32 $0x200, s0;
	v2 =	vld [tilespmem:s1+$0x2470];
	v6 =	vand.u32 $0x7FFFFFFF, v6;
	v5 =	vsub.f32 v5, v9  }
0x9b: {  	v7 =	vld [tilespmem:s1+$0x4C70];
	[tilespmem:s31+$0x7430] =	vst v6  }
0x9c: {  	v6 =	vld [tilespmem:s1+$0x2400];
	v5 =	vand.u32 $0x7FFFFFFF, v5;
	v0 =	vsub.f32 v0, v3  }
0x9d: {  	v8 =	vld [tilespmem:s1+$0x4C00];
	[tilespmem:s31+$0x7440] =	vst v5  }
0x9e: {  	v52 =	vld [tilespmem:s1+$0x2410];
	v0 =	vand.u32 $0x7FFFFFFF, v0;
	v1 =	vsub.f32 v1, v4  }
0x9f: {  	v5 =	vld [tilespmem:s1+$0x4C10];
	[tilespmem:s31+$0x7450] =	vst v0  }
0xa0: {  	v0 =	vld [tilespmem:s1+$0x2420];
	v1 =	vand.u32 $0x7FFFFFFF, v1  }
0xa1: {  	v53 =	vld [tilespmem:s1+$0x4C20];
	[tilespmem:s31+$0x7460] =	vst v1  }
0xa2: {  	v1 =	vld [tilespmem:s1+$0x2430]  }
0xa3: {  	v54 =	vld [tilespmem:s1+$0x4C30]  }
0xa4: {  	v56 =	vld [tilespmem:s1+$0x2440]  }
0xa5: {  	v57 =	vld [tilespmem:s1+$0x4C40]  }
0xa6: {  	v58 =	vld [tilespmem:s1+$0x2450]  }
0xa7: {  	v2 =	vsub.f32 v2, v7;
	v59 =	vld [tilespmem:s1+$0x4C50]  }
0xa8: {  	v6 =	vsub.f32 v6, v8;
	v60 =	vld [tilespmem:s1+$0x2460]  }
0xa9: {  	v2 =	vand.u32 $0x7FFFFFFF, v2;
	v61 =	vld [tilespmem:s1+$0x4C60];
	v3 =	vsub.f32 v52, v5  }
0xaa: {  	[tilespmem:s1+$0x7470] =	vst v2;
	v55 =	vand.u32 $0x7FFFFFFF, v6;
	v0 =	vsub.f32 v0, v53  }
0xab: {  	[tilespmem:s1+$0x7400] =	vst v55;
	v3 =	vand.u32 $0x7FFFFFFF, v3;
	v1 =	vsub.f32 v1, v54  }
0xac: {  	[tilespmem:s1+$0x7410] =	vst v3;
	v0 =	vand.u32 $0x7FFFFFFF, v0;
	v2 =	vsub.f32 v56, v57  }
0xad: {  	v3 =	vsub.f32 v58, v59;
	[tilespmem:s1+$0x7420] =	vst v0;
	v1 =	vand.u32 $0x7FFFFFFF, v1  }
.Ltmp4:
0xae: {  	v0 =	vsub.f32 v60, v61;
	v62 =	vand.u32 $0x7FFFFFFF, v2;
	[tilespmem:s1+$0x7430] =	vst v1;
	(pc) =	sbr.rel @p2 .LBB2_8-.Ltmp4, $4  }
0xaf: {  	s0 =	sadd.s32 s30, s8;
	v63 =	vand.u32 $0x7FFFFFFF, v3;
	[tilespmem:s1+$0x7440] =	vst v62  }
0xb0: {  	s0 =	sshll.u32 s0, $0x4;
	[tilespmem:s1+$0x7450] =	vst v63;
	v0 =	vand.u32 $0x7FFFFFFF, v0  }
0xb1: {  	s0 =	sadd.s32 s5, s0;
	[tilespmem:s1+$0x7460] =	vst v0  }
0xb2: {  	[hbm4b:s0+s3] =	stream.linear.scatter [tilespmem:s24], [sflag:$0x6], $0x1400, $0x38;
	[tilespmem:$0x1C080] =	vst v63  }
.Ltmp5:
0xb3: {  	(pc) =	sbr.rel .LBB2_2-.Ltmp5, $4  }
0xb4: {  	s0 =	sadd.s32 $0x78, s30  }
0xb5: {  	[tilespmem:s16], [sflag:$0x2] =	stream.indirect.gather [spmem:s2], $0x80, s0, s13, $0xb8;
	[tilespmem:$0x1C080] =	vst v63  }
0xb6: {  	s31 =	sadd.s32 $0x878, s30;
	s29 =	sadd.s32 $0x1, s29  }
0xb7: {  	[tilespmem:s18], [sflag:$0x4] =	stream.indirect.gather [spmem:s2], $0x80, s31, s13, $0xb8;
	[tilespmem:$0x1C080] =	vst v63  }
.LBB2_9:
0xb8: {  	_ =	sfence.sel $0x180000  }
0xb9: {  	[bflag:$0x0] =	sbarrier.arrive $0xFFFF  }
0xba: {  	_ =	strace $0x90000050  }
0xbb: {  	[bflag:$0x2] =	sbarrier.arrive $0xFFFF  }
0xbc: {  	s0 =	rddreg [dreg:$0x3]  }
0xbd: {  	s0 =	sadd.s32 @!p0 $0x100000, s0  }
0xbe: {  	[sflag:s0] =	ssyncadd.tile.s32 @!p0 $0x1;
	_ =	shalt  }
.Lfunc_end2:
_tile_overlayer_lowered:
.L_overlay_start_2:
0xbf: {  	(tag) =	ssettag $0x2  }
0xc0: {  	s0 =	rddreg [dreg:$0x0];
	s2 =	stileid.u32  }
0xc1: {  	s1 =	rddreg [dreg:$0x1];
	p0 =	sne.s32 s2, $0x0  }
0xc2: {  	s3 =	rddreg [dreg:$0x2];
	[bflag:$0x3] =	sbarrier.arrive $0xFFFF;
	s2 =	simm.s32 @!p0 $0x1C07  }
0xc3: {  	[timem:s3], [sflag:s2] =	dma.local @!p0 [hbm:s0], s1  }
0xc4: {  	s0 =	simm.s32 @!p0 $0x7  }
0xc5: {  	_ =	swait.ge @!p0 [sflag:s0], s1  }
0xc6: {  	s1 =	ssub.s32 @!p0 $0x0, s1;
	[sflag:s0] =	ssyncset.done @!p0 $0x0  }
0xc7: {  	[sflag:s0] =	ssyncadd.s32 @!p0 s1  }
0xc8: {  	[bflag:$0x3] =	sbarrier.arrive $0xFFFF  }
0xc9: {  	_ =	shalt  }

// kernel: kernel.24.cloned.1.call-start
scs
__scs_entry_jumppad:
0x0: {  	(pc) =	sbr.rel $0x88, $3  }
0x1: {  	(tag) =	ssettag $0x0;
	lr =	simm.s32 $0x1  }
0x2: {  	[smem:$0x3F9B] =	sst lr;
	_ =	strace $0xD0000000  }
0x3: {  	_ = 	snop  }
0x4: {  	_ = 	snop  }
0x5: {  	_ = 	snop  }
0x6: {  	_ = 	snop  }
0x7: {  	_ = 	snop  }
__scs_overlays_trampoline_lowered:
0x8: {  	[smem:$0x3FAA] =	sst s0  }
0x9: {  	[smem:$0x3FAB] =	sst s1  }
0xa: {  	[smem:$0x3FAC] =	sst s2  }
0xb: {  	[smem:$0x3FAD] =	sst s3  }
0xc: {  	[smem:$0x3FAE] =	sst s4  }
0xd: {  	[smem:$0x3FAF] =	sst s5  }
0xe: {  	[smem:$0x3FB0] =	sst s6  }
0xf: {  	[smem:$0x3FB1] =	sst s7  }
0x10: {  	[smem:$0x3FB2] =	sst s8  }
0x11: {  	[smem:$0x3FB3] =	sst s9;
	s0 =	simm.s32 @!p0 $0x0  }
0x12: {  	s1 =	sld [smem:$0x3F99];
	s0 =	simm.s32 @p0 $0x1  }
0x13: {  	[smem:$0x3FB4] =	sst s0;
	s0 =	simm.s32 @!p1 $0x0  }
0x14: {  	s2 =	sld [smem:$0x3F98];
	s0 =	simm.s32 @p1 $0x1  }
0x15: {  	[smem:$0x3FB5] =	sst s0;
	s0 =	simm.s32 @!p2 $0x0  }
0x16: {  	s3 =	sld [smem:$0x3FDB];
	s0 =	simm.s32 @p2 $0x1  }
0x17: {  	s4 =	simm.s32 $0x1BF5;
	[smem:$0x3FB7] =	sst s0  }
0x18: {  	s0 =	sld [smem:$0x3F9A];
	_ =	swait.ge [sflag:s4], $0x0  }
0x19: {  	s7 =	sld [smem:$0x3F9B]  }
0x1a: {  	s8 =	sadd.s32 $0xFFFFE003, lr  }
0x1b: {  	s9 =	sadd.s32 $0xFFFFFEF7, lr;
	s5 =	simm.s32 $0xFFFFFFFF;
	p2 =	slt.u32 s8, $0xFFFFF086  }
0x1c: {  	p1 =	slt.u32 s9, $0xF7A;
	s5 =	simm.s32 @!p2 $0x0  }
0x1d: {  	s5 =	simm.s32 @p1 $0x1;
	p0 =	seq.s32 s7, s2  }
0x1e: {  	s7 =	smul.u32 @!p0 $0xF7A, s2;
	p2 =	seq.s32 @!p0 s5, $0x0  }
0x1f: {  	s9 =	smul.u32 $0xF7A, s1;
	s8 =	simm.s32 @!p0 $0x1BF5;
	p2 =	por !p2, p0  }
0x20: {  	[sflag:s8] =	ssyncset.s32 @!p0 $0xFFFFF086;
	s6 =	sadd.s32 @!p0 s3, s7;
	s7 =	simm.s32 @!p0 $0x108  }
0x21: {  	s3 =	sadd.s32 s3, s9;
	s6 =	sadd.s32 @!p0 $0x88, s6;
	s7 =	simm.s32 @p2 $0x1082  }
0x22: {  	[simem:s7], [sflag:s8] =	dma.local @!p0 [hbm:s6], $0xF7A  }
0x23: {  	s9 =	sor.u32 $0xD0000000, s2;
	s6 =	simm.s32 $0x108;
	_ =	swait.ge @!p0 [sflag:s8], $0x0  }
0x24: {  	s3 =	sadd.s32 $0x88, s3;
	s6 =	simm.s32 @!p1 $0x1082;
	[sflag:s4] =	ssyncset.s32 $0xFFFFF086  }
0x25: {  	[simem:s6], [sflag:s4] =	dma.local [hbm:s3], $0xF7A  }
0x26: {  	[smem:$0x3F9B] =	sst s1;
	(tag) =	ssettag s2;
	_ =	strace s9  }
0x27: {  	s1 =	sld [smem:$0x3FAB]  }
0x28: {  	s2 =	sld [smem:$0x3FAC]  }
0x29: {  	s4 =	sld [smem:$0x3FAE]  }
0x2a: {  	p0 =	seq.s32 s5, $0x0;
	s5 =	sld [smem:$0x3FAF]  }
0x2b: {  	s6 =	sld [smem:$0x3FB0]  }
0x2c: {  	s7 =	sld [smem:$0x3FB1]  }
0x2d: {  	s3 =	simm.s32 $0x108;
	s8 =	sld [smem:$0x3FB2]  }
0x2e: {  	s3 =	simm.s32 @!p0 $0x1082;
	s9 =	sld [smem:$0x3FB3]  }
0x2f: {  	lr =	sadd.s32 s0, s3;
	s0 =	sld [smem:$0x3FAA]  }
0x30: {  	s3 =	sld [smem:$0x3FAD]  }
0x31: {  	[smem:$0x3FB6] =	sst s10  }
0x32: {  	s10 =	sld [smem:$0x3FB4];
	_ =	sdelay $0x3  }
0x33: {  	p0 =	seq.s32 s10, $0x1;
	s10 =	sld [smem:$0x3FB6];
	_ =	sdelay $0x3  }
0x34: {  	[smem:$0x3FB6] =	sst s10  }
0x35: {  	s10 =	sld [smem:$0x3FB5];
	_ =	sdelay $0x3  }
0x36: {  	p1 =	seq.s32 s10, $0x1;
	s10 =	sld [smem:$0x3FB6];
	_ =	sdelay $0x3  }
0x37: {  	[smem:$0x3FB6] =	sst s10  }
0x38: {  	s10 =	sld [smem:$0x3FB7]  }
0x39: {  	_ = 	snop;
	(pc) =	sbr.ind lr, $3  }
0x3a: {  	_ = 	snop  }
0x3b: {  	_ = 	snop  }
0x3c: {  	p2 =	seq.s32 s10, $0x1;
	s10 =	sld [smem:$0x3FB6]  }
0x3d: {  	_ =	shalt  }
0x3e: {  	_ =	shalt  }
0x3f: {  	_ =	shalt  }
0x40: {  	_ =	shalt  }
0x41: {  	_ =	shalt  }
0x42: {  	_ =	shalt  }
0x43: {  	_ =	shalt  }
0x44: {  	_ =	shalt  }
0x45: {  	_ =	shalt  }
0x46: {  	_ =	shalt  }
0x47: {  	_ =	shalt  }
0x48: {  	_ =	shalt  }
0x49: {  	_ =	shalt  }
0x4a: {  	_ =	shalt  }
0x4b: {  	_ =	shalt  }
0x4c: {  	_ =	shalt  }
0x4d: {  	_ =	shalt  }
0x4e: {  	_ =	shalt  }
0x4f: {  	_ =	shalt  }
0x50: {  	_ =	shalt  }
0x51: {  	_ =	shalt  }
0x52: {  	_ =	shalt  }
0x53: {  	_ =	shalt  }
0x54: {  	_ =	shalt  }
0x55: {  	_ =	shalt  }
0x56: {  	_ =	shalt  }
0x57: {  	_ =	shalt  }
0x58: {  	_ =	shalt  }
0x59: {  	_ =	shalt  }
0x5a: {  	_ =	shalt  }
0x5b: {  	_ =	shalt  }
0x5c: {  	_ =	shalt  }
0x5d: {  	_ =	shalt  }
0x5e: {  	_ =	shalt  }
0x5f: {  	_ =	shalt  }
0x60: {  	_ =	shalt  }
0x61: {  	_ =	shalt  }
0x62: {  	_ =	shalt  }
0x63: {  	_ =	shalt  }
0x64: {  	_ =	shalt  }
0x65: {  	_ =	shalt  }
0x66: {  	_ =	shalt  }
0x67: {  	_ =	shalt  }
0x68: {  	_ =	shalt  }
0x69: {  	_ =	shalt  }
0x6a: {  	_ =	shalt  }
0x6b: {  	_ =	shalt  }
0x6c: {  	_ =	shalt  }
0x6d: {  	_ =	shalt  }
0x6e: {  	_ =	shalt  }
0x6f: {  	_ =	shalt  }
0x70: {  	_ =	shalt  }
0x71: {  	_ =	shalt  }
0x72: {  	_ =	shalt  }
0x73: {  	_ =	shalt  }
0x74: {  	_ =	shalt  }
0x75: {  	_ =	shalt  }
0x76: {  	_ =	shalt  }
0x77: {  	_ =	shalt  }
0x78: {  	_ =	shalt  }
0x79: {  	_ =	shalt  }
0x7a: {  	_ =	shalt  }
0x7b: {  	_ =	shalt  }
0x7c: {  	_ =	shalt  }
0x7d: {  	_ =	shalt  }
0x7e: {  	_ =	shalt  }
0x7f: {  	_ =	shalt  }
0x80: {  	_ =	shalt  }
0x81: {  	_ =	shalt  }
0x82: {  	_ =	shalt  }
0x83: {  	_ =	shalt  }
0x84: {  	_ =	shalt  }
0x85: {  	_ =	shalt  }
0x86: {  	_ =	shalt  }
0x87: {  	_ =	shalt  }
.Lfunc_end0:
.L_simem_size_0:
called_computation.4_lowered:
.L_overlay_start_0:
0x88: {  	s2 =	sld [smem:$0x3FD9]  }
0x89: {  	s3 =	sld [smem:$0x3FFE];
	_ =	sdelay $0x1  }
0x8a: {  	s1 =	srdreg.scid  }
0x8b: {  	s0 =	sand.u32 $0x1, s1  }
0x8c: {  	s17 =	sshll.u32 s0, $0xA;
	s2 =	sadd.s32 s3, s2  }
0x8d: {  	s2 =	sadd.s32 s2, s17  }
0x8e: {  	[smem:$0x3FC2] =	sst s2  }
0x8f: {  	_ = 	snop  }
0x90: {  	s18 =	sld [smem:$0x3FC9];
	(tm) =	ssettm $0x1  }
0x91: {  	s19 =	sld [smem:$0x3FFB];
	_ =	sdelay $0x3  }
0x92: {  	_ =	strace s19  }
0x93: {  	s2 =	sld [smem:$0x3FFC];
	_ =	sdelay $0x3  }
0x94: {  	_ =	strace s2  }
0x95: {  	s2 =	sld [smem:$0x3FFD];
	_ =	sdelay $0x3  }
0x96: {  	_ =	strace s2  }
0x97: {  	_ =	strace $0x8FFFFFFF  }
0x98: {  	s20 =	sld [smem:$0x3FDB];
	_ =	sdelay $0x1  }
0x99: {  	s4 =	simm.s32 $_scs_section_size  }
0x9a: {  	s5 =	simm.s32 $_size__tile_overlayer_lowered;
	s6 =	simm.s32 $_tile_overlayer_lowered  }
0x9b: {  	s7 =	simm.s32 $0x1BFF;
	s21 =	sshll.u32 s6, $0x1;
	s4 =	sadd.s32 s4, s20  }
0x9c: {  	s22 =	simm.s32 $0x0;
	s5 =	sshll.u32 s5, $0x1;
	s6 =	sadd.s32 s21, s4  }
0x9d: {  	[timem:s22], [sflag:s7] =	dma.local [hbm:s6], s5  }
0x9e: {  	_ =	swait.ge [sflag:s7], s5  }
0x9f: {  	s5 =	ssub.s32 $0x0, s5;
	[sflag:s7] =	ssyncset.done $0x0  }
0xa0: {  	[sflag:s7] =	ssyncadd.s32 s5;
	_ =	sdelay $0x1  }
0xa1: {  	s23 =	simm.s32 $0x1B8B  }
0xa2: {  	_ =	swait.ge [sflag:s23], $0x1  }
0xa3: {  	[sflag:s23] =	ssyncset.done $0x0  }
0xa4: {  	[sflag:s23] =	ssyncadd.s32 $0xFFFFFFFF  }
0xa5: {  	s5 =	sld [smem:$0x0]  }
0xa6: {  	s6 =	sand.u32 $0xFFFFFFFE, s1  }
0xa7: {  	p0 =	sne.s32 s1, s6  }
0xa8: {  	s6 =	sshll.u32 @p0 s6, $0xE  }
0xa9: {  	s6 =	sadd.s32 @p0 $0x11B8D, s6;
	s7 =	sshll.u32 @p0 s5, $0x11  }
0xaa: {  	s6 =	sor.u32 @p0 s7, s6  }
0xab: {  	[sflag:s6] =	ssyncadd.remote.s32 @p0 $0x1;
	_ =	sdelay $0x1  }
0xac: {  	s6 =	simm.s32 @p0 $0x1B8D  }
0xad: {  	_ =	swait.eq @p0 [sflag:s6], $0x1  }
0xae: {  	[sflag:s6] =	ssyncadd.s32 @p0 $0xFFFFFFFF  }
0xaf: {  	s7 =	sshll.u32 @!p0 s1, $0xE  }
0xb0: {  	s7 =	sor.u32 @!p0 $0x4000, s7;
	s6 =	simm.s32 @!p0 $0x1B8D  }
0xb1: {  	s5 =	sshll.u32 @!p0 s5, $0x11;
	s7 =	sadd.s32 @!p0 $0x11B8D, s7;
	_ =	swait.eq @!p0 [sflag:s6], $0x1  }
0xb2: {  	s5 =	sor.u32 @!p0 s5, s7;
	[sflag:s6] =	ssyncadd.s32 @!p0 $0xFFFFFFFF  }
0xb3: {  	s25 =	simm.s32 $0x1B8E;
	s24 =	sld [smem:$0x3FFE];
	[sflag:s5] =	ssyncadd.remote.s32 @!p0 $0x1  }
0xb4: {  	s26 =	simm.s32 $execute0_lowered;
	[smem:$0x3FD2] =	sst s25  }
0xb5: {  	s6 =	sshll.u32 s26, $0x1;
	_ =	strace $0x80000052;
	[dreg:$0x1] =	wrdreg $0xFFFFFFFF  }
0xb6: {  	s28 =	simm.s32 $_size_execute0_lowered;
	s4 =	sadd.s32 s4, s6;
	[dreg:$0x0] =	wrdreg $0x0  }
0xb7: {  	s6 =	sshll.u32 s28, $0x1;
	[dreg:$0x2] =	wrdreg s4  }
0xb8: {  	[dreg:$0x3] =	wrdreg s6  }
0xb9: {  	[dreg:$0x4] =	wrdreg $0xC0  }
0xba: {  	_ =	task [dreg:s22], $0x5FFFF  }
0xbb: {  	[dreg:$0x1] =	wrdreg $0xFFFFFFFF  }
0xbc: {  	[dreg:$0x0] =	wrdreg $0x60  }
0xbd: {  	[dreg:$0x2] =	wrdreg s18  }
0xbe: {  	[dreg:$0x3] =	wrdreg s24  }
0xbf: {  	[dreg:$0x4] =	wrdreg $0x88000  }
0xc0: {  	[dreg:$0x5] =	wrdreg $0xD  }
0xc1: {  	_ =	task.clear_ibuf [dreg:s22], $0x6FFFF;
	_ =	strace $0x90000052  }
0xc2: {  	s29 =	simm.s32 $0xD;
	_ =	strace $0x80000054  }
0xc3: {  	_ =	swait.ge [sflag:s29], $0x1  }
0xc4: {  	[sflag:s29] =	ssyncadd.s32 $0xFFFFFFFF  }
0xc5: {  	_ =	strace $0x90000054  }
0xc6: {  	_ =	sfence  }
0xc7: {  	s30 =	sld [smem:$0x0];
	_ =	sdelay $0x2  }
0xc8: {  	s31 =	sshll.u32 s1, $0xD;
	s1 =	sshrl.u32 s1, $0x2  }
0xc9: {  	s4 =	sand.u32 $0x4000, s31;
	s1 =	sadd.s32 s1, s30  }
0xca: {  	s0 =	sor.u32 s4, s0;
	s1 =	sshll.u32 s1, $0x11  }
0xcb: {  	s0 =	sor.u32 s1, s0  }
0xcc: {  	s0 =	sadd.s32 $0x8F2B, s0  }
0xcd: {  	[sflag:s0] =	ssyncadd.remote.s32 $0x1  }
0xce: {  	_ =	sfence.sel $0xFFFF  }
0xcf: {  	[dreg:$0x0] =	wrdreg $0xFFFFFFFF;
	(pc) =	sbr.abs _section_cstart, $3  }
0xd0: {  	[dreg:$0x1] =	wrdreg $0xFFFFFFFF  }
0xd1: {  	_ =	task.clear_ibuf [dreg:s22], $0x2FFFF;
	_ =	strace $0x9FFFFFFF  }
0xd2: {  	(tm) =	ssettm $0x7FFFFFFF  }
0xd3: {  	_ =	shalt  }
tec
execute0_lowered:
.L_overlay_start_1:
0x0: {  	(tag) =	ssettag $0x1  }
0x1: {  	s0 =	srdreg.scid;
	s5 =	rddreg [dreg:$0x1]  }
0x2: {  	s1 =	stileid.u32;
	s2 =	rddreg [dreg:$0x2];
	s11 =	simm.s32 $0x7  }
0x3: {  	s12 =	simm.s32 $0x800;
	s13 =	simm.s32 $0x28;
	s14 =	simm.s32 $0x1000  }
0x4: {  	s15 =	simm.s32 $0x3800;
	s16 =	simm.s32 $0x2400;
	s17 =	simm.s32 $0x828  }
0x5: {  	s18 =	simm.s32 $0x4C00;
	s19 =	simm.s32 $0x1;
	s20 =	simm.s32 $0x3  }
0x6: {  	s21 =	simm.s32 $0x6000;
	s22 =	simm.s32 $0x2;
	s23 =	simm.s32 $0x4  }
0x7: {  	s24 =	simm.s32 $0x7400;
	s0 =	sand.u32 $0x1, s0;
	s3 =	sshll.u32 s1, $0x1  }
0x8: {  	s25 =	simm.s32 $0x5;
	s26 =	simm.s32 $0x6;
	s4 =	sor.u32 s0, s3  }
0x9: {  	s28 =	simm.s32 $0x0;
	p0 =	sne.s32 s1, $0x0;
	s4 =	smul.u32 $0x7D0, s4  }
.Ltmp0:
0xa: {  	s3 =	simm.s32 $0x0;
	s0 =	ssub.s32 $0x2, s0;
	(pc) =	sbr.rel .LBB2_1-.Ltmp0, $4  }
0xb: {  	s10 =	sshrl.u32 @!p0 s2, $0x3;
	[smem:$0x7FF] =	sst s3;
	s31 =	sshrl.u32 s0, $0x1  }
0xc: {  	_ =	strace $0x80000053;
	s0 =	ssub.s32 s0, s31;
	s6 =	sshrl.u32 s4, $0x3  }
0xd: {  	s8 =	sadd.s32 $0x28, s4;
	s9 =	smax.u32 s0, $0x1;
	s7 =	sadd.s32 s6, s5  }
0xe: {  	s5 =	sadd.s32 $0x3F8E00, s5;
	s6 =	sadd.s32 $0xEE00, s7;
	s7 =	sadd.s32 $0xCE00, s7  }
.LBB2_8:
0xf: {  	s28 =	sadd.s32 $0x1, s28  }
0x10: {  	_ =	swait.ge [sflag:s25], $0x1400;
	p1 =	sne.s32 s28, s9  }
.Ltmp1:
0x11: {  	[sflag:s25] =	ssyncset.done $0x0;
	(pc) =	sbr.rel @!p1 .LBB2_9-.Ltmp1, $4  }
0x12: {  	[sflag:s25] =	ssyncadd.s32 $0xFFFFEC00  }
0x13: {  	_ =	swait.ge [sflag:s26], $0x1400  }
0x14: {  	[sflag:s26] =	ssyncset.done $0x0  }
0x15: {  	[sflag:s26] =	ssyncadd.s32 $0xFFFFEC00  }
.LBB2_1:
0x16: {  	s0 =	simm.s32 @!p0 $0x1C07;
	s1 =	rddreg [dreg:$0x0]  }
0x17: {  	[spmem:s10], [sflag:s0] =	dma.local @!p0 [hbm:s1], $0x27100  }
0x18: {  	s0 =	simm.s32 @!p0 $0x7  }
0x19: {  	_ =	swait.ge @!p0 [sflag:s0], $0x27100  }
0x1a: {  	[sflag:s0] =	ssyncset.done @!p0 $0x0  }
0x1b: {  	[sflag:s0] =	ssyncadd.s32 @!p0 $0xFFFD8F00  }
0x1c: {  	[bflag:$0x0] =	sbarrier.arrive $0xFFFF  }
0x1d: {  	[tilespmem:s3], [sflag:$0x7] =	stream.linear.gather [hbm4b:s6+s3], $0x7D0, $0x38;
	[tilespmem:$0x1C080] =	vst v63  }
0x1e: {  	_ =	swait.ge [sflag:s11], $0x7D0  }
0x1f: {  	[sflag:s11] =	ssyncset.done $0x0  }
0x20: {  	[sflag:s11] =	ssyncadd.s32 $0xFFFFF830  }
0x21: {  	[tilespmem:s12], [sflag:$0x7] =	stream.linear.gather [hbm4b:s7+s3], $0x7D0, $0x38;
	[tilespmem:$0x1C080] =	vst v63  }
0x22: {  	_ =	swait.ge [sflag:s11], $0x7D0  }
0x23: {  	[sflag:s11] =	ssyncset.done $0x0  }
0x24: {  	[sflag:s11] =	ssyncadd.s32 $0xFFFFF830  }
0x25: {  	[tilespmem:s14], [sflag:$0x1] =	stream.indirect.gather [spmem:s2], $0x80, s3, s13, $0xb8;
	[tilespmem:$0x1C080] =	vst v63  }
0x26: {  	_ = 	snop  }
0x27: {  	[tilespmem:s15], [sflag:$0x3] =	stream.indirect.gather [spmem:s2], $0x80, s12, s13, $0xb8;
	[tilespmem:$0x1C080] =	vst v63  }
0x28: {  	_ = 	snop  }
0x29: {  	[tilespmem:s16], [sflag:$0x2] =	stream.indirect.gather [spmem:s2], $0x80, s13, s13, $0xb8;
	[tilespmem:$0x1C080] =	vst v63  }
0x2a: {  	s29 =	simm.s32 $0x0  }
0x2b: {  	[tilespmem:s18], [sflag:$0x4] =	stream.indirect.gather [spmem:s2], $0x80, s17, s13, $0xb8;
	[tilespmem:$0x1C080] =	vst v63  }
.LBB2_2:
0x2c: {  	_ =	swait.ge [sflag:s19], $0x1400  }
0x2d: {  	[sflag:s19] =	ssyncset.done $0x0  }
0x2e: {  	[sflag:s19] =	ssyncadd.s32 $0xFFFFEC00  }
0x2f: {  	_ =	swait.ge [sflag:s20], $0x1400  }
0x30: {  	p1 =	seq.s32 s29, $0x0;
	[sflag:s20] =	ssyncset.done $0x0  }
0x31: {  	s0 =	simm.s32 @!p1 $0x5;
	[sflag:s20] =	ssyncadd.s32 $0xFFFFEC00  }
0x32: {  	_ =	swait.ge @!p1 [sflag:s0], $0x1400  }
0x33: {  	[sflag:s0] =	ssyncset.done @!p1 $0x0  }
0x34: {  	s30 =	simm.s32 $0x0;
	[sflag:s0] =	ssyncadd.s32 @!p1 $0xFFFFEC00  }
0x35: {  	v0 =	vld [tilespmem:s30+$0x1070]  }
0x36: {  	v1 =	vld [tilespmem:s30+$0x3870]  }
0x37: {  	v2 =	vld [tilespmem:s30+$0x1000]  }
0x38: {  	v3 =	vld [tilespmem:s30+$0x3800]  }
0x39: {  	v4 =	vld [tilespmem:s30+$0x1010]  }
0x3a: {  	v5 =	vld [tilespmem:s30+$0x3810]  }
0x3b: {  	v6 =	vld [tilespmem:s30+$0x1020]  }
0x3c: {  	v0 =	vsub.f32 v0, v1;
	v1 =	vld [tilespmem:s30+$0x3820]  }
0x3d: {  	v7 =	vld [tilespmem:s30+$0x1030]  }
0x3e: {  	v8 =	vld [tilespmem:s30+$0x3830];
	v2 =	vsub.f32 v2, v3  }
0x3f: {  	v9 =	vld [tilespmem:s30+$0x1040];
	v0 =	vand.u32 $0x7FFFFFFF, v0  }
0x40: {  	[tilespmem:s30+$0x6070] =	vst v0;
	v0 =	vand.u32 $0x7FFFFFFF, v2;
	v2 =	vsub.f32 v4, v5;
	v5 =	vld [tilespmem:s30+$0x3840]  }
0x41: {  	v3 =	vld [tilespmem:s30+$0x3850];
	v1 =	vsub.f32 v6, v1  }
0x42: {  	[tilespmem:s30+$0x6000] =	vst v0;
	v0 =	vld [tilespmem:s30+$0x1050];
	v2 =	vand.u32 $0x7FFFFFFF, v2  }
0x43: {  	v4 =	vld [tilespmem:s30+$0x3860];
	v6 =	vsub.f32 v7, v8;
	[tilespmem:s30+$0x6010] =	vst v2;
	v2 =	vand.u32 $0x7FFFFFFF, v1  }
0x44: {  	s31 =	simm.s32 $0x80;
	v1 =	vld [tilespmem:s30+$0x1060];
	[tilespmem:s30+$0x6020] =	vst v2  }
0x45: {  	s1 =	simm.s32 $0x400;
	v6 =	vand.u32 $0x7FFFFFFF, v6;
	v5 =	vsub.f32 v9, v5;
	v2 =	vld [tilespmem:s31+$0x1070]  }
.LBB2_3:
0x46: {  	p2 =	sne.s32 s1, $0x4E00;
	v7 =	vld [tilespmem:s31+$0x3870];
	[tilespmem:s30+$0x6030] =	vst v6  }
0x47: {  	v6 =	vld [tilespmem:s31+$0x1000];
	v5 =	vand.u32 $0x7FFFFFFF, v5;
	v0 =	vsub.f32 v0, v3  }
0x48: {  	v3 =	vld [tilespmem:s31+$0x3800];
	[tilespmem:s30+$0x6040] =	vst v5  }
0x49: {  	v5 =	vld [tilespmem:s31+$0x1010];
	v0 =	vand.u32 $0x7FFFFFFF, v0;
	v1 =	vsub.f32 v1, v4  }
0x4a: {  	v4 =	vld [tilespmem:s31+$0x3810];
	[tilespmem:s30+$0x6050] =	vst v0  }
0x4b: {  	v0 =	vld [tilespmem:s31+$0x1020];
	v2 =	vsub.f32 v2, v7;
	v1 =	vand.u32 $0x7FFFFFFF, v1  }
0x4c: {  	v7 =	vld [tilespmem:s31+$0x3820];
	[tilespmem:s30+$0x6060] =	vst v1;
	s30 =	smov.u32 s31  }
0x4d: {  	v1 =	vsub.f32 v6, v3;
	v6 =	vld [tilespmem:s30+$0x1030];
	v2 =	vand.u32 $0x7FFFFFFF, v2  }
0x4e: {  	v8 =	vld [tilespmem:s30+$0x3830];
	[tilespmem:s30+$0x6070] =	vst v2  }
0x4f: {  	v1 =	vand.u32 $0x7FFFFFFF, v1;
	v2 =	vsub.f32 v5, v4;
	v5 =	vld [tilespmem:s30+$0x1040]  }
0x50: {  	[tilespmem:s30+$0x6000] =	vst v1;
	v9 =	vld [tilespmem:s30+$0x3840]  }
.Ltmp2:
0x51: {  	v1 =	vand.u32 $0x7FFFFFFF, v2;
	v2 =	vsub.f32 v0, v7;
	v0 =	vld [tilespmem:s30+$0x1050];
	(pc) =	sbr.rel @p2 .LBB2_3-.Ltmp2, $4  }
0x52: {  	[tilespmem:s30+$0x6010] =	vst v1;
	v3 =	vld [tilespmem:s30+$0x3850]  }
0x53: {  	v2 =	vand.u32 $0x7FFFFFFF, v2;
	v6 =	vsub.f32 v6, v8;
	v1 =	vld [tilespmem:s30+$0x1060]  }
0x54: {  	s31 =	sshra.s32 s1, $0x2;
	[tilespmem:s30+$0x6020] =	vst v2;
	v4 =	vld [tilespmem:s30+$0x3860]  }
0x55: {  	s1 =	sadd.s32 $0x200, s1;
	v2 =	vld [tilespmem:s31+$0x1070];
	v6 =	vand.u32 $0x7FFFFFFF, v6;
	v5 =	vsub.f32 v5, v9  }
0x56: {  	v7 =	vld [tilespmem:s31+$0x3870];
	[tilespmem:s30+$0x6030] =	vst v6  }
0x57: {  	v6 =	vld [tilespmem:s31+$0x1000];
	v5 =	vand.u32 $0x7FFFFFFF, v5;
	v0 =	vsub.f32 v0, v3  }
0x58: {  	v8 =	vld [tilespmem:s31+$0x3800];
	[tilespmem:s30+$0x6040] =	vst v5  }
0x59: {  	v3 =	vld [tilespmem:s31+$0x1010];
	v0 =	vand.u32 $0x7FFFFFFF, v0;
	v1 =	vsub.f32 v1, v4  }
0x5a: {  	v5 =	vld [tilespmem:s31+$0x3810];
	[tilespmem:s30+$0x6050] =	vst v0  }
0x5b: {  	v0 =	vld [tilespmem:s31+$0x1020];
	v1 =	vand.u32 $0x7FFFFFFF, v1  }
0x5c: {  	v4 =	vld [tilespmem:s31+$0x3820];
	v2 =	vsub.f32 v2, v7;
	[tilespmem:s30+$0x6060] =	vst v1  }
0x5d: {  	v6 =	vsub.f32 v6, v8;
	v1 =	vld [tilespmem:s31+$0x1030]  }
0x5e: {  	v2 =	vand.u32 $0x7FFFFFFF, v2;
	v7 =	vld [tilespmem:s31+$0x3830]  }
0x5f: {  	[tilespmem:s31+$0x6070] =	vst v2;
	v2 =	vand.u32 $0x7FFFFFFF, v6;
	v6 =	vld [tilespmem:s31+$0x1040]  }
0x60: {  	v3 =	vsub.f32 v3, v5;
	v5 =	vld [tilespmem:s31+$0x1050]  }
0x61: {  	[tilespmem:s31+$0x6000] =	vst v2;
	v2 =	vld [tilespmem:s31+$0x3840];
	v0 =	vsub.f32 v0, v4  }
0x62: {  	v3 =	vand.u32 $0x7FFFFFFF, v3;
	v4 =	vld [tilespmem:s31+$0x1060]  }
0x63: {  	[tilespmem:s31+$0x6010] =	vst v3;
	v3 =	vld [tilespmem:s31+$0x3850];
	v0 =	vand.u32 $0x7FFFFFFF, v0  }
0x64: {  	[tilespmem:s31+$0x6020] =	vst v0;
	v0 =	vld [tilespmem:s31+$0x3860];
	_ =	sdelay $0x1  }
0x65: {  	v1 =	vsub.f32 v1, v7  }
0x66: {  	v2 =	vsub.f32 v6, v2  }
0x67: {  	s30 =	smul.u32 $0x50, s29;
	v1 =	vand.u32 $0x7FFFFFFF, v1;
	v3 =	vsub.f32 v5, v3  }
0x68: {  	[tilespmem:s31+$0x6030] =	vst v1;
	v1 =	vand.u32 $0x7FFFFFFF, v2;
	v0 =	vsub.f32 v4, v0  }
0x69: {  	s0 =	sadd.s32 s4, s30;
	[tilespmem:s31+$0x6040] =	vst v1;
	v1 =	vand.u32 $0x7FFFFFFF, v3  }
0x6a: {  	s0 =	sshll.u32 s0, $0x4;
	[tilespmem:s31+$0x6050] =	vst v1;
	v0 =	vand.u32 $0x7FFFFFFF, v0  }
0x6b: {  	p2 =	seq.s32 s29, $0x18;
	s0 =	sadd.s32 s5, s0;
	[tilespmem:s31+$0x6060] =	vst v0  }
0x6c: {  	[hbm4b:s0+s3] =	stream.linear.scatter [tilespmem:s21], [sflag:$0x5], $0x1400, $0x38;
	[tilespmem:$0x1C080] =	vst v63  }
0x6d: {  	s1 =	simm.s32 @!p2 $0x28;
	s31 =	simm.s32 @!p2 $0x1000;
	s0 =	sadd.s32 @!p2 $0x50, s30  }
0x6e: {  	[tilespmem:s31], [sflag:$0x1] =	stream.indirect.gather @!p2 [spmem:s2], $0x80, s0, s1, $0xb8;
	[tilespmem:$0x1C080] =	vst v63  }
0x6f: {  	s0 =	sadd.s32 @!p2 $0x850, s30;
	s31 =	simm.s32 @!p2 $0x3800  }
0x70: {  	[tilespmem:s31], [sflag:$0x3] =	stream.indirect.gather @!p2 [spmem:s2], $0x80, s0, s1, $0xb8;
	[tilespmem:$0x1C080] =	vst v63  }
0x71: {  	_ =	swait.ge [sflag:s22], $0x1400  }
0x72: {  	[sflag:s22] =	ssyncset.done $0x0  }
0x73: {  	[sflag:s22] =	ssyncadd.s32 $0xFFFFEC00  }
0x74: {  	_ =	swait.ge [sflag:s23], $0x1400  }
0x75: {  	[sflag:s23] =	ssyncset.done $0x0  }
0x76: {  	s0 =	simm.s32 @!p1 $0x6;
	[sflag:s23] =	ssyncadd.s32 $0xFFFFEC00  }
0x77: {  	_ =	swait.ge @!p1 [sflag:s0], $0x1400  }
0x78: {  	[sflag:s0] =	ssyncset.done @!p1 $0x0  }
0x79: {  	s31 =	simm.s32 $0x0;
	[sflag:s0] =	ssyncadd.s32 @!p1 $0xFFFFEC00  }
0x7a: {  	v0 =	vld [tilespmem:s31+$0x2470]  }
0x7b: {  	v1 =	vld [tilespmem:s31+$0x4C70]  }
0x7c: {  	v2 =	vld [tilespmem:s31+$0x2400]  }
0x7d: {  	v3 =	vld [tilespmem:s31+$0x4C00]  }
0x7e: {  	v4 =	vld [tilespmem:s31+$0x2410]  }
0x7f: {  	v5 =	vld [tilespmem:s31+$0x4C10]  }
0x80: {  	v6 =	vld [tilespmem:s31+$0x2420]  }
0x81: {  	v0 =	vsub.f32 v0, v1;
	v1 =	vld [tilespmem:s31+$0x4C20]  }
0x82: {  	v7 =	vld [tilespmem:s31+$0x2430]  }
0x83: {  	v8 =	vld [tilespmem:s31+$0x4C30];
	v2 =	vsub.f32 v2, v3  }
0x84: {  	v9 =	vld [tilespmem:s31+$0x2440];
	v0 =	vand.u32 $0x7FFFFFFF, v0  }
0x85: {  	[tilespmem:s31+$0x7470] =	vst v0;
	v0 =	vand.u32 $0x7FFFFFFF, v2;
	v2 =	vsub.f32 v4, v5;
	v5 =	vld [tilespmem:s31+$0x4C40]  }
0x86: {  	v3 =	vld [tilespmem:s31+$0x4C50];
	v1 =	vsub.f32 v6, v1  }
0x87: {  	[tilespmem:s31+$0x7400] =	vst v0;
	v0 =	vld [tilespmem:s31+$0x2450];
	v2 =	vand.u32 $0x7FFFFFFF, v2  }
0x88: {  	v4 =	vld [tilespmem:s31+$0x4C60];
	v6 =	vsub.f32 v7, v8;
	[tilespmem:s31+$0x7410] =	vst v2;
	v2 =	vand.u32 $0x7FFFFFFF, v1  }
0x89: {  	s1 =	simm.s32 $0x80;
	v1 =	vld [tilespmem:s31+$0x2460];
	[tilespmem:s31+$0x7420] =	vst v2  }
0x8a: {  	s0 =	simm.s32 $0x400;
	v6 =	vand.u32 $0x7FFFFFFF, v6;
	v5 =	vsub.f32 v9, v5;
	v2 =	vld [tilespmem:s1+$0x2470]  }
.LBB2_5:
0x8b: {  	p1 =	sne.s32 s0, $0x4E00;
	v7 =	vld [tilespmem:s1+$0x4C70];
	[tilespmem:s31+$0x7430] =	vst v6  }
0x8c: {  	v6 =	vld [tilespmem:s1+$0x2400];
	v5 =	vand.u32 $0x7FFFFFFF, v5;
	v0 =	vsub.f32 v0, v3  }
0x8d: {  	v3 =	vld [tilespmem:s1+$0x4C00];
	[tilespmem:s31+$0x7440] =	vst v5  }
0x8e: {  	v5 =	vld [tilespmem:s1+$0x2410];
	v0 =	vand.u32 $0x7FFFFFFF, v0;
	v1 =	vsub.f32 v1, v4  }
0x8f: {  	v4 =	vld [tilespmem:s1+$0x4C10];
	[tilespmem:s31+$0x7450] =	vst v0  }
0x90: {  	v0 =	vld [tilespmem:s1+$0x2420];
	v2 =	vsub.f32 v2, v7;
	v1 =	vand.u32 $0x7FFFFFFF, v1  }
0x91: {  	v7 =	vld [tilespmem:s1+$0x4C20];
	[tilespmem:s31+$0x7460] =	vst v1;
	s31 =	smov.u32 s1  }
0x92: {  	v1 =	vsub.f32 v6, v3;
	v6 =	vld [tilespmem:s31+$0x2430];
	v2 =	vand.u32 $0x7FFFFFFF, v2  }
0x93: {  	v8 =	vld [tilespmem:s31+$0x4C30];
	[tilespmem:s31+$0x7470] =	vst v2  }
0x94: {  	v1 =	vand.u32 $0x7FFFFFFF, v1;
	v2 =	vsub.f32 v5, v4;
	v5 =	vld [tilespmem:s31+$0x2440]  }
0x95: {  	[tilespmem:s31+$0x7400] =	vst v1;
	v9 =	vld [tilespmem:s31+$0x4C40]  }
.Ltmp3:
0x96: {  	v1 =	vand.u32 $0x7FFFFFFF, v2;
	v2 =	vsub.f32 v0, v7;
	v0 =	vld [tilespmem:s31+$0x2450];
	(pc) =	sbr.rel @p1 .LBB2_5-.Ltmp3, $4  }
0x97: {  	[tilespmem:s31+$0x7410] =	vst v1;
	v3 =	vld [tilespmem:s31+$0x4C50]  }
0x98: {  	v2 =	vand.u32 $0x7FFFFFFF, v2;
	v6 =	vsub.f32 v6, v8;
	v1 =	vld [tilespmem:s31+$0x2460]  }
0x99: {  	s1 =	sshra.s32 s0, $0x2;
	[tilespmem:s31+$0x7420] =	vst v2;
	v4 =	vld [tilespmem:s31+$0x4C60]  }
0x9a: {  	s0 =	sadd.s32 $0x200, s0;
	v2 =	vld [tilespmem:s1+$0x2470];
	v6 =	vand.u32 $0x7FFFFFFF, v6;
	v5 =	vsub.f32 v5, v9  }
0x9b: {  	v7 =	vld [tilespmem:s1+$0x4C70];
	[tilespmem:s31+$0x7430] =	vst v6  }
0x9c: {  	v6 =	vld [tilespmem:s1+$0x2400];
	v5 =	vand.u32 $0x7FFFFFFF, v5;
	v0 =	vsub.f32 v0, v3  }
0x9d: {  	v8 =	vld [tilespmem:s1+$0x4C00];
	[tilespmem:s31+$0x7440] =	vst v5  }
0x9e: {  	v52 =	vld [tilespmem:s1+$0x2410];
	v0 =	vand.u32 $0x7FFFFFFF, v0;
	v1 =	vsub.f32 v1, v4  }
0x9f: {  	v5 =	vld [tilespmem:s1+$0x4C10];
	[tilespmem:s31+$0x7450] =	vst v0  }
0xa0: {  	v0 =	vld [tilespmem:s1+$0x2420];
	v1 =	vand.u32 $0x7FFFFFFF, v1  }
0xa1: {  	v53 =	vld [tilespmem:s1+$0x4C20];
	[tilespmem:s31+$0x7460] =	vst v1  }
0xa2: {  	v1 =	vld [tilespmem:s1+$0x2430]  }
0xa3: {  	v54 =	vld [tilespmem:s1+$0x4C30]  }
0xa4: {  	v56 =	vld [tilespmem:s1+$0x2440]  }
0xa5: {  	v57 =	vld [tilespmem:s1+$0x4C40]  }
0xa6: {  	v58 =	vld [tilespmem:s1+$0x2450]  }
0xa7: {  	v2 =	vsub.f32 v2, v7;
	v59 =	vld [tilespmem:s1+$0x4C50]  }
0xa8: {  	v6 =	vsub.f32 v6, v8;
	v60 =	vld [tilespmem:s1+$0x2460]  }
0xa9: {  	v2 =	vand.u32 $0x7FFFFFFF, v2;
	v61 =	vld [tilespmem:s1+$0x4C60];
	v3 =	vsub.f32 v52, v5  }
0xaa: {  	[tilespmem:s1+$0x7470] =	vst v2;
	v55 =	vand.u32 $0x7FFFFFFF, v6;
	v0 =	vsub.f32 v0, v53  }
0xab: {  	[tilespmem:s1+$0x7400] =	vst v55;
	v3 =	vand.u32 $0x7FFFFFFF, v3;
	v1 =	vsub.f32 v1, v54  }
0xac: {  	[tilespmem:s1+$0x7410] =	vst v3;
	v0 =	vand.u32 $0x7FFFFFFF, v0;
	v2 =	vsub.f32 v56, v57  }
0xad: {  	v3 =	vsub.f32 v58, v59;
	[tilespmem:s1+$0x7420] =	vst v0;
	v1 =	vand.u32 $0x7FFFFFFF, v1  }
.Ltmp4:
0xae: {  	v0 =	vsub.f32 v60, v61;
	v62 =	vand.u32 $0x7FFFFFFF, v2;
	[tilespmem:s1+$0x7430] =	vst v1;
	(pc) =	sbr.rel @p2 .LBB2_8-.Ltmp4, $4  }
0xaf: {  	s0 =	sadd.s32 s30, s8;
	v63 =	vand.u32 $0x7FFFFFFF, v3;
	[tilespmem:s1+$0x7440] =	vst v62  }
0xb0: {  	s0 =	sshll.u32 s0, $0x4;
	[tilespmem:s1+$0x7450] =	vst v63;
	v0 =	vand.u32 $0x7FFFFFFF, v0  }
0xb1: {  	s0 =	sadd.s32 s5, s0;
	[tilespmem:s1+$0x7460] =	vst v0  }
0xb2: {  	[hbm4b:s0+s3] =	stream.linear.scatter [tilespmem:s24], [sflag:$0x6], $0x1400, $0x38;
	[tilespmem:$0x1C080] =	vst v63  }
.Ltmp5:
0xb3: {  	(pc) =	sbr.rel .LBB2_2-.Ltmp5, $4  }
0xb4: {  	s0 =	sadd.s32 $0x78, s30  }
0xb5: {  	[tilespmem:s16], [sflag:$0x2] =	stream.indirect.gather [spmem:s2], $0x80, s0, s13, $0xb8;
	[tilespmem:$0x1C080] =	vst v63  }
0xb6: {  	s31 =	sadd.s32 $0x878, s30;
	s29 =	sadd.s32 $0x1, s29  }
0xb7: {  	[tilespmem:s18], [sflag:$0x4] =	stream.indirect.gather [spmem:s2], $0x80, s31, s13, $0xb8;
	[tilespmem:$0x1C080] =	vst v63  }
.LBB2_9:
0xb8: {  	_ =	sfence.sel $0x180000  }
0xb9: {  	[bflag:$0x0] =	sbarrier.arrive $0xFFFF  }
0xba: {  	_ =	strace $0x90000053  }
0xbb: {  	[bflag:$0x2] =	sbarrier.arrive $0xFFFF  }
0xbc: {  	s0 =	rddreg [dreg:$0x3]  }
0xbd: {  	s0 =	sadd.s32 @!p0 $0x100000, s0  }
0xbe: {  	[sflag:s0] =	ssyncadd.tile.s32 @!p0 $0x1;
	_ =	shalt  }
.Lfunc_end2:
_tile_overlayer_lowered:
.L_overlay_start_2:
0xbf: {  	(tag) =	ssettag $0x2  }
0xc0: {  	s0 =	rddreg [dreg:$0x0];
	s2 =	stileid.u32  }
0xc1: {  	s1 =	rddreg [dreg:$0x1];
	p0 =	sne.s32 s2, $0x0  }
0xc2: {  	s3 =	rddreg [dreg:$0x2];
	[bflag:$0x3] =	sbarrier.arrive $0xFFFF;
	s2 =	simm.s32 @!p0 $0x1C07  }
0xc3: {  	[timem:s3], [sflag:s2] =	dma.local @!p0 [hbm:s0], s1  }
0xc4: {  	s0 =	simm.s32 @!p0 $0x7  }
0xc5: {  	_ =	swait.ge @!p0 [sflag:s0], s1  }
0xc6: {  	s1 =	ssub.s32 @!p0 $0x0, s1;
	[sflag:s0] =	ssyncset.done @!p0 $0x0  }
0xc7: {  	[sflag:s0] =	ssyncadd.s32 @!p0 s1  }
0xc8: {  	[bflag:$0x3] =	sbarrier.arrive $0xFFFF  }
0xc9: {  	_ =	shalt  }

</sc_bundles>
